<compile_context>
chip_gen: v7x
topology: tpu7x:2x2x1
jax: 0.10.2.dev20260603
libtpu: 0.0.44.dev20260713+nightly
codegen_flags: <defaults>
</compile_context>

<pallas_src>
import functools
import jax
import jax.numpy as jnp
from jax import lax
from jax.experimental import pallas as pl
from jax.experimental.pallas import tpu as pltpu
from jax.experimental.pallas import tpu_sc as plsc

_OHEM_RATIO = 0.25
_EPS = 1e-07

_N = 32 * 8192
_K = int(_N * _OHEM_RATIO)
_NS = 16
_PT = _N // _NS
_VPT = _PT // 16
_HB = 512


def _bce_bits(p, t):
    ap = jnp.abs(p)
    e = jnp.exp(-ap)
    s = e / (e + 2.0)
    s2 = s * s
    l1p = 2.0 * s * (1.0 + s2 * (1.0 / 3.0 + s2 * (0.2 + s2 * (1.0 / 7.0 + s2 * (1.0 / 9.0)))))
    loss = jnp.maximum(p, 0.0) - p * t + l1p
    return plsc.bitcast(loss, jnp.int32)


def _body(pred_h, target_h, out_h, hist_h,
          pred_v, targ_v, bits_v, hall_v, big_v, out_v):
    sid = lax.axis_index("s")
    iota = lax.iota(jnp.int32, 16)
    ones_f = jnp.ones((16,), jnp.float32)
    zero_f = jnp.zeros((16,), jnp.float32)

    base = sid * _PT
    pltpu.sync_copy(pred_h.at[pl.ds(base, _PT)], pred_v)
    pltpu.sync_copy(target_h.at[pl.ds(base, _PT)], targ_v)

    def zero_hall():
        for j in range(_HB // 16):
            hall_v[pl.ds(j * 16, 16)] = zero_f

    def merge_scan(r, last):
        pltpu.sync_copy(hall_v, hist_h.at[pl.ds(sid * _HB, _HB)])
        plsc.subcore_barrier()
        pltpu.sync_copy(hist_h, big_v)

        def mstep(t, acc):
            return tuple(
                acc[j] + big_v[pl.ds(t * _HB + j * 16, 16)]
                for j in range(_HB // 16))

        acc = lax.fori_loop(0, _NS, mstep, (zero_f,) * (_HB // 16))
        plsc.subcore_barrier()
        cr = [acc[j].astype(jnp.int32) for j in range(16)]
        sr = list(acc[16:32])
        rsum = [jnp.sum(cr[rr]) for rr in range(16)]
        cums = [jnp.int32(0)] * 17
        for rr in range(15, -1, -1):
            cums[rr] = cums[rr + 1] + rsum[rr]
        jstar = jnp.int32(0)
        above_rows = jnp.int32(0)
        for rr in range(16):
            hit = (cums[rr] >= r) & (cums[rr + 1] < r)
            jstar = jnp.where(hit, rr, jstar)
            above_rows = jnp.where(hit, cums[rr + 1], above_rows)
        v = cr[15]
        vs = sr[15]
        for rr in range(15):
            v = jnp.where(jstar == rr, cr[rr], v)
            vs = jnp.where(jstar == rr, sr[rr], vs)
        sfx = jnp.cumsum(v[::-1])[::-1] + above_rows
        lane = jnp.max(jnp.where(sfx >= r, iota, -1))
        bucket = jstar * 16 + lane
        above_cnt = above_rows + jnp.sum(jnp.where(iota > lane, v, 0))
        above_rows_sum = zero_f
        for rr in range(16):
            above_rows_sum = above_rows_sum + jnp.where(jstar < rr, sr[rr], zero_f)
        above_sum_vec = above_rows_sum + jnp.where(iota > lane, vs, 0.0)
        if last:
            eq_cnt = jnp.sum(jnp.where(iota == lane, v, 0))
            eq_sum_vec = jnp.where(iota == lane, vs, 0.0)
        else:
            eq_cnt = jnp.int32(0)
            eq_sum_vec = zero_f
        return bucket, above_cnt, above_sum_vec, eq_cnt, eq_sum_vec

    zero_hall()

    @plsc.parallel_loop(0, _VPT, unroll=8)
    def _(i):
        sl = pl.ds(i * 16, 16)
        b = _bce_bits(pred_v[sl], targ_v[sl])
        bits_v[sl] = b
        key = lax.shift_right_logical(b, 23)
        plsc.addupdate_scatter(hall_v, [key], ones_f)
        plsc.addupdate_scatter(hall_v, [key + 256], plsc.bitcast(b, jnp.float32))

    b0, above_cnt, accS, _, _ = merge_scan(jnp.int32(_K), False)
    r = jnp.int32(_K) - above_cnt
    accC = above_cnt

    def histogram_round(shift, key_mask, prefix_shift, prefix):
        zero_hall()

        @plsc.parallel_loop(0, _VPT, unroll=8)
        def _(i):
            b = bits_v[pl.ds(i * 16, 16)]
            pm = lax.shift_right_logical(b, prefix_shift) == prefix
            key = lax.shift_right_logical(b, shift) & key_mask
            plsc.addupdate_scatter(hall_v, [key], ones_f, mask=pm)
            plsc.addupdate_scatter(hall_v, [key + 256],
                                   plsc.bitcast(b, jnp.float32), mask=pm)

    histogram_round(15, 255, 23, b0)
    b1, above_cnt, above_sum, _, _ = merge_scan(r, False)
    r = r - above_cnt
    accC = accC + above_cnt
    accS = accS + above_sum
    p1 = lax.shift_left(b0, 8) | b1

    histogram_round(7, 255, 15, p1)
    b2, above_cnt, above_sum, _, _ = merge_scan(r, False)
    r = r - above_cnt
    accC = accC + above_cnt
    accS = accS + above_sum
    p2 = lax.shift_left(p1, 8) | b2

    histogram_round(0, 127, 7, p2)
    _, above_cnt, above_sum, eq_cnt, eq_sum = merge_scan(r, True)
    total_c = accC + above_cnt + eq_cnt
    s_vec = accS + above_sum + eq_sum
    total_s = jnp.sum(s_vec)

    @pl.when(sid == 0)
    def _():
        sv = jnp.full((16,), total_s)
        cv = jnp.full((16,), total_c).astype(jnp.float32)
        out_v[:] = sv / (cv + _EPS)
        pltpu.sync_copy(out_v, out_h)


@jax.jit
def kernel(pred, target):
    mesh = plsc.VectorSubcoreMesh(
        core_axis_name="c", subcore_axis_name="s", num_cores=1, num_subcores=16)
    f = pl.kernel(
        _body,
        out_type=(jax.ShapeDtypeStruct((16,), jnp.float32),
                  jax.ShapeDtypeStruct((_NS * _HB,), jnp.float32)),
        mesh=mesh,
        compiler_params=pltpu.CompilerParams(needs_layout_passes=False),
        scratch_types=[
            pltpu.VMEM((_PT,), jnp.float32),
            pltpu.VMEM((_PT,), jnp.float32),
            pltpu.VMEM((_PT,), jnp.int32),
            pltpu.VMEM((_HB,), jnp.float32),
            pltpu.VMEM((_NS * _HB,), jnp.float32),
            pltpu.VMEM((16,), jnp.float32),
        ],
    )
    out, _ = f(pred.reshape(_N), target.reshape(_N))
    return out[0]

# --- scband reference (transcript-rebuilt; emitter-appended) ---
"""Pipeline reference for scband-bcewith-logits-loss-with-ohem-1580547967010 (READ-ONLY COPY).

The authoritative reference and input builder live on the scoring server;
editing this copy changes nothing except your own understanding.
"""

import jax, jax.numpy as jnp
import numpy as np

OHEM_RATIO = 0.25
EPS = 1e-07


def setup_inputs(seed: int = 0) -> dict:
    key = jax.random.key(seed)
    k1, k2 = jax.random.split(key)
    pred = jax.random.normal(k1, (32, 8192), dtype=jnp.float32)
    target = jax.random.uniform(k2, (32, 8192), dtype=jnp.float32)
    return {"pred": pred, "target": target}


def _bce_with_logits(pred, target):
    # numerically stable BCE with logits, reduction='none', no pos_weight
    return jnp.maximum(pred, 0.0) - pred * target + jnp.log1p(jnp.exp(-jnp.abs(pred)))


def reference(pred, target):
    loss = _bce_with_logits(pred, target)
    n = loss.size
    k = int(n * OHEM_RATIO)
    values, _ = jax.lax.top_k(loss.reshape(-1), k)
    thresh = values[-1]
    mask = (loss >= thresh).astype(jnp.float32)
    masked = loss * mask
    return jnp.sum(masked) / (jnp.sum(mask) + EPS)

if __name__ == "__main__":
    import jax
    _d = setup_inputs()
    print(jax.jit(kernel)(*tuple(_d.values())))

</pallas_src>

<mosaic_0001>
#map = affine_map<(d0, d1) -> (0)>
module attributes {stable_mosaic.version = 14 : i64} {
  func.func @_body(%arg0: i32, %arg1: i32, %arg2: memref<262144xf32, #tpu.memory_space<hbm>>, %arg3: memref<262144xf32, #tpu.memory_space<hbm>>, %arg4: memref<16xf32, #tpu.memory_space<hbm>>, %arg5: memref<8192xf32, #tpu.memory_space<hbm>>, %arg6: memref<16384xf32, #tpu.memory_space<vmem>>, %arg7: memref<16384xf32, #tpu.memory_space<vmem>>, %arg8: memref<16384xi32, #tpu.memory_space<vmem>>, %arg9: memref<512xf32, #tpu.memory_space<vmem>>, %arg10: memref<8192xf32, #tpu.memory_space<vmem>>, %arg11: memref<16xf32, #tpu.memory_space<vmem>>) attributes {dimension_semantics = [#tpu.dimension_semantics<core_parallel>, #tpu.dimension_semantics<subcore_parallel>], iteration_bounds = array<i64: 1, 16>, scalar_prefetch = 0 : i64, scratch_operands = 6 : i64, tpu.core_type = #tpu.core_type<sc_vector_subcore>, window_params = [{transform_indices = #map}, {transform_indices = #map}, {transform_indices = #map}, {transform_indices = #map}]} {
    %iota3A = tpu.iota {dimensions = array<i32: 0>} : vector<16xi32>
    %broadcast_in_dim3A = arith.constant 1.000000e+00 : f32
    %broadcast_in_dim3A_0 = vector.broadcast %broadcast_in_dim3A : f32 to vector<16xf32>
    %broadcast_in_dim3A_1 = arith.constant 0.000000e+00 : f32
    %broadcast_in_dim3A_2 = vector.broadcast %broadcast_in_dim3A_1 : f32 to vector<16xf32>
    %mul3A = arith.constant 16384 : i32
    %mul3A_3 = arith.muli %arg1, %mul3A : i32
    "tpu.region"() ({
      %run_scoped3A = tpu.sem_alloc : memref<!tpu.dma_semaphore, #tpu.memory_space<semaphore_mem>>
      %dma_start3A = tpu.memref_slice %arg2[%mul3A_3] : memref<262144xf32, #tpu.memory_space<hbm>> -> memref<16384xf32, #tpu.memory_space<hbm>>
      %dma_start3A_1957 = tpu.memref_slice %arg2[%mul3A_3] : memref<262144xf32, #tpu.memory_space<hbm>> -> memref<16384xf32, #tpu.memory_space<hbm>>
      tpu.enqueue_dma source(%dma_start3A_1957 : memref<16384xf32, #tpu.memory_space<hbm>>) target(%arg6 : memref<16384xf32, #tpu.memory_space<vmem>>) target_semaphore(%run_scoped3A : memref<!tpu.dma_semaphore, #tpu.memory_space<semaphore_mem>>)
      %dma_wait3A = tpu.memref_slice %arg2[%mul3A_3] : memref<262144xf32, #tpu.memory_space<hbm>> -> memref<16384xf32, #tpu.memory_space<hbm>>
      %dma_wait3A_1958 = tpu.memref_slice %arg2[%mul3A_3] : memref<262144xf32, #tpu.memory_space<hbm>> -> memref<16384xf32, #tpu.memory_space<hbm>>
      tpu.wait_dma2 semaphore(%run_scoped3A : memref<!tpu.dma_semaphore, #tpu.memory_space<semaphore_mem>>) src(%dma_wait3A_1958 : memref<16384xf32, #tpu.memory_space<hbm>>) dst(%arg6 : memref<16384xf32, #tpu.memory_space<vmem>>)
      tpu.yield
    }) : () -> ()
    "tpu.region"() ({
      %run_scoped3A = tpu.sem_alloc : memref<!tpu.dma_semaphore, #tpu.memory_space<semaphore_mem>>
      %dma_start3A = tpu.memref_slice %arg3[%mul3A_3] : memref<262144xf32, #tpu.memory_space<hbm>> -> memref<16384xf32, #tpu.memory_space<hbm>>
      %dma_start3A_1957 = tpu.memref_slice %arg3[%mul3A_3] : memref<262144xf32, #tpu.memory_space<hbm>> -> memref<16384xf32, #tpu.memory_space<hbm>>
      tpu.enqueue_dma source(%dma_start3A_1957 : memref<16384xf32, #tpu.memory_space<hbm>>) target(%arg7 : memref<16384xf32, #tpu.memory_space<vmem>>) target_semaphore(%run_scoped3A : memref<!tpu.dma_semaphore, #tpu.memory_space<semaphore_mem>>)
      %dma_wait3A = tpu.memref_slice %arg3[%mul3A_3] : memref<262144xf32, #tpu.memory_space<hbm>> -> memref<16384xf32, #tpu.memory_space<hbm>>
      %dma_wait3A_1958 = tpu.memref_slice %arg3[%mul3A_3] : memref<262144xf32, #tpu.memory_space<hbm>> -> memref<16384xf32, #tpu.memory_space<hbm>>
      tpu.wait_dma2 semaphore(%run_scoped3A : memref<!tpu.dma_semaphore, #tpu.memory_space<semaphore_mem>>) src(%dma_wait3A_1958 : memref<16384xf32, #tpu.memory_space<hbm>>) dst(%arg7 : memref<16384xf32, #tpu.memory_space<vmem>>)
      tpu.yield
    }) : () -> ()
    %swap3A = arith.constant 0 : index
    %swap3A_4 = tpu.vector_load %arg9[%swap3A] {strides = array<i32>} : memref<512xf32, #tpu.memory_space<vmem>>, vector<16xf32>,
    tpu.vector_store %arg9[%swap3A], %broadcast_in_dim3A_2 {strides = array<i32>} : memref<512xf32, #tpu.memory_space<vmem>>, vector<16xf32>,
    %swap3A_5 = arith.constant 16 : index
    %swap3A_6 = tpu.vector_load %arg9[%swap3A_5] {strides = array<i32>} : memref<512xf32, #tpu.memory_space<vmem>>, vector<16xf32>,
    tpu.vector_store %arg9[%swap3A_5], %broadcast_in_dim3A_2 {strides = array<i32>} : memref<512xf32, #tpu.memory_space<vmem>>, vector<16xf32>,
    %swap3A_7 = arith.constant 32 : index
    %swap3A_8 = tpu.vector_load %arg9[%swap3A_7] {strides = array<i32>} : memref<512xf32, #tpu.memory_space<vmem>>, vector<16xf32>,
    tpu.vector_store %arg9[%swap3A_7], %broadcast_in_dim3A_2 {strides = array<i32>} : memref<512xf32, #tpu.memory_space<vmem>>, vector<16xf32>,
    %swap3A_9 = arith.constant 48 : index
    %swap3A_10 = tpu.vector_load %arg9[%swap3A_9] {strides = array<i32>} : memref<512xf32, #tpu.memory_space<vmem>>, vector<16xf32>,
    tpu.vector_store %arg9[%swap3A_9], %broadcast_in_dim3A_2 {strides = array<i32>} : memref<512xf32, #tpu.memory_space<vmem>>, vector<16xf32>,
    %swap3A_11 = arith.constant 64 : index
    %swap3A_12 = tpu.vector_load %arg9[%swap3A_11] {strides = array<i32>} : memref<512xf32, #tpu.memory_space<vmem>>, vector<16xf32>,
    tpu.vector_store %arg9[%swap3A_11], %broadcast_in_dim3A_2 {strides = array<i32>} : memref<512xf32, #tpu.memory_space<vmem>>, vector<16xf32>,
    %swap3A_13 = arith.constant 80 : index
    %swap3A_14 = tpu.vector_load %arg9[%swap3A_13] {strides = array<i32>} : memref<512xf32, #tpu.memory_space<vmem>>, vector<16xf32>,
    tpu.vector_store %arg9[%swap3A_13], %broadcast_in_dim3A_2 {strides = array<i32>} : memref<512xf32, #tpu.memory_space<vmem>>, vector<16xf32>,
    %swap3A_15 = arith.constant 96 : index
    %swap3A_16 = tpu.vector_load %arg9[%swap3A_15] {strides = array<i32>} : memref<512xf32, #tpu.memory_space<vmem>>, vector<16xf32>,
    tpu.vector_store %arg9[%swap3A_15], %broadcast_in_dim3A_2 {strides = array<i32>} : memref<512xf32, #tpu.memory_space<vmem>>, vector<16xf32>,
    %swap3A_17 = arith.constant 112 : index
    %swap3A_18 = tpu.vector_load %arg9[%swap3A_17] {strides = array<i32>} : memref<512xf32, #tpu.memory_space<vmem>>, vector<16xf32>,
    tpu.vector_store %arg9[%swap3A_17], %broadcast_in_dim3A_2 {strides = array<i32>} : memref<512xf32, #tpu.memory_space<vmem>>, vector<16xf32>,
    %swap3A_19 = arith.constant 128 : index
    %swap3A_20 = tpu.vector_load %arg9[%swap3A_19] {strides = array<i32>} : memref<512xf32, #tpu.memory_space<vmem>>, vector<16xf32>,
    tpu.vector_store %arg9[%swap3A_19], %broadcast_in_dim3A_2 {strides = array<i32>} : memref<512xf32, #tpu.memory_space<vmem>>, vector<16xf32>,
    %swap3A_21 = arith.constant 144 : index
    %swap3A_22 = tpu.vector_load %arg9[%swap3A_21] {strides = array<i32>} : memref<512xf32, #tpu.memory_space<vmem>>, vector<16xf32>,
    tpu.vector_store %arg9[%swap3A_21], %broadcast_in_dim3A_2 {strides = array<i32>} : memref<512xf32, #tpu.memory_space<vmem>>, vector<16xf32>,
    %swap3A_23 = arith.constant 160 : index
    %swap3A_24 = tpu.vector_load %arg9[%swap3A_23] {strides = array<i32>} : memref<512xf32, #tpu.memory_space<vmem>>, vector<16xf32>,
    tpu.vector_store %arg9[%swap3A_23], %broadcast_in_dim3A_2 {strides = array<i32>} : memref<512xf32, #tpu.memory_space<vmem>>, vector<16xf32>,
    %swap3A_25 = arith.constant 176 : index
    %swap3A_26 = tpu.vector_load %arg9[%swap3A_25] {strides = array<i32>} : memref<512xf32, #tpu.memory_space<vmem>>, vector<16xf32>,
    tpu.vector_store %arg9[%swap3A_25], %broadcast_in_dim3A_2 {strides = array<i32>} : memref<512xf32, #tpu.memory_space<vmem>>, vector<16xf32>,
    %swap3A_27 = arith.constant 192 : index
    %swap3A_28 = tpu.vector_load %arg9[%swap3A_27] {strides = array<i32>} : memref<512xf32, #tpu.memory_space<vmem>>, vector<16xf32>,
    tpu.vector_store %arg9[%swap3A_27], %broadcast_in_dim3A_2 {strides = array<i32>} : memref<512xf32, #tpu.memory_space<vmem>>, vector<16xf32>,
    %swap3A_29 = arith.constant 208 : index
    %swap3A_30 = tpu.vector_load %arg9[%swap3A_29] {strides = array<i32>} : memref<512xf32, #tpu.memory_space<vmem>>, vector<16xf32>,
    tpu.vector_store %arg9[%swap3A_29], %broadcast_in_dim3A_2 {strides = array<i32>} : memref<512xf32, #tpu.memory_space<vmem>>, vector<16xf32>,
    %swap3A_31 = arith.constant 224 : index
    %swap3A_32 = tpu.vector_load %arg9[%swap3A_31] {strides = array<i32>} : memref<512xf32, #tpu.memory_space<vmem>>, vector<16xf32>,
    tpu.vector_store %arg9[%swap3A_31], %broadcast_in_dim3A_2 {strides = array<i32>} : memref<512xf32, #tpu.memory_space<vmem>>, vector<16xf32>,
    %swap3A_33 = arith.constant 240 : index
    %swap3A_34 = tpu.vector_load %arg9[%swap3A_33] {strides = array<i32>} : memref<512xf32, #tpu.memory_space<vmem>>, vector<16xf32>,
    tpu.vector_store %arg9[%swap3A_33], %broadcast_in_dim3A_2 {strides = array<i32>} : memref<512xf32, #tpu.memory_space<vmem>>, vector<16xf32>,
    %swap3A_35 = arith.constant 256 : index
    %swap3A_36 = tpu.vector_load %arg9[%swap3A_35] {strides = array<i32>} : memref<512xf32, #tpu.memory_space<vmem>>, vector<16xf32>,
    tpu.vector_store %arg9[%swap3A_35], %broadcast_in_dim3A_2 {strides = array<i32>} : memref<512xf32, #tpu.memory_space<vmem>>, vector<16xf32>,
    %swap3A_37 = arith.constant 272 : index
    %swap3A_38 = tpu.vector_load %arg9[%swap3A_37] {strides = array<i32>} : memref<512xf32, #tpu.memory_space<vmem>>, vector<16xf32>,
    tpu.vector_store %arg9[%swap3A_37], %broadcast_in_dim3A_2 {strides = array<i32>} : memref<512xf32, #tpu.memory_space<vmem>>, vector<16xf32>,
    %swap3A_39 = arith.constant 288 : index
    %swap3A_40 = tpu.vector_load %arg9[%swap3A_39] {strides = array<i32>} : memref<512xf32, #tpu.memory_space<vmem>>, vector<16xf32>,
    tpu.vector_store %arg9[%swap3A_39], %broadcast_in_dim3A_2 {strides = array<i32>} : memref<512xf32, #tpu.memory_space<vmem>>, vector<16xf32>,
    %swap3A_41 = arith.constant 304 : index
    %swap3A_42 = tpu.vector_load %arg9[%swap3A_41] {strides = array<i32>} : memref<512xf32, #tpu.memory_space<vmem>>, vector<16xf32>,
    tpu.vector_store %arg9[%swap3A_41], %broadcast_in_dim3A_2 {strides = array<i32>} : memref<512xf32, #tpu.memory_space<vmem>>, vector<16xf32>,
    %swap3A_43 = arith.constant 320 : index
    %swap3A_44 = tpu.vector_load %arg9[%swap3A_43] {strides = array<i32>} : memref<512xf32, #tpu.memory_space<vmem>>, vector<16xf32>,
    tpu.vector_store %arg9[%swap3A_43], %broadcast_in_dim3A_2 {strides = array<i32>} : memref<512xf32, #tpu.memory_space<vmem>>, vector<16xf32>,
    %swap3A_45 = arith.constant 336 : index
    %swap3A_46 = tpu.vector_load %arg9[%swap3A_45] {strides = array<i32>} : memref<512xf32, #tpu.memory_space<vmem>>, vector<16xf32>,
    tpu.vector_store %arg9[%swap3A_45], %broadcast_in_dim3A_2 {strides = array<i32>} : memref<512xf32, #tpu.memory_space<vmem>>, vector<16xf32>,
    %swap3A_47 = arith.constant 352 : index
    %swap3A_48 = tpu.vector_load %arg9[%swap3A_47] {strides = array<i32>} : memref<512xf32, #tpu.memory_space<vmem>>, vector<16xf32>,
    tpu.vector_store %arg9[%swap3A_47], %broadcast_in_dim3A_2 {strides = array<i32>} : memref<512xf32, #tpu.memory_space<vmem>>, vector<16xf32>,
    %swap3A_49 = arith.constant 368 : index
    %swap3A_50 = tpu.vector_load %arg9[%swap3A_49] {strides = array<i32>} : memref<512xf32, #tpu.memory_space<vmem>>, vector<16xf32>,
    tpu.vector_store %arg9[%swap3A_49], %broadcast_in_dim3A_2 {strides = array<i32>} : memref<512xf32, #tpu.memory_space<vmem>>, vector<16xf32>,
    %swap3A_51 = arith.constant 384 : index
    %swap3A_52 = tpu.vector_load %arg9[%swap3A_51] {strides = array<i32>} : memref<512xf32, #tpu.memory_space<vmem>>, vector<16xf32>,
    tpu.vector_store %arg9[%swap3A_51], %broadcast_in_dim3A_2 {strides = array<i32>} : memref<512xf32, #tpu.memory_space<vmem>>, vector<16xf32>,
    %swap3A_53 = arith.constant 400 : index
    %swap3A_54 = tpu.vector_load %arg9[%swap3A_53] {strides = array<i32>} : memref<512xf32, #tpu.memory_space<vmem>>, vector<16xf32>,
    tpu.vector_store %arg9[%swap3A_53], %broadcast_in_dim3A_2 {strides = array<i32>} : memref<512xf32, #tpu.memory_space<vmem>>, vector<16xf32>,
    %swap3A_55 = arith.constant 416 : index
    %swap3A_56 = tpu.vector_load %arg9[%swap3A_55] {strides = array<i32>} : memref<512xf32, #tpu.memory_space<vmem>>, vector<16xf32>,
    tpu.vector_store %arg9[%swap3A_55], %broadcast_in_dim3A_2 {strides = array<i32>} : memref<512xf32, #tpu.memory_space<vmem>>, vector<16xf32>,
    %swap3A_57 = arith.constant 432 : index
    %swap3A_58 = tpu.vector_load %arg9[%swap3A_57] {strides = array<i32>} : memref<512xf32, #tpu.memory_space<vmem>>, vector<16xf32>,
    tpu.vector_store %arg9[%swap3A_57], %broadcast_in_dim3A_2 {strides = array<i32>} : memref<512xf32, #tpu.memory_space<vmem>>, vector<16xf32>,
    %swap3A_59 = arith.constant 448 : index
    %swap3A_60 = tpu.vector_load %arg9[%swap3A_59] {strides = array<i32>} : memref<512xf32, #tpu.memory_space<vmem>>, vector<16xf32>,
    tpu.vector_store %arg9[%swap3A_59], %broadcast_in_dim3A_2 {strides = array<i32>} : memref<512xf32, #tpu.memory_space<vmem>>, vector<16xf32>,
    %swap3A_61 = arith.constant 464 : index
    %swap3A_62 = tpu.vector_load %arg9[%swap3A_61] {strides = array<i32>} : memref<512xf32, #tpu.memory_space<vmem>>, vector<16xf32>,
    tpu.vector_store %arg9[%swap3A_61], %broadcast_in_dim3A_2 {strides = array<i32>} : memref<512xf32, #tpu.memory_space<vmem>>, vector<16xf32>,
    %swap3A_63 = arith.constant 480 : index
    %swap3A_64 = tpu.vector_load %arg9[%swap3A_63] {strides = array<i32>} : memref<512xf32, #tpu.memory_space<vmem>>, vector<16xf32>,
    tpu.vector_store %arg9[%swap3A_63], %broadcast_in_dim3A_2 {strides = array<i32>} : memref<512xf32, #tpu.memory_space<vmem>>, vector<16xf32>,
    %swap3A_65 = arith.constant 496 : index
    %swap3A_66 = tpu.vector_load %arg9[%swap3A_65] {strides = array<i32>} : memref<512xf32, #tpu.memory_space<vmem>>, vector<16xf32>,
    tpu.vector_store %arg9[%swap3A_65], %broadcast_in_dim3A_2 {strides = array<i32>} : memref<512xf32, #tpu.memory_space<vmem>>, vector<16xf32>,
    %parallel_loop3A = arith.constant 0 : i32
    %parallel_loop3A_67 = arith.constant 1024 : i32
    %parallel_loop3A_68 = arith.constant 1 : i32
    scf.for %parallel_loop3A_1957 = %parallel_loop3A to %parallel_loop3A_67 step %parallel_loop3A_68  : i32 {
      %parallel_loop3A_1958 = arith.constant 16 : i32
      %parallel_loop3A_1959 = arith.muli %parallel_loop3A_1957, %parallel_loop3A_1958 : i32
      %parallel_loop3A_1960 = arith.index_cast %parallel_loop3A_1959 : i32 to index
      %parallel_loop3A_1961 = tpu.vector_load %arg6[%parallel_loop3A_1960] {strides = array<i32>} : memref<16384xf32, #tpu.memory_space<vmem>>, vector<16xf32>,
      %parallel_loop3A_1962 = arith.index_cast %parallel_loop3A_1959 : i32 to index
      %parallel_loop3A_1963 = tpu.vector_load %arg7[%parallel_loop3A_1962] {strides = array<i32>} : memref<16384xf32, #tpu.memory_space<vmem>>, vector<16xf32>,
      %parallel_loop3A_1964 = math.absf %parallel_loop3A_1961 : vector<16xf32>
      %parallel_loop3A_1965 = arith.constant 0.000000e+00 : f32
      %parallel_loop3A_1966 = vector.broadcast %parallel_loop3A_1965 : f32 to vector<16xf32>
      %parallel_loop3A_1967 = arith.subf %parallel_loop3A_1966, %parallel_loop3A_1964 : vector<16xf32>
      %parallel_loop3A_1968 = math.exp %parallel_loop3A_1967 : vector<16xf32>
      %parallel_loop3A_1969 = arith.constant 2.000000e+00 : f32
      %parallel_loop3A_1970 = vector.broadcast %parallel_loop3A_1969 : f32 to vector<16xf32>
      %parallel_loop3A_1971 = arith.addf %parallel_loop3A_1968, %parallel_loop3A_1970 : vector<16xf32>
      %parallel_loop3A_1972 = arith.divf %parallel_loop3A_1968, %parallel_loop3A_1971 : vector<16xf32>
      %parallel_loop3A_1973 = arith.mulf %parallel_loop3A_1972, %parallel_loop3A_1972 : vector<16xf32>
      %parallel_loop3A_1974 = arith.constant 2.000000e+00 : f32
      %parallel_loop3A_1975 = vector.broadcast %parallel_loop3A_1974 : f32 to vector<16xf32>
      %parallel_loop3A_1976 = arith.mulf %parallel_loop3A_1975, %parallel_loop3A_1972 : vector<16xf32>
      %parallel_loop3A_1977 = arith.constant 0.111111112 : f32
      %parallel_loop3A_1978 = vector.broadcast %parallel_loop3A_1977 : f32 to vector<16xf32>
      %parallel_loop3A_1979 = arith.mulf %parallel_loop3A_1973, %parallel_loop3A_1978 : vector<16xf32>
      %parallel_loop3A_1980 = arith.constant 0.142857149 : f32
      %parallel_loop3A_1981 = vector.broadcast %parallel_loop3A_1980 : f32 to vector<16xf32>
      %parallel_loop3A_1982 = arith.addf %parallel_loop3A_1981, %parallel_loop3A_1979 : vector<16xf32>
      %parallel_loop3A_1983 = arith.mulf %parallel_loop3A_1973, %parallel_loop3A_1982 : vector<16xf32>
      %parallel_loop3A_1984 = arith.constant 2.000000e-01 : f32
      %parallel_loop3A_1985 = vector.broadcast %parallel_loop3A_1984 : f32 to vector<16xf32>
      %parallel_loop3A_1986 = arith.addf %parallel_loop3A_1985, %parallel_loop3A_1983 : vector<16xf32>
      %parallel_loop3A_1987 = arith.mulf %parallel_loop3A_1973, %parallel_loop3A_1986 : vector<16xf32>
      %parallel_loop3A_1988 = arith.constant 0.333333343 : f32
      %parallel_loop3A_1989 = vector.broadcast %parallel_loop3A_1988 : f32 to vector<16xf32>
      %parallel_loop3A_1990 = arith.addf %parallel_loop3A_1989, %parallel_loop3A_1987 : vector<16xf32>
      %parallel_loop3A_1991 = arith.mulf %parallel_loop3A_1973, %parallel_loop3A_1990 : vector<16xf32>
      %parallel_loop3A_1992 = arith.constant 1.000000e+00 : f32
      %parallel_loop3A_1993 = vector.broadcast %parallel_loop3A_1992 : f32 to vector<16xf32>
      %parallel_loop3A_1994 = arith.addf %parallel_loop3A_1993, %parallel_loop3A_1991 : vector<16xf32>
      %parallel_loop3A_1995 = arith.mulf %parallel_loop3A_1976, %parallel_loop3A_1994 : vector<16xf32>
      %parallel_loop3A_1996 = arith.constant 0.000000e+00 : f32
      %parallel_loop3A_1997 = vector.broadcast %parallel_loop3A_1996 : f32 to vector<16xf32>
      %parallel_loop3A_1998 = arith.maximumf %parallel_loop3A_1961, %parallel_loop3A_1997 : vector<16xf32>
      %parallel_loop3A_1999 = arith.mulf %parallel_loop3A_1961, %parallel_loop3A_1963 : vector<16xf32>
      %parallel_loop3A_2000 = arith.subf %parallel_loop3A_1998, %parallel_loop3A_1999 : vector<16xf32>
      %parallel_loop3A_2001 = arith.addf %parallel_loop3A_2000, %parallel_loop3A_1995 : vector<16xf32>
      %parallel_loop3A_2002 = vector.bitcast %parallel_loop3A_2001 : vector<16xf32> to vector<16xi32>
      %parallel_loop3A_2003 = arith.index_cast %parallel_loop3A_1959 : i32 to index
      %parallel_loop3A_2004 = tpu.vector_load %arg8[%parallel_loop3A_2003] {strides = array<i32>} : memref<16384xi32, #tpu.memory_space<vmem>>, vector<16xi32>,
      tpu.vector_store %arg8[%parallel_loop3A_2003], %parallel_loop3A_2002 {strides = array<i32>} : memref<16384xi32, #tpu.memory_space<vmem>>, vector<16xi32>,
      %parallel_loop3A_2005 = arith.constant 23 : i32
      %parallel_loop3A_2006 = vector.broadcast %parallel_loop3A_2005 : i32 to vector<16xi32>
      %parallel_loop3A_2007 = arith.shrui %parallel_loop3A_2002, %parallel_loop3A_2006 : vector<16xi32>
      tpu.vector_store_idx %arg9[%parallel_loop3A_2007], %broadcast_in_dim3A_0 {add = true} : memref<512xf32, #tpu.memory_space<vmem>>[vector<16xi32>], vector<16xf32>,
      %parallel_loop3A_2008 = arith.constant 256 : i32
      %parallel_loop3A_2009 = vector.broadcast %parallel_loop3A_2008 : i32 to vector<16xi32>
      %parallel_loop3A_2010 = arith.addi %parallel_loop3A_2007, %parallel_loop3A_2009 : vector<16xi32>
      %parallel_loop3A_2011 = vector.bitcast %parallel_loop3A_2002 : vector<16xi32> to vector<16xf32>
      tpu.vector_store_idx %arg9[%parallel_loop3A_2010], %parallel_loop3A_2011 {add = true} : memref<512xf32, #tpu.memory_space<vmem>>[vector<16xi32>], vector<16xf32>,
    } {sc.loop_unroll_factor = 8 : i64, sc.parallel_access}
    %mul3A_69 = arith.constant 512 : i32
    %mul3A_70 = arith.muli %arg1, %mul3A_69 : i32
    "tpu.region"() ({
      %run_scoped3A = tpu.sem_alloc : memref<!tpu.dma_semaphore, #tpu.memory_space<semaphore_mem>>
      %dma_start3A = tpu.memref_slice %arg5[%mul3A_70] : memref<8192xf32, #tpu.memory_space<hbm>> -> memref<512xf32, #tpu.memory_space<hbm>>
      %dma_start3A_1957 = tpu.memref_slice %arg5[%mul3A_70] : memref<8192xf32, #tpu.memory_space<hbm>> -> memref<512xf32, #tpu.memory_space<hbm>>
      tpu.enqueue_dma source(%arg9 : memref<512xf32, #tpu.memory_space<vmem>>) target(%dma_start3A_1957 : memref<512xf32, #tpu.memory_space<hbm>>) target_semaphore(%run_scoped3A : memref<!tpu.dma_semaphore, #tpu.memory_space<semaphore_mem>>)
      %dma_wait3A = tpu.memref_slice %arg5[%mul3A_70] : memref<8192xf32, #tpu.memory_space<hbm>> -> memref<512xf32, #tpu.memory_space<hbm>>
      %dma_wait3A_1958 = tpu.memref_slice %arg5[%mul3A_70] : memref<8192xf32, #tpu.memory_space<hbm>> -> memref<512xf32, #tpu.memory_space<hbm>>
      tpu.wait_dma2 semaphore(%run_scoped3A : memref<!tpu.dma_semaphore, #tpu.memory_space<semaphore_mem>>) src(%arg9 : memref<512xf32, #tpu.memory_space<vmem>>) dst(%dma_wait3A_1958 : memref<512xf32, #tpu.memory_space<hbm>>)
      tpu.yield
    }) : () -> ()
    %barrier3A = arith.constant 0 : index
    tpu.barrier barrier_id(%barrier3A)
    "tpu.region"() ({
      %run_scoped3A = tpu.sem_alloc : memref<!tpu.dma_semaphore, #tpu.memory_space<semaphore_mem>>
      tpu.enqueue_dma source(%arg5 : memref<8192xf32, #tpu.memory_space<hbm>>) target(%arg10 : memref<8192xf32, #tpu.memory_space<vmem>>) target_semaphore(%run_scoped3A : memref<!tpu.dma_semaphore, #tpu.memory_space<semaphore_mem>>)
      tpu.wait_dma2 semaphore(%run_scoped3A : memref<!tpu.dma_semaphore, #tpu.memory_space<semaphore_mem>>) src(%arg5 : memref<8192xf32, #tpu.memory_space<hbm>>) dst(%arg10 : memref<8192xf32, #tpu.memory_space<vmem>>)
      tpu.yield
    }) : () -> ()
    %scan3A = arith.constant 0 : i32
    %scan3A_71 = arith.constant 16 : i32
    %scan3A_72 = arith.addi %scan3A, %scan3A_71 : i32
    %scan3A_73 = arith.constant 1 : i32
    %scan3A_74:32 = scf.for %scan3A_1957 = %scan3A to %scan3A_72 step %scan3A_73 iter_args(%scan3A_1958 = %broadcast_in_dim3A_2, %scan3A_1959 = %broadcast_in_dim3A_2, %scan3A_1960 = %broadcast_in_dim3A_2, %scan3A_1961 = %broadcast_in_dim3A_2, %scan3A_1962 = %broadcast_in_dim3A_2, %scan3A_1963 = %broadcast_in_dim3A_2, %scan3A_1964 = %broadcast_in_dim3A_2, %scan3A_1965 = %broadcast_in_dim3A_2, %scan3A_1966 = %broadcast_in_dim3A_2, %scan3A_1967 = %broadcast_in_dim3A_2, %scan3A_1968 = %broadcast_in_dim3A_2, %scan3A_1969 = %broadcast_in_dim3A_2, %scan3A_1970 = %broadcast_in_dim3A_2, %scan3A_1971 = %broadcast_in_dim3A_2, %scan3A_1972 = %broadcast_in_dim3A_2, %scan3A_1973 = %broadcast_in_dim3A_2, %scan3A_1974 = %broadcast_in_dim3A_2, %scan3A_1975 = %broadcast_in_dim3A_2, %scan3A_1976 = %broadcast_in_dim3A_2, %scan3A_1977 = %broadcast_in_dim3A_2, %scan3A_1978 = %broadcast_in_dim3A_2, %scan3A_1979 = %broadcast_in_dim3A_2, %scan3A_1980 = %broadcast_in_dim3A_2, %scan3A_1981 = %broadcast_in_dim3A_2, %scan3A_1982 = %broadcast_in_dim3A_2, %scan3A_1983 = %broadcast_in_dim3A_2, %scan3A_1984 = %broadcast_in_dim3A_2, %scan3A_1985 = %broadcast_in_dim3A_2, %scan3A_1986 = %broadcast_in_dim3A_2, %scan3A_1987 = %broadcast_in_dim3A_2, %scan3A_1988 = %broadcast_in_dim3A_2, %scan3A_1989 = %broadcast_in_dim3A_2) -> (vector<16xf32>, vector<16xf32>, vector<16xf32>, vector<16xf32>, vector<16xf32>, vector<16xf32>, vector<16xf32>, vector<16xf32>, vector<16xf32>, vector<16xf32>, vector<16xf32>, vector<16xf32>, vector<16xf32>, vector<16xf32>, vector<16xf32>, vector<16xf32>, vector<16xf32>, vector<16xf32>, vector<16xf32>, vector<16xf32>, vector<16xf32>, vector<16xf32>, vector<16xf32>, vector<16xf32>, vector<16xf32>, vector<16xf32>, vector<16xf32>, vector<16xf32>, vector<16xf32>, vector<16xf32>, vector<16xf32>, vector<16xf32>)  : i32 {
      %mul3A_1990 = arith.constant 512 : i32
      %mul3A_1991 = arith.muli %scan3A_1957, %mul3A_1990 : i32
      %add3A_1992 = arith.constant 0 : i32
      %add3A_1993 = arith.addi %mul3A_1991, %add3A_1992 : i32
      %get3A = arith.index_cast %add3A_1993 : i32 to index
      %get3A_1994 = tpu.vector_load %arg10[%get3A] {strides = array<i32>} : memref<8192xf32, #tpu.memory_space<vmem>>, vector<16xf32>,
      %add3A_1995 = arith.addf %scan3A_1958, %get3A_1994 : vector<16xf32>
      %mul3A_1996 = arith.constant 512 : i32
      %mul3A_1997 = arith.muli %scan3A_1957, %mul3A_1996 : i32
      %add3A_1998 = arith.constant 16 : i32
      %add3A_1999 = arith.addi %mul3A_1997, %add3A_1998 : i32
      %get3A_2000 = arith.index_cast %add3A_1999 : i32 to index
      %get3A_2001 = tpu.vector_load %arg10[%get3A_2000] {strides = array<i32>} : memref<8192xf32, #tpu.memory_space<vmem>>, vector<16xf32>,
      %add3A_2002 = arith.addf %scan3A_1959, %get3A_2001 : vector<16xf32>
      %mul3A_2003 = arith.constant 512 : i32
      %mul3A_2004 = arith.muli %scan3A_1957, %mul3A_2003 : i32
      %add3A_2005 = arith.constant 32 : i32
      %add3A_2006 = arith.addi %mul3A_2004, %add3A_2005 : i32
      %get3A_2007 = arith.index_cast %add3A_2006 : i32 to index
      %get3A_2008 = tpu.vector_load %arg10[%get3A_2007] {strides = array<i32>} : memref<8192xf32, #tpu.memory_space<vmem>>, vector<16xf32>,
      %add3A_2009 = arith.addf %scan3A_1960, %get3A_2008 : vector<16xf32>
      %mul3A_2010 = arith.constant 512 : i32
      %mul3A_2011 = arith.muli %scan3A_1957, %mul3A_2010 : i32
      %add3A_2012 = arith.constant 48 : i32
      %add3A_2013 = arith.addi %mul3A_2011, %add3A_2012 : i32
      %get3A_2014 = arith.index_cast %add3A_2013 : i32 to index
      %get3A_2015 = tpu.vector_load %arg10[%get3A_2014] {strides = array<i32>} : memref<8192xf32, #tpu.memory_space<vmem>>, vector<16xf32>,
      %add3A_2016 = arith.addf %scan3A_1961, %get3A_2015 : vector<16xf32>
      %mul3A_2017 = arith.constant 512 : i32
      %mul3A_2018 = arith.muli %scan3A_1957, %mul3A_2017 : i32
      %add3A_2019 = arith.constant 64 : i32
      %add3A_2020 = arith.addi %mul3A_2018, %add3A_2019 : i32
      %get3A_2021 = arith.index_cast %add3A_2020 : i32 to index
      %get3A_2022 = tpu.vector_load %arg10[%get3A_2021] {strides = array<i32>} : memref<8192xf32, #tpu.memory_space<vmem>>, vector<16xf32>,
      %add3A_2023 = arith.addf %scan3A_1962, %get3A_2022 : vector<16xf32>
      %mul3A_2024 = arith.constant 512 : i32
      %mul3A_2025 = arith.muli %scan3A_1957, %mul3A_2024 : i32
      %add3A_2026 = arith.constant 80 : i32
      %add3A_2027 = arith.addi %mul3A_2025, %add3A_2026 : i32
      %get3A_2028 = arith.index_cast %add3A_2027 : i32 to index
      %get3A_2029 = tpu.vector_load %arg10[%get3A_2028] {strides = array<i32>} : memref<8192xf32, #tpu.memory_space<vmem>>, vector<16xf32>,
      %add3A_2030 = arith.addf %scan3A_1963, %get3A_2029 : vector<16xf32>
      %mul3A_2031 = arith.constant 512 : i32
      %mul3A_2032 = arith.muli %scan3A_1957, %mul3A_2031 : i32
      %add3A_2033 = arith.constant 96 : i32
      %add3A_2034 = arith.addi %mul3A_2032, %add3A_2033 : i32
      %get3A_2035 = arith.index_cast %add3A_2034 : i32 to index
      %get3A_2036 = tpu.vector_load %arg10[%get3A_2035] {strides = array<i32>} : memref<8192xf32, #tpu.memory_space<vmem>>, vector<16xf32>,
      %add3A_2037 = arith.addf %scan3A_1964, %get3A_2036 : vector<16xf32>
      %mul3A_2038 = arith.constant 512 : i32
      %mul3A_2039 = arith.muli %scan3A_1957, %mul3A_2038 : i32
      %add3A_2040 = arith.constant 112 : i32
      %add3A_2041 = arith.addi %mul3A_2039, %add3A_2040 : i32
      %get3A_2042 = arith.index_cast %add3A_2041 : i32 to index
      %get3A_2043 = tpu.vector_load %arg10[%get3A_2042] {strides = array<i32>} : memref<8192xf32, #tpu.memory_space<vmem>>, vector<16xf32>,
      %add3A_2044 = arith.addf %scan3A_1965, %get3A_2043 : vector<16xf32>
      %mul3A_2045 = arith.constant 512 : i32
      %mul3A_2046 = arith.muli %scan3A_1957, %mul3A_2045 : i32
      %add3A_2047 = arith.constant 128 : i32
      %add3A_2048 = arith.addi %mul3A_2046, %add3A_2047 : i32
      %get3A_2049 = arith.index_cast %add3A_2048 : i32 to index
      %get3A_2050 = tpu.vector_load %arg10[%get3A_2049] {strides = array<i32>} : memref<8192xf32, #tpu.memory_space<vmem>>, vector<16xf32>,
      %add3A_2051 = arith.addf %scan3A_1966, %get3A_2050 : vector<16xf32>
      %mul3A_2052 = arith.constant 512 : i32
      %mul3A_2053 = arith.muli %scan3A_1957, %mul3A_2052 : i32
      %add3A_2054 = arith.constant 144 : i32
      %add3A_2055 = arith.addi %mul3A_2053, %add3A_2054 : i32
      %get3A_2056 = arith.index_cast %add3A_2055 : i32 to index
      %get3A_2057 = tpu.vector_load %arg10[%get3A_2056] {strides = array<i32>} : memref<8192xf32, #tpu.memory_space<vmem>>, vector<16xf32>,
      %add3A_2058 = arith.addf %scan3A_1967, %get3A_2057 : vector<16xf32>
      %mul3A_2059 = arith.constant 512 : i32
      %mul3A_2060 = arith.muli %scan3A_1957, %mul3A_2059 : i32
      %add3A_2061 = arith.constant 160 : i32
      %add3A_2062 = arith.addi %mul3A_2060, %add3A_2061 : i32
      %get3A_2063 = arith.index_cast %add3A_2062 : i32 to index
      %get3A_2064 = tpu.vector_load %arg10[%get3A_2063] {strides = array<i32>} : memref<8192xf32, #tpu.memory_space<vmem>>, vector<16xf32>,
      %add3A_2065 = arith.addf %scan3A_1968, %get3A_2064 : vector<16xf32>
      %mul3A_2066 = arith.constant 512 : i32
      %mul3A_2067 = arith.muli %scan3A_1957, %mul3A_2066 : i32
      %add3A_2068 = arith.constant 176 : i32
      %add3A_2069 = arith.addi %mul3A_2067, %add3A_2068 : i32
      %get3A_2070 = arith.index_cast %add3A_2069 : i32 to index
      %get3A_2071 = tpu.vector_load %arg10[%get3A_2070] {strides = array<i32>} : memref<8192xf32, #tpu.memory_space<vmem>>, vector<16xf32>,
      %add3A_2072 = arith.addf %scan3A_1969, %get3A_2071 : vector<16xf32>
      %mul3A_2073 = arith.constant 512 : i32
      %mul3A_2074 = arith.muli %scan3A_1957, %mul3A_2073 : i32
      %add3A_2075 = arith.constant 192 : i32
      %add3A_2076 = arith.addi %mul3A_2074, %add3A_2075 : i32
      %get3A_2077 = arith.index_cast %add3A_2076 : i32 to index
      %get3A_2078 = tpu.vector_load %arg10[%get3A_2077] {strides = array<i32>} : memref<8192xf32, #tpu.memory_space<vmem>>, vector<16xf32>,
      %add3A_2079 = arith.addf %scan3A_1970, %get3A_2078 : vector<16xf32>
      %mul3A_2080 = arith.constant 512 : i32
      %mul3A_2081 = arith.muli %scan3A_1957, %mul3A_2080 : i32
      %add3A_2082 = arith.constant 208 : i32
      %add3A_2083 = arith.addi %mul3A_2081, %add3A_2082 : i32
      %get3A_2084 = arith.index_cast %add3A_2083 : i32 to index
      %get3A_2085 = tpu.vector_load %arg10[%get3A_2084] {strides = array<i32>} : memref<8192xf32, #tpu.memory_space<vmem>>, vector<16xf32>,
      %add3A_2086 = arith.addf %scan3A_1971, %get3A_2085 : vector<16xf32>
      %mul3A_2087 = arith.constant 512 : i32
      %mul3A_2088 = arith.muli %scan3A_1957, %mul3A_2087 : i32
      %add3A_2089 = arith.constant 224 : i32
      %add3A_2090 = arith.addi %mul3A_2088, %add3A_2089 : i32
      %get3A_2091 = arith.index_cast %add3A_2090 : i32 to index
      %get3A_2092 = tpu.vector_load %arg10[%get3A_2091] {strides = array<i32>} : memref<8192xf32, #tpu.memory_space<vmem>>, vector<16xf32>,
      %add3A_2093 = arith.addf %scan3A_1972, %get3A_2092 : vector<16xf32>
      %mul3A_2094 = arith.constant 512 : i32
      %mul3A_2095 = arith.muli %scan3A_1957, %mul3A_2094 : i32
      %add3A_2096 = arith.constant 240 : i32
      %add3A_2097 = arith.addi %mul3A_2095, %add3A_2096 : i32
      %get3A_2098 = arith.index_cast %add3A_2097 : i32 to index
      %get3A_2099 = tpu.vector_load %arg10[%get3A_2098] {strides = array<i32>} : memref<8192xf32, #tpu.memory_space<vmem>>, vector<16xf32>,
      %add3A_2100 = arith.addf %scan3A_1973, %get3A_2099 : vector<16xf32>
      %mul3A_2101 = arith.constant 512 : i32
      %mul3A_2102 = arith.muli %scan3A_1957, %mul3A_2101 : i32
      %add3A_2103 = arith.constant 256 : i32
      %add3A_2104 = arith.addi %mul3A_2102, %add3A_2103 : i32
      %get3A_2105 = arith.index_cast %add3A_2104 : i32 to index
      %get3A_2106 = tpu.vector_load %arg10[%get3A_2105] {strides = array<i32>} : memref<8192xf32, #tpu.memory_space<vmem>>, vector<16xf32>,
      %add3A_2107 = arith.addf %scan3A_1974, %get3A_2106 : vector<16xf32>
      %mul3A_2108 = arith.constant 512 : i32
      %mul3A_2109 = arith.muli %scan3A_1957, %mul3A_2108 : i32
      %add3A_2110 = arith.constant 272 : i32
      %add3A_2111 = arith.addi %mul3A_2109, %add3A_2110 : i32
      %get3A_2112 = arith.index_cast %add3A_2111 : i32 to index
      %get3A_2113 = tpu.vector_load %arg10[%get3A_2112] {strides = array<i32>} : memref<8192xf32, #tpu.memory_space<vmem>>, vector<16xf32>,
      %add3A_2114 = arith.addf %scan3A_1975, %get3A_2113 : vector<16xf32>
      %mul3A_2115 = arith.constant 512 : i32
      %mul3A_2116 = arith.muli %scan3A_1957, %mul3A_2115 : i32
      %add3A_2117 = arith.constant 288 : i32
      %add3A_2118 = arith.addi %mul3A_2116, %add3A_2117 : i32
      %get3A_2119 = arith.index_cast %add3A_2118 : i32 to index
      %get3A_2120 = tpu.vector_load %arg10[%get3A_2119] {strides = array<i32>} : memref<8192xf32, #tpu.memory_space<vmem>>, vector<16xf32>,
      %add3A_2121 = arith.addf %scan3A_1976, %get3A_2120 : vector<16xf32>
      %mul3A_2122 = arith.constant 512 : i32
      %mul3A_2123 = arith.muli %scan3A_1957, %mul3A_2122 : i32
      %add3A_2124 = arith.constant 304 : i32
      %add3A_2125 = arith.addi %mul3A_2123, %add3A_2124 : i32
      %get3A_2126 = arith.index_cast %add3A_2125 : i32 to index
      %get3A_2127 = tpu.vector_load %arg10[%get3A_2126] {strides = array<i32>} : memref<8192xf32, #tpu.memory_space<vmem>>, vector<16xf32>,
      %add3A_2128 = arith.addf %scan3A_1977, %get3A_2127 : vector<16xf32>
      %mul3A_2129 = arith.constant 512 : i32
      %mul3A_2130 = arith.muli %scan3A_1957, %mul3A_2129 : i32
      %add3A_2131 = arith.constant 320 : i32
      %add3A_2132 = arith.addi %mul3A_2130, %add3A_2131 : i32
      %get3A_2133 = arith.index_cast %add3A_2132 : i32 to index
      %get3A_2134 = tpu.vector_load %arg10[%get3A_2133] {strides = array<i32>} : memref<8192xf32, #tpu.memory_space<vmem>>, vector<16xf32>,
      %add3A_2135 = arith.addf %scan3A_1978, %get3A_2134 : vector<16xf32>
      %mul3A_2136 = arith.constant 512 : i32
      %mul3A_2137 = arith.muli %scan3A_1957, %mul3A_2136 : i32
      %add3A_2138 = arith.constant 336 : i32
      %add3A_2139 = arith.addi %mul3A_2137, %add3A_2138 : i32
      %get3A_2140 = arith.index_cast %add3A_2139 : i32 to index
      %get3A_2141 = tpu.vector_load %arg10[%get3A_2140] {strides = array<i32>} : memref<8192xf32, #tpu.memory_space<vmem>>, vector<16xf32>,
      %add3A_2142 = arith.addf %scan3A_1979, %get3A_2141 : vector<16xf32>
      %mul3A_2143 = arith.constant 512 : i32
      %mul3A_2144 = arith.muli %scan3A_1957, %mul3A_2143 : i32
      %add3A_2145 = arith.constant 352 : i32
      %add3A_2146 = arith.addi %mul3A_2144, %add3A_2145 : i32
      %get3A_2147 = arith.index_cast %add3A_2146 : i32 to index
      %get3A_2148 = tpu.vector_load %arg10[%get3A_2147] {strides = array<i32>} : memref<8192xf32, #tpu.memory_space<vmem>>, vector<16xf32>,
      %add3A_2149 = arith.addf %scan3A_1980, %get3A_2148 : vector<16xf32>
      %mul3A_2150 = arith.constant 512 : i32
      %mul3A_2151 = arith.muli %scan3A_1957, %mul3A_2150 : i32
      %add3A_2152 = arith.constant 368 : i32
      %add3A_2153 = arith.addi %mul3A_2151, %add3A_2152 : i32
      %get3A_2154 = arith.index_cast %add3A_2153 : i32 to index
      %get3A_2155 = tpu.vector_load %arg10[%get3A_2154] {strides = array<i32>} : memref<8192xf32, #tpu.memory_space<vmem>>, vector<16xf32>,
      %add3A_2156 = arith.addf %scan3A_1981, %get3A_2155 : vector<16xf32>
      %mul3A_2157 = arith.constant 512 : i32
      %mul3A_2158 = arith.muli %scan3A_1957, %mul3A_2157 : i32
      %add3A_2159 = arith.constant 384 : i32
      %add3A_2160 = arith.addi %mul3A_2158, %add3A_2159 : i32
      %get3A_2161 = arith.index_cast %add3A_2160 : i32 to index
      %get3A_2162 = tpu.vector_load %arg10[%get3A_2161] {strides = array<i32>} : memref<8192xf32, #tpu.memory_space<vmem>>, vector<16xf32>,
      %add3A_2163 = arith.addf %scan3A_1982, %get3A_2162 : vector<16xf32>
      %mul3A_2164 = arith.constant 512 : i32
      %mul3A_2165 = arith.muli %scan3A_1957, %mul3A_2164 : i32
      %add3A_2166 = arith.constant 400 : i32
      %add3A_2167 = arith.addi %mul3A_2165, %add3A_2166 : i32
      %get3A_2168 = arith.index_cast %add3A_2167 : i32 to index
      %get3A_2169 = tpu.vector_load %arg10[%get3A_2168] {strides = array<i32>} : memref<8192xf32, #tpu.memory_space<vmem>>, vector<16xf32>,
      %add3A_2170 = arith.addf %scan3A_1983, %get3A_2169 : vector<16xf32>
      %mul3A_2171 = arith.constant 512 : i32
      %mul3A_2172 = arith.muli %scan3A_1957, %mul3A_2171 : i32
      %add3A_2173 = arith.constant 416 : i32
      %add3A_2174 = arith.addi %mul3A_2172, %add3A_2173 : i32
      %get3A_2175 = arith.index_cast %add3A_2174 : i32 to index
      %get3A_2176 = tpu.vector_load %arg10[%get3A_2175] {strides = array<i32>} : memref<8192xf32, #tpu.memory_space<vmem>>, vector<16xf32>,
      %add3A_2177 = arith.addf %scan3A_1984, %get3A_2176 : vector<16xf32>
      %mul3A_2178 = arith.constant 512 : i32
      %mul3A_2179 = arith.muli %scan3A_1957, %mul3A_2178 : i32
      %add3A_2180 = arith.constant 432 : i32
      %add3A_2181 = arith.addi %mul3A_2179, %add3A_2180 : i32
      %get3A_2182 = arith.index_cast %add3A_2181 : i32 to index
      %get3A_2183 = tpu.vector_load %arg10[%get3A_2182] {strides = array<i32>} : memref<8192xf32, #tpu.memory_space<vmem>>, vector<16xf32>,
      %add3A_2184 = arith.addf %scan3A_1985, %get3A_2183 : vector<16xf32>
      %mul3A_2185 = arith.constant 512 : i32
      %mul3A_2186 = arith.muli %scan3A_1957, %mul3A_2185 : i32
      %add3A_2187 = arith.constant 448 : i32
      %add3A_2188 = arith.addi %mul3A_2186, %add3A_2187 : i32
      %get3A_2189 = arith.index_cast %add3A_2188 : i32 to index
      %get3A_2190 = tpu.vector_load %arg10[%get3A_2189] {strides = array<i32>} : memref<8192xf32, #tpu.memory_space<vmem>>, vector<16xf32>,
      %add3A_2191 = arith.addf %scan3A_1986, %get3A_2190 : vector<16xf32>
      %mul3A_2192 = arith.constant 512 : i32
      %mul3A_2193 = arith.muli %scan3A_1957, %mul3A_2192 : i32
      %add3A_2194 = arith.constant 464 : i32
      %add3A_2195 = arith.addi %mul3A_2193, %add3A_2194 : i32
      %get3A_2196 = arith.index_cast %add3A_2195 : i32 to index
      %get3A_2197 = tpu.vector_load %arg10[%get3A_2196] {strides = array<i32>} : memref<8192xf32, #tpu.memory_space<vmem>>, vector<16xf32>,
      %add3A_2198 = arith.addf %scan3A_1987, %get3A_2197 : vector<16xf32>
      %mul3A_2199 = arith.constant 512 : i32
      %mul3A_2200 = arith.muli %scan3A_1957, %mul3A_2199 : i32
      %add3A_2201 = arith.constant 480 : i32
      %add3A_2202 = arith.addi %mul3A_2200, %add3A_2201 : i32
      %get3A_2203 = arith.index_cast %add3A_2202 : i32 to index
      %get3A_2204 = tpu.vector_load %arg10[%get3A_2203] {strides = array<i32>} : memref<8192xf32, #tpu.memory_space<vmem>>, vector<16xf32>,
      %add3A_2205 = arith.addf %scan3A_1988, %get3A_2204 : vector<16xf32>
      %mul3A_2206 = arith.constant 512 : i32
      %mul3A_2207 = arith.muli %scan3A_1957, %mul3A_2206 : i32
      %add3A_2208 = arith.constant 496 : i32
      %add3A_2209 = arith.addi %mul3A_2207, %add3A_2208 : i32
      %get3A_2210 = arith.index_cast %add3A_2209 : i32 to index
      %get3A_2211 = tpu.vector_load %arg10[%get3A_2210] {strides = array<i32>} : memref<8192xf32, #tpu.memory_space<vmem>>, vector<16xf32>,
      %add3A_2212 = arith.addf %scan3A_1989, %get3A_2211 : vector<16xf32>
      scf.yield %add3A_1995, %add3A_2002, %add3A_2009, %add3A_2016, %add3A_2023, %add3A_2030, %add3A_2037, %add3A_2044, %add3A_2051, %add3A_2058, %add3A_2065, %add3A_2072, %add3A_2079, %add3A_2086, %add3A_2093, %add3A_2100, %add3A_2107, %add3A_2114, %add3A_2121, %add3A_2128, %add3A_2135, %add3A_2142, %add3A_2149, %add3A_2156, %add3A_2163, %add3A_2170, %add3A_2177, %add3A_2184, %add3A_2191, %add3A_2198, %add3A_2205, %add3A_2212 : vector<16xf32>, vector<16xf32>, vector<16xf32>, vector<16xf32>, vector<16xf32>, vector<16xf32>, vector<16xf32>, vector<16xf32>, vector<16xf32>, vector<16xf32>, vector<16xf32>, vector<16xf32>, vector<16xf32>, vector<16xf32>, vector<16xf32>, vector<16xf32>, vector<16xf32>, vector<16xf32>, vector<16xf32>, vector<16xf32>, vector<16xf32>, vector<16xf32>, vector<16xf32>, vector<16xf32>, vector<16xf32>, vector<16xf32>, vector<16xf32>, vector<16xf32>, vector<16xf32>, vector<16xf32>, vector<16xf32>, vector<16xf32>
    }
    %scan3A_75 = arith.constant 16 : i32
    %barrier3A_76 = arith.constant 0 : index
    tpu.barrier barrier_id(%barrier3A_76)
    %convert_element_type3A = arith.fptosi %scan3A_74#0 : vector<16xf32> to vector<16xi32>
    %convert_element_type3A_77 = arith.fptosi %scan3A_74#1 : vector<16xf32> to vector<16xi32>
    %convert_element_type3A_78 = arith.fptosi %scan3A_74#2 : vector<16xf32> to vector<16xi32>
    %convert_element_type3A_79 = arith.fptosi %scan3A_74#3 : vector<16xf32> to vector<16xi32>
    %convert_element_type3A_80 = arith.fptosi %scan3A_74#4 : vector<16xf32> to vector<16xi32>
    %convert_element_type3A_81 = arith.fptosi %scan3A_74#5 : vector<16xf32> to vector<16xi32>
    %convert_element_type3A_82 = arith.fptosi %scan3A_74#6 : vector<16xf32> to vector<16xi32>
    %convert_element_type3A_83 = arith.fptosi %scan3A_74#7 : vector<16xf32> to vector<16xi32>
    %convert_element_type3A_84 = arith.fptosi %scan3A_74#8 : vector<16xf32> to vector<16xi32>
    %convert_element_type3A_85 = arith.fptosi %scan3A_74#9 : vector<16xf32> to vector<16xi32>
    %convert_element_type3A_86 = arith.fptosi %scan3A_74#10 : vector<16xf32> to vector<16xi32>
    %convert_element_type3A_87 = arith.fptosi %scan3A_74#11 : vector<16xf32> to vector<16xi32>
    %convert_element_type3A_88 = arith.fptosi %scan3A_74#12 : vector<16xf32> to vector<16xi32>
    %convert_element_type3A_89 = arith.fptosi %scan3A_74#13 : vector<16xf32> to vector<16xi32>
    %convert_element_type3A_90 = arith.fptosi %scan3A_74#14 : vector<16xf32> to vector<16xi32>
    %convert_element_type3A_91 = arith.fptosi %scan3A_74#15 : vector<16xf32> to vector<16xi32>
    %reduce_sum3A = arith.constant true
    %reduce_sum3A_92 = vector.broadcast %reduce_sum3A : i1 to vector<16xi1>
    %reduce_sum3A_93 = tpu.scan <sum>, %convert_element_type3A masked %reduce_sum3A_92 : vector<16xi32>, vector<16xi1> -> vector<16xi32>
    %reduce_sum3A_94 = vector.extract %reduce_sum3A_93[15] : i32 from vector<16xi32>
    %reduce_sum3A_95 = arith.constant true
    %reduce_sum3A_96 = vector.broadcast %reduce_sum3A_95 : i1 to vector<16xi1>
    %reduce_sum3A_97 = tpu.scan <sum>, %convert_element_type3A_77 masked %reduce_sum3A_96 : vector<16xi32>, vector<16xi1> -> vector<16xi32>
    %reduce_sum3A_98 = vector.extract %reduce_sum3A_97[15] : i32 from vector<16xi32>
    %reduce_sum3A_99 = arith.constant true
    %reduce_sum3A_100 = vector.broadcast %reduce_sum3A_99 : i1 to vector<16xi1>
    %reduce_sum3A_101 = tpu.scan <sum>, %convert_element_type3A_78 masked %reduce_sum3A_100 : vector<16xi32>, vector<16xi1> -> vector<16xi32>
    %reduce_sum3A_102 = vector.extract %reduce_sum3A_101[15] : i32 from vector<16xi32>
    %reduce_sum3A_103 = arith.constant true
    %reduce_sum3A_104 = vector.broadcast %reduce_sum3A_103 : i1 to vector<16xi1>
    %reduce_sum3A_105 = tpu.scan <sum>, %convert_element_type3A_79 masked %reduce_sum3A_104 : vector<16xi32>, vector<16xi1> -> vector<16xi32>
    %reduce_sum3A_106 = vector.extract %reduce_sum3A_105[15] : i32 from vector<16xi32>
    %reduce_sum3A_107 = arith.constant true
    %reduce_sum3A_108 = vector.broadcast %reduce_sum3A_107 : i1 to vector<16xi1>
    %reduce_sum3A_109 = tpu.scan <sum>, %convert_element_type3A_80 masked %reduce_sum3A_108 : vector<16xi32>, vector<16xi1> -> vector<16xi32>
    %reduce_sum3A_110 = vector.extract %reduce_sum3A_109[15] : i32 from vector<16xi32>
    %reduce_sum3A_111 = arith.constant true
    %reduce_sum3A_112 = vector.broadcast %reduce_sum3A_111 : i1 to vector<16xi1>
    %reduce_sum3A_113 = tpu.scan <sum>, %convert_element_type3A_81 masked %reduce_sum3A_112 : vector<16xi32>, vector<16xi1> -> vector<16xi32>
    %reduce_sum3A_114 = vector.extract %reduce_sum3A_113[15] : i32 from vector<16xi32>
    %reduce_sum3A_115 = arith.constant true
    %reduce_sum3A_116 = vector.broadcast %reduce_sum3A_115 : i1 to vector<16xi1>
    %reduce_sum3A_117 = tpu.scan <sum>, %convert_element_type3A_82 masked %reduce_sum3A_116 : vector<16xi32>, vector<16xi1> -> vector<16xi32>
    %reduce_sum3A_118 = vector.extract %reduce_sum3A_117[15] : i32 from vector<16xi32>
    %reduce_sum3A_119 = arith.constant true
    %reduce_sum3A_120 = vector.broadcast %reduce_sum3A_119 : i1 to vector<16xi1>
    %reduce_sum3A_121 = tpu.scan <sum>, %convert_element_type3A_83 masked %reduce_sum3A_120 : vector<16xi32>, vector<16xi1> -> vector<16xi32>
    %reduce_sum3A_122 = vector.extract %reduce_sum3A_121[15] : i32 from vector<16xi32>
    %reduce_sum3A_123 = arith.constant true
    %reduce_sum3A_124 = vector.broadcast %reduce_sum3A_123 : i1 to vector<16xi1>
    %reduce_sum3A_125 = tpu.scan <sum>, %convert_element_type3A_84 masked %reduce_sum3A_124 : vector<16xi32>, vector<16xi1> -> vector<16xi32>
    %reduce_sum3A_126 = vector.extract %reduce_sum3A_125[15] : i32 from vector<16xi32>
    %reduce_sum3A_127 = arith.constant true
    %reduce_sum3A_128 = vector.broadcast %reduce_sum3A_127 : i1 to vector<16xi1>
    %reduce_sum3A_129 = tpu.scan <sum>, %convert_element_type3A_85 masked %reduce_sum3A_128 : vector<16xi32>, vector<16xi1> -> vector<16xi32>
    %reduce_sum3A_130 = vector.extract %reduce_sum3A_129[15] : i32 from vector<16xi32>
    %reduce_sum3A_131 = arith.constant true
    %reduce_sum3A_132 = vector.broadcast %reduce_sum3A_131 : i1 to vector<16xi1>
    %reduce_sum3A_133 = tpu.scan <sum>, %convert_element_type3A_86 masked %reduce_sum3A_132 : vector<16xi32>, vector<16xi1> -> vector<16xi32>
    %reduce_sum3A_134 = vector.extract %reduce_sum3A_133[15] : i32 from vector<16xi32>
    %reduce_sum3A_135 = arith.constant true
    %reduce_sum3A_136 = vector.broadcast %reduce_sum3A_135 : i1 to vector<16xi1>
    %reduce_sum3A_137 = tpu.scan <sum>, %convert_element_type3A_87 masked %reduce_sum3A_136 : vector<16xi32>, vector<16xi1> -> vector<16xi32>
    %reduce_sum3A_138 = vector.extract %reduce_sum3A_137[15] : i32 from vector<16xi32>
    %reduce_sum3A_139 = arith.constant true
    %reduce_sum3A_140 = vector.broadcast %reduce_sum3A_139 : i1 to vector<16xi1>
    %reduce_sum3A_141 = tpu.scan <sum>, %convert_element_type3A_88 masked %reduce_sum3A_140 : vector<16xi32>, vector<16xi1> -> vector<16xi32>
    %reduce_sum3A_142 = vector.extract %reduce_sum3A_141[15] : i32 from vector<16xi32>
    %reduce_sum3A_143 = arith.constant true
    %reduce_sum3A_144 = vector.broadcast %reduce_sum3A_143 : i1 to vector<16xi1>
    %reduce_sum3A_145 = tpu.scan <sum>, %convert_element_type3A_89 masked %reduce_sum3A_144 : vector<16xi32>, vector<16xi1> -> vector<16xi32>
    %reduce_sum3A_146 = vector.extract %reduce_sum3A_145[15] : i32 from vector<16xi32>
    %reduce_sum3A_147 = arith.constant true
    %reduce_sum3A_148 = vector.broadcast %reduce_sum3A_147 : i1 to vector<16xi1>
    %reduce_sum3A_149 = tpu.scan <sum>, %convert_element_type3A_90 masked %reduce_sum3A_148 : vector<16xi32>, vector<16xi1> -> vector<16xi32>
    %reduce_sum3A_150 = vector.extract %reduce_sum3A_149[15] : i32 from vector<16xi32>
    %reduce_sum3A_151 = arith.constant true
    %reduce_sum3A_152 = vector.broadcast %reduce_sum3A_151 : i1 to vector<16xi1>
    %reduce_sum3A_153 = tpu.scan <sum>, %convert_element_type3A_91 masked %reduce_sum3A_152 : vector<16xi32>, vector<16xi1> -> vector<16xi32>
    %reduce_sum3A_154 = vector.extract %reduce_sum3A_153[15] : i32 from vector<16xi32>
    %add3A = arith.constant 0 : i32
    %add3A_155 = arith.addi %add3A, %reduce_sum3A_154 : i32
    %add3A_156 = arith.addi %add3A_155, %reduce_sum3A_150 : i32
    %add3A_157 = arith.addi %add3A_156, %reduce_sum3A_146 : i32
    %add3A_158 = arith.addi %add3A_157, %reduce_sum3A_142 : i32
    %add3A_159 = arith.addi %add3A_158, %reduce_sum3A_138 : i32
    %add3A_160 = arith.addi %add3A_159, %reduce_sum3A_134 : i32
    %add3A_161 = arith.addi %add3A_160, %reduce_sum3A_130 : i32
    %add3A_162 = arith.addi %add3A_161, %reduce_sum3A_126 : i32
    %add3A_163 = arith.addi %add3A_162, %reduce_sum3A_122 : i32
    %add3A_164 = arith.addi %add3A_163, %reduce_sum3A_118 : i32
    %add3A_165 = arith.addi %add3A_164, %reduce_sum3A_114 : i32
    %add3A_166 = arith.addi %add3A_165, %reduce_sum3A_110 : i32
    %add3A_167 = arith.addi %add3A_166, %reduce_sum3A_106 : i32
    %add3A_168 = arith.addi %add3A_167, %reduce_sum3A_102 : i32
    %add3A_169 = arith.addi %add3A_168, %reduce_sum3A_98 : i32
    %add3A_170 = arith.addi %add3A_169, %reduce_sum3A_94 : i32
    %ge3A = arith.constant 65536 : i32
    %ge3A_171 = arith.cmpi sge, %add3A_170, %ge3A : i32
    %lt3A = arith.constant 65536 : i32
    %lt3A_172 = arith.cmpi slt, %add3A_169, %lt3A : i32
    %and3A = arith.andi %ge3A_171, %lt3A_172 : i1
    %jit3A = arith.constant 0 : i32
    %jit3A_173 = arith.constant 0 : i32
    %select_n3A = arith.select %and3A, %jit3A, %jit3A_173 : i32
    %jit3A_174 = arith.constant 0 : i32
    %select_n3A_175 = arith.select %and3A, %add3A_169, %jit3A_174 : i32
    %ge3A_176 = arith.constant 65536 : i32
    %ge3A_177 = arith.cmpi sge, %add3A_169, %ge3A_176 : i32
    %lt3A_178 = arith.constant 65536 : i32
    %lt3A_179 = arith.cmpi slt, %add3A_168, %lt3A_178 : i32
    %and3A_180 = arith.andi %ge3A_177, %lt3A_179 : i1
    %jit3A_181 = arith.constant 1 : i32
    %select_n3A_182 = arith.select %and3A_180, %jit3A_181, %select_n3A : i32
    %select_n3A_183 = arith.select %and3A_180, %add3A_168, %select_n3A_175 : i32
    %ge3A_184 = arith.constant 65536 : i32
    %ge3A_185 = arith.cmpi sge, %add3A_168, %ge3A_184 : i32
    %lt3A_186 = arith.constant 65536 : i32
    %lt3A_187 = arith.cmpi slt, %add3A_167, %lt3A_186 : i32
    %and3A_188 = arith.andi %ge3A_185, %lt3A_187 : i1
    %jit3A_189 = arith.constant 2 : i32
    %select_n3A_190 = arith.select %and3A_188, %jit3A_189, %select_n3A_182 : i32
    %select_n3A_191 = arith.select %and3A_188, %add3A_167, %select_n3A_183 : i32
    %ge3A_192 = arith.constant 65536 : i32
    %ge3A_193 = arith.cmpi sge, %add3A_167, %ge3A_192 : i32
    %lt3A_194 = arith.constant 65536 : i32
    %lt3A_195 = arith.cmpi slt, %add3A_166, %lt3A_194 : i32
    %and3A_196 = arith.andi %ge3A_193, %lt3A_195 : i1
    %jit3A_197 = arith.constant 3 : i32
    %select_n3A_198 = arith.select %and3A_196, %jit3A_197, %select_n3A_190 : i32
    %select_n3A_199 = arith.select %and3A_196, %add3A_166, %select_n3A_191 : i32
    %ge3A_200 = arith.constant 65536 : i32
    %ge3A_201 = arith.cmpi sge, %add3A_166, %ge3A_200 : i32
    %lt3A_202 = arith.constant 65536 : i32
    %lt3A_203 = arith.cmpi slt, %add3A_165, %lt3A_202 : i32
    %and3A_204 = arith.andi %ge3A_201, %lt3A_203 : i1
    %jit3A_205 = arith.constant 4 : i32
    %select_n3A_206 = arith.select %and3A_204, %jit3A_205, %select_n3A_198 : i32
    %select_n3A_207 = arith.select %and3A_204, %add3A_165, %select_n3A_199 : i32
    %ge3A_208 = arith.constant 65536 : i32
    %ge3A_209 = arith.cmpi sge, %add3A_165, %ge3A_208 : i32
    %lt3A_210 = arith.constant 65536 : i32
    %lt3A_211 = arith.cmpi slt, %add3A_164, %lt3A_210 : i32
    %and3A_212 = arith.andi %ge3A_209, %lt3A_211 : i1
    %jit3A_213 = arith.constant 5 : i32
    %select_n3A_214 = arith.select %and3A_212, %jit3A_213, %select_n3A_206 : i32
    %select_n3A_215 = arith.select %and3A_212, %add3A_164, %select_n3A_207 : i32
    %ge3A_216 = arith.constant 65536 : i32
    %ge3A_217 = arith.cmpi sge, %add3A_164, %ge3A_216 : i32
    %lt3A_218 = arith.constant 65536 : i32
    %lt3A_219 = arith.cmpi slt, %add3A_163, %lt3A_218 : i32
    %and3A_220 = arith.andi %ge3A_217, %lt3A_219 : i1
    %jit3A_221 = arith.constant 6 : i32
    %select_n3A_222 = arith.select %and3A_220, %jit3A_221, %select_n3A_214 : i32
    %select_n3A_223 = arith.select %and3A_220, %add3A_163, %select_n3A_215 : i32
    %ge3A_224 = arith.constant 65536 : i32
    %ge3A_225 = arith.cmpi sge, %add3A_163, %ge3A_224 : i32
    %lt3A_226 = arith.constant 65536 : i32
    %lt3A_227 = arith.cmpi slt, %add3A_162, %lt3A_226 : i32
    %and3A_228 = arith.andi %ge3A_225, %lt3A_227 : i1
    %jit3A_229 = arith.constant 7 : i32
    %select_n3A_230 = arith.select %and3A_228, %jit3A_229, %select_n3A_222 : i32
    %select_n3A_231 = arith.select %and3A_228, %add3A_162, %select_n3A_223 : i32
    %ge3A_232 = arith.constant 65536 : i32
    %ge3A_233 = arith.cmpi sge, %add3A_162, %ge3A_232 : i32
    %lt3A_234 = arith.constant 65536 : i32
    %lt3A_235 = arith.cmpi slt, %add3A_161, %lt3A_234 : i32
    %and3A_236 = arith.andi %ge3A_233, %lt3A_235 : i1
    %jit3A_237 = arith.constant 8 : i32
    %select_n3A_238 = arith.select %and3A_236, %jit3A_237, %select_n3A_230 : i32
    %select_n3A_239 = arith.select %and3A_236, %add3A_161, %select_n3A_231 : i32
    %ge3A_240 = arith.constant 65536 : i32
    %ge3A_241 = arith.cmpi sge, %add3A_161, %ge3A_240 : i32
    %lt3A_242 = arith.constant 65536 : i32
    %lt3A_243 = arith.cmpi slt, %add3A_160, %lt3A_242 : i32
    %and3A_244 = arith.andi %ge3A_241, %lt3A_243 : i1
    %jit3A_245 = arith.constant 9 : i32
    %select_n3A_246 = arith.select %and3A_244, %jit3A_245, %select_n3A_238 : i32
    %select_n3A_247 = arith.select %and3A_244, %add3A_160, %select_n3A_239 : i32
    %ge3A_248 = arith.constant 65536 : i32
    %ge3A_249 = arith.cmpi sge, %add3A_160, %ge3A_248 : i32
    %lt3A_250 = arith.constant 65536 : i32
    %lt3A_251 = arith.cmpi slt, %add3A_159, %lt3A_250 : i32
    %and3A_252 = arith.andi %ge3A_249, %lt3A_251 : i1
    %jit3A_253 = arith.constant 10 : i32
    %select_n3A_254 = arith.select %and3A_252, %jit3A_253, %select_n3A_246 : i32
    %select_n3A_255 = arith.select %and3A_252, %add3A_159, %select_n3A_247 : i32
    %ge3A_256 = arith.constant 65536 : i32
    %ge3A_257 = arith.cmpi sge, %add3A_159, %ge3A_256 : i32
    %lt3A_258 = arith.constant 65536 : i32
    %lt3A_259 = arith.cmpi slt, %add3A_158, %lt3A_258 : i32
    %and3A_260 = arith.andi %ge3A_257, %lt3A_259 : i1
    %jit3A_261 = arith.constant 11 : i32
    %select_n3A_262 = arith.select %and3A_260, %jit3A_261, %select_n3A_254 : i32
    %select_n3A_263 = arith.select %and3A_260, %add3A_158, %select_n3A_255 : i32
    %ge3A_264 = arith.constant 65536 : i32
    %ge3A_265 = arith.cmpi sge, %add3A_158, %ge3A_264 : i32
    %lt3A_266 = arith.constant 65536 : i32
    %lt3A_267 = arith.cmpi slt, %add3A_157, %lt3A_266 : i32
    %and3A_268 = arith.andi %ge3A_265, %lt3A_267 : i1
    %jit3A_269 = arith.constant 12 : i32
    %select_n3A_270 = arith.select %and3A_268, %jit3A_269, %select_n3A_262 : i32
    %select_n3A_271 = arith.select %and3A_268, %add3A_157, %select_n3A_263 : i32
    %ge3A_272 = arith.constant 65536 : i32
    %ge3A_273 = arith.cmpi sge, %add3A_157, %ge3A_272 : i32
    %lt3A_274 = arith.constant 65536 : i32
    %lt3A_275 = arith.cmpi slt, %add3A_156, %lt3A_274 : i32
    %and3A_276 = arith.andi %ge3A_273, %lt3A_275 : i1
    %jit3A_277 = arith.constant 13 : i32
    %select_n3A_278 = arith.select %and3A_276, %jit3A_277, %select_n3A_270 : i32
    %select_n3A_279 = arith.select %and3A_276, %add3A_156, %select_n3A_271 : i32
    %ge3A_280 = arith.constant 65536 : i32
    %ge3A_281 = arith.cmpi sge, %add3A_156, %ge3A_280 : i32
    %lt3A_282 = arith.constant 65536 : i32
    %lt3A_283 = arith.cmpi slt, %add3A_155, %lt3A_282 : i32
    %and3A_284 = arith.andi %ge3A_281, %lt3A_283 : i1
    %jit3A_285 = arith.constant 14 : i32
    %select_n3A_286 = arith.select %and3A_284, %jit3A_285, %select_n3A_278 : i32
    %select_n3A_287 = arith.select %and3A_284, %add3A_155, %select_n3A_279 : i32
    %ge3A_288 = arith.constant 65536 : i32
    %ge3A_289 = arith.cmpi sge, %add3A_155, %ge3A_288 : i32
    %lt3A_290 = arith.constant 0 : i32
    %lt3A_291 = arith.constant 65536 : i32
    %lt3A_292 = arith.cmpi slt, %lt3A_290, %lt3A_291 : i32
    %and3A_293 = arith.andi %ge3A_289, %lt3A_292 : i1
    %jit3A_294 = arith.constant 15 : i32
    %select_n3A_295 = arith.select %and3A_293, %jit3A_294, %select_n3A_286 : i32
    %jit3A_296 = arith.constant 0 : i32
    %select_n3A_297 = arith.select %and3A_293, %jit3A_296, %select_n3A_287 : i32
    %eq3A = arith.constant 0 : i32
    %eq3A_298 = arith.cmpi eq, %select_n3A_295, %eq3A : i32
    %select_n3A_299 = arith.select %eq3A_298, %convert_element_type3A, %convert_element_type3A_91 : vector<16xi32>
    %eq3A_300 = arith.constant 0 : i32
    %eq3A_301 = arith.cmpi eq, %select_n3A_295, %eq3A_300 : i32
    %select_n3A_302 = arith.select %eq3A_301, %scan3A_74#16, %scan3A_74#31 : vector<16xf32>
    %eq3A_303 = arith.constant 1 : i32
    %eq3A_304 = arith.cmpi eq, %select_n3A_295, %eq3A_303 : i32
    %select_n3A_305 = arith.select %eq3A_304, %convert_element_type3A_77, %select_n3A_299 : vector<16xi32>
    %eq3A_306 = arith.constant 1 : i32
    %eq3A_307 = arith.cmpi eq, %select_n3A_295, %eq3A_306 : i32
    %select_n3A_308 = arith.select %eq3A_307, %scan3A_74#17, %select_n3A_302 : vector<16xf32>
    %eq3A_309 = arith.constant 2 : i32
    %eq3A_310 = arith.cmpi eq, %select_n3A_295, %eq3A_309 : i32
    %select_n3A_311 = arith.select %eq3A_310, %convert_element_type3A_78, %select_n3A_305 : vector<16xi32>
    %eq3A_312 = arith.constant 2 : i32
    %eq3A_313 = arith.cmpi eq, %select_n3A_295, %eq3A_312 : i32
    %select_n3A_314 = arith.select %eq3A_313, %scan3A_74#18, %select_n3A_308 : vector<16xf32>
    %eq3A_315 = arith.constant 3 : i32
    %eq3A_316 = arith.cmpi eq, %select_n3A_295, %eq3A_315 : i32
    %select_n3A_317 = arith.select %eq3A_316, %convert_element_type3A_79, %select_n3A_311 : vector<16xi32>
    %eq3A_318 = arith.constant 3 : i32
    %eq3A_319 = arith.cmpi eq, %select_n3A_295, %eq3A_318 : i32
    %select_n3A_320 = arith.select %eq3A_319, %scan3A_74#19, %select_n3A_314 : vector<16xf32>
    %eq3A_321 = arith.constant 4 : i32
    %eq3A_322 = arith.cmpi eq, %select_n3A_295, %eq3A_321 : i32
    %select_n3A_323 = arith.select %eq3A_322, %convert_element_type3A_80, %select_n3A_317 : vector<16xi32>
    %eq3A_324 = arith.constant 4 : i32
    %eq3A_325 = arith.cmpi eq, %select_n3A_295, %eq3A_324 : i32
    %select_n3A_326 = arith.select %eq3A_325, %scan3A_74#20, %select_n3A_320 : vector<16xf32>
    %eq3A_327 = arith.constant 5 : i32
    %eq3A_328 = arith.cmpi eq, %select_n3A_295, %eq3A_327 : i32
    %select_n3A_329 = arith.select %eq3A_328, %convert_element_type3A_81, %select_n3A_323 : vector<16xi32>
    %eq3A_330 = arith.constant 5 : i32
    %eq3A_331 = arith.cmpi eq, %select_n3A_295, %eq3A_330 : i32
    %select_n3A_332 = arith.select %eq3A_331, %scan3A_74#21, %select_n3A_326 : vector<16xf32>
    %eq3A_333 = arith.constant 6 : i32
    %eq3A_334 = arith.cmpi eq, %select_n3A_295, %eq3A_333 : i32
    %select_n3A_335 = arith.select %eq3A_334, %convert_element_type3A_82, %select_n3A_329 : vector<16xi32>
    %eq3A_336 = arith.constant 6 : i32
    %eq3A_337 = arith.cmpi eq, %select_n3A_295, %eq3A_336 : i32
    %select_n3A_338 = arith.select %eq3A_337, %scan3A_74#22, %select_n3A_332 : vector<16xf32>
    %eq3A_339 = arith.constant 7 : i32
    %eq3A_340 = arith.cmpi eq, %select_n3A_295, %eq3A_339 : i32
    %select_n3A_341 = arith.select %eq3A_340, %convert_element_type3A_83, %select_n3A_335 : vector<16xi32>
    %eq3A_342 = arith.constant 7 : i32
    %eq3A_343 = arith.cmpi eq, %select_n3A_295, %eq3A_342 : i32
    %select_n3A_344 = arith.select %eq3A_343, %scan3A_74#23, %select_n3A_338 : vector<16xf32>
    %eq3A_345 = arith.constant 8 : i32
    %eq3A_346 = arith.cmpi eq, %select_n3A_295, %eq3A_345 : i32
    %select_n3A_347 = arith.select %eq3A_346, %convert_element_type3A_84, %select_n3A_341 : vector<16xi32>
    %eq3A_348 = arith.constant 8 : i32
    %eq3A_349 = arith.cmpi eq, %select_n3A_295, %eq3A_348 : i32
    %select_n3A_350 = arith.select %eq3A_349, %scan3A_74#24, %select_n3A_344 : vector<16xf32>
    %eq3A_351 = arith.constant 9 : i32
    %eq3A_352 = arith.cmpi eq, %select_n3A_295, %eq3A_351 : i32
    %select_n3A_353 = arith.select %eq3A_352, %convert_element_type3A_85, %select_n3A_347 : vector<16xi32>
    %eq3A_354 = arith.constant 9 : i32
    %eq3A_355 = arith.cmpi eq, %select_n3A_295, %eq3A_354 : i32
    %select_n3A_356 = arith.select %eq3A_355, %scan3A_74#25, %select_n3A_350 : vector<16xf32>
    %eq3A_357 = arith.constant 10 : i32
    %eq3A_358 = arith.cmpi eq, %select_n3A_295, %eq3A_357 : i32
    %select_n3A_359 = arith.select %eq3A_358, %convert_element_type3A_86, %select_n3A_353 : vector<16xi32>
    %eq3A_360 = arith.constant 10 : i32
    %eq3A_361 = arith.cmpi eq, %select_n3A_295, %eq3A_360 : i32
    %select_n3A_362 = arith.select %eq3A_361, %scan3A_74#26, %select_n3A_356 : vector<16xf32>
    %eq3A_363 = arith.constant 11 : i32
    %eq3A_364 = arith.cmpi eq, %select_n3A_295, %eq3A_363 : i32
    %select_n3A_365 = arith.select %eq3A_364, %convert_element_type3A_87, %select_n3A_359 : vector<16xi32>
    %eq3A_366 = arith.constant 11 : i32
    %eq3A_367 = arith.cmpi eq, %select_n3A_295, %eq3A_366 : i32
    %select_n3A_368 = arith.select %eq3A_367, %scan3A_74#27, %select_n3A_362 : vector<16xf32>
    %eq3A_369 = arith.constant 12 : i32
    %eq3A_370 = arith.cmpi eq, %select_n3A_295, %eq3A_369 : i32
    %select_n3A_371 = arith.select %eq3A_370, %convert_element_type3A_88, %select_n3A_365 : vector<16xi32>
    %eq3A_372 = arith.constant 12 : i32
    %eq3A_373 = arith.cmpi eq, %select_n3A_295, %eq3A_372 : i32
    %select_n3A_374 = arith.select %eq3A_373, %scan3A_74#28, %select_n3A_368 : vector<16xf32>
    %eq3A_375 = arith.constant 13 : i32
    %eq3A_376 = arith.cmpi eq, %select_n3A_295, %eq3A_375 : i32
    %select_n3A_377 = arith.select %eq3A_376, %convert_element_type3A_89, %select_n3A_371 : vector<16xi32>
    %eq3A_378 = arith.constant 13 : i32
    %eq3A_379 = arith.cmpi eq, %select_n3A_295, %eq3A_378 : i32
    %select_n3A_380 = arith.select %eq3A_379, %scan3A_74#29, %select_n3A_374 : vector<16xf32>
    %eq3A_381 = arith.constant 14 : i32
    %eq3A_382 = arith.cmpi eq, %select_n3A_295, %eq3A_381 : i32
    %select_n3A_383 = arith.select %eq3A_382, %convert_element_type3A_90, %select_n3A_377 : vector<16xi32>
    %eq3A_384 = arith.constant 14 : i32
    %eq3A_385 = arith.cmpi eq, %select_n3A_295, %eq3A_384 : i32
    %select_n3A_386 = arith.select %eq3A_385, %scan3A_74#30, %select_n3A_380 : vector<16xf32>
    %rev3A = arith.constant 15 : i32
    %rev3A_387 = vector.broadcast %rev3A : i32 to vector<16xi32>
    %rev3A_388 = tpu.iota {dimensions = array<i32: 0>} : vector<16xi32>
    %rev3A_389 = arith.subi %rev3A_387, %rev3A_388 : vector<16xi32>
    %rev3A_390 = tpu.dynamic_gather %select_n3A_383[%rev3A_389] in [0] : vector<16xi32>, vector<16xi32> -> vector<16xi32>
    %cumsum3A = arith.constant true
    %cumsum3A_391 = vector.broadcast %cumsum3A : i1 to vector<16xi1>
    %cumsum3A_392 = tpu.scan <sum>, %rev3A_390 masked %cumsum3A_391 : vector<16xi32>, vector<16xi1> -> vector<16xi32>
    %rev3A_393 = arith.constant 15 : i32
    %rev3A_394 = vector.broadcast %rev3A_393 : i32 to vector<16xi32>
    %rev3A_395 = tpu.iota {dimensions = array<i32: 0>} : vector<16xi32>
    %rev3A_396 = arith.subi %rev3A_394, %rev3A_395 : vector<16xi32>
    %rev3A_397 = tpu.dynamic_gather %cumsum3A_392[%rev3A_396] in [0] : vector<16xi32>, vector<16xi32> -> vector<16xi32>
    %add3A_398 = vector.broadcast %select_n3A_297 : i32 to vector<16xi32>
    %add3A_399 = arith.addi %rev3A_397, %add3A_398 : vector<16xi32>
    %ge3A_400 = arith.constant 65536 : i32
    %ge3A_401 = vector.broadcast %ge3A_400 : i32 to vector<16xi32>
    %ge3A_402 = arith.cmpi sge, %add3A_399, %ge3A_401 : vector<16xi32>
    %jit3A_403 = arith.constant -1 : i32
    %broadcast_in_dim3A_404 = vector.broadcast %jit3A_403 : i32 to vector<16xi32>
    %select_n3A_405 = arith.select %ge3A_402, %iota3A, %broadcast_in_dim3A_404 : vector<16xi1>, vector<16xi32>
    %reduce_max3A = arith.constant true
    %reduce_max3A_406 = vector.broadcast %reduce_max3A : i1 to vector<16xi1>
    %reduce_max3A_407 = arith.constant -2147483648 : i32
    %reduce_max3A_408 = vector.broadcast %reduce_max3A_407 : i32 to vector<16xi32>
    %reduce_max3A_409 = arith.xori %select_n3A_405, %reduce_max3A_408 : vector<16xi32>
    %reduce_max3A_410 = tpu.scan <max>, %reduce_max3A_409 masked %reduce_max3A_406 : vector<16xi32>, vector<16xi1> -> vector<16xi32>
    %reduce_max3A_411 = arith.xori %reduce_max3A_410, %reduce_max3A_408 : vector<16xi32>
    %reduce_max3A_412 = vector.extract %reduce_max3A_411[15] : i32 from vector<16xi32>
    %mul3A_413 = arith.constant 16 : i32
    %mul3A_414 = arith.muli %select_n3A_295, %mul3A_413 : i32
    %add3A_415 = arith.addi %mul3A_414, %reduce_max3A_412 : i32
    %gt3A = vector.broadcast %reduce_max3A_412 : i32 to vector<16xi32>
    %gt3A_416 = arith.cmpi sgt, %iota3A, %gt3A : vector<16xi32>
    %jit3A_417 = arith.constant 0 : i32
    %broadcast_in_dim3A_418 = vector.broadcast %jit3A_417 : i32 to vector<16xi32>
    %select_n3A_419 = arith.select %gt3A_416, %select_n3A_383, %broadcast_in_dim3A_418 : vector<16xi1>, vector<16xi32>
    %reduce_sum3A_420 = arith.constant true
    %reduce_sum3A_421 = vector.broadcast %reduce_sum3A_420 : i1 to vector<16xi1>
    %reduce_sum3A_422 = tpu.scan <sum>, %select_n3A_419 masked %reduce_sum3A_421 : vector<16xi32>, vector<16xi1> -> vector<16xi32>
    %reduce_sum3A_423 = vector.extract %reduce_sum3A_422[15] : i32 from vector<16xi32>
    %add3A_424 = arith.addi %select_n3A_297, %reduce_sum3A_423 : i32
    %lt3A_425 = arith.constant 0 : i32
    %lt3A_426 = arith.cmpi slt, %select_n3A_295, %lt3A_425 : i32
    %select_n3A_427 = arith.select %lt3A_426, %scan3A_74#16, %broadcast_in_dim3A_2 : vector<16xf32>
    %add3A_428 = arith.addf %broadcast_in_dim3A_2, %select_n3A_427 : vector<16xf32>
    %lt3A_429 = arith.constant 1 : i32
    %lt3A_430 = arith.cmpi slt, %select_n3A_295, %lt3A_429 : i32
    %select_n3A_431 = arith.select %lt3A_430, %scan3A_74#17, %broadcast_in_dim3A_2 : vector<16xf32>
    %add3A_432 = arith.addf %add3A_428, %select_n3A_431 : vector<16xf32>
    %lt3A_433 = arith.constant 2 : i32
    %lt3A_434 = arith.cmpi slt, %select_n3A_295, %lt3A_433 : i32
    %select_n3A_435 = arith.select %lt3A_434, %scan3A_74#18, %broadcast_in_dim3A_2 : vector<16xf32>
    %add3A_436 = arith.addf %add3A_432, %select_n3A_435 : vector<16xf32>
    %lt3A_437 = arith.constant 3 : i32
    %lt3A_438 = arith.cmpi slt, %select_n3A_295, %lt3A_437 : i32
    %select_n3A_439 = arith.select %lt3A_438, %scan3A_74#19, %broadcast_in_dim3A_2 : vector<16xf32>
    %add3A_440 = arith.addf %add3A_436, %select_n3A_439 : vector<16xf32>
    %lt3A_441 = arith.constant 4 : i32
    %lt3A_442 = arith.cmpi slt, %select_n3A_295, %lt3A_441 : i32
    %select_n3A_443 = arith.select %lt3A_442, %scan3A_74#20, %broadcast_in_dim3A_2 : vector<16xf32>
    %add3A_444 = arith.addf %add3A_440, %select_n3A_443 : vector<16xf32>
    %lt3A_445 = arith.constant 5 : i32
    %lt3A_446 = arith.cmpi slt, %select_n3A_295, %lt3A_445 : i32
    %select_n3A_447 = arith.select %lt3A_446, %scan3A_74#21, %broadcast_in_dim3A_2 : vector<16xf32>
    %add3A_448 = arith.addf %add3A_444, %select_n3A_447 : vector<16xf32>
    %lt3A_449 = arith.constant 6 : i32
    %lt3A_450 = arith.cmpi slt, %select_n3A_295, %lt3A_449 : i32
    %select_n3A_451 = arith.select %lt3A_450, %scan3A_74#22, %broadcast_in_dim3A_2 : vector<16xf32>
    %add3A_452 = arith.addf %add3A_448, %select_n3A_451 : vector<16xf32>
    %lt3A_453 = arith.constant 7 : i32
    %lt3A_454 = arith.cmpi slt, %select_n3A_295, %lt3A_453 : i32
    %select_n3A_455 = arith.select %lt3A_454, %scan3A_74#23, %broadcast_in_dim3A_2 : vector<16xf32>
    %add3A_456 = arith.addf %add3A_452, %select_n3A_455 : vector<16xf32>
    %lt3A_457 = arith.constant 8 : i32
    %lt3A_458 = arith.cmpi slt, %select_n3A_295, %lt3A_457 : i32
    %select_n3A_459 = arith.select %lt3A_458, %scan3A_74#24, %broadcast_in_dim3A_2 : vector<16xf32>
    %add3A_460 = arith.addf %add3A_456, %select_n3A_459 : vector<16xf32>
    %lt3A_461 = arith.constant 9 : i32
    %lt3A_462 = arith.cmpi slt, %select_n3A_295, %lt3A_461 : i32
    %select_n3A_463 = arith.select %lt3A_462, %scan3A_74#25, %broadcast_in_dim3A_2 : vector<16xf32>
    %add3A_464 = arith.addf %add3A_460, %select_n3A_463 : vector<16xf32>
    %lt3A_465 = arith.constant 10 : i32
    %lt3A_466 = arith.cmpi slt, %select_n3A_295, %lt3A_465 : i32
    %select_n3A_467 = arith.select %lt3A_466, %scan3A_74#26, %broadcast_in_dim3A_2 : vector<16xf32>
    %add3A_468 = arith.addf %add3A_464, %select_n3A_467 : vector<16xf32>
    %lt3A_469 = arith.constant 11 : i32
    %lt3A_470 = arith.cmpi slt, %select_n3A_295, %lt3A_469 : i32
    %select_n3A_471 = arith.select %lt3A_470, %scan3A_74#27, %broadcast_in_dim3A_2 : vector<16xf32>
    %add3A_472 = arith.addf %add3A_468, %select_n3A_471 : vector<16xf32>
    %lt3A_473 = arith.constant 12 : i32
    %lt3A_474 = arith.cmpi slt, %select_n3A_295, %lt3A_473 : i32
    %select_n3A_475 = arith.select %lt3A_474, %scan3A_74#28, %broadcast_in_dim3A_2 : vector<16xf32>
    %add3A_476 = arith.addf %add3A_472, %select_n3A_475 : vector<16xf32>
    %lt3A_477 = arith.constant 13 : i32
    %lt3A_478 = arith.cmpi slt, %select_n3A_295, %lt3A_477 : i32
    %select_n3A_479 = arith.select %lt3A_478, %scan3A_74#29, %broadcast_in_dim3A_2 : vector<16xf32>
    %add3A_480 = arith.addf %add3A_476, %select_n3A_479 : vector<16xf32>
    %lt3A_481 = arith.constant 14 : i32
    %lt3A_482 = arith.cmpi slt, %select_n3A_295, %lt3A_481 : i32
    %select_n3A_483 = arith.select %lt3A_482, %scan3A_74#30, %broadcast_in_dim3A_2 : vector<16xf32>
    %add3A_484 = arith.addf %add3A_480, %select_n3A_483 : vector<16xf32>
    %lt3A_485 = arith.constant 15 : i32
    %lt3A_486 = arith.cmpi slt, %select_n3A_295, %lt3A_485 : i32
    %select_n3A_487 = arith.select %lt3A_486, %scan3A_74#31, %broadcast_in_dim3A_2 : vector<16xf32>
    %add3A_488 = arith.addf %add3A_484, %select_n3A_487 : vector<16xf32>
    %gt3A_489 = vector.broadcast %reduce_max3A_412 : i32 to vector<16xi32>
    %gt3A_490 = arith.cmpi sgt, %iota3A, %gt3A_489 : vector<16xi32>
    %jit3A_491 = arith.constant 0.000000e+00 : f32
    %broadcast_in_dim3A_492 = vector.broadcast %jit3A_491 : f32 to vector<16xf32>
    %select_n3A_493 = arith.select %gt3A_490, %select_n3A_386, %broadcast_in_dim3A_492 : vector<16xi1>, vector<16xf32>
    %add3A_494 = arith.addf %add3A_488, %select_n3A_493 : vector<16xf32>
    %sub3A = arith.constant 65536 : i32
    %sub3A_495 = arith.subi %sub3A, %add3A_424 : i32
    %swap3A_496 = arith.constant 0 : index
    %swap3A_497 = tpu.vector_load %arg9[%swap3A_496] {strides = array<i32>} : memref<512xf32, #tpu.memory_space<vmem>>, vector<16xf32>,
    tpu.vector_store %arg9[%swap3A_496], %broadcast_in_dim3A_2 {strides = array<i32>} : memref<512xf32, #tpu.memory_space<vmem>>, vector<16xf32>,
    %swap3A_498 = arith.constant 16 : index
    %swap3A_499 = tpu.vector_load %arg9[%swap3A_498] {strides = array<i32>} : memref<512xf32, #tpu.memory_space<vmem>>, vector<16xf32>,
    tpu.vector_store %arg9[%swap3A_498], %broadcast_in_dim3A_2 {strides = array<i32>} : memref<512xf32, #tpu.memory_space<vmem>>, vector<16xf32>,
    %swap3A_500 = arith.constant 32 : index
    %swap3A_501 = tpu.vector_load %arg9[%swap3A_500] {strides = array<i32>} : memref<512xf32, #tpu.memory_space<vmem>>, vector<16xf32>,
    tpu.vector_store %arg9[%swap3A_500], %broadcast_in_dim3A_2 {strides = array<i32>} : memref<512xf32, #tpu.memory_space<vmem>>, vector<16xf32>,
    %swap3A_502 = arith.constant 48 : index
    %swap3A_503 = tpu.vector_load %arg9[%swap3A_502] {strides = array<i32>} : memref<512xf32, #tpu.memory_space<vmem>>, vector<16xf32>,
    tpu.vector_store %arg9[%swap3A_502], %broadcast_in_dim3A_2 {strides = array<i32>} : memref<512xf32, #tpu.memory_space<vmem>>, vector<16xf32>,
    %swap3A_504 = arith.constant 64 : index
    %swap3A_505 = tpu.vector_load %arg9[%swap3A_504] {strides = array<i32>} : memref<512xf32, #tpu.memory_space<vmem>>, vector<16xf32>,
    tpu.vector_store %arg9[%swap3A_504], %broadcast_in_dim3A_2 {strides = array<i32>} : memref<512xf32, #tpu.memory_space<vmem>>, vector<16xf32>,
    %swap3A_506 = arith.constant 80 : index
    %swap3A_507 = tpu.vector_load %arg9[%swap3A_506] {strides = array<i32>} : memref<512xf32, #tpu.memory_space<vmem>>, vector<16xf32>,
    tpu.vector_store %arg9[%swap3A_506], %broadcast_in_dim3A_2 {strides = array<i32>} : memref<512xf32, #tpu.memory_space<vmem>>, vector<16xf32>,
    %swap3A_508 = arith.constant 96 : index
    %swap3A_509 = tpu.vector_load %arg9[%swap3A_508] {strides = array<i32>} : memref<512xf32, #tpu.memory_space<vmem>>, vector<16xf32>,
    tpu.vector_store %arg9[%swap3A_508], %broadcast_in_dim3A_2 {strides = array<i32>} : memref<512xf32, #tpu.memory_space<vmem>>, vector<16xf32>,
    %swap3A_510 = arith.constant 112 : index
    %swap3A_511 = tpu.vector_load %arg9[%swap3A_510] {strides = array<i32>} : memref<512xf32, #tpu.memory_space<vmem>>, vector<16xf32>,
    tpu.vector_store %arg9[%swap3A_510], %broadcast_in_dim3A_2 {strides = array<i32>} : memref<512xf32, #tpu.memory_space<vmem>>, vector<16xf32>,
    %swap3A_512 = arith.constant 128 : index
    %swap3A_513 = tpu.vector_load %arg9[%swap3A_512] {strides = array<i32>} : memref<512xf32, #tpu.memory_space<vmem>>, vector<16xf32>,
    tpu.vector_store %arg9[%swap3A_512], %broadcast_in_dim3A_2 {strides = array<i32>} : memref<512xf32, #tpu.memory_space<vmem>>, vector<16xf32>,
    %swap3A_514 = arith.constant 144 : index
    %swap3A_515 = tpu.vector_load %arg9[%swap3A_514] {strides = array<i32>} : memref<512xf32, #tpu.memory_space<vmem>>, vector<16xf32>,
    tpu.vector_store %arg9[%swap3A_514], %broadcast_in_dim3A_2 {strides = array<i32>} : memref<512xf32, #tpu.memory_space<vmem>>, vector<16xf32>,
    %swap3A_516 = arith.constant 160 : index
    %swap3A_517 = tpu.vector_load %arg9[%swap3A_516] {strides = array<i32>} : memref<512xf32, #tpu.memory_space<vmem>>, vector<16xf32>,
    tpu.vector_store %arg9[%swap3A_516], %broadcast_in_dim3A_2 {strides = array<i32>} : memref<512xf32, #tpu.memory_space<vmem>>, vector<16xf32>,
    %swap3A_518 = arith.constant 176 : index
    %swap3A_519 = tpu.vector_load %arg9[%swap3A_518] {strides = array<i32>} : memref<512xf32, #tpu.memory_space<vmem>>, vector<16xf32>,
    tpu.vector_store %arg9[%swap3A_518], %broadcast_in_dim3A_2 {strides = array<i32>} : memref<512xf32, #tpu.memory_space<vmem>>, vector<16xf32>,
    %swap3A_520 = arith.constant 192 : index
    %swap3A_521 = tpu.vector_load %arg9[%swap3A_520] {strides = array<i32>} : memref<512xf32, #tpu.memory_space<vmem>>, vector<16xf32>,
    tpu.vector_store %arg9[%swap3A_520], %broadcast_in_dim3A_2 {strides = array<i32>} : memref<512xf32, #tpu.memory_space<vmem>>, vector<16xf32>,
    %swap3A_522 = arith.constant 208 : index
    %swap3A_523 = tpu.vector_load %arg9[%swap3A_522] {strides = array<i32>} : memref<512xf32, #tpu.memory_space<vmem>>, vector<16xf32>,
    tpu.vector_store %arg9[%swap3A_522], %broadcast_in_dim3A_2 {strides = array<i32>} : memref<512xf32, #tpu.memory_space<vmem>>, vector<16xf32>,
    %swap3A_524 = arith.constant 224 : index
    %swap3A_525 = tpu.vector_load %arg9[%swap3A_524] {strides = array<i32>} : memref<512xf32, #tpu.memory_space<vmem>>, vector<16xf32>,
    tpu.vector_store %arg9[%swap3A_524], %broadcast_in_dim3A_2 {strides = array<i32>} : memref<512xf32, #tpu.memory_space<vmem>>, vector<16xf32>,
    %swap3A_526 = arith.constant 240 : index
    %swap3A_527 = tpu.vector_load %arg9[%swap3A_526] {strides = array<i32>} : memref<512xf32, #tpu.memory_space<vmem>>, vector<16xf32>,
    tpu.vector_store %arg9[%swap3A_526], %broadcast_in_dim3A_2 {strides = array<i32>} : memref<512xf32, #tpu.memory_space<vmem>>, vector<16xf32>,
    %swap3A_528 = arith.constant 256 : index
    %swap3A_529 = tpu.vector_load %arg9[%swap3A_528] {strides = array<i32>} : memref<512xf32, #tpu.memory_space<vmem>>, vector<16xf32>,
    tpu.vector_store %arg9[%swap3A_528], %broadcast_in_dim3A_2 {strides = array<i32>} : memref<512xf32, #tpu.memory_space<vmem>>, vector<16xf32>,
    %swap3A_530 = arith.constant 272 : index
    %swap3A_531 = tpu.vector_load %arg9[%swap3A_530] {strides = array<i32>} : memref<512xf32, #tpu.memory_space<vmem>>, vector<16xf32>,
    tpu.vector_store %arg9[%swap3A_530], %broadcast_in_dim3A_2 {strides = array<i32>} : memref<512xf32, #tpu.memory_space<vmem>>, vector<16xf32>,
    %swap3A_532 = arith.constant 288 : index
    %swap3A_533 = tpu.vector_load %arg9[%swap3A_532] {strides = array<i32>} : memref<512xf32, #tpu.memory_space<vmem>>, vector<16xf32>,
    tpu.vector_store %arg9[%swap3A_532], %broadcast_in_dim3A_2 {strides = array<i32>} : memref<512xf32, #tpu.memory_space<vmem>>, vector<16xf32>,
    %swap3A_534 = arith.constant 304 : index
    %swap3A_535 = tpu.vector_load %arg9[%swap3A_534] {strides = array<i32>} : memref<512xf32, #tpu.memory_space<vmem>>, vector<16xf32>,
    tpu.vector_store %arg9[%swap3A_534], %broadcast_in_dim3A_2 {strides = array<i32>} : memref<512xf32, #tpu.memory_space<vmem>>, vector<16xf32>,
    %swap3A_536 = arith.constant 320 : index
    %swap3A_537 = tpu.vector_load %arg9[%swap3A_536] {strides = array<i32>} : memref<512xf32, #tpu.memory_space<vmem>>, vector<16xf32>,
    tpu.vector_store %arg9[%swap3A_536], %broadcast_in_dim3A_2 {strides = array<i32>} : memref<512xf32, #tpu.memory_space<vmem>>, vector<16xf32>,
    %swap3A_538 = arith.constant 336 : index
    %swap3A_539 = tpu.vector_load %arg9[%swap3A_538] {strides = array<i32>} : memref<512xf32, #tpu.memory_space<vmem>>, vector<16xf32>,
    tpu.vector_store %arg9[%swap3A_538], %broadcast_in_dim3A_2 {strides = array<i32>} : memref<512xf32, #tpu.memory_space<vmem>>, vector<16xf32>,
    %swap3A_540 = arith.constant 352 : index
    %swap3A_541 = tpu.vector_load %arg9[%swap3A_540] {strides = array<i32>} : memref<512xf32, #tpu.memory_space<vmem>>, vector<16xf32>,
    tpu.vector_store %arg9[%swap3A_540], %broadcast_in_dim3A_2 {strides = array<i32>} : memref<512xf32, #tpu.memory_space<vmem>>, vector<16xf32>,
    %swap3A_542 = arith.constant 368 : index
    %swap3A_543 = tpu.vector_load %arg9[%swap3A_542] {strides = array<i32>} : memref<512xf32, #tpu.memory_space<vmem>>, vector<16xf32>,
    tpu.vector_store %arg9[%swap3A_542], %broadcast_in_dim3A_2 {strides = array<i32>} : memref<512xf32, #tpu.memory_space<vmem>>, vector<16xf32>,
    %swap3A_544 = arith.constant 384 : index
    %swap3A_545 = tpu.vector_load %arg9[%swap3A_544] {strides = array<i32>} : memref<512xf32, #tpu.memory_space<vmem>>, vector<16xf32>,
    tpu.vector_store %arg9[%swap3A_544], %broadcast_in_dim3A_2 {strides = array<i32>} : memref<512xf32, #tpu.memory_space<vmem>>, vector<16xf32>,
    %swap3A_546 = arith.constant 400 : index
    %swap3A_547 = tpu.vector_load %arg9[%swap3A_546] {strides = array<i32>} : memref<512xf32, #tpu.memory_space<vmem>>, vector<16xf32>,
    tpu.vector_store %arg9[%swap3A_546], %broadcast_in_dim3A_2 {strides = array<i32>} : memref<512xf32, #tpu.memory_space<vmem>>, vector<16xf32>,
    %swap3A_548 = arith.constant 416 : index
    %swap3A_549 = tpu.vector_load %arg9[%swap3A_548] {strides = array<i32>} : memref<512xf32, #tpu.memory_space<vmem>>, vector<16xf32>,
    tpu.vector_store %arg9[%swap3A_548], %broadcast_in_dim3A_2 {strides = array<i32>} : memref<512xf32, #tpu.memory_space<vmem>>, vector<16xf32>,
    %swap3A_550 = arith.constant 432 : index
    %swap3A_551 = tpu.vector_load %arg9[%swap3A_550] {strides = array<i32>} : memref<512xf32, #tpu.memory_space<vmem>>, vector<16xf32>,
    tpu.vector_store %arg9[%swap3A_550], %broadcast_in_dim3A_2 {strides = array<i32>} : memref<512xf32, #tpu.memory_space<vmem>>, vector<16xf32>,
    %swap3A_552 = arith.constant 448 : index
    %swap3A_553 = tpu.vector_load %arg9[%swap3A_552] {strides = array<i32>} : memref<512xf32, #tpu.memory_space<vmem>>, vector<16xf32>,
    tpu.vector_store %arg9[%swap3A_552], %broadcast_in_dim3A_2 {strides = array<i32>} : memref<512xf32, #tpu.memory_space<vmem>>, vector<16xf32>,
    %swap3A_554 = arith.constant 464 : index
    %swap3A_555 = tpu.vector_load %arg9[%swap3A_554] {strides = array<i32>} : memref<512xf32, #tpu.memory_space<vmem>>, vector<16xf32>,
    tpu.vector_store %arg9[%swap3A_554], %broadcast_in_dim3A_2 {strides = array<i32>} : memref<512xf32, #tpu.memory_space<vmem>>, vector<16xf32>,
    %swap3A_556 = arith.constant 480 : index
    %swap3A_557 = tpu.vector_load %arg9[%swap3A_556] {strides = array<i32>} : memref<512xf32, #tpu.memory_space<vmem>>, vector<16xf32>,
    tpu.vector_store %arg9[%swap3A_556], %broadcast_in_dim3A_2 {strides = array<i32>} : memref<512xf32, #tpu.memory_space<vmem>>, vector<16xf32>,
    %swap3A_558 = arith.constant 496 : index
    %swap3A_559 = tpu.vector_load %arg9[%swap3A_558] {strides = array<i32>} : memref<512xf32, #tpu.memory_space<vmem>>, vector<16xf32>,
    tpu.vector_store %arg9[%swap3A_558], %broadcast_in_dim3A_2 {strides = array<i32>} : memref<512xf32, #tpu.memory_space<vmem>>, vector<16xf32>,
    %parallel_loop3A_560 = arith.constant 0 : i32
    %parallel_loop3A_561 = arith.constant 1024 : i32
    %parallel_loop3A_562 = arith.constant 1 : i32
    scf.for %parallel_loop3A_1957 = %parallel_loop3A_560 to %parallel_loop3A_561 step %parallel_loop3A_562  : i32 {
      %parallel_loop3A_1958 = arith.constant 16 : i32
      %parallel_loop3A_1959 = arith.muli %parallel_loop3A_1957, %parallel_loop3A_1958 : i32
      %parallel_loop3A_1960 = arith.index_cast %parallel_loop3A_1959 : i32 to index
      %parallel_loop3A_1961 = tpu.vector_load %arg8[%parallel_loop3A_1960] {strides = array<i32>} : memref<16384xi32, #tpu.memory_space<vmem>>, vector<16xi32>,
      %parallel_loop3A_1962 = arith.constant 23 : i32
      %parallel_loop3A_1963 = vector.broadcast %parallel_loop3A_1962 : i32 to vector<16xi32>
      %parallel_loop3A_1964 = arith.shrui %parallel_loop3A_1961, %parallel_loop3A_1963 : vector<16xi32>
      %parallel_loop3A_1965 = vector.broadcast %add3A_415 : i32 to vector<16xi32>
      %parallel_loop3A_1966 = arith.cmpi eq, %parallel_loop3A_1964, %parallel_loop3A_1965 : vector<16xi32>
      %parallel_loop3A_1967 = arith.constant 15 : i32
      %parallel_loop3A_1968 = vector.broadcast %parallel_loop3A_1967 : i32 to vector<16xi32>
      %parallel_loop3A_1969 = arith.shrui %parallel_loop3A_1961, %parallel_loop3A_1968 : vector<16xi32>
      %parallel_loop3A_1970 = arith.constant 255 : i32
      %parallel_loop3A_1971 = vector.broadcast %parallel_loop3A_1970 : i32 to vector<16xi32>
      %parallel_loop3A_1972 = arith.andi %parallel_loop3A_1969, %parallel_loop3A_1971 : vector<16xi32>
      tpu.vector_store_idx %arg9[%parallel_loop3A_1972], %broadcast_in_dim3A_0 masked %parallel_loop3A_1966 {add = true} : memref<512xf32, #tpu.memory_space<vmem>>[vector<16xi32>], vector<16xf32>, vector<16xi1>
      %parallel_loop3A_1973 = arith.constant 256 : i32
      %parallel_loop3A_1974 = vector.broadcast %parallel_loop3A_1973 : i32 to vector<16xi32>
      %parallel_loop3A_1975 = arith.addi %parallel_loop3A_1972, %parallel_loop3A_1974 : vector<16xi32>
      %parallel_loop3A_1976 = vector.bitcast %parallel_loop3A_1961 : vector<16xi32> to vector<16xf32>
      tpu.vector_store_idx %arg9[%parallel_loop3A_1975], %parallel_loop3A_1976 masked %parallel_loop3A_1966 {add = true} : memref<512xf32, #tpu.memory_space<vmem>>[vector<16xi32>], vector<16xf32>, vector<16xi1>
    } {sc.loop_unroll_factor = 8 : i64, sc.parallel_access}
    %mul3A_563 = arith.constant 512 : i32
    %mul3A_564 = arith.muli %arg1, %mul3A_563 : i32
    "tpu.region"() ({
      %run_scoped3A = tpu.sem_alloc : memref<!tpu.dma_semaphore, #tpu.memory_space<semaphore_mem>>
      %dma_start3A = tpu.memref_slice %arg5[%mul3A_564] : memref<8192xf32, #tpu.memory_space<hbm>> -> memref<512xf32, #tpu.memory_space<hbm>>
      %dma_start3A_1957 = tpu.memref_slice %arg5[%mul3A_564] : memref<8192xf32, #tpu.memory_space<hbm>> -> memref<512xf32, #tpu.memory_space<hbm>>
      tpu.enqueue_dma source(%arg9 : memref<512xf32, #tpu.memory_space<vmem>>) target(%dma_start3A_1957 : memref<512xf32, #tpu.memory_space<hbm>>) target_semaphore(%run_scoped3A : memref<!tpu.dma_semaphore, #tpu.memory_space<semaphore_mem>>)
      %dma_wait3A = tpu.memref_slice %arg5[%mul3A_564] : memref<8192xf32, #tpu.memory_space<hbm>> -> memref<512xf32, #tpu.memory_space<hbm>>
      %dma_wait3A_1958 = tpu.memref_slice %arg5[%mul3A_564] : memref<8192xf32, #tpu.memory_space<hbm>> -> memref<512xf32, #tpu.memory_space<hbm>>
      tpu.wait_dma2 semaphore(%run_scoped3A : memref<!tpu.dma_semaphore, #tpu.memory_space<semaphore_mem>>) src(%arg9 : memref<512xf32, #tpu.memory_space<vmem>>) dst(%dma_wait3A_1958 : memref<512xf32, #tpu.memory_space<hbm>>)
      tpu.yield
    }) : () -> ()
    %barrier3A_565 = arith.constant 0 : index
    tpu.barrier barrier_id(%barrier3A_565)
    "tpu.region"() ({
      %run_scoped3A = tpu.sem_alloc : memref<!tpu.dma_semaphore, #tpu.memory_space<semaphore_mem>>
      tpu.enqueue_dma source(%arg5 : memref<8192xf32, #tpu.memory_space<hbm>>) target(%arg10 : memref<8192xf32, #tpu.memory_space<vmem>>) target_semaphore(%run_scoped3A : memref<!tpu.dma_semaphore, #tpu.memory_space<semaphore_mem>>)
      tpu.wait_dma2 semaphore(%run_scoped3A : memref<!tpu.dma_semaphore, #tpu.memory_space<semaphore_mem>>) src(%arg5 : memref<8192xf32, #tpu.memory_space<hbm>>) dst(%arg10 : memref<8192xf32, #tpu.memory_space<vmem>>)
      tpu.yield
    }) : () -> ()
    %scan3A_566 = arith.constant 0 : i32
    %scan3A_567 = arith.constant 16 : i32
    %scan3A_568 = arith.addi %scan3A_566, %scan3A_567 : i32
    %scan3A_569 = arith.constant 1 : i32
    %scan3A_570:32 = scf.for %scan3A_1957 = %scan3A_566 to %scan3A_568 step %scan3A_569 iter_args(%scan3A_1958 = %broadcast_in_dim3A_2, %scan3A_1959 = %broadcast_in_dim3A_2, %scan3A_1960 = %broadcast_in_dim3A_2, %scan3A_1961 = %broadcast_in_dim3A_2, %scan3A_1962 = %broadcast_in_dim3A_2, %scan3A_1963 = %broadcast_in_dim3A_2, %scan3A_1964 = %broadcast_in_dim3A_2, %scan3A_1965 = %broadcast_in_dim3A_2, %scan3A_1966 = %broadcast_in_dim3A_2, %scan3A_1967 = %broadcast_in_dim3A_2, %scan3A_1968 = %broadcast_in_dim3A_2, %scan3A_1969 = %broadcast_in_dim3A_2, %scan3A_1970 = %broadcast_in_dim3A_2, %scan3A_1971 = %broadcast_in_dim3A_2, %scan3A_1972 = %broadcast_in_dim3A_2, %scan3A_1973 = %broadcast_in_dim3A_2, %scan3A_1974 = %broadcast_in_dim3A_2, %scan3A_1975 = %broadcast_in_dim3A_2, %scan3A_1976 = %broadcast_in_dim3A_2, %scan3A_1977 = %broadcast_in_dim3A_2, %scan3A_1978 = %broadcast_in_dim3A_2, %scan3A_1979 = %broadcast_in_dim3A_2, %scan3A_1980 = %broadcast_in_dim3A_2, %scan3A_1981 = %broadcast_in_dim3A_2, %scan3A_1982 = %broadcast_in_dim3A_2, %scan3A_1983 = %broadcast_in_dim3A_2, %scan3A_1984 = %broadcast_in_dim3A_2, %scan3A_1985 = %broadcast_in_dim3A_2, %scan3A_1986 = %broadcast_in_dim3A_2, %scan3A_1987 = %broadcast_in_dim3A_2, %scan3A_1988 = %broadcast_in_dim3A_2, %scan3A_1989 = %broadcast_in_dim3A_2) -> (vector<16xf32>, vector<16xf32>, vector<16xf32>, vector<16xf32>, vector<16xf32>, vector<16xf32>, vector<16xf32>, vector<16xf32>, vector<16xf32>, vector<16xf32>, vector<16xf32>, vector<16xf32>, vector<16xf32>, vector<16xf32>, vector<16xf32>, vector<16xf32>, vector<16xf32>, vector<16xf32>, vector<16xf32>, vector<16xf32>, vector<16xf32>, vector<16xf32>, vector<16xf32>, vector<16xf32>, vector<16xf32>, vector<16xf32>, vector<16xf32>, vector<16xf32>, vector<16xf32>, vector<16xf32>, vector<16xf32>, vector<16xf32>)  : i32 {
      %mul3A_1990 = arith.constant 512 : i32
      %mul3A_1991 = arith.muli %scan3A_1957, %mul3A_1990 : i32
      %add3A_1992 = arith.constant 0 : i32
      %add3A_1993 = arith.addi %mul3A_1991, %add3A_1992 : i32
      %get3A = arith.index_cast %add3A_1993 : i32 to index
      %get3A_1994 = tpu.vector_load %arg10[%get3A] {strides = array<i32>} : memref<8192xf32, #tpu.memory_space<vmem>>, vector<16xf32>,
      %add3A_1995 = arith.addf %scan3A_1958, %get3A_1994 : vector<16xf32>
      %mul3A_1996 = arith.constant 512 : i32
      %mul3A_1997 = arith.muli %scan3A_1957, %mul3A_1996 : i32
      %add3A_1998 = arith.constant 16 : i32
      %add3A_1999 = arith.addi %mul3A_1997, %add3A_1998 : i32
      %get3A_2000 = arith.index_cast %add3A_1999 : i32 to index
      %get3A_2001 = tpu.vector_load %arg10[%get3A_2000] {strides = array<i32>} : memref<8192xf32, #tpu.memory_space<vmem>>, vector<16xf32>,
      %add3A_2002 = arith.addf %scan3A_1959, %get3A_2001 : vector<16xf32>
      %mul3A_2003 = arith.constant 512 : i32
      %mul3A_2004 = arith.muli %scan3A_1957, %mul3A_2003 : i32
      %add3A_2005 = arith.constant 32 : i32
      %add3A_2006 = arith.addi %mul3A_2004, %add3A_2005 : i32
      %get3A_2007 = arith.index_cast %add3A_2006 : i32 to index
      %get3A_2008 = tpu.vector_load %arg10[%get3A_2007] {strides = array<i32>} : memref<8192xf32, #tpu.memory_space<vmem>>, vector<16xf32>,
      %add3A_2009 = arith.addf %scan3A_1960, %get3A_2008 : vector<16xf32>
      %mul3A_2010 = arith.constant 512 : i32
      %mul3A_2011 = arith.muli %scan3A_1957, %mul3A_2010 : i32
      %add3A_2012 = arith.constant 48 : i32
      %add3A_2013 = arith.addi %mul3A_2011, %add3A_2012 : i32
      %get3A_2014 = arith.index_cast %add3A_2013 : i32 to index
      %get3A_2015 = tpu.vector_load %arg10[%get3A_2014] {strides = array<i32>} : memref<8192xf32, #tpu.memory_space<vmem>>, vector<16xf32>,
      %add3A_2016 = arith.addf %scan3A_1961, %get3A_2015 : vector<16xf32>
      %mul3A_2017 = arith.constant 512 : i32
      %mul3A_2018 = arith.muli %scan3A_1957, %mul3A_2017 : i32
      %add3A_2019 = arith.constant 64 : i32
      %add3A_2020 = arith.addi %mul3A_2018, %add3A_2019 : i32
      %get3A_2021 = arith.index_cast %add3A_2020 : i32 to index
      %get3A_2022 = tpu.vector_load %arg10[%get3A_2021] {strides = array<i32>} : memref<8192xf32, #tpu.memory_space<vmem>>, vector<16xf32>,
      %add3A_2023 = arith.addf %scan3A_1962, %get3A_2022 : vector<16xf32>
      %mul3A_2024 = arith.constant 512 : i32
      %mul3A_2025 = arith.muli %scan3A_1957, %mul3A_2024 : i32
      %add3A_2026 = arith.constant 80 : i32
      %add3A_2027 = arith.addi %mul3A_2025, %add3A_2026 : i32
      %get3A_2028 = arith.index_cast %add3A_2027 : i32 to index
      %get3A_2029 = tpu.vector_load %arg10[%get3A_2028] {strides = array<i32>} : memref<8192xf32, #tpu.memory_space<vmem>>, vector<16xf32>,
      %add3A_2030 = arith.addf %scan3A_1963, %get3A_2029 : vector<16xf32>
      %mul3A_2031 = arith.constant 512 : i32
      %mul3A_2032 = arith.muli %scan3A_1957, %mul3A_2031 : i32
      %add3A_2033 = arith.constant 96 : i32
      %add3A_2034 = arith.addi %mul3A_2032, %add3A_2033 : i32
      %get3A_2035 = arith.index_cast %add3A_2034 : i32 to index
      %get3A_2036 = tpu.vector_load %arg10[%get3A_2035] {strides = array<i32>} : memref<8192xf32, #tpu.memory_space<vmem>>, vector<16xf32>,
      %add3A_2037 = arith.addf %scan3A_1964, %get3A_2036 : vector<16xf32>
      %mul3A_2038 = arith.constant 512 : i32
      %mul3A_2039 = arith.muli %scan3A_1957, %mul3A_2038 : i32
      %add3A_2040 = arith.constant 112 : i32
      %add3A_2041 = arith.addi %mul3A_2039, %add3A_2040 : i32
      %get3A_2042 = arith.index_cast %add3A_2041 : i32 to index
      %get3A_2043 = tpu.vector_load %arg10[%get3A_2042] {strides = array<i32>} : memref<8192xf32, #tpu.memory_space<vmem>>, vector<16xf32>,
      %add3A_2044 = arith.addf %scan3A_1965, %get3A_2043 : vector<16xf32>
      %mul3A_2045 = arith.constant 512 : i32
      %mul3A_2046 = arith.muli %scan3A_1957, %mul3A_2045 : i32
      %add3A_2047 = arith.constant 128 : i32
      %add3A_2048 = arith.addi %mul3A_2046, %add3A_2047 : i32
      %get3A_2049 = arith.index_cast %add3A_2048 : i32 to index
      %get3A_2050 = tpu.vector_load %arg10[%get3A_2049] {strides = array<i32>} : memref<8192xf32, #tpu.memory_space<vmem>>, vector<16xf32>,
      %add3A_2051 = arith.addf %scan3A_1966, %get3A_2050 : vector<16xf32>
      %mul3A_2052 = arith.constant 512 : i32
      %mul3A_2053 = arith.muli %scan3A_1957, %mul3A_2052 : i32
      %add3A_2054 = arith.constant 144 : i32
      %add3A_2055 = arith.addi %mul3A_2053, %add3A_2054 : i32
      %get3A_2056 = arith.index_cast %add3A_2055 : i32 to index
      %get3A_2057 = tpu.vector_load %arg10[%get3A_2056] {strides = array<i32>} : memref<8192xf32, #tpu.memory_space<vmem>>, vector<16xf32>,
      %add3A_2058 = arith.addf %scan3A_1967, %get3A_2057 : vector<16xf32>
      %mul3A_2059 = arith.constant 512 : i32
      %mul3A_2060 = arith.muli %scan3A_1957, %mul3A_2059 : i32
      %add3A_2061 = arith.constant 160 : i32
      %add3A_2062 = arith.addi %mul3A_2060, %add3A_2061 : i32
      %get3A_2063 = arith.index_cast %add3A_2062 : i32 to index
      %get3A_2064 = tpu.vector_load %arg10[%get3A_2063] {strides = array<i32>} : memref<8192xf32, #tpu.memory_space<vmem>>, vector<16xf32>,
      %add3A_2065 = arith.addf %scan3A_1968, %get3A_2064 : vector<16xf32>
      %mul3A_2066 = arith.constant 512 : i32
      %mul3A_2067 = arith.muli %scan3A_1957, %mul3A_2066 : i32
      %add3A_2068 = arith.constant 176 : i32
      %add3A_2069 = arith.addi %mul3A_2067, %add3A_2068 : i32
      %get3A_2070 = arith.index_cast %add3A_2069 : i32 to index
      %get3A_2071 = tpu.vector_load %arg10[%get3A_2070] {strides = array<i32>} : memref<8192xf32, #tpu.memory_space<vmem>>, vector<16xf32>,
      %add3A_2072 = arith.addf %scan3A_1969, %get3A_2071 : vector<16xf32>
      %mul3A_2073 = arith.constant 512 : i32
      %mul3A_2074 = arith.muli %scan3A_1957, %mul3A_2073 : i32
      %add3A_2075 = arith.constant 192 : i32
      %add3A_2076 = arith.addi %mul3A_2074, %add3A_2075 : i32
      %get3A_2077 = arith.index_cast %add3A_2076 : i32 to index
      %get3A_2078 = tpu.vector_load %arg10[%get3A_2077] {strides = array<i32>} : memref<8192xf32, #tpu.memory_space<vmem>>, vector<16xf32>,
      %add3A_2079 = arith.addf %scan3A_1970, %get3A_2078 : vector<16xf32>
      %mul3A_2080 = arith.constant 512 : i32
      %mul3A_2081 = arith.muli %scan3A_1957, %mul3A_2080 : i32
      %add3A_2082 = arith.constant 208 : i32
      %add3A_2083 = arith.addi %mul3A_2081, %add3A_2082 : i32
      %get3A_2084 = arith.index_cast %add3A_2083 : i32 to index
      %get3A_2085 = tpu.vector_load %arg10[%get3A_2084] {strides = array<i32>} : memref<8192xf32, #tpu.memory_space<vmem>>, vector<16xf32>,
      %add3A_2086 = arith.addf %scan3A_1971, %get3A_2085 : vector<16xf32>
      %mul3A_2087 = arith.constant 512 : i32
      %mul3A_2088 = arith.muli %scan3A_1957, %mul3A_2087 : i32
      %add3A_2089 = arith.constant 224 : i32
      %add3A_2090 = arith.addi %mul3A_2088, %add3A_2089 : i32
      %get3A_2091 = arith.index_cast %add3A_2090 : i32 to index
      %get3A_2092 = tpu.vector_load %arg10[%get3A_2091] {strides = array<i32>} : memref<8192xf32, #tpu.memory_space<vmem>>, vector<16xf32>,
      %add3A_2093 = arith.addf %scan3A_1972, %get3A_2092 : vector<16xf32>
      %mul3A_2094 = arith.constant 512 : i32
      %mul3A_2095 = arith.muli %scan3A_1957, %mul3A_2094 : i32
      %add3A_2096 = arith.constant 240 : i32
      %add3A_2097 = arith.addi %mul3A_2095, %add3A_2096 : i32
      %get3A_2098 = arith.index_cast %add3A_2097 : i32 to index
      %get3A_2099 = tpu.vector_load %arg10[%get3A_2098] {strides = array<i32>} : memref<8192xf32, #tpu.memory_space<vmem>>, vector<16xf32>,
      %add3A_2100 = arith.addf %scan3A_1973, %get3A_2099 : vector<16xf32>
      %mul3A_2101 = arith.constant 512 : i32
      %mul3A_2102 = arith.muli %scan3A_1957, %mul3A_2101 : i32
      %add3A_2103 = arith.constant 256 : i32
      %add3A_2104 = arith.addi %mul3A_2102, %add3A_2103 : i32
      %get3A_2105 = arith.index_cast %add3A_2104 : i32 to index
      %get3A_2106 = tpu.vector_load %arg10[%get3A_2105] {strides = array<i32>} : memref<8192xf32, #tpu.memory_space<vmem>>, vector<16xf32>,
      %add3A_2107 = arith.addf %scan3A_1974, %get3A_2106 : vector<16xf32>
      %mul3A_2108 = arith.constant 512 : i32
      %mul3A_2109 = arith.muli %scan3A_1957, %mul3A_2108 : i32
      %add3A_2110 = arith.constant 272 : i32
      %add3A_2111 = arith.addi %mul3A_2109, %add3A_2110 : i32
      %get3A_2112 = arith.index_cast %add3A_2111 : i32 to index
      %get3A_2113 = tpu.vector_load %arg10[%get3A_2112] {strides = array<i32>} : memref<8192xf32, #tpu.memory_space<vmem>>, vector<16xf32>,
      %add3A_2114 = arith.addf %scan3A_1975, %get3A_2113 : vector<16xf32>
      %mul3A_2115 = arith.constant 512 : i32
      %mul3A_2116 = arith.muli %scan3A_1957, %mul3A_2115 : i32
      %add3A_2117 = arith.constant 288 : i32
      %add3A_2118 = arith.addi %mul3A_2116, %add3A_2117 : i32
      %get3A_2119 = arith.index_cast %add3A_2118 : i32 to index
      %get3A_2120 = tpu.vector_load %arg10[%get3A_2119] {strides = array<i32>} : memref<8192xf32, #tpu.memory_space<vmem>>, vector<16xf32>,
      %add3A_2121 = arith.addf %scan3A_1976, %get3A_2120 : vector<16xf32>
      %mul3A_2122 = arith.constant 512 : i32
      %mul3A_2123 = arith.muli %scan3A_1957, %mul3A_2122 : i32
      %add3A_2124 = arith.constant 304 : i32
      %add3A_2125 = arith.addi %mul3A_2123, %add3A_2124 : i32
      %get3A_2126 = arith.index_cast %add3A_2125 : i32 to index
      %get3A_2127 = tpu.vector_load %arg10[%get3A_2126] {strides = array<i32>} : memref<8192xf32, #tpu.memory_space<vmem>>, vector<16xf32>,
      %add3A_2128 = arith.addf %scan3A_1977, %get3A_2127 : vector<16xf32>
      %mul3A_2129 = arith.constant 512 : i32
      %mul3A_2130 = arith.muli %scan3A_1957, %mul3A_2129 : i32
      %add3A_2131 = arith.constant 320 : i32
      %add3A_2132 = arith.addi %mul3A_2130, %add3A_2131 : i32
      %get3A_2133 = arith.index_cast %add3A_2132 : i32 to index
      %get3A_2134 = tpu.vector_load %arg10[%get3A_2133] {strides = array<i32>} : memref<8192xf32, #tpu.memory_space<vmem>>, vector<16xf32>,
      %add3A_2135 = arith.addf %scan3A_1978, %get3A_2134 : vector<16xf32>
      %mul3A_2136 = arith.constant 512 : i32
      %mul3A_2137 = arith.muli %scan3A_1957, %mul3A_2136 : i32
      %add3A_2138 = arith.constant 336 : i32
      %add3A_2139 = arith.addi %mul3A_2137, %add3A_2138 : i32
      %get3A_2140 = arith.index_cast %add3A_2139 : i32 to index
      %get3A_2141 = tpu.vector_load %arg10[%get3A_2140] {strides = array<i32>} : memref<8192xf32, #tpu.memory_space<vmem>>, vector<16xf32>,
      %add3A_2142 = arith.addf %scan3A_1979, %get3A_2141 : vector<16xf32>
      %mul3A_2143 = arith.constant 512 : i32
      %mul3A_2144 = arith.muli %scan3A_1957, %mul3A_2143 : i32
      %add3A_2145 = arith.constant 352 : i32
      %add3A_2146 = arith.addi %mul3A_2144, %add3A_2145 : i32
      %get3A_2147 = arith.index_cast %add3A_2146 : i32 to index
      %get3A_2148 = tpu.vector_load %arg10[%get3A_2147] {strides = array<i32>} : memref<8192xf32, #tpu.memory_space<vmem>>, vector<16xf32>,
      %add3A_2149 = arith.addf %scan3A_1980, %get3A_2148 : vector<16xf32>
      %mul3A_2150 = arith.constant 512 : i32
      %mul3A_2151 = arith.muli %scan3A_1957, %mul3A_2150 : i32
      %add3A_2152 = arith.constant 368 : i32
      %add3A_2153 = arith.addi %mul3A_2151, %add3A_2152 : i32
      %get3A_2154 = arith.index_cast %add3A_2153 : i32 to index
      %get3A_2155 = tpu.vector_load %arg10[%get3A_2154] {strides = array<i32>} : memref<8192xf32, #tpu.memory_space<vmem>>, vector<16xf32>,
      %add3A_2156 = arith.addf %scan3A_1981, %get3A_2155 : vector<16xf32>
      %mul3A_2157 = arith.constant 512 : i32
      %mul3A_2158 = arith.muli %scan3A_1957, %mul3A_2157 : i32
      %add3A_2159 = arith.constant 384 : i32
      %add3A_2160 = arith.addi %mul3A_2158, %add3A_2159 : i32
      %get3A_2161 = arith.index_cast %add3A_2160 : i32 to index
      %get3A_2162 = tpu.vector_load %arg10[%get3A_2161] {strides = array<i32>} : memref<8192xf32, #tpu.memory_space<vmem>>, vector<16xf32>,
      %add3A_2163 = arith.addf %scan3A_1982, %get3A_2162 : vector<16xf32>
      %mul3A_2164 = arith.constant 512 : i32
      %mul3A_2165 = arith.muli %scan3A_1957, %mul3A_2164 : i32
      %add3A_2166 = arith.constant 400 : i32
      %add3A_2167 = arith.addi %mul3A_2165, %add3A_2166 : i32
      %get3A_2168 = arith.index_cast %add3A_2167 : i32 to index
      %get3A_2169 = tpu.vector_load %arg10[%get3A_2168] {strides = array<i32>} : memref<8192xf32, #tpu.memory_space<vmem>>, vector<16xf32>,
      %add3A_2170 = arith.addf %scan3A_1983, %get3A_2169 : vector<16xf32>
      %mul3A_2171 = arith.constant 512 : i32
      %mul3A_2172 = arith.muli %scan3A_1957, %mul3A_2171 : i32
      %add3A_2173 = arith.constant 416 : i32
      %add3A_2174 = arith.addi %mul3A_2172, %add3A_2173 : i32
      %get3A_2175 = arith.index_cast %add3A_2174 : i32 to index
      %get3A_2176 = tpu.vector_load %arg10[%get3A_2175] {strides = array<i32>} : memref<8192xf32, #tpu.memory_space<vmem>>, vector<16xf32>,
      %add3A_2177 = arith.addf %scan3A_1984, %get3A_2176 : vector<16xf32>
      %mul3A_2178 = arith.constant 512 : i32
      %mul3A_2179 = arith.muli %scan3A_1957, %mul3A_2178 : i32
      %add3A_2180 = arith.constant 432 : i32
      %add3A_2181 = arith.addi %mul3A_2179, %add3A_2180 : i32
      %get3A_2182 = arith.index_cast %add3A_2181 : i32 to index
      %get3A_2183 = tpu.vector_load %arg10[%get3A_2182] {strides = array<i32>} : memref<8192xf32, #tpu.memory_space<vmem>>, vector<16xf32>,
      %add3A_2184 = arith.addf %scan3A_1985, %get3A_2183 : vector<16xf32>
      %mul3A_2185 = arith.constant 512 : i32
      %mul3A_2186 = arith.muli %scan3A_1957, %mul3A_2185 : i32
      %add3A_2187 = arith.constant 448 : i32
      %add3A_2188 = arith.addi %mul3A_2186, %add3A_2187 : i32
      %get3A_2189 = arith.index_cast %add3A_2188 : i32 to index
      %get3A_2190 = tpu.vector_load %arg10[%get3A_2189] {strides = array<i32>} : memref<8192xf32, #tpu.memory_space<vmem>>, vector<16xf32>,
      %add3A_2191 = arith.addf %scan3A_1986, %get3A_2190 : vector<16xf32>
      %mul3A_2192 = arith.constant 512 : i32
      %mul3A_2193 = arith.muli %scan3A_1957, %mul3A_2192 : i32
      %add3A_2194 = arith.constant 464 : i32
      %add3A_2195 = arith.addi %mul3A_2193, %add3A_2194 : i32
      %get3A_2196 = arith.index_cast %add3A_2195 : i32 to index
      %get3A_2197 = tpu.vector_load %arg10[%get3A_2196] {strides = array<i32>} : memref<8192xf32, #tpu.memory_space<vmem>>, vector<16xf32>,
      %add3A_2198 = arith.addf %scan3A_1987, %get3A_2197 : vector<16xf32>
      %mul3A_2199 = arith.constant 512 : i32
      %mul3A_2200 = arith.muli %scan3A_1957, %mul3A_2199 : i32
      %add3A_2201 = arith.constant 480 : i32
      %add3A_2202 = arith.addi %mul3A_2200, %add3A_2201 : i32
      %get3A_2203 = arith.index_cast %add3A_2202 : i32 to index
      %get3A_2204 = tpu.vector_load %arg10[%get3A_2203] {strides = array<i32>} : memref<8192xf32, #tpu.memory_space<vmem>>, vector<16xf32>,
      %add3A_2205 = arith.addf %scan3A_1988, %get3A_2204 : vector<16xf32>
      %mul3A_2206 = arith.constant 512 : i32
      %mul3A_2207 = arith.muli %scan3A_1957, %mul3A_2206 : i32
      %add3A_2208 = arith.constant 496 : i32
      %add3A_2209 = arith.addi %mul3A_2207, %add3A_2208 : i32
      %get3A_2210 = arith.index_cast %add3A_2209 : i32 to index
      %get3A_2211 = tpu.vector_load %arg10[%get3A_2210] {strides = array<i32>} : memref<8192xf32, #tpu.memory_space<vmem>>, vector<16xf32>,
      %add3A_2212 = arith.addf %scan3A_1989, %get3A_2211 : vector<16xf32>
      scf.yield %add3A_1995, %add3A_2002, %add3A_2009, %add3A_2016, %add3A_2023, %add3A_2030, %add3A_2037, %add3A_2044, %add3A_2051, %add3A_2058, %add3A_2065, %add3A_2072, %add3A_2079, %add3A_2086, %add3A_2093, %add3A_2100, %add3A_2107, %add3A_2114, %add3A_2121, %add3A_2128, %add3A_2135, %add3A_2142, %add3A_2149, %add3A_2156, %add3A_2163, %add3A_2170, %add3A_2177, %add3A_2184, %add3A_2191, %add3A_2198, %add3A_2205, %add3A_2212 : vector<16xf32>, vector<16xf32>, vector<16xf32>, vector<16xf32>, vector<16xf32>, vector<16xf32>, vector<16xf32>, vector<16xf32>, vector<16xf32>, vector<16xf32>, vector<16xf32>, vector<16xf32>, vector<16xf32>, vector<16xf32>, vector<16xf32>, vector<16xf32>, vector<16xf32>, vector<16xf32>, vector<16xf32>, vector<16xf32>, vector<16xf32>, vector<16xf32>, vector<16xf32>, vector<16xf32>, vector<16xf32>, vector<16xf32>, vector<16xf32>, vector<16xf32>, vector<16xf32>, vector<16xf32>, vector<16xf32>, vector<16xf32>
    }
    %scan3A_571 = arith.constant 16 : i32
    %barrier3A_572 = arith.constant 0 : index
    tpu.barrier barrier_id(%barrier3A_572)
    %convert_element_type3A_573 = arith.fptosi %scan3A_570#0 : vector<16xf32> to vector<16xi32>
    %convert_element_type3A_574 = arith.fptosi %scan3A_570#1 : vector<16xf32> to vector<16xi32>
    %convert_element_type3A_575 = arith.fptosi %scan3A_570#2 : vector<16xf32> to vector<16xi32>
    %convert_element_type3A_576 = arith.fptosi %scan3A_570#3 : vector<16xf32> to vector<16xi32>
    %convert_element_type3A_577 = arith.fptosi %scan3A_570#4 : vector<16xf32> to vector<16xi32>
    %convert_element_type3A_578 = arith.fptosi %scan3A_570#5 : vector<16xf32> to vector<16xi32>
    %convert_element_type3A_579 = arith.fptosi %scan3A_570#6 : vector<16xf32> to vector<16xi32>
    %convert_element_type3A_580 = arith.fptosi %scan3A_570#7 : vector<16xf32> to vector<16xi32>
    %convert_element_type3A_581 = arith.fptosi %scan3A_570#8 : vector<16xf32> to vector<16xi32>
    %convert_element_type3A_582 = arith.fptosi %scan3A_570#9 : vector<16xf32> to vector<16xi32>
    %convert_element_type3A_583 = arith.fptosi %scan3A_570#10 : vector<16xf32> to vector<16xi32>
    %convert_element_type3A_584 = arith.fptosi %scan3A_570#11 : vector<16xf32> to vector<16xi32>
    %convert_element_type3A_585 = arith.fptosi %scan3A_570#12 : vector<16xf32> to vector<16xi32>
    %convert_element_type3A_586 = arith.fptosi %scan3A_570#13 : vector<16xf32> to vector<16xi32>
    %convert_element_type3A_587 = arith.fptosi %scan3A_570#14 : vector<16xf32> to vector<16xi32>
    %convert_element_type3A_588 = arith.fptosi %scan3A_570#15 : vector<16xf32> to vector<16xi32>
    %reduce_sum3A_589 = arith.constant true
    %reduce_sum3A_590 = vector.broadcast %reduce_sum3A_589 : i1 to vector<16xi1>
    %reduce_sum3A_591 = tpu.scan <sum>, %convert_element_type3A_573 masked %reduce_sum3A_590 : vector<16xi32>, vector<16xi1> -> vector<16xi32>
    %reduce_sum3A_592 = vector.extract %reduce_sum3A_591[15] : i32 from vector<16xi32>
    %reduce_sum3A_593 = arith.constant true
    %reduce_sum3A_594 = vector.broadcast %reduce_sum3A_593 : i1 to vector<16xi1>
    %reduce_sum3A_595 = tpu.scan <sum>, %convert_element_type3A_574 masked %reduce_sum3A_594 : vector<16xi32>, vector<16xi1> -> vector<16xi32>
    %reduce_sum3A_596 = vector.extract %reduce_sum3A_595[15] : i32 from vector<16xi32>
    %reduce_sum3A_597 = arith.constant true
    %reduce_sum3A_598 = vector.broadcast %reduce_sum3A_597 : i1 to vector<16xi1>
    %reduce_sum3A_599 = tpu.scan <sum>, %convert_element_type3A_575 masked %reduce_sum3A_598 : vector<16xi32>, vector<16xi1> -> vector<16xi32>
    %reduce_sum3A_600 = vector.extract %reduce_sum3A_599[15] : i32 from vector<16xi32>
    %reduce_sum3A_601 = arith.constant true
    %reduce_sum3A_602 = vector.broadcast %reduce_sum3A_601 : i1 to vector<16xi1>
    %reduce_sum3A_603 = tpu.scan <sum>, %convert_element_type3A_576 masked %reduce_sum3A_602 : vector<16xi32>, vector<16xi1> -> vector<16xi32>
    %reduce_sum3A_604 = vector.extract %reduce_sum3A_603[15] : i32 from vector<16xi32>
    %reduce_sum3A_605 = arith.constant true
    %reduce_sum3A_606 = vector.broadcast %reduce_sum3A_605 : i1 to vector<16xi1>
    %reduce_sum3A_607 = tpu.scan <sum>, %convert_element_type3A_577 masked %reduce_sum3A_606 : vector<16xi32>, vector<16xi1> -> vector<16xi32>
    %reduce_sum3A_608 = vector.extract %reduce_sum3A_607[15] : i32 from vector<16xi32>
    %reduce_sum3A_609 = arith.constant true
    %reduce_sum3A_610 = vector.broadcast %reduce_sum3A_609 : i1 to vector<16xi1>
    %reduce_sum3A_611 = tpu.scan <sum>, %convert_element_type3A_578 masked %reduce_sum3A_610 : vector<16xi32>, vector<16xi1> -> vector<16xi32>
    %reduce_sum3A_612 = vector.extract %reduce_sum3A_611[15] : i32 from vector<16xi32>
    %reduce_sum3A_613 = arith.constant true
    %reduce_sum3A_614 = vector.broadcast %reduce_sum3A_613 : i1 to vector<16xi1>
    %reduce_sum3A_615 = tpu.scan <sum>, %convert_element_type3A_579 masked %reduce_sum3A_614 : vector<16xi32>, vector<16xi1> -> vector<16xi32>
    %reduce_sum3A_616 = vector.extract %reduce_sum3A_615[15] : i32 from vector<16xi32>
    %reduce_sum3A_617 = arith.constant true
    %reduce_sum3A_618 = vector.broadcast %reduce_sum3A_617 : i1 to vector<16xi1>
    %reduce_sum3A_619 = tpu.scan <sum>, %convert_element_type3A_580 masked %reduce_sum3A_618 : vector<16xi32>, vector<16xi1> -> vector<16xi32>
    %reduce_sum3A_620 = vector.extract %reduce_sum3A_619[15] : i32 from vector<16xi32>
    %reduce_sum3A_621 = arith.constant true
    %reduce_sum3A_622 = vector.broadcast %reduce_sum3A_621 : i1 to vector<16xi1>
    %reduce_sum3A_623 = tpu.scan <sum>, %convert_element_type3A_581 masked %reduce_sum3A_622 : vector<16xi32>, vector<16xi1> -> vector<16xi32>
    %reduce_sum3A_624 = vector.extract %reduce_sum3A_623[15] : i32 from vector<16xi32>
    %reduce_sum3A_625 = arith.constant true
    %reduce_sum3A_626 = vector.broadcast %reduce_sum3A_625 : i1 to vector<16xi1>
    %reduce_sum3A_627 = tpu.scan <sum>, %convert_element_type3A_582 masked %reduce_sum3A_626 : vector<16xi32>, vector<16xi1> -> vector<16xi32>
    %reduce_sum3A_628 = vector.extract %reduce_sum3A_627[15] : i32 from vector<16xi32>
    %reduce_sum3A_629 = arith.constant true
    %reduce_sum3A_630 = vector.broadcast %reduce_sum3A_629 : i1 to vector<16xi1>
    %reduce_sum3A_631 = tpu.scan <sum>, %convert_element_type3A_583 masked %reduce_sum3A_630 : vector<16xi32>, vector<16xi1> -> vector<16xi32>
    %reduce_sum3A_632 = vector.extract %reduce_sum3A_631[15] : i32 from vector<16xi32>
    %reduce_sum3A_633 = arith.constant true
    %reduce_sum3A_634 = vector.broadcast %reduce_sum3A_633 : i1 to vector<16xi1>
    %reduce_sum3A_635 = tpu.scan <sum>, %convert_element_type3A_584 masked %reduce_sum3A_634 : vector<16xi32>, vector<16xi1> -> vector<16xi32>
    %reduce_sum3A_636 = vector.extract %reduce_sum3A_635[15] : i32 from vector<16xi32>
    %reduce_sum3A_637 = arith.constant true
    %reduce_sum3A_638 = vector.broadcast %reduce_sum3A_637 : i1 to vector<16xi1>
    %reduce_sum3A_639 = tpu.scan <sum>, %convert_element_type3A_585 masked %reduce_sum3A_638 : vector<16xi32>, vector<16xi1> -> vector<16xi32>
    %reduce_sum3A_640 = vector.extract %reduce_sum3A_639[15] : i32 from vector<16xi32>
    %reduce_sum3A_641 = arith.constant true
    %reduce_sum3A_642 = vector.broadcast %reduce_sum3A_641 : i1 to vector<16xi1>
    %reduce_sum3A_643 = tpu.scan <sum>, %convert_element_type3A_586 masked %reduce_sum3A_642 : vector<16xi32>, vector<16xi1> -> vector<16xi32>
    %reduce_sum3A_644 = vector.extract %reduce_sum3A_643[15] : i32 from vector<16xi32>
    %reduce_sum3A_645 = arith.constant true
    %reduce_sum3A_646 = vector.broadcast %reduce_sum3A_645 : i1 to vector<16xi1>
    %reduce_sum3A_647 = tpu.scan <sum>, %convert_element_type3A_587 masked %reduce_sum3A_646 : vector<16xi32>, vector<16xi1> -> vector<16xi32>
    %reduce_sum3A_648 = vector.extract %reduce_sum3A_647[15] : i32 from vector<16xi32>
    %reduce_sum3A_649 = arith.constant true
    %reduce_sum3A_650 = vector.broadcast %reduce_sum3A_649 : i1 to vector<16xi1>
    %reduce_sum3A_651 = tpu.scan <sum>, %convert_element_type3A_588 masked %reduce_sum3A_650 : vector<16xi32>, vector<16xi1> -> vector<16xi32>
    %reduce_sum3A_652 = vector.extract %reduce_sum3A_651[15] : i32 from vector<16xi32>
    %add3A_653 = arith.constant 0 : i32
    %add3A_654 = arith.addi %add3A_653, %reduce_sum3A_652 : i32
    %add3A_655 = arith.addi %add3A_654, %reduce_sum3A_648 : i32
    %add3A_656 = arith.addi %add3A_655, %reduce_sum3A_644 : i32
    %add3A_657 = arith.addi %add3A_656, %reduce_sum3A_640 : i32
    %add3A_658 = arith.addi %add3A_657, %reduce_sum3A_636 : i32
    %add3A_659 = arith.addi %add3A_658, %reduce_sum3A_632 : i32
    %add3A_660 = arith.addi %add3A_659, %reduce_sum3A_628 : i32
    %add3A_661 = arith.addi %add3A_660, %reduce_sum3A_624 : i32
    %add3A_662 = arith.addi %add3A_661, %reduce_sum3A_620 : i32
    %add3A_663 = arith.addi %add3A_662, %reduce_sum3A_616 : i32
    %add3A_664 = arith.addi %add3A_663, %reduce_sum3A_612 : i32
    %add3A_665 = arith.addi %add3A_664, %reduce_sum3A_608 : i32
    %add3A_666 = arith.addi %add3A_665, %reduce_sum3A_604 : i32
    %add3A_667 = arith.addi %add3A_666, %reduce_sum3A_600 : i32
    %add3A_668 = arith.addi %add3A_667, %reduce_sum3A_596 : i32
    %add3A_669 = arith.addi %add3A_668, %reduce_sum3A_592 : i32
    %ge3A_670 = arith.cmpi sge, %add3A_669, %sub3A_495 : i32
    %lt3A_671 = arith.cmpi slt, %add3A_668, %sub3A_495 : i32
    %and3A_672 = arith.andi %ge3A_670, %lt3A_671 : i1
    %jit3A_673 = arith.constant 0 : i32
    %jit3A_674 = arith.constant 0 : i32
    %select_n3A_675 = arith.select %and3A_672, %jit3A_673, %jit3A_674 : i32
    %jit3A_676 = arith.constant 0 : i32
    %select_n3A_677 = arith.select %and3A_672, %add3A_668, %jit3A_676 : i32
    %ge3A_678 = arith.cmpi sge, %add3A_668, %sub3A_495 : i32
    %lt3A_679 = arith.cmpi slt, %add3A_667, %sub3A_495 : i32
    %and3A_680 = arith.andi %ge3A_678, %lt3A_679 : i1
    %jit3A_681 = arith.constant 1 : i32
    %select_n3A_682 = arith.select %and3A_680, %jit3A_681, %select_n3A_675 : i32
    %select_n3A_683 = arith.select %and3A_680, %add3A_667, %select_n3A_677 : i32
    %ge3A_684 = arith.cmpi sge, %add3A_667, %sub3A_495 : i32
    %lt3A_685 = arith.cmpi slt, %add3A_666, %sub3A_495 : i32
    %and3A_686 = arith.andi %ge3A_684, %lt3A_685 : i1
    %jit3A_687 = arith.constant 2 : i32
    %select_n3A_688 = arith.select %and3A_686, %jit3A_687, %select_n3A_682 : i32
    %select_n3A_689 = arith.select %and3A_686, %add3A_666, %select_n3A_683 : i32
    %ge3A_690 = arith.cmpi sge, %add3A_666, %sub3A_495 : i32
    %lt3A_691 = arith.cmpi slt, %add3A_665, %sub3A_495 : i32
    %and3A_692 = arith.andi %ge3A_690, %lt3A_691 : i1
    %jit3A_693 = arith.constant 3 : i32
    %select_n3A_694 = arith.select %and3A_692, %jit3A_693, %select_n3A_688 : i32
    %select_n3A_695 = arith.select %and3A_692, %add3A_665, %select_n3A_689 : i32
    %ge3A_696 = arith.cmpi sge, %add3A_665, %sub3A_495 : i32
    %lt3A_697 = arith.cmpi slt, %add3A_664, %sub3A_495 : i32
    %and3A_698 = arith.andi %ge3A_696, %lt3A_697 : i1
    %jit3A_699 = arith.constant 4 : i32
    %select_n3A_700 = arith.select %and3A_698, %jit3A_699, %select_n3A_694 : i32
    %select_n3A_701 = arith.select %and3A_698, %add3A_664, %select_n3A_695 : i32
    %ge3A_702 = arith.cmpi sge, %add3A_664, %sub3A_495 : i32
    %lt3A_703 = arith.cmpi slt, %add3A_663, %sub3A_495 : i32
    %and3A_704 = arith.andi %ge3A_702, %lt3A_703 : i1
    %jit3A_705 = arith.constant 5 : i32
    %select_n3A_706 = arith.select %and3A_704, %jit3A_705, %select_n3A_700 : i32
    %select_n3A_707 = arith.select %and3A_704, %add3A_663, %select_n3A_701 : i32
    %ge3A_708 = arith.cmpi sge, %add3A_663, %sub3A_495 : i32
    %lt3A_709 = arith.cmpi slt, %add3A_662, %sub3A_495 : i32
    %and3A_710 = arith.andi %ge3A_708, %lt3A_709 : i1
    %jit3A_711 = arith.constant 6 : i32
    %select_n3A_712 = arith.select %and3A_710, %jit3A_711, %select_n3A_706 : i32
    %select_n3A_713 = arith.select %and3A_710, %add3A_662, %select_n3A_707 : i32
    %ge3A_714 = arith.cmpi sge, %add3A_662, %sub3A_495 : i32
    %lt3A_715 = arith.cmpi slt, %add3A_661, %sub3A_495 : i32
    %and3A_716 = arith.andi %ge3A_714, %lt3A_715 : i1
    %jit3A_717 = arith.constant 7 : i32
    %select_n3A_718 = arith.select %and3A_716, %jit3A_717, %select_n3A_712 : i32
    %select_n3A_719 = arith.select %and3A_716, %add3A_661, %select_n3A_713 : i32
    %ge3A_720 = arith.cmpi sge, %add3A_661, %sub3A_495 : i32
    %lt3A_721 = arith.cmpi slt, %add3A_660, %sub3A_495 : i32
    %and3A_722 = arith.andi %ge3A_720, %lt3A_721 : i1
    %jit3A_723 = arith.constant 8 : i32
    %select_n3A_724 = arith.select %and3A_722, %jit3A_723, %select_n3A_718 : i32
    %select_n3A_725 = arith.select %and3A_722, %add3A_660, %select_n3A_719 : i32
    %ge3A_726 = arith.cmpi sge, %add3A_660, %sub3A_495 : i32
    %lt3A_727 = arith.cmpi slt, %add3A_659, %sub3A_495 : i32
    %and3A_728 = arith.andi %ge3A_726, %lt3A_727 : i1
    %jit3A_729 = arith.constant 9 : i32
    %select_n3A_730 = arith.select %and3A_728, %jit3A_729, %select_n3A_724 : i32
    %select_n3A_731 = arith.select %and3A_728, %add3A_659, %select_n3A_725 : i32
    %ge3A_732 = arith.cmpi sge, %add3A_659, %sub3A_495 : i32
    %lt3A_733 = arith.cmpi slt, %add3A_658, %sub3A_495 : i32
    %and3A_734 = arith.andi %ge3A_732, %lt3A_733 : i1
    %jit3A_735 = arith.constant 10 : i32
    %select_n3A_736 = arith.select %and3A_734, %jit3A_735, %select_n3A_730 : i32
    %select_n3A_737 = arith.select %and3A_734, %add3A_658, %select_n3A_731 : i32
    %ge3A_738 = arith.cmpi sge, %add3A_658, %sub3A_495 : i32
    %lt3A_739 = arith.cmpi slt, %add3A_657, %sub3A_495 : i32
    %and3A_740 = arith.andi %ge3A_738, %lt3A_739 : i1
    %jit3A_741 = arith.constant 11 : i32
    %select_n3A_742 = arith.select %and3A_740, %jit3A_741, %select_n3A_736 : i32
    %select_n3A_743 = arith.select %and3A_740, %add3A_657, %select_n3A_737 : i32
    %ge3A_744 = arith.cmpi sge, %add3A_657, %sub3A_495 : i32
    %lt3A_745 = arith.cmpi slt, %add3A_656, %sub3A_495 : i32
    %and3A_746 = arith.andi %ge3A_744, %lt3A_745 : i1
    %jit3A_747 = arith.constant 12 : i32
    %select_n3A_748 = arith.select %and3A_746, %jit3A_747, %select_n3A_742 : i32
    %select_n3A_749 = arith.select %and3A_746, %add3A_656, %select_n3A_743 : i32
    %ge3A_750 = arith.cmpi sge, %add3A_656, %sub3A_495 : i32
    %lt3A_751 = arith.cmpi slt, %add3A_655, %sub3A_495 : i32
    %and3A_752 = arith.andi %ge3A_750, %lt3A_751 : i1
    %jit3A_753 = arith.constant 13 : i32
    %select_n3A_754 = arith.select %and3A_752, %jit3A_753, %select_n3A_748 : i32
    %select_n3A_755 = arith.select %and3A_752, %add3A_655, %select_n3A_749 : i32
    %ge3A_756 = arith.cmpi sge, %add3A_655, %sub3A_495 : i32
    %lt3A_757 = arith.cmpi slt, %add3A_654, %sub3A_495 : i32
    %and3A_758 = arith.andi %ge3A_756, %lt3A_757 : i1
    %jit3A_759 = arith.constant 14 : i32
    %select_n3A_760 = arith.select %and3A_758, %jit3A_759, %select_n3A_754 : i32
    %select_n3A_761 = arith.select %and3A_758, %add3A_654, %select_n3A_755 : i32
    %ge3A_762 = arith.cmpi sge, %add3A_654, %sub3A_495 : i32
    %lt3A_763 = arith.constant 0 : i32
    %lt3A_764 = arith.cmpi slt, %lt3A_763, %sub3A_495 : i32
    %and3A_765 = arith.andi %ge3A_762, %lt3A_764 : i1
    %jit3A_766 = arith.constant 15 : i32
    %select_n3A_767 = arith.select %and3A_765, %jit3A_766, %select_n3A_760 : i32
    %jit3A_768 = arith.constant 0 : i32
    %select_n3A_769 = arith.select %and3A_765, %jit3A_768, %select_n3A_761 : i32
    %eq3A_770 = arith.constant 0 : i32
    %eq3A_771 = arith.cmpi eq, %select_n3A_767, %eq3A_770 : i32
    %select_n3A_772 = arith.select %eq3A_771, %convert_element_type3A_573, %convert_element_type3A_588 : vector<16xi32>
    %eq3A_773 = arith.constant 0 : i32
    %eq3A_774 = arith.cmpi eq, %select_n3A_767, %eq3A_773 : i32
    %select_n3A_775 = arith.select %eq3A_774, %scan3A_570#16, %scan3A_570#31 : vector<16xf32>
    %eq3A_776 = arith.constant 1 : i32
    %eq3A_777 = arith.cmpi eq, %select_n3A_767, %eq3A_776 : i32
    %select_n3A_778 = arith.select %eq3A_777, %convert_element_type3A_574, %select_n3A_772 : vector<16xi32>
    %eq3A_779 = arith.constant 1 : i32
    %eq3A_780 = arith.cmpi eq, %select_n3A_767, %eq3A_779 : i32
    %select_n3A_781 = arith.select %eq3A_780, %scan3A_570#17, %select_n3A_775 : vector<16xf32>
    %eq3A_782 = arith.constant 2 : i32
    %eq3A_783 = arith.cmpi eq, %select_n3A_767, %eq3A_782 : i32
    %select_n3A_784 = arith.select %eq3A_783, %convert_element_type3A_575, %select_n3A_778 : vector<16xi32>
    %eq3A_785 = arith.constant 2 : i32
    %eq3A_786 = arith.cmpi eq, %select_n3A_767, %eq3A_785 : i32
    %select_n3A_787 = arith.select %eq3A_786, %scan3A_570#18, %select_n3A_781 : vector<16xf32>
    %eq3A_788 = arith.constant 3 : i32
    %eq3A_789 = arith.cmpi eq, %select_n3A_767, %eq3A_788 : i32
    %select_n3A_790 = arith.select %eq3A_789, %convert_element_type3A_576, %select_n3A_784 : vector<16xi32>
    %eq3A_791 = arith.constant 3 : i32
    %eq3A_792 = arith.cmpi eq, %select_n3A_767, %eq3A_791 : i32
    %select_n3A_793 = arith.select %eq3A_792, %scan3A_570#19, %select_n3A_787 : vector<16xf32>
    %eq3A_794 = arith.constant 4 : i32
    %eq3A_795 = arith.cmpi eq, %select_n3A_767, %eq3A_794 : i32
    %select_n3A_796 = arith.select %eq3A_795, %convert_element_type3A_577, %select_n3A_790 : vector<16xi32>
    %eq3A_797 = arith.constant 4 : i32
    %eq3A_798 = arith.cmpi eq, %select_n3A_767, %eq3A_797 : i32
    %select_n3A_799 = arith.select %eq3A_798, %scan3A_570#20, %select_n3A_793 : vector<16xf32>
    %eq3A_800 = arith.constant 5 : i32
    %eq3A_801 = arith.cmpi eq, %select_n3A_767, %eq3A_800 : i32
    %select_n3A_802 = arith.select %eq3A_801, %convert_element_type3A_578, %select_n3A_796 : vector<16xi32>
    %eq3A_803 = arith.constant 5 : i32
    %eq3A_804 = arith.cmpi eq, %select_n3A_767, %eq3A_803 : i32
    %select_n3A_805 = arith.select %eq3A_804, %scan3A_570#21, %select_n3A_799 : vector<16xf32>
    %eq3A_806 = arith.constant 6 : i32
    %eq3A_807 = arith.cmpi eq, %select_n3A_767, %eq3A_806 : i32
    %select_n3A_808 = arith.select %eq3A_807, %convert_element_type3A_579, %select_n3A_802 : vector<16xi32>
    %eq3A_809 = arith.constant 6 : i32
    %eq3A_810 = arith.cmpi eq, %select_n3A_767, %eq3A_809 : i32
    %select_n3A_811 = arith.select %eq3A_810, %scan3A_570#22, %select_n3A_805 : vector<16xf32>
    %eq3A_812 = arith.constant 7 : i32
    %eq3A_813 = arith.cmpi eq, %select_n3A_767, %eq3A_812 : i32
    %select_n3A_814 = arith.select %eq3A_813, %convert_element_type3A_580, %select_n3A_808 : vector<16xi32>
    %eq3A_815 = arith.constant 7 : i32
    %eq3A_816 = arith.cmpi eq, %select_n3A_767, %eq3A_815 : i32
    %select_n3A_817 = arith.select %eq3A_816, %scan3A_570#23, %select_n3A_811 : vector<16xf32>
    %eq3A_818 = arith.constant 8 : i32
    %eq3A_819 = arith.cmpi eq, %select_n3A_767, %eq3A_818 : i32
    %select_n3A_820 = arith.select %eq3A_819, %convert_element_type3A_581, %select_n3A_814 : vector<16xi32>
    %eq3A_821 = arith.constant 8 : i32
    %eq3A_822 = arith.cmpi eq, %select_n3A_767, %eq3A_821 : i32
    %select_n3A_823 = arith.select %eq3A_822, %scan3A_570#24, %select_n3A_817 : vector<16xf32>
    %eq3A_824 = arith.constant 9 : i32
    %eq3A_825 = arith.cmpi eq, %select_n3A_767, %eq3A_824 : i32
    %select_n3A_826 = arith.select %eq3A_825, %convert_element_type3A_582, %select_n3A_820 : vector<16xi32>
    %eq3A_827 = arith.constant 9 : i32
    %eq3A_828 = arith.cmpi eq, %select_n3A_767, %eq3A_827 : i32
    %select_n3A_829 = arith.select %eq3A_828, %scan3A_570#25, %select_n3A_823 : vector<16xf32>
    %eq3A_830 = arith.constant 10 : i32
    %eq3A_831 = arith.cmpi eq, %select_n3A_767, %eq3A_830 : i32
    %select_n3A_832 = arith.select %eq3A_831, %convert_element_type3A_583, %select_n3A_826 : vector<16xi32>
    %eq3A_833 = arith.constant 10 : i32
    %eq3A_834 = arith.cmpi eq, %select_n3A_767, %eq3A_833 : i32
    %select_n3A_835 = arith.select %eq3A_834, %scan3A_570#26, %select_n3A_829 : vector<16xf32>
    %eq3A_836 = arith.constant 11 : i32
    %eq3A_837 = arith.cmpi eq, %select_n3A_767, %eq3A_836 : i32
    %select_n3A_838 = arith.select %eq3A_837, %convert_element_type3A_584, %select_n3A_832 : vector<16xi32>
    %eq3A_839 = arith.constant 11 : i32
    %eq3A_840 = arith.cmpi eq, %select_n3A_767, %eq3A_839 : i32
    %select_n3A_841 = arith.select %eq3A_840, %scan3A_570#27, %select_n3A_835 : vector<16xf32>
    %eq3A_842 = arith.constant 12 : i32
    %eq3A_843 = arith.cmpi eq, %select_n3A_767, %eq3A_842 : i32
    %select_n3A_844 = arith.select %eq3A_843, %convert_element_type3A_585, %select_n3A_838 : vector<16xi32>
    %eq3A_845 = arith.constant 12 : i32
    %eq3A_846 = arith.cmpi eq, %select_n3A_767, %eq3A_845 : i32
    %select_n3A_847 = arith.select %eq3A_846, %scan3A_570#28, %select_n3A_841 : vector<16xf32>
    %eq3A_848 = arith.constant 13 : i32
    %eq3A_849 = arith.cmpi eq, %select_n3A_767, %eq3A_848 : i32
    %select_n3A_850 = arith.select %eq3A_849, %convert_element_type3A_586, %select_n3A_844 : vector<16xi32>
    %eq3A_851 = arith.constant 13 : i32
    %eq3A_852 = arith.cmpi eq, %select_n3A_767, %eq3A_851 : i32
    %select_n3A_853 = arith.select %eq3A_852, %scan3A_570#29, %select_n3A_847 : vector<16xf32>
    %eq3A_854 = arith.constant 14 : i32
    %eq3A_855 = arith.cmpi eq, %select_n3A_767, %eq3A_854 : i32
    %select_n3A_856 = arith.select %eq3A_855, %convert_element_type3A_587, %select_n3A_850 : vector<16xi32>
    %eq3A_857 = arith.constant 14 : i32
    %eq3A_858 = arith.cmpi eq, %select_n3A_767, %eq3A_857 : i32
    %select_n3A_859 = arith.select %eq3A_858, %scan3A_570#30, %select_n3A_853 : vector<16xf32>
    %rev3A_860 = arith.constant 15 : i32
    %rev3A_861 = vector.broadcast %rev3A_860 : i32 to vector<16xi32>
    %rev3A_862 = tpu.iota {dimensions = array<i32: 0>} : vector<16xi32>
    %rev3A_863 = arith.subi %rev3A_861, %rev3A_862 : vector<16xi32>
    %rev3A_864 = tpu.dynamic_gather %select_n3A_856[%rev3A_863] in [0] : vector<16xi32>, vector<16xi32> -> vector<16xi32>
    %cumsum3A_865 = arith.constant true
    %cumsum3A_866 = vector.broadcast %cumsum3A_865 : i1 to vector<16xi1>
    %cumsum3A_867 = tpu.scan <sum>, %rev3A_864 masked %cumsum3A_866 : vector<16xi32>, vector<16xi1> -> vector<16xi32>
    %rev3A_868 = arith.constant 15 : i32
    %rev3A_869 = vector.broadcast %rev3A_868 : i32 to vector<16xi32>
    %rev3A_870 = tpu.iota {dimensions = array<i32: 0>} : vector<16xi32>
    %rev3A_871 = arith.subi %rev3A_869, %rev3A_870 : vector<16xi32>
    %rev3A_872 = tpu.dynamic_gather %cumsum3A_867[%rev3A_871] in [0] : vector<16xi32>, vector<16xi32> -> vector<16xi32>
    %add3A_873 = vector.broadcast %select_n3A_769 : i32 to vector<16xi32>
    %add3A_874 = arith.addi %rev3A_872, %add3A_873 : vector<16xi32>
    %ge3A_875 = vector.broadcast %sub3A_495 : i32 to vector<16xi32>
    %ge3A_876 = arith.cmpi sge, %add3A_874, %ge3A_875 : vector<16xi32>
    %jit3A_877 = arith.constant -1 : i32
    %broadcast_in_dim3A_878 = vector.broadcast %jit3A_877 : i32 to vector<16xi32>
    %select_n3A_879 = arith.select %ge3A_876, %iota3A, %broadcast_in_dim3A_878 : vector<16xi1>, vector<16xi32>
    %reduce_max3A_880 = arith.constant true
    %reduce_max3A_881 = vector.broadcast %reduce_max3A_880 : i1 to vector<16xi1>
    %reduce_max3A_882 = arith.constant -2147483648 : i32
    %reduce_max3A_883 = vector.broadcast %reduce_max3A_882 : i32 to vector<16xi32>
    %reduce_max3A_884 = arith.xori %select_n3A_879, %reduce_max3A_883 : vector<16xi32>
    %reduce_max3A_885 = tpu.scan <max>, %reduce_max3A_884 masked %reduce_max3A_881 : vector<16xi32>, vector<16xi1> -> vector<16xi32>
    %reduce_max3A_886 = arith.xori %reduce_max3A_885, %reduce_max3A_883 : vector<16xi32>
    %reduce_max3A_887 = vector.extract %reduce_max3A_886[15] : i32 from vector<16xi32>
    %mul3A_888 = arith.constant 16 : i32
    %mul3A_889 = arith.muli %select_n3A_767, %mul3A_888 : i32
    %add3A_890 = arith.addi %mul3A_889, %reduce_max3A_887 : i32
    %gt3A_891 = vector.broadcast %reduce_max3A_887 : i32 to vector<16xi32>
    %gt3A_892 = arith.cmpi sgt, %iota3A, %gt3A_891 : vector<16xi32>
    %jit3A_893 = arith.constant 0 : i32
    %broadcast_in_dim3A_894 = vector.broadcast %jit3A_893 : i32 to vector<16xi32>
    %select_n3A_895 = arith.select %gt3A_892, %select_n3A_856, %broadcast_in_dim3A_894 : vector<16xi1>, vector<16xi32>
    %reduce_sum3A_896 = arith.constant true
    %reduce_sum3A_897 = vector.broadcast %reduce_sum3A_896 : i1 to vector<16xi1>
    %reduce_sum3A_898 = tpu.scan <sum>, %select_n3A_895 masked %reduce_sum3A_897 : vector<16xi32>, vector<16xi1> -> vector<16xi32>
    %reduce_sum3A_899 = vector.extract %reduce_sum3A_898[15] : i32 from vector<16xi32>
    %add3A_900 = arith.addi %select_n3A_769, %reduce_sum3A_899 : i32
    %lt3A_901 = arith.constant 0 : i32
    %lt3A_902 = arith.cmpi slt, %select_n3A_767, %lt3A_901 : i32
    %select_n3A_903 = arith.select %lt3A_902, %scan3A_570#16, %broadcast_in_dim3A_2 : vector<16xf32>
    %add3A_904 = arith.addf %broadcast_in_dim3A_2, %select_n3A_903 : vector<16xf32>
    %lt3A_905 = arith.constant 1 : i32
    %lt3A_906 = arith.cmpi slt, %select_n3A_767, %lt3A_905 : i32
    %select_n3A_907 = arith.select %lt3A_906, %scan3A_570#17, %broadcast_in_dim3A_2 : vector<16xf32>
    %add3A_908 = arith.addf %add3A_904, %select_n3A_907 : vector<16xf32>
    %lt3A_909 = arith.constant 2 : i32
    %lt3A_910 = arith.cmpi slt, %select_n3A_767, %lt3A_909 : i32
    %select_n3A_911 = arith.select %lt3A_910, %scan3A_570#18, %broadcast_in_dim3A_2 : vector<16xf32>
    %add3A_912 = arith.addf %add3A_908, %select_n3A_911 : vector<16xf32>
    %lt3A_913 = arith.constant 3 : i32
    %lt3A_914 = arith.cmpi slt, %select_n3A_767, %lt3A_913 : i32
    %select_n3A_915 = arith.select %lt3A_914, %scan3A_570#19, %broadcast_in_dim3A_2 : vector<16xf32>
    %add3A_916 = arith.addf %add3A_912, %select_n3A_915 : vector<16xf32>
    %lt3A_917 = arith.constant 4 : i32
    %lt3A_918 = arith.cmpi slt, %select_n3A_767, %lt3A_917 : i32
    %select_n3A_919 = arith.select %lt3A_918, %scan3A_570#20, %broadcast_in_dim3A_2 : vector<16xf32>
    %add3A_920 = arith.addf %add3A_916, %select_n3A_919 : vector<16xf32>
    %lt3A_921 = arith.constant 5 : i32
    %lt3A_922 = arith.cmpi slt, %select_n3A_767, %lt3A_921 : i32
    %select_n3A_923 = arith.select %lt3A_922, %scan3A_570#21, %broadcast_in_dim3A_2 : vector<16xf32>
    %add3A_924 = arith.addf %add3A_920, %select_n3A_923 : vector<16xf32>
    %lt3A_925 = arith.constant 6 : i32
    %lt3A_926 = arith.cmpi slt, %select_n3A_767, %lt3A_925 : i32
    %select_n3A_927 = arith.select %lt3A_926, %scan3A_570#22, %broadcast_in_dim3A_2 : vector<16xf32>
    %add3A_928 = arith.addf %add3A_924, %select_n3A_927 : vector<16xf32>
    %lt3A_929 = arith.constant 7 : i32
    %lt3A_930 = arith.cmpi slt, %select_n3A_767, %lt3A_929 : i32
    %select_n3A_931 = arith.select %lt3A_930, %scan3A_570#23, %broadcast_in_dim3A_2 : vector<16xf32>
    %add3A_932 = arith.addf %add3A_928, %select_n3A_931 : vector<16xf32>
    %lt3A_933 = arith.constant 8 : i32
    %lt3A_934 = arith.cmpi slt, %select_n3A_767, %lt3A_933 : i32
    %select_n3A_935 = arith.select %lt3A_934, %scan3A_570#24, %broadcast_in_dim3A_2 : vector<16xf32>
    %add3A_936 = arith.addf %add3A_932, %select_n3A_935 : vector<16xf32>
    %lt3A_937 = arith.constant 9 : i32
    %lt3A_938 = arith.cmpi slt, %select_n3A_767, %lt3A_937 : i32
    %select_n3A_939 = arith.select %lt3A_938, %scan3A_570#25, %broadcast_in_dim3A_2 : vector<16xf32>
    %add3A_940 = arith.addf %add3A_936, %select_n3A_939 : vector<16xf32>
    %lt3A_941 = arith.constant 10 : i32
    %lt3A_942 = arith.cmpi slt, %select_n3A_767, %lt3A_941 : i32
    %select_n3A_943 = arith.select %lt3A_942, %scan3A_570#26, %broadcast_in_dim3A_2 : vector<16xf32>
    %add3A_944 = arith.addf %add3A_940, %select_n3A_943 : vector<16xf32>
    %lt3A_945 = arith.constant 11 : i32
    %lt3A_946 = arith.cmpi slt, %select_n3A_767, %lt3A_945 : i32
    %select_n3A_947 = arith.select %lt3A_946, %scan3A_570#27, %broadcast_in_dim3A_2 : vector<16xf32>
    %add3A_948 = arith.addf %add3A_944, %select_n3A_947 : vector<16xf32>
    %lt3A_949 = arith.constant 12 : i32
    %lt3A_950 = arith.cmpi slt, %select_n3A_767, %lt3A_949 : i32
    %select_n3A_951 = arith.select %lt3A_950, %scan3A_570#28, %broadcast_in_dim3A_2 : vector<16xf32>
    %add3A_952 = arith.addf %add3A_948, %select_n3A_951 : vector<16xf32>
    %lt3A_953 = arith.constant 13 : i32
    %lt3A_954 = arith.cmpi slt, %select_n3A_767, %lt3A_953 : i32
    %select_n3A_955 = arith.select %lt3A_954, %scan3A_570#29, %broadcast_in_dim3A_2 : vector<16xf32>
    %add3A_956 = arith.addf %add3A_952, %select_n3A_955 : vector<16xf32>
    %lt3A_957 = arith.constant 14 : i32
    %lt3A_958 = arith.cmpi slt, %select_n3A_767, %lt3A_957 : i32
    %select_n3A_959 = arith.select %lt3A_958, %scan3A_570#30, %broadcast_in_dim3A_2 : vector<16xf32>
    %add3A_960 = arith.addf %add3A_956, %select_n3A_959 : vector<16xf32>
    %lt3A_961 = arith.constant 15 : i32
    %lt3A_962 = arith.cmpi slt, %select_n3A_767, %lt3A_961 : i32
    %select_n3A_963 = arith.select %lt3A_962, %scan3A_570#31, %broadcast_in_dim3A_2 : vector<16xf32>
    %add3A_964 = arith.addf %add3A_960, %select_n3A_963 : vector<16xf32>
    %gt3A_965 = vector.broadcast %reduce_max3A_887 : i32 to vector<16xi32>
    %gt3A_966 = arith.cmpi sgt, %iota3A, %gt3A_965 : vector<16xi32>
    %jit3A_967 = arith.constant 0.000000e+00 : f32
    %broadcast_in_dim3A_968 = vector.broadcast %jit3A_967 : f32 to vector<16xf32>
    %select_n3A_969 = arith.select %gt3A_966, %select_n3A_859, %broadcast_in_dim3A_968 : vector<16xi1>, vector<16xf32>
    %add3A_970 = arith.addf %add3A_964, %select_n3A_969 : vector<16xf32>
    %sub3A_971 = arith.subi %sub3A_495, %add3A_900 : i32
    %add3A_972 = arith.addi %add3A_424, %add3A_900 : i32
    %add3A_973 = arith.addf %add3A_494, %add3A_970 : vector<16xf32>
    %shift_left3A = arith.constant 8 : i32
    %shift_left3A_974 = arith.shli %add3A_415, %shift_left3A : i32
    %or3A = arith.ori %shift_left3A_974, %add3A_890 : i32
    %swap3A_975 = arith.constant 0 : index
    %swap3A_976 = tpu.vector_load %arg9[%swap3A_975] {strides = array<i32>} : memref<512xf32, #tpu.memory_space<vmem>>, vector<16xf32>,
    tpu.vector_store %arg9[%swap3A_975], %broadcast_in_dim3A_2 {strides = array<i32>} : memref<512xf32, #tpu.memory_space<vmem>>, vector<16xf32>,
    %swap3A_977 = arith.constant 16 : index
    %swap3A_978 = tpu.vector_load %arg9[%swap3A_977] {strides = array<i32>} : memref<512xf32, #tpu.memory_space<vmem>>, vector<16xf32>,
    tpu.vector_store %arg9[%swap3A_977], %broadcast_in_dim3A_2 {strides = array<i32>} : memref<512xf32, #tpu.memory_space<vmem>>, vector<16xf32>,
    %swap3A_979 = arith.constant 32 : index
    %swap3A_980 = tpu.vector_load %arg9[%swap3A_979] {strides = array<i32>} : memref<512xf32, #tpu.memory_space<vmem>>, vector<16xf32>,
    tpu.vector_store %arg9[%swap3A_979], %broadcast_in_dim3A_2 {strides = array<i32>} : memref<512xf32, #tpu.memory_space<vmem>>, vector<16xf32>,
    %swap3A_981 = arith.constant 48 : index
    %swap3A_982 = tpu.vector_load %arg9[%swap3A_981] {strides = array<i32>} : memref<512xf32, #tpu.memory_space<vmem>>, vector<16xf32>,
    tpu.vector_store %arg9[%swap3A_981], %broadcast_in_dim3A_2 {strides = array<i32>} : memref<512xf32, #tpu.memory_space<vmem>>, vector<16xf32>,
    %swap3A_983 = arith.constant 64 : index
    %swap3A_984 = tpu.vector_load %arg9[%swap3A_983] {strides = array<i32>} : memref<512xf32, #tpu.memory_space<vmem>>, vector<16xf32>,
    tpu.vector_store %arg9[%swap3A_983], %broadcast_in_dim3A_2 {strides = array<i32>} : memref<512xf32, #tpu.memory_space<vmem>>, vector<16xf32>,
    %swap3A_985 = arith.constant 80 : index
    %swap3A_986 = tpu.vector_load %arg9[%swap3A_985] {strides = array<i32>} : memref<512xf32, #tpu.memory_space<vmem>>, vector<16xf32>,
    tpu.vector_store %arg9[%swap3A_985], %broadcast_in_dim3A_2 {strides = array<i32>} : memref<512xf32, #tpu.memory_space<vmem>>, vector<16xf32>,
    %swap3A_987 = arith.constant 96 : index
    %swap3A_988 = tpu.vector_load %arg9[%swap3A_987] {strides = array<i32>} : memref<512xf32, #tpu.memory_space<vmem>>, vector<16xf32>,
    tpu.vector_store %arg9[%swap3A_987], %broadcast_in_dim3A_2 {strides = array<i32>} : memref<512xf32, #tpu.memory_space<vmem>>, vector<16xf32>,
    %swap3A_989 = arith.constant 112 : index
    %swap3A_990 = tpu.vector_load %arg9[%swap3A_989] {strides = array<i32>} : memref<512xf32, #tpu.memory_space<vmem>>, vector<16xf32>,
    tpu.vector_store %arg9[%swap3A_989], %broadcast_in_dim3A_2 {strides = array<i32>} : memref<512xf32, #tpu.memory_space<vmem>>, vector<16xf32>,
    %swap3A_991 = arith.constant 128 : index
    %swap3A_992 = tpu.vector_load %arg9[%swap3A_991] {strides = array<i32>} : memref<512xf32, #tpu.memory_space<vmem>>, vector<16xf32>,
    tpu.vector_store %arg9[%swap3A_991], %broadcast_in_dim3A_2 {strides = array<i32>} : memref<512xf32, #tpu.memory_space<vmem>>, vector<16xf32>,
    %swap3A_993 = arith.constant 144 : index
    %swap3A_994 = tpu.vector_load %arg9[%swap3A_993] {strides = array<i32>} : memref<512xf32, #tpu.memory_space<vmem>>, vector<16xf32>,
    tpu.vector_store %arg9[%swap3A_993], %broadcast_in_dim3A_2 {strides = array<i32>} : memref<512xf32, #tpu.memory_space<vmem>>, vector<16xf32>,
    %swap3A_995 = arith.constant 160 : index
    %swap3A_996 = tpu.vector_load %arg9[%swap3A_995] {strides = array<i32>} : memref<512xf32, #tpu.memory_space<vmem>>, vector<16xf32>,
    tpu.vector_store %arg9[%swap3A_995], %broadcast_in_dim3A_2 {strides = array<i32>} : memref<512xf32, #tpu.memory_space<vmem>>, vector<16xf32>,
    %swap3A_997 = arith.constant 176 : index
    %swap3A_998 = tpu.vector_load %arg9[%swap3A_997] {strides = array<i32>} : memref<512xf32, #tpu.memory_space<vmem>>, vector<16xf32>,
    tpu.vector_store %arg9[%swap3A_997], %broadcast_in_dim3A_2 {strides = array<i32>} : memref<512xf32, #tpu.memory_space<vmem>>, vector<16xf32>,
    %swap3A_999 = arith.constant 192 : index
    %swap3A_1000 = tpu.vector_load %arg9[%swap3A_999] {strides = array<i32>} : memref<512xf32, #tpu.memory_space<vmem>>, vector<16xf32>,
    tpu.vector_store %arg9[%swap3A_999], %broadcast_in_dim3A_2 {strides = array<i32>} : memref<512xf32, #tpu.memory_space<vmem>>, vector<16xf32>,
    %swap3A_1001 = arith.constant 208 : index
    %swap3A_1002 = tpu.vector_load %arg9[%swap3A_1001] {strides = array<i32>} : memref<512xf32, #tpu.memory_space<vmem>>, vector<16xf32>,
    tpu.vector_store %arg9[%swap3A_1001], %broadcast_in_dim3A_2 {strides = array<i32>} : memref<512xf32, #tpu.memory_space<vmem>>, vector<16xf32>,
    %swap3A_1003 = arith.constant 224 : index
    %swap3A_1004 = tpu.vector_load %arg9[%swap3A_1003] {strides = array<i32>} : memref<512xf32, #tpu.memory_space<vmem>>, vector<16xf32>,
    tpu.vector_store %arg9[%swap3A_1003], %broadcast_in_dim3A_2 {strides = array<i32>} : memref<512xf32, #tpu.memory_space<vmem>>, vector<16xf32>,
    %swap3A_1005 = arith.constant 240 : index
    %swap3A_1006 = tpu.vector_load %arg9[%swap3A_1005] {strides = array<i32>} : memref<512xf32, #tpu.memory_space<vmem>>, vector<16xf32>,
    tpu.vector_store %arg9[%swap3A_1005], %broadcast_in_dim3A_2 {strides = array<i32>} : memref<512xf32, #tpu.memory_space<vmem>>, vector<16xf32>,
    %swap3A_1007 = arith.constant 256 : index
    %swap3A_1008 = tpu.vector_load %arg9[%swap3A_1007] {strides = array<i32>} : memref<512xf32, #tpu.memory_space<vmem>>, vector<16xf32>,
    tpu.vector_store %arg9[%swap3A_1007], %broadcast_in_dim3A_2 {strides = array<i32>} : memref<512xf32, #tpu.memory_space<vmem>>, vector<16xf32>,
    %swap3A_1009 = arith.constant 272 : index
    %swap3A_1010 = tpu.vector_load %arg9[%swap3A_1009] {strides = array<i32>} : memref<512xf32, #tpu.memory_space<vmem>>, vector<16xf32>,
    tpu.vector_store %arg9[%swap3A_1009], %broadcast_in_dim3A_2 {strides = array<i32>} : memref<512xf32, #tpu.memory_space<vmem>>, vector<16xf32>,
    %swap3A_1011 = arith.constant 288 : index
    %swap3A_1012 = tpu.vector_load %arg9[%swap3A_1011] {strides = array<i32>} : memref<512xf32, #tpu.memory_space<vmem>>, vector<16xf32>,
    tpu.vector_store %arg9[%swap3A_1011], %broadcast_in_dim3A_2 {strides = array<i32>} : memref<512xf32, #tpu.memory_space<vmem>>, vector<16xf32>,
    %swap3A_1013 = arith.constant 304 : index
    %swap3A_1014 = tpu.vector_load %arg9[%swap3A_1013] {strides = array<i32>} : memref<512xf32, #tpu.memory_space<vmem>>, vector<16xf32>,
    tpu.vector_store %arg9[%swap3A_1013], %broadcast_in_dim3A_2 {strides = array<i32>} : memref<512xf32, #tpu.memory_space<vmem>>, vector<16xf32>,
    %swap3A_1015 = arith.constant 320 : index
    %swap3A_1016 = tpu.vector_load %arg9[%swap3A_1015] {strides = array<i32>} : memref<512xf32, #tpu.memory_space<vmem>>, vector<16xf32>,
    tpu.vector_store %arg9[%swap3A_1015], %broadcast_in_dim3A_2 {strides = array<i32>} : memref<512xf32, #tpu.memory_space<vmem>>, vector<16xf32>,
    %swap3A_1017 = arith.constant 336 : index
    %swap3A_1018 = tpu.vector_load %arg9[%swap3A_1017] {strides = array<i32>} : memref<512xf32, #tpu.memory_space<vmem>>, vector<16xf32>,
    tpu.vector_store %arg9[%swap3A_1017], %broadcast_in_dim3A_2 {strides = array<i32>} : memref<512xf32, #tpu.memory_space<vmem>>, vector<16xf32>,
    %swap3A_1019 = arith.constant 352 : index
    %swap3A_1020 = tpu.vector_load %arg9[%swap3A_1019] {strides = array<i32>} : memref<512xf32, #tpu.memory_space<vmem>>, vector<16xf32>,
    tpu.vector_store %arg9[%swap3A_1019], %broadcast_in_dim3A_2 {strides = array<i32>} : memref<512xf32, #tpu.memory_space<vmem>>, vector<16xf32>,
    %swap3A_1021 = arith.constant 368 : index
    %swap3A_1022 = tpu.vector_load %arg9[%swap3A_1021] {strides = array<i32>} : memref<512xf32, #tpu.memory_space<vmem>>, vector<16xf32>,
    tpu.vector_store %arg9[%swap3A_1021], %broadcast_in_dim3A_2 {strides = array<i32>} : memref<512xf32, #tpu.memory_space<vmem>>, vector<16xf32>,
    %swap3A_1023 = arith.constant 384 : index
    %swap3A_1024 = tpu.vector_load %arg9[%swap3A_1023] {strides = array<i32>} : memref<512xf32, #tpu.memory_space<vmem>>, vector<16xf32>,
    tpu.vector_store %arg9[%swap3A_1023], %broadcast_in_dim3A_2 {strides = array<i32>} : memref<512xf32, #tpu.memory_space<vmem>>, vector<16xf32>,
    %swap3A_1025 = arith.constant 400 : index
    %swap3A_1026 = tpu.vector_load %arg9[%swap3A_1025] {strides = array<i32>} : memref<512xf32, #tpu.memory_space<vmem>>, vector<16xf32>,
    tpu.vector_store %arg9[%swap3A_1025], %broadcast_in_dim3A_2 {strides = array<i32>} : memref<512xf32, #tpu.memory_space<vmem>>, vector<16xf32>,
    %swap3A_1027 = arith.constant 416 : index
    %swap3A_1028 = tpu.vector_load %arg9[%swap3A_1027] {strides = array<i32>} : memref<512xf32, #tpu.memory_space<vmem>>, vector<16xf32>,
    tpu.vector_store %arg9[%swap3A_1027], %broadcast_in_dim3A_2 {strides = array<i32>} : memref<512xf32, #tpu.memory_space<vmem>>, vector<16xf32>,
    %swap3A_1029 = arith.constant 432 : index
    %swap3A_1030 = tpu.vector_load %arg9[%swap3A_1029] {strides = array<i32>} : memref<512xf32, #tpu.memory_space<vmem>>, vector<16xf32>,
    tpu.vector_store %arg9[%swap3A_1029], %broadcast_in_dim3A_2 {strides = array<i32>} : memref<512xf32, #tpu.memory_space<vmem>>, vector<16xf32>,
    %swap3A_1031 = arith.constant 448 : index
    %swap3A_1032 = tpu.vector_load %arg9[%swap3A_1031] {strides = array<i32>} : memref<512xf32, #tpu.memory_space<vmem>>, vector<16xf32>,
    tpu.vector_store %arg9[%swap3A_1031], %broadcast_in_dim3A_2 {strides = array<i32>} : memref<512xf32, #tpu.memory_space<vmem>>, vector<16xf32>,
    %swap3A_1033 = arith.constant 464 : index
    %swap3A_1034 = tpu.vector_load %arg9[%swap3A_1033] {strides = array<i32>} : memref<512xf32, #tpu.memory_space<vmem>>, vector<16xf32>,
    tpu.vector_store %arg9[%swap3A_1033], %broadcast_in_dim3A_2 {strides = array<i32>} : memref<512xf32, #tpu.memory_space<vmem>>, vector<16xf32>,
    %swap3A_1035 = arith.constant 480 : index
    %swap3A_1036 = tpu.vector_load %arg9[%swap3A_1035] {strides = array<i32>} : memref<512xf32, #tpu.memory_space<vmem>>, vector<16xf32>,
    tpu.vector_store %arg9[%swap3A_1035], %broadcast_in_dim3A_2 {strides = array<i32>} : memref<512xf32, #tpu.memory_space<vmem>>, vector<16xf32>,
    %swap3A_1037 = arith.constant 496 : index
    %swap3A_1038 = tpu.vector_load %arg9[%swap3A_1037] {strides = array<i32>} : memref<512xf32, #tpu.memory_space<vmem>>, vector<16xf32>,
    tpu.vector_store %arg9[%swap3A_1037], %broadcast_in_dim3A_2 {strides = array<i32>} : memref<512xf32, #tpu.memory_space<vmem>>, vector<16xf32>,
    %parallel_loop3A_1039 = arith.constant 0 : i32
    %parallel_loop3A_1040 = arith.constant 1024 : i32
    %parallel_loop3A_1041 = arith.constant 1 : i32
    scf.for %parallel_loop3A_1957 = %parallel_loop3A_1039 to %parallel_loop3A_1040 step %parallel_loop3A_1041  : i32 {
      %parallel_loop3A_1958 = arith.constant 16 : i32
      %parallel_loop3A_1959 = arith.muli %parallel_loop3A_1957, %parallel_loop3A_1958 : i32
      %parallel_loop3A_1960 = arith.index_cast %parallel_loop3A_1959 : i32 to index
      %parallel_loop3A_1961 = tpu.vector_load %arg8[%parallel_loop3A_1960] {strides = array<i32>} : memref<16384xi32, #tpu.memory_space<vmem>>, vector<16xi32>,
      %parallel_loop3A_1962 = arith.constant 15 : i32
      %parallel_loop3A_1963 = vector.broadcast %parallel_loop3A_1962 : i32 to vector<16xi32>
      %parallel_loop3A_1964 = arith.shrui %parallel_loop3A_1961, %parallel_loop3A_1963 : vector<16xi32>
      %parallel_loop3A_1965 = vector.broadcast %or3A : i32 to vector<16xi32>
      %parallel_loop3A_1966 = arith.cmpi eq, %parallel_loop3A_1964, %parallel_loop3A_1965 : vector<16xi32>
      %parallel_loop3A_1967 = arith.constant 7 : i32
      %parallel_loop3A_1968 = vector.broadcast %parallel_loop3A_1967 : i32 to vector<16xi32>
      %parallel_loop3A_1969 = arith.shrui %parallel_loop3A_1961, %parallel_loop3A_1968 : vector<16xi32>
      %parallel_loop3A_1970 = arith.constant 255 : i32
      %parallel_loop3A_1971 = vector.broadcast %parallel_loop3A_1970 : i32 to vector<16xi32>
      %parallel_loop3A_1972 = arith.andi %parallel_loop3A_1969, %parallel_loop3A_1971 : vector<16xi32>
      tpu.vector_store_idx %arg9[%parallel_loop3A_1972], %broadcast_in_dim3A_0 masked %parallel_loop3A_1966 {add = true} : memref<512xf32, #tpu.memory_space<vmem>>[vector<16xi32>], vector<16xf32>, vector<16xi1>
      %parallel_loop3A_1973 = arith.constant 256 : i32
      %parallel_loop3A_1974 = vector.broadcast %parallel_loop3A_1973 : i32 to vector<16xi32>
      %parallel_loop3A_1975 = arith.addi %parallel_loop3A_1972, %parallel_loop3A_1974 : vector<16xi32>
      %parallel_loop3A_1976 = vector.bitcast %parallel_loop3A_1961 : vector<16xi32> to vector<16xf32>
      tpu.vector_store_idx %arg9[%parallel_loop3A_1975], %parallel_loop3A_1976 masked %parallel_loop3A_1966 {add = true} : memref<512xf32, #tpu.memory_space<vmem>>[vector<16xi32>], vector<16xf32>, vector<16xi1>
    } {sc.loop_unroll_factor = 8 : i64, sc.parallel_access}
    %mul3A_1042 = arith.constant 512 : i32
    %mul3A_1043 = arith.muli %arg1, %mul3A_1042 : i32
    "tpu.region"() ({
      %run_scoped3A = tpu.sem_alloc : memref<!tpu.dma_semaphore, #tpu.memory_space<semaphore_mem>>
      %dma_start3A = tpu.memref_slice %arg5[%mul3A_1043] : memref<8192xf32, #tpu.memory_space<hbm>> -> memref<512xf32, #tpu.memory_space<hbm>>
      %dma_start3A_1957 = tpu.memref_slice %arg5[%mul3A_1043] : memref<8192xf32, #tpu.memory_space<hbm>> -> memref<512xf32, #tpu.memory_space<hbm>>
      tpu.enqueue_dma source(%arg9 : memref<512xf32, #tpu.memory_space<vmem>>) target(%dma_start3A_1957 : memref<512xf32, #tpu.memory_space<hbm>>) target_semaphore(%run_scoped3A : memref<!tpu.dma_semaphore, #tpu.memory_space<semaphore_mem>>)
      %dma_wait3A = tpu.memref_slice %arg5[%mul3A_1043] : memref<8192xf32, #tpu.memory_space<hbm>> -> memref<512xf32, #tpu.memory_space<hbm>>
      %dma_wait3A_1958 = tpu.memref_slice %arg5[%mul3A_1043] : memref<8192xf32, #tpu.memory_space<hbm>> -> memref<512xf32, #tpu.memory_space<hbm>>
      tpu.wait_dma2 semaphore(%run_scoped3A : memref<!tpu.dma_semaphore, #tpu.memory_space<semaphore_mem>>) src(%arg9 : memref<512xf32, #tpu.memory_space<vmem>>) dst(%dma_wait3A_1958 : memref<512xf32, #tpu.memory_space<hbm>>)
      tpu.yield
    }) : () -> ()
    %barrier3A_1044 = arith.constant 0 : index
    tpu.barrier barrier_id(%barrier3A_1044)
    "tpu.region"() ({
      %run_scoped3A = tpu.sem_alloc : memref<!tpu.dma_semaphore, #tpu.memory_space<semaphore_mem>>
      tpu.enqueue_dma source(%arg5 : memref<8192xf32, #tpu.memory_space<hbm>>) target(%arg10 : memref<8192xf32, #tpu.memory_space<vmem>>) target_semaphore(%run_scoped3A : memref<!tpu.dma_semaphore, #tpu.memory_space<semaphore_mem>>)
      tpu.wait_dma2 semaphore(%run_scoped3A : memref<!tpu.dma_semaphore, #tpu.memory_space<semaphore_mem>>) src(%arg5 : memref<8192xf32, #tpu.memory_space<hbm>>) dst(%arg10 : memref<8192xf32, #tpu.memory_space<vmem>>)
      tpu.yield
    }) : () -> ()
    %scan3A_1045 = arith.constant 0 : i32
    %scan3A_1046 = arith.constant 16 : i32
    %scan3A_1047 = arith.addi %scan3A_1045, %scan3A_1046 : i32
    %scan3A_1048 = arith.constant 1 : i32
    %scan3A_1049:32 = scf.for %scan3A_1957 = %scan3A_1045 to %scan3A_1047 step %scan3A_1048 iter_args(%scan3A_1958 = %broadcast_in_dim3A_2, %scan3A_1959 = %broadcast_in_dim3A_2, %scan3A_1960 = %broadcast_in_dim3A_2, %scan3A_1961 = %broadcast_in_dim3A_2, %scan3A_1962 = %broadcast_in_dim3A_2, %scan3A_1963 = %broadcast_in_dim3A_2, %scan3A_1964 = %broadcast_in_dim3A_2, %scan3A_1965 = %broadcast_in_dim3A_2, %scan3A_1966 = %broadcast_in_dim3A_2, %scan3A_1967 = %broadcast_in_dim3A_2, %scan3A_1968 = %broadcast_in_dim3A_2, %scan3A_1969 = %broadcast_in_dim3A_2, %scan3A_1970 = %broadcast_in_dim3A_2, %scan3A_1971 = %broadcast_in_dim3A_2, %scan3A_1972 = %broadcast_in_dim3A_2, %scan3A_1973 = %broadcast_in_dim3A_2, %scan3A_1974 = %broadcast_in_dim3A_2, %scan3A_1975 = %broadcast_in_dim3A_2, %scan3A_1976 = %broadcast_in_dim3A_2, %scan3A_1977 = %broadcast_in_dim3A_2, %scan3A_1978 = %broadcast_in_dim3A_2, %scan3A_1979 = %broadcast_in_dim3A_2, %scan3A_1980 = %broadcast_in_dim3A_2, %scan3A_1981 = %broadcast_in_dim3A_2, %scan3A_1982 = %broadcast_in_dim3A_2, %scan3A_1983 = %broadcast_in_dim3A_2, %scan3A_1984 = %broadcast_in_dim3A_2, %scan3A_1985 = %broadcast_in_dim3A_2, %scan3A_1986 = %broadcast_in_dim3A_2, %scan3A_1987 = %broadcast_in_dim3A_2, %scan3A_1988 = %broadcast_in_dim3A_2, %scan3A_1989 = %broadcast_in_dim3A_2) -> (vector<16xf32>, vector<16xf32>, vector<16xf32>, vector<16xf32>, vector<16xf32>, vector<16xf32>, vector<16xf32>, vector<16xf32>, vector<16xf32>, vector<16xf32>, vector<16xf32>, vector<16xf32>, vector<16xf32>, vector<16xf32>, vector<16xf32>, vector<16xf32>, vector<16xf32>, vector<16xf32>, vector<16xf32>, vector<16xf32>, vector<16xf32>, vector<16xf32>, vector<16xf32>, vector<16xf32>, vector<16xf32>, vector<16xf32>, vector<16xf32>, vector<16xf32>, vector<16xf32>, vector<16xf32>, vector<16xf32>, vector<16xf32>)  : i32 {
      %mul3A_1990 = arith.constant 512 : i32
      %mul3A_1991 = arith.muli %scan3A_1957, %mul3A_1990 : i32
      %add3A_1992 = arith.constant 0 : i32
      %add3A_1993 = arith.addi %mul3A_1991, %add3A_1992 : i32
      %get3A = arith.index_cast %add3A_1993 : i32 to index
      %get3A_1994 = tpu.vector_load %arg10[%get3A] {strides = array<i32>} : memref<8192xf32, #tpu.memory_space<vmem>>, vector<16xf32>,
      %add3A_1995 = arith.addf %scan3A_1958, %get3A_1994 : vector<16xf32>
      %mul3A_1996 = arith.constant 512 : i32
      %mul3A_1997 = arith.muli %scan3A_1957, %mul3A_1996 : i32
      %add3A_1998 = arith.constant 16 : i32
      %add3A_1999 = arith.addi %mul3A_1997, %add3A_1998 : i32
      %get3A_2000 = arith.index_cast %add3A_1999 : i32 to index
      %get3A_2001 = tpu.vector_load %arg10[%get3A_2000] {strides = array<i32>} : memref<8192xf32, #tpu.memory_space<vmem>>, vector<16xf32>,
      %add3A_2002 = arith.addf %scan3A_1959, %get3A_2001 : vector<16xf32>
      %mul3A_2003 = arith.constant 512 : i32
      %mul3A_2004 = arith.muli %scan3A_1957, %mul3A_2003 : i32
      %add3A_2005 = arith.constant 32 : i32
      %add3A_2006 = arith.addi %mul3A_2004, %add3A_2005 : i32
      %get3A_2007 = arith.index_cast %add3A_2006 : i32 to index
      %get3A_2008 = tpu.vector_load %arg10[%get3A_2007] {strides = array<i32>} : memref<8192xf32, #tpu.memory_space<vmem>>, vector<16xf32>,
      %add3A_2009 = arith.addf %scan3A_1960, %get3A_2008 : vector<16xf32>
      %mul3A_2010 = arith.constant 512 : i32
      %mul3A_2011 = arith.muli %scan3A_1957, %mul3A_2010 : i32
      %add3A_2012 = arith.constant 48 : i32
      %add3A_2013 = arith.addi %mul3A_2011, %add3A_2012 : i32
      %get3A_2014 = arith.index_cast %add3A_2013 : i32 to index
      %get3A_2015 = tpu.vector_load %arg10[%get3A_2014] {strides = array<i32>} : memref<8192xf32, #tpu.memory_space<vmem>>, vector<16xf32>,
      %add3A_2016 = arith.addf %scan3A_1961, %get3A_2015 : vector<16xf32>
      %mul3A_2017 = arith.constant 512 : i32
      %mul3A_2018 = arith.muli %scan3A_1957, %mul3A_2017 : i32
      %add3A_2019 = arith.constant 64 : i32
      %add3A_2020 = arith.addi %mul3A_2018, %add3A_2019 : i32
      %get3A_2021 = arith.index_cast %add3A_2020 : i32 to index
      %get3A_2022 = tpu.vector_load %arg10[%get3A_2021] {strides = array<i32>} : memref<8192xf32, #tpu.memory_space<vmem>>, vector<16xf32>,
      %add3A_2023 = arith.addf %scan3A_1962, %get3A_2022 : vector<16xf32>
      %mul3A_2024 = arith.constant 512 : i32
      %mul3A_2025 = arith.muli %scan3A_1957, %mul3A_2024 : i32
      %add3A_2026 = arith.constant 80 : i32
      %add3A_2027 = arith.addi %mul3A_2025, %add3A_2026 : i32
      %get3A_2028 = arith.index_cast %add3A_2027 : i32 to index
      %get3A_2029 = tpu.vector_load %arg10[%get3A_2028] {strides = array<i32>} : memref<8192xf32, #tpu.memory_space<vmem>>, vector<16xf32>,
      %add3A_2030 = arith.addf %scan3A_1963, %get3A_2029 : vector<16xf32>
      %mul3A_2031 = arith.constant 512 : i32
      %mul3A_2032 = arith.muli %scan3A_1957, %mul3A_2031 : i32
      %add3A_2033 = arith.constant 96 : i32
      %add3A_2034 = arith.addi %mul3A_2032, %add3A_2033 : i32
      %get3A_2035 = arith.index_cast %add3A_2034 : i32 to index
      %get3A_2036 = tpu.vector_load %arg10[%get3A_2035] {strides = array<i32>} : memref<8192xf32, #tpu.memory_space<vmem>>, vector<16xf32>,
      %add3A_2037 = arith.addf %scan3A_1964, %get3A_2036 : vector<16xf32>
      %mul3A_2038 = arith.constant 512 : i32
      %mul3A_2039 = arith.muli %scan3A_1957, %mul3A_2038 : i32
      %add3A_2040 = arith.constant 112 : i32
      %add3A_2041 = arith.addi %mul3A_2039, %add3A_2040 : i32
      %get3A_2042 = arith.index_cast %add3A_2041 : i32 to index
      %get3A_2043 = tpu.vector_load %arg10[%get3A_2042] {strides = array<i32>} : memref<8192xf32, #tpu.memory_space<vmem>>, vector<16xf32>,
      %add3A_2044 = arith.addf %scan3A_1965, %get3A_2043 : vector<16xf32>
      %mul3A_2045 = arith.constant 512 : i32
      %mul3A_2046 = arith.muli %scan3A_1957, %mul3A_2045 : i32
      %add3A_2047 = arith.constant 128 : i32
      %add3A_2048 = arith.addi %mul3A_2046, %add3A_2047 : i32
      %get3A_2049 = arith.index_cast %add3A_2048 : i32 to index
      %get3A_2050 = tpu.vector_load %arg10[%get3A_2049] {strides = array<i32>} : memref<8192xf32, #tpu.memory_space<vmem>>, vector<16xf32>,
      %add3A_2051 = arith.addf %scan3A_1966, %get3A_2050 : vector<16xf32>
      %mul3A_2052 = arith.constant 512 : i32
      %mul3A_2053 = arith.muli %scan3A_1957, %mul3A_2052 : i32
      %add3A_2054 = arith.constant 144 : i32
      %add3A_2055 = arith.addi %mul3A_2053, %add3A_2054 : i32
      %get3A_2056 = arith.index_cast %add3A_2055 : i32 to index
      %get3A_2057 = tpu.vector_load %arg10[%get3A_2056] {strides = array<i32>} : memref<8192xf32, #tpu.memory_space<vmem>>, vector<16xf32>,
      %add3A_2058 = arith.addf %scan3A_1967, %get3A_2057 : vector<16xf32>
      %mul3A_2059 = arith.constant 512 : i32
      %mul3A_2060 = arith.muli %scan3A_1957, %mul3A_2059 : i32
      %add3A_2061 = arith.constant 160 : i32
      %add3A_2062 = arith.addi %mul3A_2060, %add3A_2061 : i32
      %get3A_2063 = arith.index_cast %add3A_2062 : i32 to index
      %get3A_2064 = tpu.vector_load %arg10[%get3A_2063] {strides = array<i32>} : memref<8192xf32, #tpu.memory_space<vmem>>, vector<16xf32>,
      %add3A_2065 = arith.addf %scan3A_1968, %get3A_2064 : vector<16xf32>
      %mul3A_2066 = arith.constant 512 : i32
      %mul3A_2067 = arith.muli %scan3A_1957, %mul3A_2066 : i32
      %add3A_2068 = arith.constant 176 : i32
      %add3A_2069 = arith.addi %mul3A_2067, %add3A_2068 : i32
      %get3A_2070 = arith.index_cast %add3A_2069 : i32 to index
      %get3A_2071 = tpu.vector_load %arg10[%get3A_2070] {strides = array<i32>} : memref<8192xf32, #tpu.memory_space<vmem>>, vector<16xf32>,
      %add3A_2072 = arith.addf %scan3A_1969, %get3A_2071 : vector<16xf32>
      %mul3A_2073 = arith.constant 512 : i32
      %mul3A_2074 = arith.muli %scan3A_1957, %mul3A_2073 : i32
      %add3A_2075 = arith.constant 192 : i32
      %add3A_2076 = arith.addi %mul3A_2074, %add3A_2075 : i32
      %get3A_2077 = arith.index_cast %add3A_2076 : i32 to index
      %get3A_2078 = tpu.vector_load %arg10[%get3A_2077] {strides = array<i32>} : memref<8192xf32, #tpu.memory_space<vmem>>, vector<16xf32>,
      %add3A_2079 = arith.addf %scan3A_1970, %get3A_2078 : vector<16xf32>
      %mul3A_2080 = arith.constant 512 : i32
      %mul3A_2081 = arith.muli %scan3A_1957, %mul3A_2080 : i32
      %add3A_2082 = arith.constant 208 : i32
      %add3A_2083 = arith.addi %mul3A_2081, %add3A_2082 : i32
      %get3A_2084 = arith.index_cast %add3A_2083 : i32 to index
      %get3A_2085 = tpu.vector_load %arg10[%get3A_2084] {strides = array<i32>} : memref<8192xf32, #tpu.memory_space<vmem>>, vector<16xf32>,
      %add3A_2086 = arith.addf %scan3A_1971, %get3A_2085 : vector<16xf32>
      %mul3A_2087 = arith.constant 512 : i32
      %mul3A_2088 = arith.muli %scan3A_1957, %mul3A_2087 : i32
      %add3A_2089 = arith.constant 224 : i32
      %add3A_2090 = arith.addi %mul3A_2088, %add3A_2089 : i32
      %get3A_2091 = arith.index_cast %add3A_2090 : i32 to index
      %get3A_2092 = tpu.vector_load %arg10[%get3A_2091] {strides = array<i32>} : memref<8192xf32, #tpu.memory_space<vmem>>, vector<16xf32>,
      %add3A_2093 = arith.addf %scan3A_1972, %get3A_2092 : vector<16xf32>
      %mul3A_2094 = arith.constant 512 : i32
      %mul3A_2095 = arith.muli %scan3A_1957, %mul3A_2094 : i32
      %add3A_2096 = arith.constant 240 : i32
      %add3A_2097 = arith.addi %mul3A_2095, %add3A_2096 : i32
      %get3A_2098 = arith.index_cast %add3A_2097 : i32 to index
      %get3A_2099 = tpu.vector_load %arg10[%get3A_2098] {strides = array<i32>} : memref<8192xf32, #tpu.memory_space<vmem>>, vector<16xf32>,
      %add3A_2100 = arith.addf %scan3A_1973, %get3A_2099 : vector<16xf32>
      %mul3A_2101 = arith.constant 512 : i32
      %mul3A_2102 = arith.muli %scan3A_1957, %mul3A_2101 : i32
      %add3A_2103 = arith.constant 256 : i32
      %add3A_2104 = arith.addi %mul3A_2102, %add3A_2103 : i32
      %get3A_2105 = arith.index_cast %add3A_2104 : i32 to index
      %get3A_2106 = tpu.vector_load %arg10[%get3A_2105] {strides = array<i32>} : memref<8192xf32, #tpu.memory_space<vmem>>, vector<16xf32>,
      %add3A_2107 = arith.addf %scan3A_1974, %get3A_2106 : vector<16xf32>
      %mul3A_2108 = arith.constant 512 : i32
      %mul3A_2109 = arith.muli %scan3A_1957, %mul3A_2108 : i32
      %add3A_2110 = arith.constant 272 : i32
      %add3A_2111 = arith.addi %mul3A_2109, %add3A_2110 : i32
      %get3A_2112 = arith.index_cast %add3A_2111 : i32 to index
      %get3A_2113 = tpu.vector_load %arg10[%get3A_2112] {strides = array<i32>} : memref<8192xf32, #tpu.memory_space<vmem>>, vector<16xf32>,
      %add3A_2114 = arith.addf %scan3A_1975, %get3A_2113 : vector<16xf32>
      %mul3A_2115 = arith.constant 512 : i32
      %mul3A_2116 = arith.muli %scan3A_1957, %mul3A_2115 : i32
      %add3A_2117 = arith.constant 288 : i32
      %add3A_2118 = arith.addi %mul3A_2116, %add3A_2117 : i32
      %get3A_2119 = arith.index_cast %add3A_2118 : i32 to index
      %get3A_2120 = tpu.vector_load %arg10[%get3A_2119] {strides = array<i32>} : memref<8192xf32, #tpu.memory_space<vmem>>, vector<16xf32>,
      %add3A_2121 = arith.addf %scan3A_1976, %get3A_2120 : vector<16xf32>
      %mul3A_2122 = arith.constant 512 : i32
      %mul3A_2123 = arith.muli %scan3A_1957, %mul3A_2122 : i32
      %add3A_2124 = arith.constant 304 : i32
      %add3A_2125 = arith.addi %mul3A_2123, %add3A_2124 : i32
      %get3A_2126 = arith.index_cast %add3A_2125 : i32 to index
      %get3A_2127 = tpu.vector_load %arg10[%get3A_2126] {strides = array<i32>} : memref<8192xf32, #tpu.memory_space<vmem>>, vector<16xf32>,
      %add3A_2128 = arith.addf %scan3A_1977, %get3A_2127 : vector<16xf32>
      %mul3A_2129 = arith.constant 512 : i32
      %mul3A_2130 = arith.muli %scan3A_1957, %mul3A_2129 : i32
      %add3A_2131 = arith.constant 320 : i32
      %add3A_2132 = arith.addi %mul3A_2130, %add3A_2131 : i32
      %get3A_2133 = arith.index_cast %add3A_2132 : i32 to index
      %get3A_2134 = tpu.vector_load %arg10[%get3A_2133] {strides = array<i32>} : memref<8192xf32, #tpu.memory_space<vmem>>, vector<16xf32>,
      %add3A_2135 = arith.addf %scan3A_1978, %get3A_2134 : vector<16xf32>
      %mul3A_2136 = arith.constant 512 : i32
      %mul3A_2137 = arith.muli %scan3A_1957, %mul3A_2136 : i32
      %add3A_2138 = arith.constant 336 : i32
      %add3A_2139 = arith.addi %mul3A_2137, %add3A_2138 : i32
      %get3A_2140 = arith.index_cast %add3A_2139 : i32 to index
      %get3A_2141 = tpu.vector_load %arg10[%get3A_2140] {strides = array<i32>} : memref<8192xf32, #tpu.memory_space<vmem>>, vector<16xf32>,
      %add3A_2142 = arith.addf %scan3A_1979, %get3A_2141 : vector<16xf32>
      %mul3A_2143 = arith.constant 512 : i32
      %mul3A_2144 = arith.muli %scan3A_1957, %mul3A_2143 : i32
      %add3A_2145 = arith.constant 352 : i32
      %add3A_2146 = arith.addi %mul3A_2144, %add3A_2145 : i32
      %get3A_2147 = arith.index_cast %add3A_2146 : i32 to index
      %get3A_2148 = tpu.vector_load %arg10[%get3A_2147] {strides = array<i32>} : memref<8192xf32, #tpu.memory_space<vmem>>, vector<16xf32>,
      %add3A_2149 = arith.addf %scan3A_1980, %get3A_2148 : vector<16xf32>
      %mul3A_2150 = arith.constant 512 : i32
      %mul3A_2151 = arith.muli %scan3A_1957, %mul3A_2150 : i32
      %add3A_2152 = arith.constant 368 : i32
      %add3A_2153 = arith.addi %mul3A_2151, %add3A_2152 : i32
      %get3A_2154 = arith.index_cast %add3A_2153 : i32 to index
      %get3A_2155 = tpu.vector_load %arg10[%get3A_2154] {strides = array<i32>} : memref<8192xf32, #tpu.memory_space<vmem>>, vector<16xf32>,
      %add3A_2156 = arith.addf %scan3A_1981, %get3A_2155 : vector<16xf32>
      %mul3A_2157 = arith.constant 512 : i32
      %mul3A_2158 = arith.muli %scan3A_1957, %mul3A_2157 : i32
      %add3A_2159 = arith.constant 384 : i32
      %add3A_2160 = arith.addi %mul3A_2158, %add3A_2159 : i32
      %get3A_2161 = arith.index_cast %add3A_2160 : i32 to index
      %get3A_2162 = tpu.vector_load %arg10[%get3A_2161] {strides = array<i32>} : memref<8192xf32, #tpu.memory_space<vmem>>, vector<16xf32>,
      %add3A_2163 = arith.addf %scan3A_1982, %get3A_2162 : vector<16xf32>
      %mul3A_2164 = arith.constant 512 : i32
      %mul3A_2165 = arith.muli %scan3A_1957, %mul3A_2164 : i32
      %add3A_2166 = arith.constant 400 : i32
      %add3A_2167 = arith.addi %mul3A_2165, %add3A_2166 : i32
      %get3A_2168 = arith.index_cast %add3A_2167 : i32 to index
      %get3A_2169 = tpu.vector_load %arg10[%get3A_2168] {strides = array<i32>} : memref<8192xf32, #tpu.memory_space<vmem>>, vector<16xf32>,
      %add3A_2170 = arith.addf %scan3A_1983, %get3A_2169 : vector<16xf32>
      %mul3A_2171 = arith.constant 512 : i32
      %mul3A_2172 = arith.muli %scan3A_1957, %mul3A_2171 : i32
      %add3A_2173 = arith.constant 416 : i32
      %add3A_2174 = arith.addi %mul3A_2172, %add3A_2173 : i32
      %get3A_2175 = arith.index_cast %add3A_2174 : i32 to index
      %get3A_2176 = tpu.vector_load %arg10[%get3A_2175] {strides = array<i32>} : memref<8192xf32, #tpu.memory_space<vmem>>, vector<16xf32>,
      %add3A_2177 = arith.addf %scan3A_1984, %get3A_2176 : vector<16xf32>
      %mul3A_2178 = arith.constant 512 : i32
      %mul3A_2179 = arith.muli %scan3A_1957, %mul3A_2178 : i32
      %add3A_2180 = arith.constant 432 : i32
      %add3A_2181 = arith.addi %mul3A_2179, %add3A_2180 : i32
      %get3A_2182 = arith.index_cast %add3A_2181 : i32 to index
      %get3A_2183 = tpu.vector_load %arg10[%get3A_2182] {strides = array<i32>} : memref<8192xf32, #tpu.memory_space<vmem>>, vector<16xf32>,
      %add3A_2184 = arith.addf %scan3A_1985, %get3A_2183 : vector<16xf32>
      %mul3A_2185 = arith.constant 512 : i32
      %mul3A_2186 = arith.muli %scan3A_1957, %mul3A_2185 : i32
      %add3A_2187 = arith.constant 448 : i32
      %add3A_2188 = arith.addi %mul3A_2186, %add3A_2187 : i32
      %get3A_2189 = arith.index_cast %add3A_2188 : i32 to index
      %get3A_2190 = tpu.vector_load %arg10[%get3A_2189] {strides = array<i32>} : memref<8192xf32, #tpu.memory_space<vmem>>, vector<16xf32>,
      %add3A_2191 = arith.addf %scan3A_1986, %get3A_2190 : vector<16xf32>
      %mul3A_2192 = arith.constant 512 : i32
      %mul3A_2193 = arith.muli %scan3A_1957, %mul3A_2192 : i32
      %add3A_2194 = arith.constant 464 : i32
      %add3A_2195 = arith.addi %mul3A_2193, %add3A_2194 : i32
      %get3A_2196 = arith.index_cast %add3A_2195 : i32 to index
      %get3A_2197 = tpu.vector_load %arg10[%get3A_2196] {strides = array<i32>} : memref<8192xf32, #tpu.memory_space<vmem>>, vector<16xf32>,
      %add3A_2198 = arith.addf %scan3A_1987, %get3A_2197 : vector<16xf32>
      %mul3A_2199 = arith.constant 512 : i32
      %mul3A_2200 = arith.muli %scan3A_1957, %mul3A_2199 : i32
      %add3A_2201 = arith.constant 480 : i32
      %add3A_2202 = arith.addi %mul3A_2200, %add3A_2201 : i32
      %get3A_2203 = arith.index_cast %add3A_2202 : i32 to index
      %get3A_2204 = tpu.vector_load %arg10[%get3A_2203] {strides = array<i32>} : memref<8192xf32, #tpu.memory_space<vmem>>, vector<16xf32>,
      %add3A_2205 = arith.addf %scan3A_1988, %get3A_2204 : vector<16xf32>
      %mul3A_2206 = arith.constant 512 : i32
      %mul3A_2207 = arith.muli %scan3A_1957, %mul3A_2206 : i32
      %add3A_2208 = arith.constant 496 : i32
      %add3A_2209 = arith.addi %mul3A_2207, %add3A_2208 : i32
      %get3A_2210 = arith.index_cast %add3A_2209 : i32 to index
      %get3A_2211 = tpu.vector_load %arg10[%get3A_2210] {strides = array<i32>} : memref<8192xf32, #tpu.memory_space<vmem>>, vector<16xf32>,
      %add3A_2212 = arith.addf %scan3A_1989, %get3A_2211 : vector<16xf32>
      scf.yield %add3A_1995, %add3A_2002, %add3A_2009, %add3A_2016, %add3A_2023, %add3A_2030, %add3A_2037, %add3A_2044, %add3A_2051, %add3A_2058, %add3A_2065, %add3A_2072, %add3A_2079, %add3A_2086, %add3A_2093, %add3A_2100, %add3A_2107, %add3A_2114, %add3A_2121, %add3A_2128, %add3A_2135, %add3A_2142, %add3A_2149, %add3A_2156, %add3A_2163, %add3A_2170, %add3A_2177, %add3A_2184, %add3A_2191, %add3A_2198, %add3A_2205, %add3A_2212 : vector<16xf32>, vector<16xf32>, vector<16xf32>, vector<16xf32>, vector<16xf32>, vector<16xf32>, vector<16xf32>, vector<16xf32>, vector<16xf32>, vector<16xf32>, vector<16xf32>, vector<16xf32>, vector<16xf32>, vector<16xf32>, vector<16xf32>, vector<16xf32>, vector<16xf32>, vector<16xf32>, vector<16xf32>, vector<16xf32>, vector<16xf32>, vector<16xf32>, vector<16xf32>, vector<16xf32>, vector<16xf32>, vector<16xf32>, vector<16xf32>, vector<16xf32>, vector<16xf32>, vector<16xf32>, vector<16xf32>, vector<16xf32>
    }
    %scan3A_1050 = arith.constant 16 : i32
    %barrier3A_1051 = arith.constant 0 : index
    tpu.barrier barrier_id(%barrier3A_1051)
    %convert_element_type3A_1052 = arith.fptosi %scan3A_1049#0 : vector<16xf32> to vector<16xi32>
    %convert_element_type3A_1053 = arith.fptosi %scan3A_1049#1 : vector<16xf32> to vector<16xi32>
    %convert_element_type3A_1054 = arith.fptosi %scan3A_1049#2 : vector<16xf32> to vector<16xi32>
    %convert_element_type3A_1055 = arith.fptosi %scan3A_1049#3 : vector<16xf32> to vector<16xi32>
    %convert_element_type3A_1056 = arith.fptosi %scan3A_1049#4 : vector<16xf32> to vector<16xi32>
    %convert_element_type3A_1057 = arith.fptosi %scan3A_1049#5 : vector<16xf32> to vector<16xi32>
    %convert_element_type3A_1058 = arith.fptosi %scan3A_1049#6 : vector<16xf32> to vector<16xi32>
    %convert_element_type3A_1059 = arith.fptosi %scan3A_1049#7 : vector<16xf32> to vector<16xi32>
    %convert_element_type3A_1060 = arith.fptosi %scan3A_1049#8 : vector<16xf32> to vector<16xi32>
    %convert_element_type3A_1061 = arith.fptosi %scan3A_1049#9 : vector<16xf32> to vector<16xi32>
    %convert_element_type3A_1062 = arith.fptosi %scan3A_1049#10 : vector<16xf32> to vector<16xi32>
    %convert_element_type3A_1063 = arith.fptosi %scan3A_1049#11 : vector<16xf32> to vector<16xi32>
    %convert_element_type3A_1064 = arith.fptosi %scan3A_1049#12 : vector<16xf32> to vector<16xi32>
    %convert_element_type3A_1065 = arith.fptosi %scan3A_1049#13 : vector<16xf32> to vector<16xi32>
    %convert_element_type3A_1066 = arith.fptosi %scan3A_1049#14 : vector<16xf32> to vector<16xi32>
    %convert_element_type3A_1067 = arith.fptosi %scan3A_1049#15 : vector<16xf32> to vector<16xi32>
    %reduce_sum3A_1068 = arith.constant true
    %reduce_sum3A_1069 = vector.broadcast %reduce_sum3A_1068 : i1 to vector<16xi1>
    %reduce_sum3A_1070 = tpu.scan <sum>, %convert_element_type3A_1052 masked %reduce_sum3A_1069 : vector<16xi32>, vector<16xi1> -> vector<16xi32>
    %reduce_sum3A_1071 = vector.extract %reduce_sum3A_1070[15] : i32 from vector<16xi32>
    %reduce_sum3A_1072 = arith.constant true
    %reduce_sum3A_1073 = vector.broadcast %reduce_sum3A_1072 : i1 to vector<16xi1>
    %reduce_sum3A_1074 = tpu.scan <sum>, %convert_element_type3A_1053 masked %reduce_sum3A_1073 : vector<16xi32>, vector<16xi1> -> vector<16xi32>
    %reduce_sum3A_1075 = vector.extract %reduce_sum3A_1074[15] : i32 from vector<16xi32>
    %reduce_sum3A_1076 = arith.constant true
    %reduce_sum3A_1077 = vector.broadcast %reduce_sum3A_1076 : i1 to vector<16xi1>
    %reduce_sum3A_1078 = tpu.scan <sum>, %convert_element_type3A_1054 masked %reduce_sum3A_1077 : vector<16xi32>, vector<16xi1> -> vector<16xi32>
    %reduce_sum3A_1079 = vector.extract %reduce_sum3A_1078[15] : i32 from vector<16xi32>
    %reduce_sum3A_1080 = arith.constant true
    %reduce_sum3A_1081 = vector.broadcast %reduce_sum3A_1080 : i1 to vector<16xi1>
    %reduce_sum3A_1082 = tpu.scan <sum>, %convert_element_type3A_1055 masked %reduce_sum3A_1081 : vector<16xi32>, vector<16xi1> -> vector<16xi32>
    %reduce_sum3A_1083 = vector.extract %reduce_sum3A_1082[15] : i32 from vector<16xi32>
    %reduce_sum3A_1084 = arith.constant true
    %reduce_sum3A_1085 = vector.broadcast %reduce_sum3A_1084 : i1 to vector<16xi1>
    %reduce_sum3A_1086 = tpu.scan <sum>, %convert_element_type3A_1056 masked %reduce_sum3A_1085 : vector<16xi32>, vector<16xi1> -> vector<16xi32>
    %reduce_sum3A_1087 = vector.extract %reduce_sum3A_1086[15] : i32 from vector<16xi32>
    %reduce_sum3A_1088 = arith.constant true
    %reduce_sum3A_1089 = vector.broadcast %reduce_sum3A_1088 : i1 to vector<16xi1>
    %reduce_sum3A_1090 = tpu.scan <sum>, %convert_element_type3A_1057 masked %reduce_sum3A_1089 : vector<16xi32>, vector<16xi1> -> vector<16xi32>
    %reduce_sum3A_1091 = vector.extract %reduce_sum3A_1090[15] : i32 from vector<16xi32>
    %reduce_sum3A_1092 = arith.constant true
    %reduce_sum3A_1093 = vector.broadcast %reduce_sum3A_1092 : i1 to vector<16xi1>
    %reduce_sum3A_1094 = tpu.scan <sum>, %convert_element_type3A_1058 masked %reduce_sum3A_1093 : vector<16xi32>, vector<16xi1> -> vector<16xi32>
    %reduce_sum3A_1095 = vector.extract %reduce_sum3A_1094[15] : i32 from vector<16xi32>
    %reduce_sum3A_1096 = arith.constant true
    %reduce_sum3A_1097 = vector.broadcast %reduce_sum3A_1096 : i1 to vector<16xi1>
    %reduce_sum3A_1098 = tpu.scan <sum>, %convert_element_type3A_1059 masked %reduce_sum3A_1097 : vector<16xi32>, vector<16xi1> -> vector<16xi32>
    %reduce_sum3A_1099 = vector.extract %reduce_sum3A_1098[15] : i32 from vector<16xi32>
    %reduce_sum3A_1100 = arith.constant true
    %reduce_sum3A_1101 = vector.broadcast %reduce_sum3A_1100 : i1 to vector<16xi1>
    %reduce_sum3A_1102 = tpu.scan <sum>, %convert_element_type3A_1060 masked %reduce_sum3A_1101 : vector<16xi32>, vector<16xi1> -> vector<16xi32>
    %reduce_sum3A_1103 = vector.extract %reduce_sum3A_1102[15] : i32 from vector<16xi32>
    %reduce_sum3A_1104 = arith.constant true
    %reduce_sum3A_1105 = vector.broadcast %reduce_sum3A_1104 : i1 to vector<16xi1>
    %reduce_sum3A_1106 = tpu.scan <sum>, %convert_element_type3A_1061 masked %reduce_sum3A_1105 : vector<16xi32>, vector<16xi1> -> vector<16xi32>
    %reduce_sum3A_1107 = vector.extract %reduce_sum3A_1106[15] : i32 from vector<16xi32>
    %reduce_sum3A_1108 = arith.constant true
    %reduce_sum3A_1109 = vector.broadcast %reduce_sum3A_1108 : i1 to vector<16xi1>
    %reduce_sum3A_1110 = tpu.scan <sum>, %convert_element_type3A_1062 masked %reduce_sum3A_1109 : vector<16xi32>, vector<16xi1> -> vector<16xi32>
    %reduce_sum3A_1111 = vector.extract %reduce_sum3A_1110[15] : i32 from vector<16xi32>
    %reduce_sum3A_1112 = arith.constant true
    %reduce_sum3A_1113 = vector.broadcast %reduce_sum3A_1112 : i1 to vector<16xi1>
    %reduce_sum3A_1114 = tpu.scan <sum>, %convert_element_type3A_1063 masked %reduce_sum3A_1113 : vector<16xi32>, vector<16xi1> -> vector<16xi32>
    %reduce_sum3A_1115 = vector.extract %reduce_sum3A_1114[15] : i32 from vector<16xi32>
    %reduce_sum3A_1116 = arith.constant true
    %reduce_sum3A_1117 = vector.broadcast %reduce_sum3A_1116 : i1 to vector<16xi1>
    %reduce_sum3A_1118 = tpu.scan <sum>, %convert_element_type3A_1064 masked %reduce_sum3A_1117 : vector<16xi32>, vector<16xi1> -> vector<16xi32>
    %reduce_sum3A_1119 = vector.extract %reduce_sum3A_1118[15] : i32 from vector<16xi32>
    %reduce_sum3A_1120 = arith.constant true
    %reduce_sum3A_1121 = vector.broadcast %reduce_sum3A_1120 : i1 to vector<16xi1>
    %reduce_sum3A_1122 = tpu.scan <sum>, %convert_element_type3A_1065 masked %reduce_sum3A_1121 : vector<16xi32>, vector<16xi1> -> vector<16xi32>
    %reduce_sum3A_1123 = vector.extract %reduce_sum3A_1122[15] : i32 from vector<16xi32>
    %reduce_sum3A_1124 = arith.constant true
    %reduce_sum3A_1125 = vector.broadcast %reduce_sum3A_1124 : i1 to vector<16xi1>
    %reduce_sum3A_1126 = tpu.scan <sum>, %convert_element_type3A_1066 masked %reduce_sum3A_1125 : vector<16xi32>, vector<16xi1> -> vector<16xi32>
    %reduce_sum3A_1127 = vector.extract %reduce_sum3A_1126[15] : i32 from vector<16xi32>
    %reduce_sum3A_1128 = arith.constant true
    %reduce_sum3A_1129 = vector.broadcast %reduce_sum3A_1128 : i1 to vector<16xi1>
    %reduce_sum3A_1130 = tpu.scan <sum>, %convert_element_type3A_1067 masked %reduce_sum3A_1129 : vector<16xi32>, vector<16xi1> -> vector<16xi32>
    %reduce_sum3A_1131 = vector.extract %reduce_sum3A_1130[15] : i32 from vector<16xi32>
    %add3A_1132 = arith.constant 0 : i32
    %add3A_1133 = arith.addi %add3A_1132, %reduce_sum3A_1131 : i32
    %add3A_1134 = arith.addi %add3A_1133, %reduce_sum3A_1127 : i32
    %add3A_1135 = arith.addi %add3A_1134, %reduce_sum3A_1123 : i32
    %add3A_1136 = arith.addi %add3A_1135, %reduce_sum3A_1119 : i32
    %add3A_1137 = arith.addi %add3A_1136, %reduce_sum3A_1115 : i32
    %add3A_1138 = arith.addi %add3A_1137, %reduce_sum3A_1111 : i32
    %add3A_1139 = arith.addi %add3A_1138, %reduce_sum3A_1107 : i32
    %add3A_1140 = arith.addi %add3A_1139, %reduce_sum3A_1103 : i32
    %add3A_1141 = arith.addi %add3A_1140, %reduce_sum3A_1099 : i32
    %add3A_1142 = arith.addi %add3A_1141, %reduce_sum3A_1095 : i32
    %add3A_1143 = arith.addi %add3A_1142, %reduce_sum3A_1091 : i32
    %add3A_1144 = arith.addi %add3A_1143, %reduce_sum3A_1087 : i32
    %add3A_1145 = arith.addi %add3A_1144, %reduce_sum3A_1083 : i32
    %add3A_1146 = arith.addi %add3A_1145, %reduce_sum3A_1079 : i32
    %add3A_1147 = arith.addi %add3A_1146, %reduce_sum3A_1075 : i32
    %add3A_1148 = arith.addi %add3A_1147, %reduce_sum3A_1071 : i32
    %ge3A_1149 = arith.cmpi sge, %add3A_1148, %sub3A_971 : i32
    %lt3A_1150 = arith.cmpi slt, %add3A_1147, %sub3A_971 : i32
    %and3A_1151 = arith.andi %ge3A_1149, %lt3A_1150 : i1
    %jit3A_1152 = arith.constant 0 : i32
    %jit3A_1153 = arith.constant 0 : i32
    %select_n3A_1154 = arith.select %and3A_1151, %jit3A_1152, %jit3A_1153 : i32
    %jit3A_1155 = arith.constant 0 : i32
    %select_n3A_1156 = arith.select %and3A_1151, %add3A_1147, %jit3A_1155 : i32
    %ge3A_1157 = arith.cmpi sge, %add3A_1147, %sub3A_971 : i32
    %lt3A_1158 = arith.cmpi slt, %add3A_1146, %sub3A_971 : i32
    %and3A_1159 = arith.andi %ge3A_1157, %lt3A_1158 : i1
    %jit3A_1160 = arith.constant 1 : i32
    %select_n3A_1161 = arith.select %and3A_1159, %jit3A_1160, %select_n3A_1154 : i32
    %select_n3A_1162 = arith.select %and3A_1159, %add3A_1146, %select_n3A_1156 : i32
    %ge3A_1163 = arith.cmpi sge, %add3A_1146, %sub3A_971 : i32
    %lt3A_1164 = arith.cmpi slt, %add3A_1145, %sub3A_971 : i32
    %and3A_1165 = arith.andi %ge3A_1163, %lt3A_1164 : i1
    %jit3A_1166 = arith.constant 2 : i32
    %select_n3A_1167 = arith.select %and3A_1165, %jit3A_1166, %select_n3A_1161 : i32
    %select_n3A_1168 = arith.select %and3A_1165, %add3A_1145, %select_n3A_1162 : i32
    %ge3A_1169 = arith.cmpi sge, %add3A_1145, %sub3A_971 : i32
    %lt3A_1170 = arith.cmpi slt, %add3A_1144, %sub3A_971 : i32
    %and3A_1171 = arith.andi %ge3A_1169, %lt3A_1170 : i1
    %jit3A_1172 = arith.constant 3 : i32
    %select_n3A_1173 = arith.select %and3A_1171, %jit3A_1172, %select_n3A_1167 : i32
    %select_n3A_1174 = arith.select %and3A_1171, %add3A_1144, %select_n3A_1168 : i32
    %ge3A_1175 = arith.cmpi sge, %add3A_1144, %sub3A_971 : i32
    %lt3A_1176 = arith.cmpi slt, %add3A_1143, %sub3A_971 : i32
    %and3A_1177 = arith.andi %ge3A_1175, %lt3A_1176 : i1
    %jit3A_1178 = arith.constant 4 : i32
    %select_n3A_1179 = arith.select %and3A_1177, %jit3A_1178, %select_n3A_1173 : i32
    %select_n3A_1180 = arith.select %and3A_1177, %add3A_1143, %select_n3A_1174 : i32
    %ge3A_1181 = arith.cmpi sge, %add3A_1143, %sub3A_971 : i32
    %lt3A_1182 = arith.cmpi slt, %add3A_1142, %sub3A_971 : i32
    %and3A_1183 = arith.andi %ge3A_1181, %lt3A_1182 : i1
    %jit3A_1184 = arith.constant 5 : i32
    %select_n3A_1185 = arith.select %and3A_1183, %jit3A_1184, %select_n3A_1179 : i32
    %select_n3A_1186 = arith.select %and3A_1183, %add3A_1142, %select_n3A_1180 : i32
    %ge3A_1187 = arith.cmpi sge, %add3A_1142, %sub3A_971 : i32
    %lt3A_1188 = arith.cmpi slt, %add3A_1141, %sub3A_971 : i32
    %and3A_1189 = arith.andi %ge3A_1187, %lt3A_1188 : i1
    %jit3A_1190 = arith.constant 6 : i32
    %select_n3A_1191 = arith.select %and3A_1189, %jit3A_1190, %select_n3A_1185 : i32
    %select_n3A_1192 = arith.select %and3A_1189, %add3A_1141, %select_n3A_1186 : i32
    %ge3A_1193 = arith.cmpi sge, %add3A_1141, %sub3A_971 : i32
    %lt3A_1194 = arith.cmpi slt, %add3A_1140, %sub3A_971 : i32
    %and3A_1195 = arith.andi %ge3A_1193, %lt3A_1194 : i1
    %jit3A_1196 = arith.constant 7 : i32
    %select_n3A_1197 = arith.select %and3A_1195, %jit3A_1196, %select_n3A_1191 : i32
    %select_n3A_1198 = arith.select %and3A_1195, %add3A_1140, %select_n3A_1192 : i32
    %ge3A_1199 = arith.cmpi sge, %add3A_1140, %sub3A_971 : i32
    %lt3A_1200 = arith.cmpi slt, %add3A_1139, %sub3A_971 : i32
    %and3A_1201 = arith.andi %ge3A_1199, %lt3A_1200 : i1
    %jit3A_1202 = arith.constant 8 : i32
    %select_n3A_1203 = arith.select %and3A_1201, %jit3A_1202, %select_n3A_1197 : i32
    %select_n3A_1204 = arith.select %and3A_1201, %add3A_1139, %select_n3A_1198 : i32
    %ge3A_1205 = arith.cmpi sge, %add3A_1139, %sub3A_971 : i32
    %lt3A_1206 = arith.cmpi slt, %add3A_1138, %sub3A_971 : i32
    %and3A_1207 = arith.andi %ge3A_1205, %lt3A_1206 : i1
    %jit3A_1208 = arith.constant 9 : i32
    %select_n3A_1209 = arith.select %and3A_1207, %jit3A_1208, %select_n3A_1203 : i32
    %select_n3A_1210 = arith.select %and3A_1207, %add3A_1138, %select_n3A_1204 : i32
    %ge3A_1211 = arith.cmpi sge, %add3A_1138, %sub3A_971 : i32
    %lt3A_1212 = arith.cmpi slt, %add3A_1137, %sub3A_971 : i32
    %and3A_1213 = arith.andi %ge3A_1211, %lt3A_1212 : i1
    %jit3A_1214 = arith.constant 10 : i32
    %select_n3A_1215 = arith.select %and3A_1213, %jit3A_1214, %select_n3A_1209 : i32
    %select_n3A_1216 = arith.select %and3A_1213, %add3A_1137, %select_n3A_1210 : i32
    %ge3A_1217 = arith.cmpi sge, %add3A_1137, %sub3A_971 : i32
    %lt3A_1218 = arith.cmpi slt, %add3A_1136, %sub3A_971 : i32
    %and3A_1219 = arith.andi %ge3A_1217, %lt3A_1218 : i1
    %jit3A_1220 = arith.constant 11 : i32
    %select_n3A_1221 = arith.select %and3A_1219, %jit3A_1220, %select_n3A_1215 : i32
    %select_n3A_1222 = arith.select %and3A_1219, %add3A_1136, %select_n3A_1216 : i32
    %ge3A_1223 = arith.cmpi sge, %add3A_1136, %sub3A_971 : i32
    %lt3A_1224 = arith.cmpi slt, %add3A_1135, %sub3A_971 : i32
    %and3A_1225 = arith.andi %ge3A_1223, %lt3A_1224 : i1
    %jit3A_1226 = arith.constant 12 : i32
    %select_n3A_1227 = arith.select %and3A_1225, %jit3A_1226, %select_n3A_1221 : i32
    %select_n3A_1228 = arith.select %and3A_1225, %add3A_1135, %select_n3A_1222 : i32
    %ge3A_1229 = arith.cmpi sge, %add3A_1135, %sub3A_971 : i32
    %lt3A_1230 = arith.cmpi slt, %add3A_1134, %sub3A_971 : i32
    %and3A_1231 = arith.andi %ge3A_1229, %lt3A_1230 : i1
    %jit3A_1232 = arith.constant 13 : i32
    %select_n3A_1233 = arith.select %and3A_1231, %jit3A_1232, %select_n3A_1227 : i32
    %select_n3A_1234 = arith.select %and3A_1231, %add3A_1134, %select_n3A_1228 : i32
    %ge3A_1235 = arith.cmpi sge, %add3A_1134, %sub3A_971 : i32
    %lt3A_1236 = arith.cmpi slt, %add3A_1133, %sub3A_971 : i32
    %and3A_1237 = arith.andi %ge3A_1235, %lt3A_1236 : i1
    %jit3A_1238 = arith.constant 14 : i32
    %select_n3A_1239 = arith.select %and3A_1237, %jit3A_1238, %select_n3A_1233 : i32
    %select_n3A_1240 = arith.select %and3A_1237, %add3A_1133, %select_n3A_1234 : i32
    %ge3A_1241 = arith.cmpi sge, %add3A_1133, %sub3A_971 : i32
    %lt3A_1242 = arith.constant 0 : i32
    %lt3A_1243 = arith.cmpi slt, %lt3A_1242, %sub3A_971 : i32
    %and3A_1244 = arith.andi %ge3A_1241, %lt3A_1243 : i1
    %jit3A_1245 = arith.constant 15 : i32
    %select_n3A_1246 = arith.select %and3A_1244, %jit3A_1245, %select_n3A_1239 : i32
    %jit3A_1247 = arith.constant 0 : i32
    %select_n3A_1248 = arith.select %and3A_1244, %jit3A_1247, %select_n3A_1240 : i32
    %eq3A_1249 = arith.constant 0 : i32
    %eq3A_1250 = arith.cmpi eq, %select_n3A_1246, %eq3A_1249 : i32
    %select_n3A_1251 = arith.select %eq3A_1250, %convert_element_type3A_1052, %convert_element_type3A_1067 : vector<16xi32>
    %eq3A_1252 = arith.constant 0 : i32
    %eq3A_1253 = arith.cmpi eq, %select_n3A_1246, %eq3A_1252 : i32
    %select_n3A_1254 = arith.select %eq3A_1253, %scan3A_1049#16, %scan3A_1049#31 : vector<16xf32>
    %eq3A_1255 = arith.constant 1 : i32
    %eq3A_1256 = arith.cmpi eq, %select_n3A_1246, %eq3A_1255 : i32
    %select_n3A_1257 = arith.select %eq3A_1256, %convert_element_type3A_1053, %select_n3A_1251 : vector<16xi32>
    %eq3A_1258 = arith.constant 1 : i32
    %eq3A_1259 = arith.cmpi eq, %select_n3A_1246, %eq3A_1258 : i32
    %select_n3A_1260 = arith.select %eq3A_1259, %scan3A_1049#17, %select_n3A_1254 : vector<16xf32>
    %eq3A_1261 = arith.constant 2 : i32
    %eq3A_1262 = arith.cmpi eq, %select_n3A_1246, %eq3A_1261 : i32
    %select_n3A_1263 = arith.select %eq3A_1262, %convert_element_type3A_1054, %select_n3A_1257 : vector<16xi32>
    %eq3A_1264 = arith.constant 2 : i32
    %eq3A_1265 = arith.cmpi eq, %select_n3A_1246, %eq3A_1264 : i32
    %select_n3A_1266 = arith.select %eq3A_1265, %scan3A_1049#18, %select_n3A_1260 : vector<16xf32>
    %eq3A_1267 = arith.constant 3 : i32
    %eq3A_1268 = arith.cmpi eq, %select_n3A_1246, %eq3A_1267 : i32
    %select_n3A_1269 = arith.select %eq3A_1268, %convert_element_type3A_1055, %select_n3A_1263 : vector<16xi32>
    %eq3A_1270 = arith.constant 3 : i32
    %eq3A_1271 = arith.cmpi eq, %select_n3A_1246, %eq3A_1270 : i32
    %select_n3A_1272 = arith.select %eq3A_1271, %scan3A_1049#19, %select_n3A_1266 : vector<16xf32>
    %eq3A_1273 = arith.constant 4 : i32
    %eq3A_1274 = arith.cmpi eq, %select_n3A_1246, %eq3A_1273 : i32
    %select_n3A_1275 = arith.select %eq3A_1274, %convert_element_type3A_1056, %select_n3A_1269 : vector<16xi32>
    %eq3A_1276 = arith.constant 4 : i32
    %eq3A_1277 = arith.cmpi eq, %select_n3A_1246, %eq3A_1276 : i32
    %select_n3A_1278 = arith.select %eq3A_1277, %scan3A_1049#20, %select_n3A_1272 : vector<16xf32>
    %eq3A_1279 = arith.constant 5 : i32
    %eq3A_1280 = arith.cmpi eq, %select_n3A_1246, %eq3A_1279 : i32
    %select_n3A_1281 = arith.select %eq3A_1280, %convert_element_type3A_1057, %select_n3A_1275 : vector<16xi32>
    %eq3A_1282 = arith.constant 5 : i32
    %eq3A_1283 = arith.cmpi eq, %select_n3A_1246, %eq3A_1282 : i32
    %select_n3A_1284 = arith.select %eq3A_1283, %scan3A_1049#21, %select_n3A_1278 : vector<16xf32>
    %eq3A_1285 = arith.constant 6 : i32
    %eq3A_1286 = arith.cmpi eq, %select_n3A_1246, %eq3A_1285 : i32
    %select_n3A_1287 = arith.select %eq3A_1286, %convert_element_type3A_1058, %select_n3A_1281 : vector<16xi32>
    %eq3A_1288 = arith.constant 6 : i32
    %eq3A_1289 = arith.cmpi eq, %select_n3A_1246, %eq3A_1288 : i32
    %select_n3A_1290 = arith.select %eq3A_1289, %scan3A_1049#22, %select_n3A_1284 : vector<16xf32>
    %eq3A_1291 = arith.constant 7 : i32
    %eq3A_1292 = arith.cmpi eq, %select_n3A_1246, %eq3A_1291 : i32
    %select_n3A_1293 = arith.select %eq3A_1292, %convert_element_type3A_1059, %select_n3A_1287 : vector<16xi32>
    %eq3A_1294 = arith.constant 7 : i32
    %eq3A_1295 = arith.cmpi eq, %select_n3A_1246, %eq3A_1294 : i32
    %select_n3A_1296 = arith.select %eq3A_1295, %scan3A_1049#23, %select_n3A_1290 : vector<16xf32>
    %eq3A_1297 = arith.constant 8 : i32
    %eq3A_1298 = arith.cmpi eq, %select_n3A_1246, %eq3A_1297 : i32
    %select_n3A_1299 = arith.select %eq3A_1298, %convert_element_type3A_1060, %select_n3A_1293 : vector<16xi32>
    %eq3A_1300 = arith.constant 8 : i32
    %eq3A_1301 = arith.cmpi eq, %select_n3A_1246, %eq3A_1300 : i32
    %select_n3A_1302 = arith.select %eq3A_1301, %scan3A_1049#24, %select_n3A_1296 : vector<16xf32>
    %eq3A_1303 = arith.constant 9 : i32
    %eq3A_1304 = arith.cmpi eq, %select_n3A_1246, %eq3A_1303 : i32
    %select_n3A_1305 = arith.select %eq3A_1304, %convert_element_type3A_1061, %select_n3A_1299 : vector<16xi32>
    %eq3A_1306 = arith.constant 9 : i32
    %eq3A_1307 = arith.cmpi eq, %select_n3A_1246, %eq3A_1306 : i32
    %select_n3A_1308 = arith.select %eq3A_1307, %scan3A_1049#25, %select_n3A_1302 : vector<16xf32>
    %eq3A_1309 = arith.constant 10 : i32
    %eq3A_1310 = arith.cmpi eq, %select_n3A_1246, %eq3A_1309 : i32
    %select_n3A_1311 = arith.select %eq3A_1310, %convert_element_type3A_1062, %select_n3A_1305 : vector<16xi32>
    %eq3A_1312 = arith.constant 10 : i32
    %eq3A_1313 = arith.cmpi eq, %select_n3A_1246, %eq3A_1312 : i32
    %select_n3A_1314 = arith.select %eq3A_1313, %scan3A_1049#26, %select_n3A_1308 : vector<16xf32>
    %eq3A_1315 = arith.constant 11 : i32
    %eq3A_1316 = arith.cmpi eq, %select_n3A_1246, %eq3A_1315 : i32
    %select_n3A_1317 = arith.select %eq3A_1316, %convert_element_type3A_1063, %select_n3A_1311 : vector<16xi32>
    %eq3A_1318 = arith.constant 11 : i32
    %eq3A_1319 = arith.cmpi eq, %select_n3A_1246, %eq3A_1318 : i32
    %select_n3A_1320 = arith.select %eq3A_1319, %scan3A_1049#27, %select_n3A_1314 : vector<16xf32>
    %eq3A_1321 = arith.constant 12 : i32
    %eq3A_1322 = arith.cmpi eq, %select_n3A_1246, %eq3A_1321 : i32
    %select_n3A_1323 = arith.select %eq3A_1322, %convert_element_type3A_1064, %select_n3A_1317 : vector<16xi32>
    %eq3A_1324 = arith.constant 12 : i32
    %eq3A_1325 = arith.cmpi eq, %select_n3A_1246, %eq3A_1324 : i32
    %select_n3A_1326 = arith.select %eq3A_1325, %scan3A_1049#28, %select_n3A_1320 : vector<16xf32>
    %eq3A_1327 = arith.constant 13 : i32
    %eq3A_1328 = arith.cmpi eq, %select_n3A_1246, %eq3A_1327 : i32
    %select_n3A_1329 = arith.select %eq3A_1328, %convert_element_type3A_1065, %select_n3A_1323 : vector<16xi32>
    %eq3A_1330 = arith.constant 13 : i32
    %eq3A_1331 = arith.cmpi eq, %select_n3A_1246, %eq3A_1330 : i32
    %select_n3A_1332 = arith.select %eq3A_1331, %scan3A_1049#29, %select_n3A_1326 : vector<16xf32>
    %eq3A_1333 = arith.constant 14 : i32
    %eq3A_1334 = arith.cmpi eq, %select_n3A_1246, %eq3A_1333 : i32
    %select_n3A_1335 = arith.select %eq3A_1334, %convert_element_type3A_1066, %select_n3A_1329 : vector<16xi32>
    %eq3A_1336 = arith.constant 14 : i32
    %eq3A_1337 = arith.cmpi eq, %select_n3A_1246, %eq3A_1336 : i32
    %select_n3A_1338 = arith.select %eq3A_1337, %scan3A_1049#30, %select_n3A_1332 : vector<16xf32>
    %rev3A_1339 = arith.constant 15 : i32
    %rev3A_1340 = vector.broadcast %rev3A_1339 : i32 to vector<16xi32>
    %rev3A_1341 = tpu.iota {dimensions = array<i32: 0>} : vector<16xi32>
    %rev3A_1342 = arith.subi %rev3A_1340, %rev3A_1341 : vector<16xi32>
    %rev3A_1343 = tpu.dynamic_gather %select_n3A_1335[%rev3A_1342] in [0] : vector<16xi32>, vector<16xi32> -> vector<16xi32>
    %cumsum3A_1344 = arith.constant true
    %cumsum3A_1345 = vector.broadcast %cumsum3A_1344 : i1 to vector<16xi1>
    %cumsum3A_1346 = tpu.scan <sum>, %rev3A_1343 masked %cumsum3A_1345 : vector<16xi32>, vector<16xi1> -> vector<16xi32>
    %rev3A_1347 = arith.constant 15 : i32
    %rev3A_1348 = vector.broadcast %rev3A_1347 : i32 to vector<16xi32>
    %rev3A_1349 = tpu.iota {dimensions = array<i32: 0>} : vector<16xi32>
    %rev3A_1350 = arith.subi %rev3A_1348, %rev3A_1349 : vector<16xi32>
    %rev3A_1351 = tpu.dynamic_gather %cumsum3A_1346[%rev3A_1350] in [0] : vector<16xi32>, vector<16xi32> -> vector<16xi32>
    %add3A_1352 = vector.broadcast %select_n3A_1248 : i32 to vector<16xi32>
    %add3A_1353 = arith.addi %rev3A_1351, %add3A_1352 : vector<16xi32>
    %ge3A_1354 = vector.broadcast %sub3A_971 : i32 to vector<16xi32>
    %ge3A_1355 = arith.cmpi sge, %add3A_1353, %ge3A_1354 : vector<16xi32>
    %jit3A_1356 = arith.constant -1 : i32
    %broadcast_in_dim3A_1357 = vector.broadcast %jit3A_1356 : i32 to vector<16xi32>
    %select_n3A_1358 = arith.select %ge3A_1355, %iota3A, %broadcast_in_dim3A_1357 : vector<16xi1>, vector<16xi32>
    %reduce_max3A_1359 = arith.constant true
    %reduce_max3A_1360 = vector.broadcast %reduce_max3A_1359 : i1 to vector<16xi1>
    %reduce_max3A_1361 = arith.constant -2147483648 : i32
    %reduce_max3A_1362 = vector.broadcast %reduce_max3A_1361 : i32 to vector<16xi32>
    %reduce_max3A_1363 = arith.xori %select_n3A_1358, %reduce_max3A_1362 : vector<16xi32>
    %reduce_max3A_1364 = tpu.scan <max>, %reduce_max3A_1363 masked %reduce_max3A_1360 : vector<16xi32>, vector<16xi1> -> vector<16xi32>
    %reduce_max3A_1365 = arith.xori %reduce_max3A_1364, %reduce_max3A_1362 : vector<16xi32>
    %reduce_max3A_1366 = vector.extract %reduce_max3A_1365[15] : i32 from vector<16xi32>
    %mul3A_1367 = arith.constant 16 : i32
    %mul3A_1368 = arith.muli %select_n3A_1246, %mul3A_1367 : i32
    %add3A_1369 = arith.addi %mul3A_1368, %reduce_max3A_1366 : i32
    %gt3A_1370 = vector.broadcast %reduce_max3A_1366 : i32 to vector<16xi32>
    %gt3A_1371 = arith.cmpi sgt, %iota3A, %gt3A_1370 : vector<16xi32>
    %jit3A_1372 = arith.constant 0 : i32
    %broadcast_in_dim3A_1373 = vector.broadcast %jit3A_1372 : i32 to vector<16xi32>
    %select_n3A_1374 = arith.select %gt3A_1371, %select_n3A_1335, %broadcast_in_dim3A_1373 : vector<16xi1>, vector<16xi32>
    %reduce_sum3A_1375 = arith.constant true
    %reduce_sum3A_1376 = vector.broadcast %reduce_sum3A_1375 : i1 to vector<16xi1>
    %reduce_sum3A_1377 = tpu.scan <sum>, %select_n3A_1374 masked %reduce_sum3A_1376 : vector<16xi32>, vector<16xi1> -> vector<16xi32>
    %reduce_sum3A_1378 = vector.extract %reduce_sum3A_1377[15] : i32 from vector<16xi32>
    %add3A_1379 = arith.addi %select_n3A_1248, %reduce_sum3A_1378 : i32
    %lt3A_1380 = arith.constant 0 : i32
    %lt3A_1381 = arith.cmpi slt, %select_n3A_1246, %lt3A_1380 : i32
    %select_n3A_1382 = arith.select %lt3A_1381, %scan3A_1049#16, %broadcast_in_dim3A_2 : vector<16xf32>
    %add3A_1383 = arith.addf %broadcast_in_dim3A_2, %select_n3A_1382 : vector<16xf32>
    %lt3A_1384 = arith.constant 1 : i32
    %lt3A_1385 = arith.cmpi slt, %select_n3A_1246, %lt3A_1384 : i32
    %select_n3A_1386 = arith.select %lt3A_1385, %scan3A_1049#17, %broadcast_in_dim3A_2 : vector<16xf32>
    %add3A_1387 = arith.addf %add3A_1383, %select_n3A_1386 : vector<16xf32>
    %lt3A_1388 = arith.constant 2 : i32
    %lt3A_1389 = arith.cmpi slt, %select_n3A_1246, %lt3A_1388 : i32
    %select_n3A_1390 = arith.select %lt3A_1389, %scan3A_1049#18, %broadcast_in_dim3A_2 : vector<16xf32>
    %add3A_1391 = arith.addf %add3A_1387, %select_n3A_1390 : vector<16xf32>
    %lt3A_1392 = arith.constant 3 : i32
    %lt3A_1393 = arith.cmpi slt, %select_n3A_1246, %lt3A_1392 : i32
    %select_n3A_1394 = arith.select %lt3A_1393, %scan3A_1049#19, %broadcast_in_dim3A_2 : vector<16xf32>
    %add3A_1395 = arith.addf %add3A_1391, %select_n3A_1394 : vector<16xf32>
    %lt3A_1396 = arith.constant 4 : i32
    %lt3A_1397 = arith.cmpi slt, %select_n3A_1246, %lt3A_1396 : i32
    %select_n3A_1398 = arith.select %lt3A_1397, %scan3A_1049#20, %broadcast_in_dim3A_2 : vector<16xf32>
    %add3A_1399 = arith.addf %add3A_1395, %select_n3A_1398 : vector<16xf32>
    %lt3A_1400 = arith.constant 5 : i32
    %lt3A_1401 = arith.cmpi slt, %select_n3A_1246, %lt3A_1400 : i32
    %select_n3A_1402 = arith.select %lt3A_1401, %scan3A_1049#21, %broadcast_in_dim3A_2 : vector<16xf32>
    %add3A_1403 = arith.addf %add3A_1399, %select_n3A_1402 : vector<16xf32>
    %lt3A_1404 = arith.constant 6 : i32
    %lt3A_1405 = arith.cmpi slt, %select_n3A_1246, %lt3A_1404 : i32
    %select_n3A_1406 = arith.select %lt3A_1405, %scan3A_1049#22, %broadcast_in_dim3A_2 : vector<16xf32>
    %add3A_1407 = arith.addf %add3A_1403, %select_n3A_1406 : vector<16xf32>
    %lt3A_1408 = arith.constant 7 : i32
    %lt3A_1409 = arith.cmpi slt, %select_n3A_1246, %lt3A_1408 : i32
    %select_n3A_1410 = arith.select %lt3A_1409, %scan3A_1049#23, %broadcast_in_dim3A_2 : vector<16xf32>
    %add3A_1411 = arith.addf %add3A_1407, %select_n3A_1410 : vector<16xf32>
    %lt3A_1412 = arith.constant 8 : i32
    %lt3A_1413 = arith.cmpi slt, %select_n3A_1246, %lt3A_1412 : i32
    %select_n3A_1414 = arith.select %lt3A_1413, %scan3A_1049#24, %broadcast_in_dim3A_2 : vector<16xf32>
    %add3A_1415 = arith.addf %add3A_1411, %select_n3A_1414 : vector<16xf32>
    %lt3A_1416 = arith.constant 9 : i32
    %lt3A_1417 = arith.cmpi slt, %select_n3A_1246, %lt3A_1416 : i32
    %select_n3A_1418 = arith.select %lt3A_1417, %scan3A_1049#25, %broadcast_in_dim3A_2 : vector<16xf32>
    %add3A_1419 = arith.addf %add3A_1415, %select_n3A_1418 : vector<16xf32>
    %lt3A_1420 = arith.constant 10 : i32
    %lt3A_1421 = arith.cmpi slt, %select_n3A_1246, %lt3A_1420 : i32
    %select_n3A_1422 = arith.select %lt3A_1421, %scan3A_1049#26, %broadcast_in_dim3A_2 : vector<16xf32>
    %add3A_1423 = arith.addf %add3A_1419, %select_n3A_1422 : vector<16xf32>
    %lt3A_1424 = arith.constant 11 : i32
    %lt3A_1425 = arith.cmpi slt, %select_n3A_1246, %lt3A_1424 : i32
    %select_n3A_1426 = arith.select %lt3A_1425, %scan3A_1049#27, %broadcast_in_dim3A_2 : vector<16xf32>
    %add3A_1427 = arith.addf %add3A_1423, %select_n3A_1426 : vector<16xf32>
    %lt3A_1428 = arith.constant 12 : i32
    %lt3A_1429 = arith.cmpi slt, %select_n3A_1246, %lt3A_1428 : i32
    %select_n3A_1430 = arith.select %lt3A_1429, %scan3A_1049#28, %broadcast_in_dim3A_2 : vector<16xf32>
    %add3A_1431 = arith.addf %add3A_1427, %select_n3A_1430 : vector<16xf32>
    %lt3A_1432 = arith.constant 13 : i32
    %lt3A_1433 = arith.cmpi slt, %select_n3A_1246, %lt3A_1432 : i32
    %select_n3A_1434 = arith.select %lt3A_1433, %scan3A_1049#29, %broadcast_in_dim3A_2 : vector<16xf32>
    %add3A_1435 = arith.addf %add3A_1431, %select_n3A_1434 : vector<16xf32>
    %lt3A_1436 = arith.constant 14 : i32
    %lt3A_1437 = arith.cmpi slt, %select_n3A_1246, %lt3A_1436 : i32
    %select_n3A_1438 = arith.select %lt3A_1437, %scan3A_1049#30, %broadcast_in_dim3A_2 : vector<16xf32>
    %add3A_1439 = arith.addf %add3A_1435, %select_n3A_1438 : vector<16xf32>
    %lt3A_1440 = arith.constant 15 : i32
    %lt3A_1441 = arith.cmpi slt, %select_n3A_1246, %lt3A_1440 : i32
    %select_n3A_1442 = arith.select %lt3A_1441, %scan3A_1049#31, %broadcast_in_dim3A_2 : vector<16xf32>
    %add3A_1443 = arith.addf %add3A_1439, %select_n3A_1442 : vector<16xf32>
    %gt3A_1444 = vector.broadcast %reduce_max3A_1366 : i32 to vector<16xi32>
    %gt3A_1445 = arith.cmpi sgt, %iota3A, %gt3A_1444 : vector<16xi32>
    %jit3A_1446 = arith.constant 0.000000e+00 : f32
    %broadcast_in_dim3A_1447 = vector.broadcast %jit3A_1446 : f32 to vector<16xf32>
    %select_n3A_1448 = arith.select %gt3A_1445, %select_n3A_1338, %broadcast_in_dim3A_1447 : vector<16xi1>, vector<16xf32>
    %add3A_1449 = arith.addf %add3A_1443, %select_n3A_1448 : vector<16xf32>
    %sub3A_1450 = arith.subi %sub3A_971, %add3A_1379 : i32
    %add3A_1451 = arith.addi %add3A_972, %add3A_1379 : i32
    %add3A_1452 = arith.addf %add3A_973, %add3A_1449 : vector<16xf32>
    %shift_left3A_1453 = arith.constant 8 : i32
    %shift_left3A_1454 = arith.shli %or3A, %shift_left3A_1453 : i32
    %or3A_1455 = arith.ori %shift_left3A_1454, %add3A_1369 : i32
    %swap3A_1456 = arith.constant 0 : index
    %swap3A_1457 = tpu.vector_load %arg9[%swap3A_1456] {strides = array<i32>} : memref<512xf32, #tpu.memory_space<vmem>>, vector<16xf32>,
    tpu.vector_store %arg9[%swap3A_1456], %broadcast_in_dim3A_2 {strides = array<i32>} : memref<512xf32, #tpu.memory_space<vmem>>, vector<16xf32>,
    %swap3A_1458 = arith.constant 16 : index
    %swap3A_1459 = tpu.vector_load %arg9[%swap3A_1458] {strides = array<i32>} : memref<512xf32, #tpu.memory_space<vmem>>, vector<16xf32>,
    tpu.vector_store %arg9[%swap3A_1458], %broadcast_in_dim3A_2 {strides = array<i32>} : memref<512xf32, #tpu.memory_space<vmem>>, vector<16xf32>,
    %swap3A_1460 = arith.constant 32 : index
    %swap3A_1461 = tpu.vector_load %arg9[%swap3A_1460] {strides = array<i32>} : memref<512xf32, #tpu.memory_space<vmem>>, vector<16xf32>,
    tpu.vector_store %arg9[%swap3A_1460], %broadcast_in_dim3A_2 {strides = array<i32>} : memref<512xf32, #tpu.memory_space<vmem>>, vector<16xf32>,
    %swap3A_1462 = arith.constant 48 : index
    %swap3A_1463 = tpu.vector_load %arg9[%swap3A_1462] {strides = array<i32>} : memref<512xf32, #tpu.memory_space<vmem>>, vector<16xf32>,
    tpu.vector_store %arg9[%swap3A_1462], %broadcast_in_dim3A_2 {strides = array<i32>} : memref<512xf32, #tpu.memory_space<vmem>>, vector<16xf32>,
    %swap3A_1464 = arith.constant 64 : index
    %swap3A_1465 = tpu.vector_load %arg9[%swap3A_1464] {strides = array<i32>} : memref<512xf32, #tpu.memory_space<vmem>>, vector<16xf32>,
    tpu.vector_store %arg9[%swap3A_1464], %broadcast_in_dim3A_2 {strides = array<i32>} : memref<512xf32, #tpu.memory_space<vmem>>, vector<16xf32>,
    %swap3A_1466 = arith.constant 80 : index
    %swap3A_1467 = tpu.vector_load %arg9[%swap3A_1466] {strides = array<i32>} : memref<512xf32, #tpu.memory_space<vmem>>, vector<16xf32>,
    tpu.vector_store %arg9[%swap3A_1466], %broadcast_in_dim3A_2 {strides = array<i32>} : memref<512xf32, #tpu.memory_space<vmem>>, vector<16xf32>,
    %swap3A_1468 = arith.constant 96 : index
    %swap3A_1469 = tpu.vector_load %arg9[%swap3A_1468] {strides = array<i32>} : memref<512xf32, #tpu.memory_space<vmem>>, vector<16xf32>,
    tpu.vector_store %arg9[%swap3A_1468], %broadcast_in_dim3A_2 {strides = array<i32>} : memref<512xf32, #tpu.memory_space<vmem>>, vector<16xf32>,
    %swap3A_1470 = arith.constant 112 : index
    %swap3A_1471 = tpu.vector_load %arg9[%swap3A_1470] {strides = array<i32>} : memref<512xf32, #tpu.memory_space<vmem>>, vector<16xf32>,
    tpu.vector_store %arg9[%swap3A_1470], %broadcast_in_dim3A_2 {strides = array<i32>} : memref<512xf32, #tpu.memory_space<vmem>>, vector<16xf32>,
    %swap3A_1472 = arith.constant 128 : index
    %swap3A_1473 = tpu.vector_load %arg9[%swap3A_1472] {strides = array<i32>} : memref<512xf32, #tpu.memory_space<vmem>>, vector<16xf32>,
    tpu.vector_store %arg9[%swap3A_1472], %broadcast_in_dim3A_2 {strides = array<i32>} : memref<512xf32, #tpu.memory_space<vmem>>, vector<16xf32>,
    %swap3A_1474 = arith.constant 144 : index
    %swap3A_1475 = tpu.vector_load %arg9[%swap3A_1474] {strides = array<i32>} : memref<512xf32, #tpu.memory_space<vmem>>, vector<16xf32>,
    tpu.vector_store %arg9[%swap3A_1474], %broadcast_in_dim3A_2 {strides = array<i32>} : memref<512xf32, #tpu.memory_space<vmem>>, vector<16xf32>,
    %swap3A_1476 = arith.constant 160 : index
    %swap3A_1477 = tpu.vector_load %arg9[%swap3A_1476] {strides = array<i32>} : memref<512xf32, #tpu.memory_space<vmem>>, vector<16xf32>,
    tpu.vector_store %arg9[%swap3A_1476], %broadcast_in_dim3A_2 {strides = array<i32>} : memref<512xf32, #tpu.memory_space<vmem>>, vector<16xf32>,
    %swap3A_1478 = arith.constant 176 : index
    %swap3A_1479 = tpu.vector_load %arg9[%swap3A_1478] {strides = array<i32>} : memref<512xf32, #tpu.memory_space<vmem>>, vector<16xf32>,
    tpu.vector_store %arg9[%swap3A_1478], %broadcast_in_dim3A_2 {strides = array<i32>} : memref<512xf32, #tpu.memory_space<vmem>>, vector<16xf32>,
    %swap3A_1480 = arith.constant 192 : index
    %swap3A_1481 = tpu.vector_load %arg9[%swap3A_1480] {strides = array<i32>} : memref<512xf32, #tpu.memory_space<vmem>>, vector<16xf32>,
    tpu.vector_store %arg9[%swap3A_1480], %broadcast_in_dim3A_2 {strides = array<i32>} : memref<512xf32, #tpu.memory_space<vmem>>, vector<16xf32>,
    %swap3A_1482 = arith.constant 208 : index
    %swap3A_1483 = tpu.vector_load %arg9[%swap3A_1482] {strides = array<i32>} : memref<512xf32, #tpu.memory_space<vmem>>, vector<16xf32>,
    tpu.vector_store %arg9[%swap3A_1482], %broadcast_in_dim3A_2 {strides = array<i32>} : memref<512xf32, #tpu.memory_space<vmem>>, vector<16xf32>,
    %swap3A_1484 = arith.constant 224 : index
    %swap3A_1485 = tpu.vector_load %arg9[%swap3A_1484] {strides = array<i32>} : memref<512xf32, #tpu.memory_space<vmem>>, vector<16xf32>,
    tpu.vector_store %arg9[%swap3A_1484], %broadcast_in_dim3A_2 {strides = array<i32>} : memref<512xf32, #tpu.memory_space<vmem>>, vector<16xf32>,
    %swap3A_1486 = arith.constant 240 : index
    %swap3A_1487 = tpu.vector_load %arg9[%swap3A_1486] {strides = array<i32>} : memref<512xf32, #tpu.memory_space<vmem>>, vector<16xf32>,
    tpu.vector_store %arg9[%swap3A_1486], %broadcast_in_dim3A_2 {strides = array<i32>} : memref<512xf32, #tpu.memory_space<vmem>>, vector<16xf32>,
    %swap3A_1488 = arith.constant 256 : index
    %swap3A_1489 = tpu.vector_load %arg9[%swap3A_1488] {strides = array<i32>} : memref<512xf32, #tpu.memory_space<vmem>>, vector<16xf32>,
    tpu.vector_store %arg9[%swap3A_1488], %broadcast_in_dim3A_2 {strides = array<i32>} : memref<512xf32, #tpu.memory_space<vmem>>, vector<16xf32>,
    %swap3A_1490 = arith.constant 272 : index
    %swap3A_1491 = tpu.vector_load %arg9[%swap3A_1490] {strides = array<i32>} : memref<512xf32, #tpu.memory_space<vmem>>, vector<16xf32>,
    tpu.vector_store %arg9[%swap3A_1490], %broadcast_in_dim3A_2 {strides = array<i32>} : memref<512xf32, #tpu.memory_space<vmem>>, vector<16xf32>,
    %swap3A_1492 = arith.constant 288 : index
    %swap3A_1493 = tpu.vector_load %arg9[%swap3A_1492] {strides = array<i32>} : memref<512xf32, #tpu.memory_space<vmem>>, vector<16xf32>,
    tpu.vector_store %arg9[%swap3A_1492], %broadcast_in_dim3A_2 {strides = array<i32>} : memref<512xf32, #tpu.memory_space<vmem>>, vector<16xf32>,
    %swap3A_1494 = arith.constant 304 : index
    %swap3A_1495 = tpu.vector_load %arg9[%swap3A_1494] {strides = array<i32>} : memref<512xf32, #tpu.memory_space<vmem>>, vector<16xf32>,
    tpu.vector_store %arg9[%swap3A_1494], %broadcast_in_dim3A_2 {strides = array<i32>} : memref<512xf32, #tpu.memory_space<vmem>>, vector<16xf32>,
    %swap3A_1496 = arith.constant 320 : index
    %swap3A_1497 = tpu.vector_load %arg9[%swap3A_1496] {strides = array<i32>} : memref<512xf32, #tpu.memory_space<vmem>>, vector<16xf32>,
    tpu.vector_store %arg9[%swap3A_1496], %broadcast_in_dim3A_2 {strides = array<i32>} : memref<512xf32, #tpu.memory_space<vmem>>, vector<16xf32>,
    %swap3A_1498 = arith.constant 336 : index
    %swap3A_1499 = tpu.vector_load %arg9[%swap3A_1498] {strides = array<i32>} : memref<512xf32, #tpu.memory_space<vmem>>, vector<16xf32>,
    tpu.vector_store %arg9[%swap3A_1498], %broadcast_in_dim3A_2 {strides = array<i32>} : memref<512xf32, #tpu.memory_space<vmem>>, vector<16xf32>,
    %swap3A_1500 = arith.constant 352 : index
    %swap3A_1501 = tpu.vector_load %arg9[%swap3A_1500] {strides = array<i32>} : memref<512xf32, #tpu.memory_space<vmem>>, vector<16xf32>,
    tpu.vector_store %arg9[%swap3A_1500], %broadcast_in_dim3A_2 {strides = array<i32>} : memref<512xf32, #tpu.memory_space<vmem>>, vector<16xf32>,
    %swap3A_1502 = arith.constant 368 : index
    %swap3A_1503 = tpu.vector_load %arg9[%swap3A_1502] {strides = array<i32>} : memref<512xf32, #tpu.memory_space<vmem>>, vector<16xf32>,
    tpu.vector_store %arg9[%swap3A_1502], %broadcast_in_dim3A_2 {strides = array<i32>} : memref<512xf32, #tpu.memory_space<vmem>>, vector<16xf32>,
    %swap3A_1504 = arith.constant 384 : index
    %swap3A_1505 = tpu.vector_load %arg9[%swap3A_1504] {strides = array<i32>} : memref<512xf32, #tpu.memory_space<vmem>>, vector<16xf32>,
    tpu.vector_store %arg9[%swap3A_1504], %broadcast_in_dim3A_2 {strides = array<i32>} : memref<512xf32, #tpu.memory_space<vmem>>, vector<16xf32>,
    %swap3A_1506 = arith.constant 400 : index
    %swap3A_1507 = tpu.vector_load %arg9[%swap3A_1506] {strides = array<i32>} : memref<512xf32, #tpu.memory_space<vmem>>, vector<16xf32>,
    tpu.vector_store %arg9[%swap3A_1506], %broadcast_in_dim3A_2 {strides = array<i32>} : memref<512xf32, #tpu.memory_space<vmem>>, vector<16xf32>,
    %swap3A_1508 = arith.constant 416 : index
    %swap3A_1509 = tpu.vector_load %arg9[%swap3A_1508] {strides = array<i32>} : memref<512xf32, #tpu.memory_space<vmem>>, vector<16xf32>,
    tpu.vector_store %arg9[%swap3A_1508], %broadcast_in_dim3A_2 {strides = array<i32>} : memref<512xf32, #tpu.memory_space<vmem>>, vector<16xf32>,
    %swap3A_1510 = arith.constant 432 : index
    %swap3A_1511 = tpu.vector_load %arg9[%swap3A_1510] {strides = array<i32>} : memref<512xf32, #tpu.memory_space<vmem>>, vector<16xf32>,
    tpu.vector_store %arg9[%swap3A_1510], %broadcast_in_dim3A_2 {strides = array<i32>} : memref<512xf32, #tpu.memory_space<vmem>>, vector<16xf32>,
    %swap3A_1512 = arith.constant 448 : index
    %swap3A_1513 = tpu.vector_load %arg9[%swap3A_1512] {strides = array<i32>} : memref<512xf32, #tpu.memory_space<vmem>>, vector<16xf32>,
    tpu.vector_store %arg9[%swap3A_1512], %broadcast_in_dim3A_2 {strides = array<i32>} : memref<512xf32, #tpu.memory_space<vmem>>, vector<16xf32>,
    %swap3A_1514 = arith.constant 464 : index
    %swap3A_1515 = tpu.vector_load %arg9[%swap3A_1514] {strides = array<i32>} : memref<512xf32, #tpu.memory_space<vmem>>, vector<16xf32>,
    tpu.vector_store %arg9[%swap3A_1514], %broadcast_in_dim3A_2 {strides = array<i32>} : memref<512xf32, #tpu.memory_space<vmem>>, vector<16xf32>,
    %swap3A_1516 = arith.constant 480 : index
    %swap3A_1517 = tpu.vector_load %arg9[%swap3A_1516] {strides = array<i32>} : memref<512xf32, #tpu.memory_space<vmem>>, vector<16xf32>,
    tpu.vector_store %arg9[%swap3A_1516], %broadcast_in_dim3A_2 {strides = array<i32>} : memref<512xf32, #tpu.memory_space<vmem>>, vector<16xf32>,
    %swap3A_1518 = arith.constant 496 : index
    %swap3A_1519 = tpu.vector_load %arg9[%swap3A_1518] {strides = array<i32>} : memref<512xf32, #tpu.memory_space<vmem>>, vector<16xf32>,
    tpu.vector_store %arg9[%swap3A_1518], %broadcast_in_dim3A_2 {strides = array<i32>} : memref<512xf32, #tpu.memory_space<vmem>>, vector<16xf32>,
    %parallel_loop3A_1520 = arith.constant 0 : i32
    %parallel_loop3A_1521 = arith.constant 1024 : i32
    %parallel_loop3A_1522 = arith.constant 1 : i32
    scf.for %parallel_loop3A_1957 = %parallel_loop3A_1520 to %parallel_loop3A_1521 step %parallel_loop3A_1522  : i32 {
      %parallel_loop3A_1958 = arith.constant 16 : i32
      %parallel_loop3A_1959 = arith.muli %parallel_loop3A_1957, %parallel_loop3A_1958 : i32
      %parallel_loop3A_1960 = arith.index_cast %parallel_loop3A_1959 : i32 to index
      %parallel_loop3A_1961 = tpu.vector_load %arg8[%parallel_loop3A_1960] {strides = array<i32>} : memref<16384xi32, #tpu.memory_space<vmem>>, vector<16xi32>,
      %parallel_loop3A_1962 = arith.constant 7 : i32
      %parallel_loop3A_1963 = vector.broadcast %parallel_loop3A_1962 : i32 to vector<16xi32>
      %parallel_loop3A_1964 = arith.shrui %parallel_loop3A_1961, %parallel_loop3A_1963 : vector<16xi32>
      %parallel_loop3A_1965 = vector.broadcast %or3A_1455 : i32 to vector<16xi32>
      %parallel_loop3A_1966 = arith.cmpi eq, %parallel_loop3A_1964, %parallel_loop3A_1965 : vector<16xi32>
      %parallel_loop3A_1967 = arith.constant 0 : i32
      %parallel_loop3A_1968 = vector.broadcast %parallel_loop3A_1967 : i32 to vector<16xi32>
      %parallel_loop3A_1969 = arith.shrui %parallel_loop3A_1961, %parallel_loop3A_1968 : vector<16xi32>
      %parallel_loop3A_1970 = arith.constant 127 : i32
      %parallel_loop3A_1971 = vector.broadcast %parallel_loop3A_1970 : i32 to vector<16xi32>
      %parallel_loop3A_1972 = arith.andi %parallel_loop3A_1969, %parallel_loop3A_1971 : vector<16xi32>
      tpu.vector_store_idx %arg9[%parallel_loop3A_1972], %broadcast_in_dim3A_0 masked %parallel_loop3A_1966 {add = true} : memref<512xf32, #tpu.memory_space<vmem>>[vector<16xi32>], vector<16xf32>, vector<16xi1>
      %parallel_loop3A_1973 = arith.constant 256 : i32
      %parallel_loop3A_1974 = vector.broadcast %parallel_loop3A_1973 : i32 to vector<16xi32>
      %parallel_loop3A_1975 = arith.addi %parallel_loop3A_1972, %parallel_loop3A_1974 : vector<16xi32>
      %parallel_loop3A_1976 = vector.bitcast %parallel_loop3A_1961 : vector<16xi32> to vector<16xf32>
      tpu.vector_store_idx %arg9[%parallel_loop3A_1975], %parallel_loop3A_1976 masked %parallel_loop3A_1966 {add = true} : memref<512xf32, #tpu.memory_space<vmem>>[vector<16xi32>], vector<16xf32>, vector<16xi1>
    } {sc.loop_unroll_factor = 8 : i64, sc.parallel_access}
    %mul3A_1523 = arith.constant 512 : i32
    %mul3A_1524 = arith.muli %arg1, %mul3A_1523 : i32
    "tpu.region"() ({
      %run_scoped3A = tpu.sem_alloc : memref<!tpu.dma_semaphore, #tpu.memory_space<semaphore_mem>>
      %dma_start3A = tpu.memref_slice %arg5[%mul3A_1524] : memref<8192xf32, #tpu.memory_space<hbm>> -> memref<512xf32, #tpu.memory_space<hbm>>
      %dma_start3A_1957 = tpu.memref_slice %arg5[%mul3A_1524] : memref<8192xf32, #tpu.memory_space<hbm>> -> memref<512xf32, #tpu.memory_space<hbm>>
      tpu.enqueue_dma source(%arg9 : memref<512xf32, #tpu.memory_space<vmem>>) target(%dma_start3A_1957 : memref<512xf32, #tpu.memory_space<hbm>>) target_semaphore(%run_scoped3A : memref<!tpu.dma_semaphore, #tpu.memory_space<semaphore_mem>>)
      %dma_wait3A = tpu.memref_slice %arg5[%mul3A_1524] : memref<8192xf32, #tpu.memory_space<hbm>> -> memref<512xf32, #tpu.memory_space<hbm>>
      %dma_wait3A_1958 = tpu.memref_slice %arg5[%mul3A_1524] : memref<8192xf32, #tpu.memory_space<hbm>> -> memref<512xf32, #tpu.memory_space<hbm>>
      tpu.wait_dma2 semaphore(%run_scoped3A : memref<!tpu.dma_semaphore, #tpu.memory_space<semaphore_mem>>) src(%arg9 : memref<512xf32, #tpu.memory_space<vmem>>) dst(%dma_wait3A_1958 : memref<512xf32, #tpu.memory_space<hbm>>)
      tpu.yield
    }) : () -> ()
    %barrier3A_1525 = arith.constant 0 : index
    tpu.barrier barrier_id(%barrier3A_1525)
    "tpu.region"() ({
      %run_scoped3A = tpu.sem_alloc : memref<!tpu.dma_semaphore, #tpu.memory_space<semaphore_mem>>
      tpu.enqueue_dma source(%arg5 : memref<8192xf32, #tpu.memory_space<hbm>>) target(%arg10 : memref<8192xf32, #tpu.memory_space<vmem>>) target_semaphore(%run_scoped3A : memref<!tpu.dma_semaphore, #tpu.memory_space<semaphore_mem>>)
      tpu.wait_dma2 semaphore(%run_scoped3A : memref<!tpu.dma_semaphore, #tpu.memory_space<semaphore_mem>>) src(%arg5 : memref<8192xf32, #tpu.memory_space<hbm>>) dst(%arg10 : memref<8192xf32, #tpu.memory_space<vmem>>)
      tpu.yield
    }) : () -> ()
    %scan3A_1526 = arith.constant 0 : i32
    %scan3A_1527 = arith.constant 16 : i32
    %scan3A_1528 = arith.addi %scan3A_1526, %scan3A_1527 : i32
    %scan3A_1529 = arith.constant 1 : i32
    %scan3A_1530:32 = scf.for %scan3A_1957 = %scan3A_1526 to %scan3A_1528 step %scan3A_1529 iter_args(%scan3A_1958 = %broadcast_in_dim3A_2, %scan3A_1959 = %broadcast_in_dim3A_2, %scan3A_1960 = %broadcast_in_dim3A_2, %scan3A_1961 = %broadcast_in_dim3A_2, %scan3A_1962 = %broadcast_in_dim3A_2, %scan3A_1963 = %broadcast_in_dim3A_2, %scan3A_1964 = %broadcast_in_dim3A_2, %scan3A_1965 = %broadcast_in_dim3A_2, %scan3A_1966 = %broadcast_in_dim3A_2, %scan3A_1967 = %broadcast_in_dim3A_2, %scan3A_1968 = %broadcast_in_dim3A_2, %scan3A_1969 = %broadcast_in_dim3A_2, %scan3A_1970 = %broadcast_in_dim3A_2, %scan3A_1971 = %broadcast_in_dim3A_2, %scan3A_1972 = %broadcast_in_dim3A_2, %scan3A_1973 = %broadcast_in_dim3A_2, %scan3A_1974 = %broadcast_in_dim3A_2, %scan3A_1975 = %broadcast_in_dim3A_2, %scan3A_1976 = %broadcast_in_dim3A_2, %scan3A_1977 = %broadcast_in_dim3A_2, %scan3A_1978 = %broadcast_in_dim3A_2, %scan3A_1979 = %broadcast_in_dim3A_2, %scan3A_1980 = %broadcast_in_dim3A_2, %scan3A_1981 = %broadcast_in_dim3A_2, %scan3A_1982 = %broadcast_in_dim3A_2, %scan3A_1983 = %broadcast_in_dim3A_2, %scan3A_1984 = %broadcast_in_dim3A_2, %scan3A_1985 = %broadcast_in_dim3A_2, %scan3A_1986 = %broadcast_in_dim3A_2, %scan3A_1987 = %broadcast_in_dim3A_2, %scan3A_1988 = %broadcast_in_dim3A_2, %scan3A_1989 = %broadcast_in_dim3A_2) -> (vector<16xf32>, vector<16xf32>, vector<16xf32>, vector<16xf32>, vector<16xf32>, vector<16xf32>, vector<16xf32>, vector<16xf32>, vector<16xf32>, vector<16xf32>, vector<16xf32>, vector<16xf32>, vector<16xf32>, vector<16xf32>, vector<16xf32>, vector<16xf32>, vector<16xf32>, vector<16xf32>, vector<16xf32>, vector<16xf32>, vector<16xf32>, vector<16xf32>, vector<16xf32>, vector<16xf32>, vector<16xf32>, vector<16xf32>, vector<16xf32>, vector<16xf32>, vector<16xf32>, vector<16xf32>, vector<16xf32>, vector<16xf32>)  : i32 {
      %mul3A_1990 = arith.constant 512 : i32
      %mul3A_1991 = arith.muli %scan3A_1957, %mul3A_1990 : i32
      %add3A_1992 = arith.constant 0 : i32
      %add3A_1993 = arith.addi %mul3A_1991, %add3A_1992 : i32
      %get3A = arith.index_cast %add3A_1993 : i32 to index
      %get3A_1994 = tpu.vector_load %arg10[%get3A] {strides = array<i32>} : memref<8192xf32, #tpu.memory_space<vmem>>, vector<16xf32>,
      %add3A_1995 = arith.addf %scan3A_1958, %get3A_1994 : vector<16xf32>
      %mul3A_1996 = arith.constant 512 : i32
      %mul3A_1997 = arith.muli %scan3A_1957, %mul3A_1996 : i32
      %add3A_1998 = arith.constant 16 : i32
      %add3A_1999 = arith.addi %mul3A_1997, %add3A_1998 : i32
      %get3A_2000 = arith.index_cast %add3A_1999 : i32 to index
      %get3A_2001 = tpu.vector_load %arg10[%get3A_2000] {strides = array<i32>} : memref<8192xf32, #tpu.memory_space<vmem>>, vector<16xf32>,
      %add3A_2002 = arith.addf %scan3A_1959, %get3A_2001 : vector<16xf32>
      %mul3A_2003 = arith.constant 512 : i32
      %mul3A_2004 = arith.muli %scan3A_1957, %mul3A_2003 : i32
      %add3A_2005 = arith.constant 32 : i32
      %add3A_2006 = arith.addi %mul3A_2004, %add3A_2005 : i32
      %get3A_2007 = arith.index_cast %add3A_2006 : i32 to index
      %get3A_2008 = tpu.vector_load %arg10[%get3A_2007] {strides = array<i32>} : memref<8192xf32, #tpu.memory_space<vmem>>, vector<16xf32>,
      %add3A_2009 = arith.addf %scan3A_1960, %get3A_2008 : vector<16xf32>
      %mul3A_2010 = arith.constant 512 : i32
      %mul3A_2011 = arith.muli %scan3A_1957, %mul3A_2010 : i32
      %add3A_2012 = arith.constant 48 : i32
      %add3A_2013 = arith.addi %mul3A_2011, %add3A_2012 : i32
      %get3A_2014 = arith.index_cast %add3A_2013 : i32 to index
      %get3A_2015 = tpu.vector_load %arg10[%get3A_2014] {strides = array<i32>} : memref<8192xf32, #tpu.memory_space<vmem>>, vector<16xf32>,
      %add3A_2016 = arith.addf %scan3A_1961, %get3A_2015 : vector<16xf32>
      %mul3A_2017 = arith.constant 512 : i32
      %mul3A_2018 = arith.muli %scan3A_1957, %mul3A_2017 : i32
      %add3A_2019 = arith.constant 64 : i32
      %add3A_2020 = arith.addi %mul3A_2018, %add3A_2019 : i32
      %get3A_2021 = arith.index_cast %add3A_2020 : i32 to index
      %get3A_2022 = tpu.vector_load %arg10[%get3A_2021] {strides = array<i32>} : memref<8192xf32, #tpu.memory_space<vmem>>, vector<16xf32>,
      %add3A_2023 = arith.addf %scan3A_1962, %get3A_2022 : vector<16xf32>
      %mul3A_2024 = arith.constant 512 : i32
      %mul3A_2025 = arith.muli %scan3A_1957, %mul3A_2024 : i32
      %add3A_2026 = arith.constant 80 : i32
      %add3A_2027 = arith.addi %mul3A_2025, %add3A_2026 : i32
      %get3A_2028 = arith.index_cast %add3A_2027 : i32 to index
      %get3A_2029 = tpu.vector_load %arg10[%get3A_2028] {strides = array<i32>} : memref<8192xf32, #tpu.memory_space<vmem>>, vector<16xf32>,
      %add3A_2030 = arith.addf %scan3A_1963, %get3A_2029 : vector<16xf32>
      %mul3A_2031 = arith.constant 512 : i32
      %mul3A_2032 = arith.muli %scan3A_1957, %mul3A_2031 : i32
      %add3A_2033 = arith.constant 96 : i32
      %add3A_2034 = arith.addi %mul3A_2032, %add3A_2033 : i32
      %get3A_2035 = arith.index_cast %add3A_2034 : i32 to index
      %get3A_2036 = tpu.vector_load %arg10[%get3A_2035] {strides = array<i32>} : memref<8192xf32, #tpu.memory_space<vmem>>, vector<16xf32>,
      %add3A_2037 = arith.addf %scan3A_1964, %get3A_2036 : vector<16xf32>
      %mul3A_2038 = arith.constant 512 : i32
      %mul3A_2039 = arith.muli %scan3A_1957, %mul3A_2038 : i32
      %add3A_2040 = arith.constant 112 : i32
      %add3A_2041 = arith.addi %mul3A_2039, %add3A_2040 : i32
      %get3A_2042 = arith.index_cast %add3A_2041 : i32 to index
      %get3A_2043 = tpu.vector_load %arg10[%get3A_2042] {strides = array<i32>} : memref<8192xf32, #tpu.memory_space<vmem>>, vector<16xf32>,
      %add3A_2044 = arith.addf %scan3A_1965, %get3A_2043 : vector<16xf32>
      %mul3A_2045 = arith.constant 512 : i32
      %mul3A_2046 = arith.muli %scan3A_1957, %mul3A_2045 : i32
      %add3A_2047 = arith.constant 128 : i32
      %add3A_2048 = arith.addi %mul3A_2046, %add3A_2047 : i32
      %get3A_2049 = arith.index_cast %add3A_2048 : i32 to index
      %get3A_2050 = tpu.vector_load %arg10[%get3A_2049] {strides = array<i32>} : memref<8192xf32, #tpu.memory_space<vmem>>, vector<16xf32>,
      %add3A_2051 = arith.addf %scan3A_1966, %get3A_2050 : vector<16xf32>
      %mul3A_2052 = arith.constant 512 : i32
      %mul3A_2053 = arith.muli %scan3A_1957, %mul3A_2052 : i32
      %add3A_2054 = arith.constant 144 : i32
      %add3A_2055 = arith.addi %mul3A_2053, %add3A_2054 : i32
      %get3A_2056 = arith.index_cast %add3A_2055 : i32 to index
      %get3A_2057 = tpu.vector_load %arg10[%get3A_2056] {strides = array<i32>} : memref<8192xf32, #tpu.memory_space<vmem>>, vector<16xf32>,
      %add3A_2058 = arith.addf %scan3A_1967, %get3A_2057 : vector<16xf32>
      %mul3A_2059 = arith.constant 512 : i32
      %mul3A_2060 = arith.muli %scan3A_1957, %mul3A_2059 : i32
      %add3A_2061 = arith.constant 160 : i32
      %add3A_2062 = arith.addi %mul3A_2060, %add3A_2061 : i32
      %get3A_2063 = arith.index_cast %add3A_2062 : i32 to index
      %get3A_2064 = tpu.vector_load %arg10[%get3A_2063] {strides = array<i32>} : memref<8192xf32, #tpu.memory_space<vmem>>, vector<16xf32>,
      %add3A_2065 = arith.addf %scan3A_1968, %get3A_2064 : vector<16xf32>
      %mul3A_2066 = arith.constant 512 : i32
      %mul3A_2067 = arith.muli %scan3A_1957, %mul3A_2066 : i32
      %add3A_2068 = arith.constant 176 : i32
      %add3A_2069 = arith.addi %mul3A_2067, %add3A_2068 : i32
      %get3A_2070 = arith.index_cast %add3A_2069 : i32 to index
      %get3A_2071 = tpu.vector_load %arg10[%get3A_2070] {strides = array<i32>} : memref<8192xf32, #tpu.memory_space<vmem>>, vector<16xf32>,
      %add3A_2072 = arith.addf %scan3A_1969, %get3A_2071 : vector<16xf32>
      %mul3A_2073 = arith.constant 512 : i32
      %mul3A_2074 = arith.muli %scan3A_1957, %mul3A_2073 : i32
      %add3A_2075 = arith.constant 192 : i32
      %add3A_2076 = arith.addi %mul3A_2074, %add3A_2075 : i32
      %get3A_2077 = arith.index_cast %add3A_2076 : i32 to index
      %get3A_2078 = tpu.vector_load %arg10[%get3A_2077] {strides = array<i32>} : memref<8192xf32, #tpu.memory_space<vmem>>, vector<16xf32>,
      %add3A_2079 = arith.addf %scan3A_1970, %get3A_2078 : vector<16xf32>
      %mul3A_2080 = arith.constant 512 : i32
      %mul3A_2081 = arith.muli %scan3A_1957, %mul3A_2080 : i32
      %add3A_2082 = arith.constant 208 : i32
      %add3A_2083 = arith.addi %mul3A_2081, %add3A_2082 : i32
      %get3A_2084 = arith.index_cast %add3A_2083 : i32 to index
      %get3A_2085 = tpu.vector_load %arg10[%get3A_2084] {strides = array<i32>} : memref<8192xf32, #tpu.memory_space<vmem>>, vector<16xf32>,
      %add3A_2086 = arith.addf %scan3A_1971, %get3A_2085 : vector<16xf32>
      %mul3A_2087 = arith.constant 512 : i32
      %mul3A_2088 = arith.muli %scan3A_1957, %mul3A_2087 : i32
      %add3A_2089 = arith.constant 224 : i32
      %add3A_2090 = arith.addi %mul3A_2088, %add3A_2089 : i32
      %get3A_2091 = arith.index_cast %add3A_2090 : i32 to index
      %get3A_2092 = tpu.vector_load %arg10[%get3A_2091] {strides = array<i32>} : memref<8192xf32, #tpu.memory_space<vmem>>, vector<16xf32>,
      %add3A_2093 = arith.addf %scan3A_1972, %get3A_2092 : vector<16xf32>
      %mul3A_2094 = arith.constant 512 : i32
      %mul3A_2095 = arith.muli %scan3A_1957, %mul3A_2094 : i32
      %add3A_2096 = arith.constant 240 : i32
      %add3A_2097 = arith.addi %mul3A_2095, %add3A_2096 : i32
      %get3A_2098 = arith.index_cast %add3A_2097 : i32 to index
      %get3A_2099 = tpu.vector_load %arg10[%get3A_2098] {strides = array<i32>} : memref<8192xf32, #tpu.memory_space<vmem>>, vector<16xf32>,
      %add3A_2100 = arith.addf %scan3A_1973, %get3A_2099 : vector<16xf32>
      %mul3A_2101 = arith.constant 512 : i32
      %mul3A_2102 = arith.muli %scan3A_1957, %mul3A_2101 : i32
      %add3A_2103 = arith.constant 256 : i32
      %add3A_2104 = arith.addi %mul3A_2102, %add3A_2103 : i32
      %get3A_2105 = arith.index_cast %add3A_2104 : i32 to index
      %get3A_2106 = tpu.vector_load %arg10[%get3A_2105] {strides = array<i32>} : memref<8192xf32, #tpu.memory_space<vmem>>, vector<16xf32>,
      %add3A_2107 = arith.addf %scan3A_1974, %get3A_2106 : vector<16xf32>
      %mul3A_2108 = arith.constant 512 : i32
      %mul3A_2109 = arith.muli %scan3A_1957, %mul3A_2108 : i32
      %add3A_2110 = arith.constant 272 : i32
      %add3A_2111 = arith.addi %mul3A_2109, %add3A_2110 : i32
      %get3A_2112 = arith.index_cast %add3A_2111 : i32 to index
      %get3A_2113 = tpu.vector_load %arg10[%get3A_2112] {strides = array<i32>} : memref<8192xf32, #tpu.memory_space<vmem>>, vector<16xf32>,
      %add3A_2114 = arith.addf %scan3A_1975, %get3A_2113 : vector<16xf32>
      %mul3A_2115 = arith.constant 512 : i32
      %mul3A_2116 = arith.muli %scan3A_1957, %mul3A_2115 : i32
      %add3A_2117 = arith.constant 288 : i32
      %add3A_2118 = arith.addi %mul3A_2116, %add3A_2117 : i32
      %get3A_2119 = arith.index_cast %add3A_2118 : i32 to index
      %get3A_2120 = tpu.vector_load %arg10[%get3A_2119] {strides = array<i32>} : memref<8192xf32, #tpu.memory_space<vmem>>, vector<16xf32>,
      %add3A_2121 = arith.addf %scan3A_1976, %get3A_2120 : vector<16xf32>
      %mul3A_2122 = arith.constant 512 : i32
      %mul3A_2123 = arith.muli %scan3A_1957, %mul3A_2122 : i32
      %add3A_2124 = arith.constant 304 : i32
      %add3A_2125 = arith.addi %mul3A_2123, %add3A_2124 : i32
      %get3A_2126 = arith.index_cast %add3A_2125 : i32 to index
      %get3A_2127 = tpu.vector_load %arg10[%get3A_2126] {strides = array<i32>} : memref<8192xf32, #tpu.memory_space<vmem>>, vector<16xf32>,
      %add3A_2128 = arith.addf %scan3A_1977, %get3A_2127 : vector<16xf32>
      %mul3A_2129 = arith.constant 512 : i32
      %mul3A_2130 = arith.muli %scan3A_1957, %mul3A_2129 : i32
      %add3A_2131 = arith.constant 320 : i32
      %add3A_2132 = arith.addi %mul3A_2130, %add3A_2131 : i32
      %get3A_2133 = arith.index_cast %add3A_2132 : i32 to index
      %get3A_2134 = tpu.vector_load %arg10[%get3A_2133] {strides = array<i32>} : memref<8192xf32, #tpu.memory_space<vmem>>, vector<16xf32>,
      %add3A_2135 = arith.addf %scan3A_1978, %get3A_2134 : vector<16xf32>
      %mul3A_2136 = arith.constant 512 : i32
      %mul3A_2137 = arith.muli %scan3A_1957, %mul3A_2136 : i32
      %add3A_2138 = arith.constant 336 : i32
      %add3A_2139 = arith.addi %mul3A_2137, %add3A_2138 : i32
      %get3A_2140 = arith.index_cast %add3A_2139 : i32 to index
      %get3A_2141 = tpu.vector_load %arg10[%get3A_2140] {strides = array<i32>} : memref<8192xf32, #tpu.memory_space<vmem>>, vector<16xf32>,
      %add3A_2142 = arith.addf %scan3A_1979, %get3A_2141 : vector<16xf32>
      %mul3A_2143 = arith.constant 512 : i32
      %mul3A_2144 = arith.muli %scan3A_1957, %mul3A_2143 : i32
      %add3A_2145 = arith.constant 352 : i32
      %add3A_2146 = arith.addi %mul3A_2144, %add3A_2145 : i32
      %get3A_2147 = arith.index_cast %add3A_2146 : i32 to index
      %get3A_2148 = tpu.vector_load %arg10[%get3A_2147] {strides = array<i32>} : memref<8192xf32, #tpu.memory_space<vmem>>, vector<16xf32>,
      %add3A_2149 = arith.addf %scan3A_1980, %get3A_2148 : vector<16xf32>
      %mul3A_2150 = arith.constant 512 : i32
      %mul3A_2151 = arith.muli %scan3A_1957, %mul3A_2150 : i32
      %add3A_2152 = arith.constant 368 : i32
      %add3A_2153 = arith.addi %mul3A_2151, %add3A_2152 : i32
      %get3A_2154 = arith.index_cast %add3A_2153 : i32 to index
      %get3A_2155 = tpu.vector_load %arg10[%get3A_2154] {strides = array<i32>} : memref<8192xf32, #tpu.memory_space<vmem>>, vector<16xf32>,
      %add3A_2156 = arith.addf %scan3A_1981, %get3A_2155 : vector<16xf32>
      %mul3A_2157 = arith.constant 512 : i32
      %mul3A_2158 = arith.muli %scan3A_1957, %mul3A_2157 : i32
      %add3A_2159 = arith.constant 384 : i32
      %add3A_2160 = arith.addi %mul3A_2158, %add3A_2159 : i32
      %get3A_2161 = arith.index_cast %add3A_2160 : i32 to index
      %get3A_2162 = tpu.vector_load %arg10[%get3A_2161] {strides = array<i32>} : memref<8192xf32, #tpu.memory_space<vmem>>, vector<16xf32>,
      %add3A_2163 = arith.addf %scan3A_1982, %get3A_2162 : vector<16xf32>
      %mul3A_2164 = arith.constant 512 : i32
      %mul3A_2165 = arith.muli %scan3A_1957, %mul3A_2164 : i32
      %add3A_2166 = arith.constant 400 : i32
      %add3A_2167 = arith.addi %mul3A_2165, %add3A_2166 : i32
      %get3A_2168 = arith.index_cast %add3A_2167 : i32 to index
      %get3A_2169 = tpu.vector_load %arg10[%get3A_2168] {strides = array<i32>} : memref<8192xf32, #tpu.memory_space<vmem>>, vector<16xf32>,
      %add3A_2170 = arith.addf %scan3A_1983, %get3A_2169 : vector<16xf32>
      %mul3A_2171 = arith.constant 512 : i32
      %mul3A_2172 = arith.muli %scan3A_1957, %mul3A_2171 : i32
      %add3A_2173 = arith.constant 416 : i32
      %add3A_2174 = arith.addi %mul3A_2172, %add3A_2173 : i32
      %get3A_2175 = arith.index_cast %add3A_2174 : i32 to index
      %get3A_2176 = tpu.vector_load %arg10[%get3A_2175] {strides = array<i32>} : memref<8192xf32, #tpu.memory_space<vmem>>, vector<16xf32>,
      %add3A_2177 = arith.addf %scan3A_1984, %get3A_2176 : vector<16xf32>
      %mul3A_2178 = arith.constant 512 : i32
      %mul3A_2179 = arith.muli %scan3A_1957, %mul3A_2178 : i32
      %add3A_2180 = arith.constant 432 : i32
      %add3A_2181 = arith.addi %mul3A_2179, %add3A_2180 : i32
      %get3A_2182 = arith.index_cast %add3A_2181 : i32 to index
      %get3A_2183 = tpu.vector_load %arg10[%get3A_2182] {strides = array<i32>} : memref<8192xf32, #tpu.memory_space<vmem>>, vector<16xf32>,
      %add3A_2184 = arith.addf %scan3A_1985, %get3A_2183 : vector<16xf32>
      %mul3A_2185 = arith.constant 512 : i32
      %mul3A_2186 = arith.muli %scan3A_1957, %mul3A_2185 : i32
      %add3A_2187 = arith.constant 448 : i32
      %add3A_2188 = arith.addi %mul3A_2186, %add3A_2187 : i32
      %get3A_2189 = arith.index_cast %add3A_2188 : i32 to index
      %get3A_2190 = tpu.vector_load %arg10[%get3A_2189] {strides = array<i32>} : memref<8192xf32, #tpu.memory_space<vmem>>, vector<16xf32>,
      %add3A_2191 = arith.addf %scan3A_1986, %get3A_2190 : vector<16xf32>
      %mul3A_2192 = arith.constant 512 : i32
      %mul3A_2193 = arith.muli %scan3A_1957, %mul3A_2192 : i32
      %add3A_2194 = arith.constant 464 : i32
      %add3A_2195 = arith.addi %mul3A_2193, %add3A_2194 : i32
      %get3A_2196 = arith.index_cast %add3A_2195 : i32 to index
      %get3A_2197 = tpu.vector_load %arg10[%get3A_2196] {strides = array<i32>} : memref<8192xf32, #tpu.memory_space<vmem>>, vector<16xf32>,
      %add3A_2198 = arith.addf %scan3A_1987, %get3A_2197 : vector<16xf32>
      %mul3A_2199 = arith.constant 512 : i32
      %mul3A_2200 = arith.muli %scan3A_1957, %mul3A_2199 : i32
      %add3A_2201 = arith.constant 480 : i32
      %add3A_2202 = arith.addi %mul3A_2200, %add3A_2201 : i32
      %get3A_2203 = arith.index_cast %add3A_2202 : i32 to index
      %get3A_2204 = tpu.vector_load %arg10[%get3A_2203] {strides = array<i32>} : memref<8192xf32, #tpu.memory_space<vmem>>, vector<16xf32>,
      %add3A_2205 = arith.addf %scan3A_1988, %get3A_2204 : vector<16xf32>
      %mul3A_2206 = arith.constant 512 : i32
      %mul3A_2207 = arith.muli %scan3A_1957, %mul3A_2206 : i32
      %add3A_2208 = arith.constant 496 : i32
      %add3A_2209 = arith.addi %mul3A_2207, %add3A_2208 : i32
      %get3A_2210 = arith.index_cast %add3A_2209 : i32 to index
      %get3A_2211 = tpu.vector_load %arg10[%get3A_2210] {strides = array<i32>} : memref<8192xf32, #tpu.memory_space<vmem>>, vector<16xf32>,
      %add3A_2212 = arith.addf %scan3A_1989, %get3A_2211 : vector<16xf32>
      scf.yield %add3A_1995, %add3A_2002, %add3A_2009, %add3A_2016, %add3A_2023, %add3A_2030, %add3A_2037, %add3A_2044, %add3A_2051, %add3A_2058, %add3A_2065, %add3A_2072, %add3A_2079, %add3A_2086, %add3A_2093, %add3A_2100, %add3A_2107, %add3A_2114, %add3A_2121, %add3A_2128, %add3A_2135, %add3A_2142, %add3A_2149, %add3A_2156, %add3A_2163, %add3A_2170, %add3A_2177, %add3A_2184, %add3A_2191, %add3A_2198, %add3A_2205, %add3A_2212 : vector<16xf32>, vector<16xf32>, vector<16xf32>, vector<16xf32>, vector<16xf32>, vector<16xf32>, vector<16xf32>, vector<16xf32>, vector<16xf32>, vector<16xf32>, vector<16xf32>, vector<16xf32>, vector<16xf32>, vector<16xf32>, vector<16xf32>, vector<16xf32>, vector<16xf32>, vector<16xf32>, vector<16xf32>, vector<16xf32>, vector<16xf32>, vector<16xf32>, vector<16xf32>, vector<16xf32>, vector<16xf32>, vector<16xf32>, vector<16xf32>, vector<16xf32>, vector<16xf32>, vector<16xf32>, vector<16xf32>, vector<16xf32>
    }
    %scan3A_1531 = arith.constant 16 : i32
    %barrier3A_1532 = arith.constant 0 : index
    tpu.barrier barrier_id(%barrier3A_1532)
    %convert_element_type3A_1533 = arith.fptosi %scan3A_1530#0 : vector<16xf32> to vector<16xi32>
    %convert_element_type3A_1534 = arith.fptosi %scan3A_1530#1 : vector<16xf32> to vector<16xi32>
    %convert_element_type3A_1535 = arith.fptosi %scan3A_1530#2 : vector<16xf32> to vector<16xi32>
    %convert_element_type3A_1536 = arith.fptosi %scan3A_1530#3 : vector<16xf32> to vector<16xi32>
    %convert_element_type3A_1537 = arith.fptosi %scan3A_1530#4 : vector<16xf32> to vector<16xi32>
    %convert_element_type3A_1538 = arith.fptosi %scan3A_1530#5 : vector<16xf32> to vector<16xi32>
    %convert_element_type3A_1539 = arith.fptosi %scan3A_1530#6 : vector<16xf32> to vector<16xi32>
    %convert_element_type3A_1540 = arith.fptosi %scan3A_1530#7 : vector<16xf32> to vector<16xi32>
    %convert_element_type3A_1541 = arith.fptosi %scan3A_1530#8 : vector<16xf32> to vector<16xi32>
    %convert_element_type3A_1542 = arith.fptosi %scan3A_1530#9 : vector<16xf32> to vector<16xi32>
    %convert_element_type3A_1543 = arith.fptosi %scan3A_1530#10 : vector<16xf32> to vector<16xi32>
    %convert_element_type3A_1544 = arith.fptosi %scan3A_1530#11 : vector<16xf32> to vector<16xi32>
    %convert_element_type3A_1545 = arith.fptosi %scan3A_1530#12 : vector<16xf32> to vector<16xi32>
    %convert_element_type3A_1546 = arith.fptosi %scan3A_1530#13 : vector<16xf32> to vector<16xi32>
    %convert_element_type3A_1547 = arith.fptosi %scan3A_1530#14 : vector<16xf32> to vector<16xi32>
    %convert_element_type3A_1548 = arith.fptosi %scan3A_1530#15 : vector<16xf32> to vector<16xi32>
    %reduce_sum3A_1549 = arith.constant true
    %reduce_sum3A_1550 = vector.broadcast %reduce_sum3A_1549 : i1 to vector<16xi1>
    %reduce_sum3A_1551 = tpu.scan <sum>, %convert_element_type3A_1533 masked %reduce_sum3A_1550 : vector<16xi32>, vector<16xi1> -> vector<16xi32>
    %reduce_sum3A_1552 = vector.extract %reduce_sum3A_1551[15] : i32 from vector<16xi32>
    %reduce_sum3A_1553 = arith.constant true
    %reduce_sum3A_1554 = vector.broadcast %reduce_sum3A_1553 : i1 to vector<16xi1>
    %reduce_sum3A_1555 = tpu.scan <sum>, %convert_element_type3A_1534 masked %reduce_sum3A_1554 : vector<16xi32>, vector<16xi1> -> vector<16xi32>
    %reduce_sum3A_1556 = vector.extract %reduce_sum3A_1555[15] : i32 from vector<16xi32>
    %reduce_sum3A_1557 = arith.constant true
    %reduce_sum3A_1558 = vector.broadcast %reduce_sum3A_1557 : i1 to vector<16xi1>
    %reduce_sum3A_1559 = tpu.scan <sum>, %convert_element_type3A_1535 masked %reduce_sum3A_1558 : vector<16xi32>, vector<16xi1> -> vector<16xi32>
    %reduce_sum3A_1560 = vector.extract %reduce_sum3A_1559[15] : i32 from vector<16xi32>
    %reduce_sum3A_1561 = arith.constant true
    %reduce_sum3A_1562 = vector.broadcast %reduce_sum3A_1561 : i1 to vector<16xi1>
    %reduce_sum3A_1563 = tpu.scan <sum>, %convert_element_type3A_1536 masked %reduce_sum3A_1562 : vector<16xi32>, vector<16xi1> -> vector<16xi32>
    %reduce_sum3A_1564 = vector.extract %reduce_sum3A_1563[15] : i32 from vector<16xi32>
    %reduce_sum3A_1565 = arith.constant true
    %reduce_sum3A_1566 = vector.broadcast %reduce_sum3A_1565 : i1 to vector<16xi1>
    %reduce_sum3A_1567 = tpu.scan <sum>, %convert_element_type3A_1537 masked %reduce_sum3A_1566 : vector<16xi32>, vector<16xi1> -> vector<16xi32>
    %reduce_sum3A_1568 = vector.extract %reduce_sum3A_1567[15] : i32 from vector<16xi32>
    %reduce_sum3A_1569 = arith.constant true
    %reduce_sum3A_1570 = vector.broadcast %reduce_sum3A_1569 : i1 to vector<16xi1>
    %reduce_sum3A_1571 = tpu.scan <sum>, %convert_element_type3A_1538 masked %reduce_sum3A_1570 : vector<16xi32>, vector<16xi1> -> vector<16xi32>
    %reduce_sum3A_1572 = vector.extract %reduce_sum3A_1571[15] : i32 from vector<16xi32>
    %reduce_sum3A_1573 = arith.constant true
    %reduce_sum3A_1574 = vector.broadcast %reduce_sum3A_1573 : i1 to vector<16xi1>
    %reduce_sum3A_1575 = tpu.scan <sum>, %convert_element_type3A_1539 masked %reduce_sum3A_1574 : vector<16xi32>, vector<16xi1> -> vector<16xi32>
    %reduce_sum3A_1576 = vector.extract %reduce_sum3A_1575[15] : i32 from vector<16xi32>
    %reduce_sum3A_1577 = arith.constant true
    %reduce_sum3A_1578 = vector.broadcast %reduce_sum3A_1577 : i1 to vector<16xi1>
    %reduce_sum3A_1579 = tpu.scan <sum>, %convert_element_type3A_1540 masked %reduce_sum3A_1578 : vector<16xi32>, vector<16xi1> -> vector<16xi32>
    %reduce_sum3A_1580 = vector.extract %reduce_sum3A_1579[15] : i32 from vector<16xi32>
    %reduce_sum3A_1581 = arith.constant true
    %reduce_sum3A_1582 = vector.broadcast %reduce_sum3A_1581 : i1 to vector<16xi1>
    %reduce_sum3A_1583 = tpu.scan <sum>, %convert_element_type3A_1541 masked %reduce_sum3A_1582 : vector<16xi32>, vector<16xi1> -> vector<16xi32>
    %reduce_sum3A_1584 = vector.extract %reduce_sum3A_1583[15] : i32 from vector<16xi32>
    %reduce_sum3A_1585 = arith.constant true
    %reduce_sum3A_1586 = vector.broadcast %reduce_sum3A_1585 : i1 to vector<16xi1>
    %reduce_sum3A_1587 = tpu.scan <sum>, %convert_element_type3A_1542 masked %reduce_sum3A_1586 : vector<16xi32>, vector<16xi1> -> vector<16xi32>
    %reduce_sum3A_1588 = vector.extract %reduce_sum3A_1587[15] : i32 from vector<16xi32>
    %reduce_sum3A_1589 = arith.constant true
    %reduce_sum3A_1590 = vector.broadcast %reduce_sum3A_1589 : i1 to vector<16xi1>
    %reduce_sum3A_1591 = tpu.scan <sum>, %convert_element_type3A_1543 masked %reduce_sum3A_1590 : vector<16xi32>, vector<16xi1> -> vector<16xi32>
    %reduce_sum3A_1592 = vector.extract %reduce_sum3A_1591[15] : i32 from vector<16xi32>
    %reduce_sum3A_1593 = arith.constant true
    %reduce_sum3A_1594 = vector.broadcast %reduce_sum3A_1593 : i1 to vector<16xi1>
    %reduce_sum3A_1595 = tpu.scan <sum>, %convert_element_type3A_1544 masked %reduce_sum3A_1594 : vector<16xi32>, vector<16xi1> -> vector<16xi32>
    %reduce_sum3A_1596 = vector.extract %reduce_sum3A_1595[15] : i32 from vector<16xi32>
    %reduce_sum3A_1597 = arith.constant true
    %reduce_sum3A_1598 = vector.broadcast %reduce_sum3A_1597 : i1 to vector<16xi1>
    %reduce_sum3A_1599 = tpu.scan <sum>, %convert_element_type3A_1545 masked %reduce_sum3A_1598 : vector<16xi32>, vector<16xi1> -> vector<16xi32>
    %reduce_sum3A_1600 = vector.extract %reduce_sum3A_1599[15] : i32 from vector<16xi32>
    %reduce_sum3A_1601 = arith.constant true
    %reduce_sum3A_1602 = vector.broadcast %reduce_sum3A_1601 : i1 to vector<16xi1>
    %reduce_sum3A_1603 = tpu.scan <sum>, %convert_element_type3A_1546 masked %reduce_sum3A_1602 : vector<16xi32>, vector<16xi1> -> vector<16xi32>
    %reduce_sum3A_1604 = vector.extract %reduce_sum3A_1603[15] : i32 from vector<16xi32>
    %reduce_sum3A_1605 = arith.constant true
    %reduce_sum3A_1606 = vector.broadcast %reduce_sum3A_1605 : i1 to vector<16xi1>
    %reduce_sum3A_1607 = tpu.scan <sum>, %convert_element_type3A_1547 masked %reduce_sum3A_1606 : vector<16xi32>, vector<16xi1> -> vector<16xi32>
    %reduce_sum3A_1608 = vector.extract %reduce_sum3A_1607[15] : i32 from vector<16xi32>
    %reduce_sum3A_1609 = arith.constant true
    %reduce_sum3A_1610 = vector.broadcast %reduce_sum3A_1609 : i1 to vector<16xi1>
    %reduce_sum3A_1611 = tpu.scan <sum>, %convert_element_type3A_1548 masked %reduce_sum3A_1610 : vector<16xi32>, vector<16xi1> -> vector<16xi32>
    %reduce_sum3A_1612 = vector.extract %reduce_sum3A_1611[15] : i32 from vector<16xi32>
    %add3A_1613 = arith.constant 0 : i32
    %add3A_1614 = arith.addi %add3A_1613, %reduce_sum3A_1612 : i32
    %add3A_1615 = arith.addi %add3A_1614, %reduce_sum3A_1608 : i32
    %add3A_1616 = arith.addi %add3A_1615, %reduce_sum3A_1604 : i32
    %add3A_1617 = arith.addi %add3A_1616, %reduce_sum3A_1600 : i32
    %add3A_1618 = arith.addi %add3A_1617, %reduce_sum3A_1596 : i32
    %add3A_1619 = arith.addi %add3A_1618, %reduce_sum3A_1592 : i32
    %add3A_1620 = arith.addi %add3A_1619, %reduce_sum3A_1588 : i32
    %add3A_1621 = arith.addi %add3A_1620, %reduce_sum3A_1584 : i32
    %add3A_1622 = arith.addi %add3A_1621, %reduce_sum3A_1580 : i32
    %add3A_1623 = arith.addi %add3A_1622, %reduce_sum3A_1576 : i32
    %add3A_1624 = arith.addi %add3A_1623, %reduce_sum3A_1572 : i32
    %add3A_1625 = arith.addi %add3A_1624, %reduce_sum3A_1568 : i32
    %add3A_1626 = arith.addi %add3A_1625, %reduce_sum3A_1564 : i32
    %add3A_1627 = arith.addi %add3A_1626, %reduce_sum3A_1560 : i32
    %add3A_1628 = arith.addi %add3A_1627, %reduce_sum3A_1556 : i32
    %add3A_1629 = arith.addi %add3A_1628, %reduce_sum3A_1552 : i32
    %ge3A_1630 = arith.cmpi sge, %add3A_1629, %sub3A_1450 : i32
    %lt3A_1631 = arith.cmpi slt, %add3A_1628, %sub3A_1450 : i32
    %and3A_1632 = arith.andi %ge3A_1630, %lt3A_1631 : i1
    %jit3A_1633 = arith.constant 0 : i32
    %jit3A_1634 = arith.constant 0 : i32
    %select_n3A_1635 = arith.select %and3A_1632, %jit3A_1633, %jit3A_1634 : i32
    %jit3A_1636 = arith.constant 0 : i32
    %select_n3A_1637 = arith.select %and3A_1632, %add3A_1628, %jit3A_1636 : i32
    %ge3A_1638 = arith.cmpi sge, %add3A_1628, %sub3A_1450 : i32
    %lt3A_1639 = arith.cmpi slt, %add3A_1627, %sub3A_1450 : i32
    %and3A_1640 = arith.andi %ge3A_1638, %lt3A_1639 : i1
    %jit3A_1641 = arith.constant 1 : i32
    %select_n3A_1642 = arith.select %and3A_1640, %jit3A_1641, %select_n3A_1635 : i32
    %select_n3A_1643 = arith.select %and3A_1640, %add3A_1627, %select_n3A_1637 : i32
    %ge3A_1644 = arith.cmpi sge, %add3A_1627, %sub3A_1450 : i32
    %lt3A_1645 = arith.cmpi slt, %add3A_1626, %sub3A_1450 : i32
    %and3A_1646 = arith.andi %ge3A_1644, %lt3A_1645 : i1
    %jit3A_1647 = arith.constant 2 : i32
    %select_n3A_1648 = arith.select %and3A_1646, %jit3A_1647, %select_n3A_1642 : i32
    %select_n3A_1649 = arith.select %and3A_1646, %add3A_1626, %select_n3A_1643 : i32
    %ge3A_1650 = arith.cmpi sge, %add3A_1626, %sub3A_1450 : i32
    %lt3A_1651 = arith.cmpi slt, %add3A_1625, %sub3A_1450 : i32
    %and3A_1652 = arith.andi %ge3A_1650, %lt3A_1651 : i1
    %jit3A_1653 = arith.constant 3 : i32
    %select_n3A_1654 = arith.select %and3A_1652, %jit3A_1653, %select_n3A_1648 : i32
    %select_n3A_1655 = arith.select %and3A_1652, %add3A_1625, %select_n3A_1649 : i32
    %ge3A_1656 = arith.cmpi sge, %add3A_1625, %sub3A_1450 : i32
    %lt3A_1657 = arith.cmpi slt, %add3A_1624, %sub3A_1450 : i32
    %and3A_1658 = arith.andi %ge3A_1656, %lt3A_1657 : i1
    %jit3A_1659 = arith.constant 4 : i32
    %select_n3A_1660 = arith.select %and3A_1658, %jit3A_1659, %select_n3A_1654 : i32
    %select_n3A_1661 = arith.select %and3A_1658, %add3A_1624, %select_n3A_1655 : i32
    %ge3A_1662 = arith.cmpi sge, %add3A_1624, %sub3A_1450 : i32
    %lt3A_1663 = arith.cmpi slt, %add3A_1623, %sub3A_1450 : i32
    %and3A_1664 = arith.andi %ge3A_1662, %lt3A_1663 : i1
    %jit3A_1665 = arith.constant 5 : i32
    %select_n3A_1666 = arith.select %and3A_1664, %jit3A_1665, %select_n3A_1660 : i32
    %select_n3A_1667 = arith.select %and3A_1664, %add3A_1623, %select_n3A_1661 : i32
    %ge3A_1668 = arith.cmpi sge, %add3A_1623, %sub3A_1450 : i32
    %lt3A_1669 = arith.cmpi slt, %add3A_1622, %sub3A_1450 : i32
    %and3A_1670 = arith.andi %ge3A_1668, %lt3A_1669 : i1
    %jit3A_1671 = arith.constant 6 : i32
    %select_n3A_1672 = arith.select %and3A_1670, %jit3A_1671, %select_n3A_1666 : i32
    %select_n3A_1673 = arith.select %and3A_1670, %add3A_1622, %select_n3A_1667 : i32
    %ge3A_1674 = arith.cmpi sge, %add3A_1622, %sub3A_1450 : i32
    %lt3A_1675 = arith.cmpi slt, %add3A_1621, %sub3A_1450 : i32
    %and3A_1676 = arith.andi %ge3A_1674, %lt3A_1675 : i1
    %jit3A_1677 = arith.constant 7 : i32
    %select_n3A_1678 = arith.select %and3A_1676, %jit3A_1677, %select_n3A_1672 : i32
    %select_n3A_1679 = arith.select %and3A_1676, %add3A_1621, %select_n3A_1673 : i32
    %ge3A_1680 = arith.cmpi sge, %add3A_1621, %sub3A_1450 : i32
    %lt3A_1681 = arith.cmpi slt, %add3A_1620, %sub3A_1450 : i32
    %and3A_1682 = arith.andi %ge3A_1680, %lt3A_1681 : i1
    %jit3A_1683 = arith.constant 8 : i32
    %select_n3A_1684 = arith.select %and3A_1682, %jit3A_1683, %select_n3A_1678 : i32
    %select_n3A_1685 = arith.select %and3A_1682, %add3A_1620, %select_n3A_1679 : i32
    %ge3A_1686 = arith.cmpi sge, %add3A_1620, %sub3A_1450 : i32
    %lt3A_1687 = arith.cmpi slt, %add3A_1619, %sub3A_1450 : i32
    %and3A_1688 = arith.andi %ge3A_1686, %lt3A_1687 : i1
    %jit3A_1689 = arith.constant 9 : i32
    %select_n3A_1690 = arith.select %and3A_1688, %jit3A_1689, %select_n3A_1684 : i32
    %select_n3A_1691 = arith.select %and3A_1688, %add3A_1619, %select_n3A_1685 : i32
    %ge3A_1692 = arith.cmpi sge, %add3A_1619, %sub3A_1450 : i32
    %lt3A_1693 = arith.cmpi slt, %add3A_1618, %sub3A_1450 : i32
    %and3A_1694 = arith.andi %ge3A_1692, %lt3A_1693 : i1
    %jit3A_1695 = arith.constant 10 : i32
    %select_n3A_1696 = arith.select %and3A_1694, %jit3A_1695, %select_n3A_1690 : i32
    %select_n3A_1697 = arith.select %and3A_1694, %add3A_1618, %select_n3A_1691 : i32
    %ge3A_1698 = arith.cmpi sge, %add3A_1618, %sub3A_1450 : i32
    %lt3A_1699 = arith.cmpi slt, %add3A_1617, %sub3A_1450 : i32
    %and3A_1700 = arith.andi %ge3A_1698, %lt3A_1699 : i1
    %jit3A_1701 = arith.constant 11 : i32
    %select_n3A_1702 = arith.select %and3A_1700, %jit3A_1701, %select_n3A_1696 : i32
    %select_n3A_1703 = arith.select %and3A_1700, %add3A_1617, %select_n3A_1697 : i32
    %ge3A_1704 = arith.cmpi sge, %add3A_1617, %sub3A_1450 : i32
    %lt3A_1705 = arith.cmpi slt, %add3A_1616, %sub3A_1450 : i32
    %and3A_1706 = arith.andi %ge3A_1704, %lt3A_1705 : i1
    %jit3A_1707 = arith.constant 12 : i32
    %select_n3A_1708 = arith.select %and3A_1706, %jit3A_1707, %select_n3A_1702 : i32
    %select_n3A_1709 = arith.select %and3A_1706, %add3A_1616, %select_n3A_1703 : i32
    %ge3A_1710 = arith.cmpi sge, %add3A_1616, %sub3A_1450 : i32
    %lt3A_1711 = arith.cmpi slt, %add3A_1615, %sub3A_1450 : i32
    %and3A_1712 = arith.andi %ge3A_1710, %lt3A_1711 : i1
    %jit3A_1713 = arith.constant 13 : i32
    %select_n3A_1714 = arith.select %and3A_1712, %jit3A_1713, %select_n3A_1708 : i32
    %select_n3A_1715 = arith.select %and3A_1712, %add3A_1615, %select_n3A_1709 : i32
    %ge3A_1716 = arith.cmpi sge, %add3A_1615, %sub3A_1450 : i32
    %lt3A_1717 = arith.cmpi slt, %add3A_1614, %sub3A_1450 : i32
    %and3A_1718 = arith.andi %ge3A_1716, %lt3A_1717 : i1
    %jit3A_1719 = arith.constant 14 : i32
    %select_n3A_1720 = arith.select %and3A_1718, %jit3A_1719, %select_n3A_1714 : i32
    %select_n3A_1721 = arith.select %and3A_1718, %add3A_1614, %select_n3A_1715 : i32
    %ge3A_1722 = arith.cmpi sge, %add3A_1614, %sub3A_1450 : i32
    %lt3A_1723 = arith.constant 0 : i32
    %lt3A_1724 = arith.cmpi slt, %lt3A_1723, %sub3A_1450 : i32
    %and3A_1725 = arith.andi %ge3A_1722, %lt3A_1724 : i1
    %jit3A_1726 = arith.constant 15 : i32
    %select_n3A_1727 = arith.select %and3A_1725, %jit3A_1726, %select_n3A_1720 : i32
    %jit3A_1728 = arith.constant 0 : i32
    %select_n3A_1729 = arith.select %and3A_1725, %jit3A_1728, %select_n3A_1721 : i32
    %eq3A_1730 = arith.constant 0 : i32
    %eq3A_1731 = arith.cmpi eq, %select_n3A_1727, %eq3A_1730 : i32
    %select_n3A_1732 = arith.select %eq3A_1731, %convert_element_type3A_1533, %convert_element_type3A_1548 : vector<16xi32>
    %eq3A_1733 = arith.constant 0 : i32
    %eq3A_1734 = arith.cmpi eq, %select_n3A_1727, %eq3A_1733 : i32
    %select_n3A_1735 = arith.select %eq3A_1734, %scan3A_1530#16, %scan3A_1530#31 : vector<16xf32>
    %eq3A_1736 = arith.constant 1 : i32
    %eq3A_1737 = arith.cmpi eq, %select_n3A_1727, %eq3A_1736 : i32
    %select_n3A_1738 = arith.select %eq3A_1737, %convert_element_type3A_1534, %select_n3A_1732 : vector<16xi32>
    %eq3A_1739 = arith.constant 1 : i32
    %eq3A_1740 = arith.cmpi eq, %select_n3A_1727, %eq3A_1739 : i32
    %select_n3A_1741 = arith.select %eq3A_1740, %scan3A_1530#17, %select_n3A_1735 : vector<16xf32>
    %eq3A_1742 = arith.constant 2 : i32
    %eq3A_1743 = arith.cmpi eq, %select_n3A_1727, %eq3A_1742 : i32
    %select_n3A_1744 = arith.select %eq3A_1743, %convert_element_type3A_1535, %select_n3A_1738 : vector<16xi32>
    %eq3A_1745 = arith.constant 2 : i32
    %eq3A_1746 = arith.cmpi eq, %select_n3A_1727, %eq3A_1745 : i32
    %select_n3A_1747 = arith.select %eq3A_1746, %scan3A_1530#18, %select_n3A_1741 : vector<16xf32>
    %eq3A_1748 = arith.constant 3 : i32
    %eq3A_1749 = arith.cmpi eq, %select_n3A_1727, %eq3A_1748 : i32
    %select_n3A_1750 = arith.select %eq3A_1749, %convert_element_type3A_1536, %select_n3A_1744 : vector<16xi32>
    %eq3A_1751 = arith.constant 3 : i32
    %eq3A_1752 = arith.cmpi eq, %select_n3A_1727, %eq3A_1751 : i32
    %select_n3A_1753 = arith.select %eq3A_1752, %scan3A_1530#19, %select_n3A_1747 : vector<16xf32>
    %eq3A_1754 = arith.constant 4 : i32
    %eq3A_1755 = arith.cmpi eq, %select_n3A_1727, %eq3A_1754 : i32
    %select_n3A_1756 = arith.select %eq3A_1755, %convert_element_type3A_1537, %select_n3A_1750 : vector<16xi32>
    %eq3A_1757 = arith.constant 4 : i32
    %eq3A_1758 = arith.cmpi eq, %select_n3A_1727, %eq3A_1757 : i32
    %select_n3A_1759 = arith.select %eq3A_1758, %scan3A_1530#20, %select_n3A_1753 : vector<16xf32>
    %eq3A_1760 = arith.constant 5 : i32
    %eq3A_1761 = arith.cmpi eq, %select_n3A_1727, %eq3A_1760 : i32
    %select_n3A_1762 = arith.select %eq3A_1761, %convert_element_type3A_1538, %select_n3A_1756 : vector<16xi32>
    %eq3A_1763 = arith.constant 5 : i32
    %eq3A_1764 = arith.cmpi eq, %select_n3A_1727, %eq3A_1763 : i32
    %select_n3A_1765 = arith.select %eq3A_1764, %scan3A_1530#21, %select_n3A_1759 : vector<16xf32>
    %eq3A_1766 = arith.constant 6 : i32
    %eq3A_1767 = arith.cmpi eq, %select_n3A_1727, %eq3A_1766 : i32
    %select_n3A_1768 = arith.select %eq3A_1767, %convert_element_type3A_1539, %select_n3A_1762 : vector<16xi32>
    %eq3A_1769 = arith.constant 6 : i32
    %eq3A_1770 = arith.cmpi eq, %select_n3A_1727, %eq3A_1769 : i32
    %select_n3A_1771 = arith.select %eq3A_1770, %scan3A_1530#22, %select_n3A_1765 : vector<16xf32>
    %eq3A_1772 = arith.constant 7 : i32
    %eq3A_1773 = arith.cmpi eq, %select_n3A_1727, %eq3A_1772 : i32
    %select_n3A_1774 = arith.select %eq3A_1773, %convert_element_type3A_1540, %select_n3A_1768 : vector<16xi32>
    %eq3A_1775 = arith.constant 7 : i32
    %eq3A_1776 = arith.cmpi eq, %select_n3A_1727, %eq3A_1775 : i32
    %select_n3A_1777 = arith.select %eq3A_1776, %scan3A_1530#23, %select_n3A_1771 : vector<16xf32>
    %eq3A_1778 = arith.constant 8 : i32
    %eq3A_1779 = arith.cmpi eq, %select_n3A_1727, %eq3A_1778 : i32
    %select_n3A_1780 = arith.select %eq3A_1779, %convert_element_type3A_1541, %select_n3A_1774 : vector<16xi32>
    %eq3A_1781 = arith.constant 8 : i32
    %eq3A_1782 = arith.cmpi eq, %select_n3A_1727, %eq3A_1781 : i32
    %select_n3A_1783 = arith.select %eq3A_1782, %scan3A_1530#24, %select_n3A_1777 : vector<16xf32>
    %eq3A_1784 = arith.constant 9 : i32
    %eq3A_1785 = arith.cmpi eq, %select_n3A_1727, %eq3A_1784 : i32
    %select_n3A_1786 = arith.select %eq3A_1785, %convert_element_type3A_1542, %select_n3A_1780 : vector<16xi32>
    %eq3A_1787 = arith.constant 9 : i32
    %eq3A_1788 = arith.cmpi eq, %select_n3A_1727, %eq3A_1787 : i32
    %select_n3A_1789 = arith.select %eq3A_1788, %scan3A_1530#25, %select_n3A_1783 : vector<16xf32>
    %eq3A_1790 = arith.constant 10 : i32
    %eq3A_1791 = arith.cmpi eq, %select_n3A_1727, %eq3A_1790 : i32
    %select_n3A_1792 = arith.select %eq3A_1791, %convert_element_type3A_1543, %select_n3A_1786 : vector<16xi32>
    %eq3A_1793 = arith.constant 10 : i32
    %eq3A_1794 = arith.cmpi eq, %select_n3A_1727, %eq3A_1793 : i32
    %select_n3A_1795 = arith.select %eq3A_1794, %scan3A_1530#26, %select_n3A_1789 : vector<16xf32>
    %eq3A_1796 = arith.constant 11 : i32
    %eq3A_1797 = arith.cmpi eq, %select_n3A_1727, %eq3A_1796 : i32
    %select_n3A_1798 = arith.select %eq3A_1797, %convert_element_type3A_1544, %select_n3A_1792 : vector<16xi32>
    %eq3A_1799 = arith.constant 11 : i32
    %eq3A_1800 = arith.cmpi eq, %select_n3A_1727, %eq3A_1799 : i32
    %select_n3A_1801 = arith.select %eq3A_1800, %scan3A_1530#27, %select_n3A_1795 : vector<16xf32>
    %eq3A_1802 = arith.constant 12 : i32
    %eq3A_1803 = arith.cmpi eq, %select_n3A_1727, %eq3A_1802 : i32
    %select_n3A_1804 = arith.select %eq3A_1803, %convert_element_type3A_1545, %select_n3A_1798 : vector<16xi32>
    %eq3A_1805 = arith.constant 12 : i32
    %eq3A_1806 = arith.cmpi eq, %select_n3A_1727, %eq3A_1805 : i32
    %select_n3A_1807 = arith.select %eq3A_1806, %scan3A_1530#28, %select_n3A_1801 : vector<16xf32>
    %eq3A_1808 = arith.constant 13 : i32
    %eq3A_1809 = arith.cmpi eq, %select_n3A_1727, %eq3A_1808 : i32
    %select_n3A_1810 = arith.select %eq3A_1809, %convert_element_type3A_1546, %select_n3A_1804 : vector<16xi32>
    %eq3A_1811 = arith.constant 13 : i32
    %eq3A_1812 = arith.cmpi eq, %select_n3A_1727, %eq3A_1811 : i32
    %select_n3A_1813 = arith.select %eq3A_1812, %scan3A_1530#29, %select_n3A_1807 : vector<16xf32>
    %eq3A_1814 = arith.constant 14 : i32
    %eq3A_1815 = arith.cmpi eq, %select_n3A_1727, %eq3A_1814 : i32
    %select_n3A_1816 = arith.select %eq3A_1815, %convert_element_type3A_1547, %select_n3A_1810 : vector<16xi32>
    %eq3A_1817 = arith.constant 14 : i32
    %eq3A_1818 = arith.cmpi eq, %select_n3A_1727, %eq3A_1817 : i32
    %select_n3A_1819 = arith.select %eq3A_1818, %scan3A_1530#30, %select_n3A_1813 : vector<16xf32>
    %rev3A_1820 = arith.constant 15 : i32
    %rev3A_1821 = vector.broadcast %rev3A_1820 : i32 to vector<16xi32>
    %rev3A_1822 = tpu.iota {dimensions = array<i32: 0>} : vector<16xi32>
    %rev3A_1823 = arith.subi %rev3A_1821, %rev3A_1822 : vector<16xi32>
    %rev3A_1824 = tpu.dynamic_gather %select_n3A_1816[%rev3A_1823] in [0] : vector<16xi32>, vector<16xi32> -> vector<16xi32>
    %cumsum3A_1825 = arith.constant true
    %cumsum3A_1826 = vector.broadcast %cumsum3A_1825 : i1 to vector<16xi1>
    %cumsum3A_1827 = tpu.scan <sum>, %rev3A_1824 masked %cumsum3A_1826 : vector<16xi32>, vector<16xi1> -> vector<16xi32>
    %rev3A_1828 = arith.constant 15 : i32
    %rev3A_1829 = vector.broadcast %rev3A_1828 : i32 to vector<16xi32>
    %rev3A_1830 = tpu.iota {dimensions = array<i32: 0>} : vector<16xi32>
    %rev3A_1831 = arith.subi %rev3A_1829, %rev3A_1830 : vector<16xi32>
    %rev3A_1832 = tpu.dynamic_gather %cumsum3A_1827[%rev3A_1831] in [0] : vector<16xi32>, vector<16xi32> -> vector<16xi32>
    %add3A_1833 = vector.broadcast %select_n3A_1729 : i32 to vector<16xi32>
    %add3A_1834 = arith.addi %rev3A_1832, %add3A_1833 : vector<16xi32>
    %ge3A_1835 = vector.broadcast %sub3A_1450 : i32 to vector<16xi32>
    %ge3A_1836 = arith.cmpi sge, %add3A_1834, %ge3A_1835 : vector<16xi32>
    %jit3A_1837 = arith.constant -1 : i32
    %broadcast_in_dim3A_1838 = vector.broadcast %jit3A_1837 : i32 to vector<16xi32>
    %select_n3A_1839 = arith.select %ge3A_1836, %iota3A, %broadcast_in_dim3A_1838 : vector<16xi1>, vector<16xi32>
    %reduce_max3A_1840 = arith.constant true
    %reduce_max3A_1841 = vector.broadcast %reduce_max3A_1840 : i1 to vector<16xi1>
    %reduce_max3A_1842 = arith.constant -2147483648 : i32
    %reduce_max3A_1843 = vector.broadcast %reduce_max3A_1842 : i32 to vector<16xi32>
    %reduce_max3A_1844 = arith.xori %select_n3A_1839, %reduce_max3A_1843 : vector<16xi32>
    %reduce_max3A_1845 = tpu.scan <max>, %reduce_max3A_1844 masked %reduce_max3A_1841 : vector<16xi32>, vector<16xi1> -> vector<16xi32>
    %reduce_max3A_1846 = arith.xori %reduce_max3A_1845, %reduce_max3A_1843 : vector<16xi32>
    %reduce_max3A_1847 = vector.extract %reduce_max3A_1846[15] : i32 from vector<16xi32>
    %mul3A_1848 = arith.constant 16 : i32
    %mul3A_1849 = arith.muli %select_n3A_1727, %mul3A_1848 : i32
    %add3A_1850 = arith.addi %mul3A_1849, %reduce_max3A_1847 : i32
    %gt3A_1851 = vector.broadcast %reduce_max3A_1847 : i32 to vector<16xi32>
    %gt3A_1852 = arith.cmpi sgt, %iota3A, %gt3A_1851 : vector<16xi32>
    %jit3A_1853 = arith.constant 0 : i32
    %broadcast_in_dim3A_1854 = vector.broadcast %jit3A_1853 : i32 to vector<16xi32>
    %select_n3A_1855 = arith.select %gt3A_1852, %select_n3A_1816, %broadcast_in_dim3A_1854 : vector<16xi1>, vector<16xi32>
    %reduce_sum3A_1856 = arith.constant true
    %reduce_sum3A_1857 = vector.broadcast %reduce_sum3A_1856 : i1 to vector<16xi1>
    %reduce_sum3A_1858 = tpu.scan <sum>, %select_n3A_1855 masked %reduce_sum3A_1857 : vector<16xi32>, vector<16xi1> -> vector<16xi32>
    %reduce_sum3A_1859 = vector.extract %reduce_sum3A_1858[15] : i32 from vector<16xi32>
    %add3A_1860 = arith.addi %select_n3A_1729, %reduce_sum3A_1859 : i32
    %lt3A_1861 = arith.constant 0 : i32
    %lt3A_1862 = arith.cmpi slt, %select_n3A_1727, %lt3A_1861 : i32
    %select_n3A_1863 = arith.select %lt3A_1862, %scan3A_1530#16, %broadcast_in_dim3A_2 : vector<16xf32>
    %add3A_1864 = arith.addf %broadcast_in_dim3A_2, %select_n3A_1863 : vector<16xf32>
    %lt3A_1865 = arith.constant 1 : i32
    %lt3A_1866 = arith.cmpi slt, %select_n3A_1727, %lt3A_1865 : i32
    %select_n3A_1867 = arith.select %lt3A_1866, %scan3A_1530#17, %broadcast_in_dim3A_2 : vector<16xf32>
    %add3A_1868 = arith.addf %add3A_1864, %select_n3A_1867 : vector<16xf32>
    %lt3A_1869 = arith.constant 2 : i32
    %lt3A_1870 = arith.cmpi slt, %select_n3A_1727, %lt3A_1869 : i32
    %select_n3A_1871 = arith.select %lt3A_1870, %scan3A_1530#18, %broadcast_in_dim3A_2 : vector<16xf32>
    %add3A_1872 = arith.addf %add3A_1868, %select_n3A_1871 : vector<16xf32>
    %lt3A_1873 = arith.constant 3 : i32
    %lt3A_1874 = arith.cmpi slt, %select_n3A_1727, %lt3A_1873 : i32
    %select_n3A_1875 = arith.select %lt3A_1874, %scan3A_1530#19, %broadcast_in_dim3A_2 : vector<16xf32>
    %add3A_1876 = arith.addf %add3A_1872, %select_n3A_1875 : vector<16xf32>
    %lt3A_1877 = arith.constant 4 : i32
    %lt3A_1878 = arith.cmpi slt, %select_n3A_1727, %lt3A_1877 : i32
    %select_n3A_1879 = arith.select %lt3A_1878, %scan3A_1530#20, %broadcast_in_dim3A_2 : vector<16xf32>
    %add3A_1880 = arith.addf %add3A_1876, %select_n3A_1879 : vector<16xf32>
    %lt3A_1881 = arith.constant 5 : i32
    %lt3A_1882 = arith.cmpi slt, %select_n3A_1727, %lt3A_1881 : i32
    %select_n3A_1883 = arith.select %lt3A_1882, %scan3A_1530#21, %broadcast_in_dim3A_2 : vector<16xf32>
    %add3A_1884 = arith.addf %add3A_1880, %select_n3A_1883 : vector<16xf32>
    %lt3A_1885 = arith.constant 6 : i32
    %lt3A_1886 = arith.cmpi slt, %select_n3A_1727, %lt3A_1885 : i32
    %select_n3A_1887 = arith.select %lt3A_1886, %scan3A_1530#22, %broadcast_in_dim3A_2 : vector<16xf32>
    %add3A_1888 = arith.addf %add3A_1884, %select_n3A_1887 : vector<16xf32>
    %lt3A_1889 = arith.constant 7 : i32
    %lt3A_1890 = arith.cmpi slt, %select_n3A_1727, %lt3A_1889 : i32
    %select_n3A_1891 = arith.select %lt3A_1890, %scan3A_1530#23, %broadcast_in_dim3A_2 : vector<16xf32>
    %add3A_1892 = arith.addf %add3A_1888, %select_n3A_1891 : vector<16xf32>
    %lt3A_1893 = arith.constant 8 : i32
    %lt3A_1894 = arith.cmpi slt, %select_n3A_1727, %lt3A_1893 : i32
    %select_n3A_1895 = arith.select %lt3A_1894, %scan3A_1530#24, %broadcast_in_dim3A_2 : vector<16xf32>
    %add3A_1896 = arith.addf %add3A_1892, %select_n3A_1895 : vector<16xf32>
    %lt3A_1897 = arith.constant 9 : i32
    %lt3A_1898 = arith.cmpi slt, %select_n3A_1727, %lt3A_1897 : i32
    %select_n3A_1899 = arith.select %lt3A_1898, %scan3A_1530#25, %broadcast_in_dim3A_2 : vector<16xf32>
    %add3A_1900 = arith.addf %add3A_1896, %select_n3A_1899 : vector<16xf32>
    %lt3A_1901 = arith.constant 10 : i32
    %lt3A_1902 = arith.cmpi slt, %select_n3A_1727, %lt3A_1901 : i32
    %select_n3A_1903 = arith.select %lt3A_1902, %scan3A_1530#26, %broadcast_in_dim3A_2 : vector<16xf32>
    %add3A_1904 = arith.addf %add3A_1900, %select_n3A_1903 : vector<16xf32>
    %lt3A_1905 = arith.constant 11 : i32
    %lt3A_1906 = arith.cmpi slt, %select_n3A_1727, %lt3A_1905 : i32
    %select_n3A_1907 = arith.select %lt3A_1906, %scan3A_1530#27, %broadcast_in_dim3A_2 : vector<16xf32>
    %add3A_1908 = arith.addf %add3A_1904, %select_n3A_1907 : vector<16xf32>
    %lt3A_1909 = arith.constant 12 : i32
    %lt3A_1910 = arith.cmpi slt, %select_n3A_1727, %lt3A_1909 : i32
    %select_n3A_1911 = arith.select %lt3A_1910, %scan3A_1530#28, %broadcast_in_dim3A_2 : vector<16xf32>
    %add3A_1912 = arith.addf %add3A_1908, %select_n3A_1911 : vector<16xf32>
    %lt3A_1913 = arith.constant 13 : i32
    %lt3A_1914 = arith.cmpi slt, %select_n3A_1727, %lt3A_1913 : i32
    %select_n3A_1915 = arith.select %lt3A_1914, %scan3A_1530#29, %broadcast_in_dim3A_2 : vector<16xf32>
    %add3A_1916 = arith.addf %add3A_1912, %select_n3A_1915 : vector<16xf32>
    %lt3A_1917 = arith.constant 14 : i32
    %lt3A_1918 = arith.cmpi slt, %select_n3A_1727, %lt3A_1917 : i32
    %select_n3A_1919 = arith.select %lt3A_1918, %scan3A_1530#30, %broadcast_in_dim3A_2 : vector<16xf32>
    %add3A_1920 = arith.addf %add3A_1916, %select_n3A_1919 : vector<16xf32>
    %lt3A_1921 = arith.constant 15 : i32
    %lt3A_1922 = arith.cmpi slt, %select_n3A_1727, %lt3A_1921 : i32
    %select_n3A_1923 = arith.select %lt3A_1922, %scan3A_1530#31, %broadcast_in_dim3A_2 : vector<16xf32>
    %add3A_1924 = arith.addf %add3A_1920, %select_n3A_1923 : vector<16xf32>
    %gt3A_1925 = vector.broadcast %reduce_max3A_1847 : i32 to vector<16xi32>
    %gt3A_1926 = arith.cmpi sgt, %iota3A, %gt3A_1925 : vector<16xi32>
    %jit3A_1927 = arith.constant 0.000000e+00 : f32
    %broadcast_in_dim3A_1928 = vector.broadcast %jit3A_1927 : f32 to vector<16xf32>
    %select_n3A_1929 = arith.select %gt3A_1926, %select_n3A_1819, %broadcast_in_dim3A_1928 : vector<16xi1>, vector<16xf32>
    %add3A_1930 = arith.addf %add3A_1924, %select_n3A_1929 : vector<16xf32>
    %eq3A_1931 = vector.broadcast %reduce_max3A_1847 : i32 to vector<16xi32>
    %eq3A_1932 = arith.cmpi eq, %iota3A, %eq3A_1931 : vector<16xi32>
    %jit3A_1933 = arith.constant 0 : i32
    %broadcast_in_dim3A_1934 = vector.broadcast %jit3A_1933 : i32 to vector<16xi32>
    %select_n3A_1935 = arith.select %eq3A_1932, %select_n3A_1816, %broadcast_in_dim3A_1934 : vector<16xi1>, vector<16xi32>
    %reduce_sum3A_1936 = arith.constant true
    %reduce_sum3A_1937 = vector.broadcast %reduce_sum3A_1936 : i1 to vector<16xi1>
    %reduce_sum3A_1938 = tpu.scan <sum>, %select_n3A_1935 masked %reduce_sum3A_1937 : vector<16xi32>, vector<16xi1> -> vector<16xi32>
    %reduce_sum3A_1939 = vector.extract %reduce_sum3A_1938[15] : i32 from vector<16xi32>
    %eq3A_1940 = vector.broadcast %reduce_max3A_1847 : i32 to vector<16xi32>
    %eq3A_1941 = arith.cmpi eq, %iota3A, %eq3A_1940 : vector<16xi32>
    %jit3A_1942 = arith.constant 0.000000e+00 : f32
    %broadcast_in_dim3A_1943 = vector.broadcast %jit3A_1942 : f32 to vector<16xf32>
    %select_n3A_1944 = arith.select %eq3A_1941, %select_n3A_1819, %broadcast_in_dim3A_1943 : vector<16xi1>, vector<16xf32>
    %add3A_1945 = arith.addi %add3A_1451, %add3A_1860 : i32
    %add3A_1946 = arith.addi %add3A_1945, %reduce_sum3A_1939 : i32
    %add3A_1947 = arith.addf %add3A_1452, %add3A_1930 : vector<16xf32>
    %add3A_1948 = arith.addf %add3A_1947, %select_n3A_1944 : vector<16xf32>
    %reduce_sum3A_1949 = arith.constant true
    %reduce_sum3A_1950 = vector.broadcast %reduce_sum3A_1949 : i1 to vector<16xi1>
    %reduce_sum3A_1951 = tpu.scan <sum>, %add3A_1948 masked %reduce_sum3A_1950 : vector<16xf32>, vector<16xi1> -> vector<16xf32>
    %reduce_sum3A_1952 = vector.extract %reduce_sum3A_1951[15] : f32 from vector<16xf32>
    %eq3A_1953 = arith.constant 0 : i32
    %eq3A_1954 = arith.cmpi eq, %arg1, %eq3A_1953 : i32
    %convert_element_type3A_1955 = arith.extui %eq3A_1954 : i1 to i32
    %cond3A = arith.constant 0 : i32
    %cond3A_1956 = arith.cmpi ne, %convert_element_type3A_1955, %cond3A : i32
    scf.if %cond3A_1956 {
      %broadcast_in_dim3A_1957 = vector.broadcast %reduce_sum3A_1952 : f32 to vector<16xf32>
      %broadcast_in_dim3A_1958 = vector.broadcast %add3A_1946 : i32 to vector<16xi32>
      %convert_element_type3A_1959 = arith.sitofp %broadcast_in_dim3A_1958 : vector<16xi32> to vector<16xf32>
      %add3A_1960 = arith.constant 1.000000e-07 : f32
      %add3A_1961 = vector.broadcast %add3A_1960 : f32 to vector<16xf32>
      %add3A_1962 = arith.addf %convert_element_type3A_1959, %add3A_1961 : vector<16xf32>
      %div3A = arith.divf %broadcast_in_dim3A_1957, %add3A_1962 : vector<16xf32>
      %swap3A_1963 = arith.constant 0 : index
      %swap3A_1964 = tpu.vector_load %arg11[%swap3A_1963] {strides = array<i32>} : memref<16xf32, #tpu.memory_space<vmem>>, vector<16xf32>,
      tpu.vector_store %arg11[%swap3A_1963], %div3A {strides = array<i32>} : memref<16xf32, #tpu.memory_space<vmem>>, vector<16xf32>,
      "tpu.region"() ({
        %run_scoped3A = tpu.sem_alloc : memref<!tpu.dma_semaphore, #tpu.memory_space<semaphore_mem>>
        tpu.enqueue_dma source(%arg11 : memref<16xf32, #tpu.memory_space<vmem>>) target(%arg4 : memref<16xf32, #tpu.memory_space<hbm>>) target_semaphore(%run_scoped3A : memref<!tpu.dma_semaphore, #tpu.memory_space<semaphore_mem>>)
        tpu.wait_dma2 semaphore(%run_scoped3A : memref<!tpu.dma_semaphore, #tpu.memory_space<semaphore_mem>>) src(%arg11 : memref<16xf32, #tpu.memory_space<vmem>>) dst(%arg4 : memref<16xf32, #tpu.memory_space<hbm>>)
        tpu.yield
      }) : () -> ()
    } else {
    }
    return
  }
}

</mosaic_0001>

<sc_bundles>
// kernel: kernel.3.cloned.1.call-start
scs
__scs_entry_jumppad:
0x0: {  	(pc) =	sbr.rel $0x88, $3  }
0x1: {  	(tag) =	ssettag $0x0;
	lr =	simm.s32 $0x1  }
0x2: {  	[smem:$0x3F9F] =	sst lr;
	_ =	strace $0xD0000000  }
0x3: {  	_ = 	snop  }
0x4: {  	_ = 	snop  }
0x5: {  	_ = 	snop  }
0x6: {  	_ = 	snop  }
0x7: {  	_ = 	snop  }
__scs_overlays_trampoline_lowered:
0x8: {  	[smem:$0x3FAE] =	sst s0  }
0x9: {  	[smem:$0x3FAF] =	sst s1  }
0xa: {  	[smem:$0x3FB0] =	sst s2  }
0xb: {  	[smem:$0x3FB1] =	sst s3  }
0xc: {  	[smem:$0x3FB2] =	sst s4  }
0xd: {  	[smem:$0x3FB3] =	sst s5  }
0xe: {  	[smem:$0x3FB4] =	sst s6  }
0xf: {  	[smem:$0x3FB5] =	sst s7  }
0x10: {  	[smem:$0x3FB6] =	sst s8  }
0x11: {  	[smem:$0x3FB7] =	sst s9;
	s0 =	simm.s32 @!p0 $0x0  }
0x12: {  	s1 =	sld [smem:$0x3F9D];
	s0 =	simm.s32 @p0 $0x1  }
0x13: {  	[smem:$0x3FB8] =	sst s0;
	s0 =	simm.s32 @!p1 $0x0  }
0x14: {  	s2 =	sld [smem:$0x3F9C];
	s0 =	simm.s32 @p1 $0x1  }
0x15: {  	[smem:$0x3FB9] =	sst s0;
	s0 =	simm.s32 @!p2 $0x0  }
0x16: {  	s3 =	sld [smem:$0x3FDB];
	s0 =	simm.s32 @p2 $0x1  }
0x17: {  	s4 =	simm.s32 $0x1BF5;
	[smem:$0x3FBB] =	sst s0  }
0x18: {  	s0 =	sld [smem:$0x3F9E];
	_ =	swait.ge [sflag:s4], $0x0  }
0x19: {  	s7 =	sld [smem:$0x3F9F]  }
0x1a: {  	s8 =	sadd.s32 $0xFFFFE003, lr  }
0x1b: {  	s9 =	sadd.s32 $0xFFFFFEF7, lr;
	s5 =	simm.s32 $0xFFFFFFFF;
	p2 =	slt.u32 s8, $0xFFFFF086  }
0x1c: {  	p1 =	slt.u32 s9, $0xF7A;
	s5 =	simm.s32 @!p2 $0x0  }
0x1d: {  	s5 =	simm.s32 @p1 $0x1;
	p0 =	seq.s32 s7, s2  }
0x1e: {  	s7 =	smul.u32 @!p0 $0xF7A, s2;
	p2 =	seq.s32 @!p0 s5, $0x0  }
0x1f: {  	s9 =	smul.u32 $0xF7A, s1;
	s8 =	simm.s32 @!p0 $0x1BF5;
	p2 =	por !p2, p0  }
0x20: {  	[sflag:s8] =	ssyncset.s32 @!p0 $0xFFFFF086;
	s6 =	sadd.s32 @!p0 s3, s7;
	s7 =	simm.s32 @!p0 $0x108  }
0x21: {  	s3 =	sadd.s32 s3, s9;
	s6 =	sadd.s32 @!p0 $0x88, s6;
	s7 =	simm.s32 @p2 $0x1082  }
0x22: {  	[simem:s7], [sflag:s8] =	dma.local @!p0 [hbm:s6], $0xF7A  }
0x23: {  	s9 =	sor.u32 $0xD0000000, s2;
	s6 =	simm.s32 $0x108;
	_ =	swait.ge @!p0 [sflag:s8], $0x0  }
0x24: {  	s3 =	sadd.s32 $0x88, s3;
	s6 =	simm.s32 @!p1 $0x1082;
	[sflag:s4] =	ssyncset.s32 $0xFFFFF086  }
0x25: {  	[simem:s6], [sflag:s4] =	dma.local [hbm:s3], $0xF7A  }
0x26: {  	[smem:$0x3F9F] =	sst s1;
	(tag) =	ssettag s2;
	_ =	strace s9  }
0x27: {  	s1 =	sld [smem:$0x3FAF]  }
0x28: {  	s2 =	sld [smem:$0x3FB0]  }
0x29: {  	s4 =	sld [smem:$0x3FB2]  }
0x2a: {  	p0 =	seq.s32 s5, $0x0;
	s5 =	sld [smem:$0x3FB3]  }
0x2b: {  	s6 =	sld [smem:$0x3FB4]  }
0x2c: {  	s7 =	sld [smem:$0x3FB5]  }
0x2d: {  	s3 =	simm.s32 $0x108;
	s8 =	sld [smem:$0x3FB6]  }
0x2e: {  	s3 =	simm.s32 @!p0 $0x1082;
	s9 =	sld [smem:$0x3FB7]  }
0x2f: {  	lr =	sadd.s32 s0, s3;
	s0 =	sld [smem:$0x3FAE]  }
0x30: {  	s3 =	sld [smem:$0x3FB1]  }
0x31: {  	[smem:$0x3FBA] =	sst s10  }
0x32: {  	s10 =	sld [smem:$0x3FB8];
	_ =	sdelay $0x3  }
0x33: {  	p0 =	seq.s32 s10, $0x1;
	s10 =	sld [smem:$0x3FBA];
	_ =	sdelay $0x3  }
0x34: {  	[smem:$0x3FBA] =	sst s10  }
0x35: {  	s10 =	sld [smem:$0x3FB9];
	_ =	sdelay $0x3  }
0x36: {  	p1 =	seq.s32 s10, $0x1;
	s10 =	sld [smem:$0x3FBA];
	_ =	sdelay $0x3  }
0x37: {  	[smem:$0x3FBA] =	sst s10  }
0x38: {  	s10 =	sld [smem:$0x3FBB]  }
0x39: {  	_ = 	snop;
	(pc) =	sbr.ind lr, $3  }
0x3a: {  	_ = 	snop  }
0x3b: {  	_ = 	snop  }
0x3c: {  	p2 =	seq.s32 s10, $0x1;
	s10 =	sld [smem:$0x3FBA]  }
0x3d: {  	_ =	shalt  }
0x3e: {  	_ =	shalt  }
0x3f: {  	_ =	shalt  }
0x40: {  	_ =	shalt  }
0x41: {  	_ =	shalt  }
0x42: {  	_ =	shalt  }
0x43: {  	_ =	shalt  }
0x44: {  	_ =	shalt  }
0x45: {  	_ =	shalt  }
0x46: {  	_ =	shalt  }
0x47: {  	_ =	shalt  }
0x48: {  	_ =	shalt  }
0x49: {  	_ =	shalt  }
0x4a: {  	_ =	shalt  }
0x4b: {  	_ =	shalt  }
0x4c: {  	_ =	shalt  }
0x4d: {  	_ =	shalt  }
0x4e: {  	_ =	shalt  }
0x4f: {  	_ =	shalt  }
0x50: {  	_ =	shalt  }
0x51: {  	_ =	shalt  }
0x52: {  	_ =	shalt  }
0x53: {  	_ =	shalt  }
0x54: {  	_ =	shalt  }
0x55: {  	_ =	shalt  }
0x56: {  	_ =	shalt  }
0x57: {  	_ =	shalt  }
0x58: {  	_ =	shalt  }
0x59: {  	_ =	shalt  }
0x5a: {  	_ =	shalt  }
0x5b: {  	_ =	shalt  }
0x5c: {  	_ =	shalt  }
0x5d: {  	_ =	shalt  }
0x5e: {  	_ =	shalt  }
0x5f: {  	_ =	shalt  }
0x60: {  	_ =	shalt  }
0x61: {  	_ =	shalt  }
0x62: {  	_ =	shalt  }
0x63: {  	_ =	shalt  }
0x64: {  	_ =	shalt  }
0x65: {  	_ =	shalt  }
0x66: {  	_ =	shalt  }
0x67: {  	_ =	shalt  }
0x68: {  	_ =	shalt  }
0x69: {  	_ =	shalt  }
0x6a: {  	_ =	shalt  }
0x6b: {  	_ =	shalt  }
0x6c: {  	_ =	shalt  }
0x6d: {  	_ =	shalt  }
0x6e: {  	_ =	shalt  }
0x6f: {  	_ =	shalt  }
0x70: {  	_ =	shalt  }
0x71: {  	_ =	shalt  }
0x72: {  	_ =	shalt  }
0x73: {  	_ =	shalt  }
0x74: {  	_ =	shalt  }
0x75: {  	_ =	shalt  }
0x76: {  	_ =	shalt  }
0x77: {  	_ =	shalt  }
0x78: {  	_ =	shalt  }
0x79: {  	_ =	shalt  }
0x7a: {  	_ =	shalt  }
0x7b: {  	_ =	shalt  }
0x7c: {  	_ =	shalt  }
0x7d: {  	_ =	shalt  }
0x7e: {  	_ =	shalt  }
0x7f: {  	_ =	shalt  }
0x80: {  	_ =	shalt  }
0x81: {  	_ =	shalt  }
0x82: {  	_ =	shalt  }
0x83: {  	_ =	shalt  }
0x84: {  	_ =	shalt  }
0x85: {  	_ =	shalt  }
0x86: {  	_ =	shalt  }
0x87: {  	_ =	shalt  }
.Lfunc_end0:
.L_simem_size_0:
called_computation_lowered:
.L_overlay_start_0:
0x88: {  	s0 =	sld [smem:$0x3FD9]  }
0x89: {  	s1 =	sld [smem:$0x3FFE];
	_ =	sdelay $0x3  }
0x8a: {  	s0 =	sadd.s32 s1, s0  }
0x8b: {  	[smem:$0x3FC6] =	sst s0  }
0x8c: {  	_ = 	snop  }
0x8d: {  	s0 =	sld [smem:$0x3FD0];
	(tm) =	ssettm $0x1  }
0x8e: {  	s16 =	sld [smem:$0x3FFB];
	_ =	sdelay $0x3  }
0x8f: {  	_ =	strace s16  }
0x90: {  	s1 =	sld [smem:$0x3FFC];
	_ =	sdelay $0x3  }
0x91: {  	_ =	strace s1  }
0x92: {  	s1 =	sld [smem:$0x3FFD];
	_ =	sdelay $0x3  }
0x93: {  	_ =	strace s1  }
0x94: {  	_ =	strace $0x8FFFFFFF  }
0x95: {  	s17 =	sld [smem:$0x3FDB];
	_ =	sdelay $0x1  }
0x96: {  	s2 =	simm.s32 $_scs_section_size  }
0x97: {  	s3 =	simm.s32 $_size__tile_overlayer_lowered;
	s4 =	simm.s32 $_tile_overlayer_lowered  }
0x98: {  	s20 =	simm.s32 $0x1BFF;
	s19 =	sshll.u32 s4, $0x1;
	s1 =	sadd.s32 s2, s17  }
0x99: {  	s5 =	simm.s32 $0x0;
	s18 =	sshll.u32 s3, $0x1;
	s3 =	sadd.s32 s19, s1  }
0x9a: {  	[timem:s5], [sflag:s20] =	dma.local [hbm:s3], s18  }
0x9b: {  	_ =	swait.ge [sflag:s20], s18  }
0x9c: {  	s2 =	ssub.s32 $0x0, s18;
	[sflag:s20] =	ssyncset.done $0x0  }
0x9d: {  	[sflag:s20] =	ssyncadd.s32 s2;
	_ =	sdelay $0x1  }
0x9e: {  	s21 =	simm.s32 $0x1B8B  }
0x9f: {  	_ =	swait.ge [sflag:s21], $0x1  }
0xa0: {  	[sflag:s21] =	ssyncset.done $0x0  }
0xa1: {  	s23 =	simm.s32 $0x1B8E;
	s22 =	sld [smem:$0x3FFE];
	[sflag:s21] =	ssyncadd.s32 $0xFFFFFFFF  }
0xa2: {  	s24 =	simm.s32 $execute0_lowered;
	[smem:$0x3FD2] =	sst s23  }
0xa3: {  	s3 =	sshll.u32 s24, $0x1;
	_ =	strace $0x80000046;
	[dreg:$0x1] =	wrdreg $0xFFFFFFFF  }
0xa4: {  	s25 =	simm.s32 $_size_execute0_lowered;
	s1 =	sadd.s32 s1, s3;
	[dreg:$0x0] =	wrdreg $0x0  }
0xa5: {  	s3 =	sshll.u32 s25, $0x1;
	[dreg:$0x2] =	wrdreg s1  }
0xa6: {  	[dreg:$0x3] =	wrdreg s3  }
0xa7: {  	[dreg:$0x4] =	wrdreg $0xC0  }
0xa8: {  	_ =	task [dreg:s5], $0x5FFFF  }
0xa9: {  	[dreg:$0x1] =	wrdreg $0xFFFFFFFF  }
0xaa: {  	[dreg:$0x0] =	wrdreg $0x60  }
0xab: {  	[dreg:$0x2] =	wrdreg s22  }
0xac: {  	[dreg:$0x3] =	wrdreg s0  }
0xad: {  	[dreg:$0x4] =	wrdreg $0x9  }
0xae: {  	_ =	task.clear_ibuf [dreg:s5], $0x5FFFF;
	_ =	strace $0x90000046  }
0xaf: {  	s26 =	simm.s32 $0x9;
	_ =	strace $0x80000048  }
0xb0: {  	_ =	swait.ge [sflag:s26], $0x1  }
0xb1: {  	[sflag:s26] =	ssyncadd.s32 $0xFFFFFFFF  }
0xb2: {  	_ =	strace $0x90000048  }
0xb3: {  	_ =	sfence  }
0xb4: {  	s28 =	sld [smem:$0x0];
	_ =	sdelay $0x1  }
0xb5: {  	s29 =	srdreg.scid  }
0xb6: {  	s30 =	sshll.u32 s29, $0xD;
	s31 =	sshrl.u32 s29, $0x2  }
0xb7: {  	s2 =	sand.u32 $0x4000, s30;
	s1 =	sand.u32 $0x1, s29;
	s0 =	sadd.s32 s31, s28  }
0xb8: {  	s1 =	sor.u32 s2, s1;
	s0 =	sshll.u32 s0, $0x11  }
0xb9: {  	s0 =	sor.u32 s0, s1  }
0xba: {  	s0 =	sadd.s32 $0x8F2B, s0  }
0xbb: {  	[sflag:s0] =	ssyncadd.remote.s32 $0x1  }
0xbc: {  	_ =	sfence.sel $0xFFFF  }
0xbd: {  	[dreg:$0x0] =	wrdreg $0xFFFFFFFF;
	(pc) =	sbr.abs _section_cstart, $3  }
0xbe: {  	[dreg:$0x1] =	wrdreg $0xFFFFFFFF  }
0xbf: {  	_ =	task.clear_ibuf [dreg:s5], $0x2FFFF;
	_ =	strace $0x9FFFFFFF  }
0xc0: {  	(tm) =	ssettm $0x7FFFFFFF  }
0xc1: {  	_ =	shalt  }
tec
execute0_lowered:
.L_overlay_start_1:
0x0: {  	(tag) =	ssettag $0x1  }
0x1: {  	s3 =	rddreg [dreg:$0x0]  }
0x2: {  	s1 =	rddreg [dreg:$0x1];
	s2 =	stileid.u32  }
0x3: {  	s0 =	rddreg [dreg:$0x2];
	s4 =	simm.s32 $0x0;
	s5 =	sshll.u32 s2, $0xB  }
0x4: {  	[smem:$0x7FF] =	sst s4;
	s5 =	sadd.s32 s5, s3  }
0x5: {  	s26 =	simm.s32 $0x1;
	_ =	strace $0x80000047;
	s6 =	sadd.s32 $0xA00, s5  }
0x6: {  	[tilespmem:s4], [sflag:$0x1] =	stream.linear.gather [hbm4b:s6+s4], $0x4000, $0x38;
	[tilespmem:$0xE280] =	vst v63  }
0x7: {  	_ =	swait.ge [sflag:s26], $0x4000  }
0x8: {  	[sflag:s26] =	ssyncset.done $0x0  }
0x9: {  	s7 =	simm.s32 $0x4000;
	s5 =	sadd.s32 $0x8A00, s5;
	[sflag:s26] =	ssyncadd.s32 $0xFFFFC000  }
0xa: {  	[tilespmem:s7], [sflag:$0x1] =	stream.linear.gather [hbm4b:s5+s4], $0x4000, $0x38;
	[tilespmem:$0xE280] =	vst v63  }
0xb: {  	_ =	swait.ge [sflag:s26], $0x4000  }
0xc: {  	[sflag:s26] =	ssyncset.done $0x0  }
0xd: {  	v0 =	vimm.f32 $0.0e+00;
	[sflag:s26] =	ssyncadd.s32 $0xFFFFC000  }
0xe: {  	[tilespmem:$0xC000] =	vst v0  }
0xf: {  	[tilespmem:$0xC010] =	vst v0  }
0x10: {  	[tilespmem:$0xC020] =	vst v0  }
0x11: {  	[tilespmem:$0xC030] =	vst v0  }
0x12: {  	[tilespmem:$0xC040] =	vst v0  }
0x13: {  	[tilespmem:$0xC050] =	vst v0  }
0x14: {  	[tilespmem:$0xC060] =	vst v0  }
0x15: {  	[tilespmem:$0xC070] =	vst v0  }
0x16: {  	[tilespmem:$0xC080] =	vst v0  }
0x17: {  	[tilespmem:$0xC090] =	vst v0  }
0x18: {  	[tilespmem:$0xC0A0] =	vst v0  }
0x19: {  	[tilespmem:$0xC0B0] =	vst v0  }
0x1a: {  	[tilespmem:$0xC0C0] =	vst v0  }
0x1b: {  	[tilespmem:$0xC0D0] =	vst v0  }
0x1c: {  	[tilespmem:$0xC0E0] =	vst v0  }
0x1d: {  	[tilespmem:$0xC0F0] =	vst v0  }
0x1e: {  	[tilespmem:$0xC100] =	vst v0  }
0x1f: {  	[tilespmem:$0xC110] =	vst v0  }
0x20: {  	[tilespmem:$0xC120] =	vst v0  }
0x21: {  	[tilespmem:$0xC130] =	vst v0  }
0x22: {  	[tilespmem:$0xC140] =	vst v0  }
0x23: {  	[tilespmem:$0xC150] =	vst v0  }
0x24: {  	[tilespmem:$0xC160] =	vst v0  }
0x25: {  	[tilespmem:$0xC170] =	vst v0  }
0x26: {  	[tilespmem:$0xC180] =	vst v0  }
0x27: {  	[tilespmem:$0xC190] =	vst v0  }
0x28: {  	[tilespmem:$0xC1A0] =	vst v0  }
0x29: {  	[tilespmem:$0xC1B0] =	vst v0  }
0x2a: {  	[tilespmem:$0xC1C0] =	vst v0  }
0x2b: {  	[tilespmem:$0xC1D0] =	vst v0  }
0x2c: {  	[tilespmem:$0xC1E0] =	vst v0  }
0x2d: {  	s28 =	simm.s32 $0x40;
	[tilespmem:$0xC1F0] =	vst v0  }
0x2e: {  	v12 =	vld [tilespmem:s28+$0x30]  }
0x2f: {  	v2 =	vld [tilespmem:s28+$0xFFFFFFD0]  }
0x30: {  	v3 =	vld [tilespmem:s28+$0xFFFFFFE0]  }
0x31: {  	v4 =	vld [tilespmem:s28+$0x0]  }
0x32: {  	v7 =	vld [tilespmem:s28+$0xFFFFFFC0]  }
0x33: {  	v1 =	vld [tilespmem:s28+$0xFFFFFFF0];
	v0 =	vand.u32 $0x7FFFFFFF, v12  }
0x34: {  	v5 =	vld [tilespmem:s28+$0x10];
	v0 =	vsub.f32 $0.0e+00, v0  }
0x35: {  	v6 =	vand.u32 $0x7FFFFFFF, v2  }
0x36: {  	v9 =	vand.u32 $0x7FFFFFFF, v3;
	v8 =	vsub.f32 $0.0e+00, v6;
	v0 =	vmul.f32 $1.442695020e+00, v0  }
0x37: {  	v10 =	vand.u32 $0x7FFFFFFF, v4;
	v11 =	vand.u32 $0x7FFFFFFF, v7;
	v6 =	vld [tilespmem:s28+$0x20];
	v9 =	vsub.f32 $0.0e+00, v9  }
0x38: {  	v8 =	vmul.f32 $1.442695020e+00, v8;
	(erf) = vpow2.f32 v0;
	v0 =	vand.u32 $0x7FFFFFFF, v1  }
0x39: {  	v13 =	vand.u32 $0x7FFFFFFF, v5;
	v11 =	vsub.f32 $0.0e+00, v11;
	v0 =	vsub.f32 $0.0e+00, v0  }
0x3a: {  	v10 =	vsub.f32 $0.0e+00, v10;
	v9 =	vmul.f32 $1.442695020e+00, v9;
	(erf) = vpow2.f32 v8  }
0x3b: {  	v13 =	vsub.f32 $0.0e+00, v13;
	v11 =	vmul.f32 $1.442695020e+00, v11;
	v0 =	vmul.f32 $1.442695020e+00, v0  }
0x3c: {  	v8 =	vand.u32 $0x7FFFFFFF, v6;
	(erf) = vpow2.f32 v9;
	v9 =	vmul.f32 $1.442695020e+00, v10  }
0x3d: {  	v8 =	vsub.f32 $0.0e+00, v8;
	(erf) = vpow2.f32 v0;
	v0 =	vmul.f32 $1.442695020e+00, v13  }
0x3e: {  	(erf) = vpow2.f32 v11  }
0x3f: {  	v8 =	vmul.f32 $1.442695020e+00, v8;
	(erf) = vpow2.f32 v9;
	_ =	sdelay $0x1  }
0x40: {  	(erf) = vpow2.f32 v0;
	v0 =	vpop (erf)  }
0x41: {  	(erf) = vpow2.f32 v8;
	v9 =	vadd.f32 $2.000000000e+00, v0  }
0x42: {  	v8 =	vpop (erf)  }
0x43: {  	s29 =	simm.s32 $0x4040;
	(erf) = vrcp.f32 v9;
	v9 =	vadd.f32 $2.000000000e+00, v8  }
0x44: {  	v40 =	vld [tilespmem:s29+$0xFFFFFFC0];
	v13 =	vpop (erf)  }
0x45: {  	v47 =	vld [tilespmem:s29+$0xFFFFFFD0];
	v10 =	vadd.f32 $2.000000000e+00, v13;
	v14 =	vpop (erf);
	(erf) = vrcp.f32 v9  }
0x46: {  	v11 =	vadd.f32 $2.000000000e+00, v14;
	v15 =	vpop (erf)  }
0x47: {  	(erf) = vrcp.f32 v10;
	v9 =	vadd.f32 $2.000000000e+00, v15;
	v16 =	vpop (erf)  }
0x48: {  	v10 =	vadd.f32 $2.000000000e+00, v16;
	(erf) = vrcp.f32 v11  }
0x49: {  	v41 =	vld [tilespmem:s29+$0xFFFFFFE0];
	v22 =	vmax.f32 v7, $0.0e+00;
	v7 =	vmul.f32 v40, v7;
	v17 =	vpop (erf);
	(erf) = vrcp.f32 v9  }
0x4a: {  	v49 =	vld [tilespmem:s29+$0x0];
	v21 =	vmax.f32 v2, $0.0e+00;
	v2 =	vmul.f32 v47, v2;
	v11 =	vadd.f32 $2.000000000e+00, v17;
	v18 =	vpop (erf)  }
0x4b: {  	v50 =	vld [tilespmem:s29+$0x10];
	v7 =	vsub.f32 v22, v7;
	v9 =	vadd.f32 $2.000000000e+00, v18;
	(erf) = vrcp.f32 v10  }
0x4c: {  	v2 =	vsub.f32 v21, v2;
	v28 =	vmax.f32 v6, $0.0e+00;
	(erf) = vrcp.f32 v11;
	v10 =	vpop (erf)  }
0x4d: {  	(erf) = vrcp.f32 v9;
	v9 =	vmax.f32 v3, $0.0e+00;
	v19 =	vmul.f32 v10, v0  }
0x4e: {  	v3 =	vmul.f32 v41, v3;
	v0 =	vimm.f32 $1.000000000e+00;
	v10 =	vmax.f32 v1, $0.0e+00;
	v11 =	vpop (erf)  }
0x4f: {  	v20 =	vmul.f32 v19, v19;
	v23 =	vmul.f32 v11, v8;
	v11 =	vmax.f32 v4, $0.0e+00  }
0x50: {  	v25 =	vpop (erf);
	v8 =	vmax.f32 v5, $0.0e+00;
	v4 =	vmul.f32 v49, v4;
	v5 =	vmul.f32 v50, v5  }
0x51: {  	v3 =	vsub.f32 v9, v3;
	v13 =	vmul.f32 v25, v13;
	v24 =	vmul.f32 $1.111111120e-01, v20;
	v25 =	vpop (erf)  }
0x52: {  	v19 =	vadd.f32 v19, v19;
	v26 =	vmul.f32 v23, v23;
	v14 =	vmul.f32 v25, v14;
	v25 =	vpop (erf)  }
0x53: {  	v23 =	vadd.f32 v23, v23;
	v8 =	vsub.f32 v8, v5;
	v15 =	vmul.f32 v25, v15  }
0x54: {  	v24 =	vadd.f32 $1.428571490e-01, v24;
	v25 =	vmul.f32 v13, v13;
	v27 =	vpop (erf);
	v34 =	vmul.f32 $1.111111120e-01, v26  }
0x55: {  	v13 =	vadd.f32 v13, v13;
	v16 =	vmul.f32 v27, v16;
	v30 =	vmul.f32 v14, v14  }
0x56: {  	v27 =	vpop (erf);
	v14 =	vadd.f32 v14, v14;
	v24 =	vmul.f32 v24, v20;
	v29 =	vmul.f32 v15, v15  }
0x57: {  	v17 =	vmul.f32 v27, v17;
	v27 =	vpop (erf);
	v15 =	vadd.f32 v15, v15;
	v36 =	vmul.f32 $1.111111120e-01, v25  }
0x58: {  	v34 =	vadd.f32 $1.428571490e-01, v34;
	v18 =	vmul.f32 v27, v18;
	v27 =	vmul.f32 v16, v16  }
0x59: {  	v33 =	vadd.f32 v16, v16;
	v37 =	vmul.f32 $1.111111120e-01, v30;
	v24 =	vadd.f32 $2.000000030e-01, v24  }
0x5a: {  	v31 =	vmul.f32 v17, v17;
	v16 =	vmul.f32 $1.111111120e-01, v29;
	v35 =	vadd.f32 v17, v17  }
0x5b: {  	v17 =	vld [tilespmem:s29+$0x30];
	v36 =	vadd.f32 $1.428571490e-01, v36;
	v38 =	vmul.f32 $1.111111120e-01, v27;
	v24 =	vmul.f32 v24, v20  }
0x5c: {  	v32 =	vmul.f32 v18, v18;
	v37 =	vadd.f32 $1.428571490e-01, v37;
	v16 =	vadd.f32 $1.428571490e-01, v16  }
0x5d: {  	v39 =	vmul.f32 $1.111111120e-01, v31;
	v38 =	vadd.f32 $1.428571490e-01, v38;
	v24 =	vadd.f32 $3.333333430e-01, v24  }
0x5e: {  	v18 =	vadd.f32 v18, v18;
	v43 =	vmul.f32 v37, v30;
	v16 =	vmul.f32 v16, v29  }
0x5f: {  	v39 =	vadd.f32 $1.428571490e-01, v39;
	v44 =	vmul.f32 v38, v27;
	v20 =	vmul.f32 v24, v20  }
0x60: {  	v17 =	vmul.f32 v17, v12;
	v12 =	vmax.f32 v12, $0.0e+00;
	v42 =	vadd.f32 $2.000000030e-01, v16  }
0x61: {  	v24 =	vmul.f32 $1.111111120e-01, v32;
	v37 =	vadd.f32 $2.000000030e-01, v44;
	v20 =	vadd.f32 $1.000000000e+00, v20  }
0x62: {  	v12 =	vsub.f32 v12, v17;
	v17 =	vmul.f32 v34, v26;
	v34 =	vmul.f32 v42, v29  }
0x63: {  	v24 =	vadd.f32 $1.428571490e-01, v24;
	v42 =	vld [tilespmem:s29+$0xFFFFFFF0];
	v37 =	vmul.f32 v37, v27;
	v19 =	vmul.f32 v20, v19  }
0x64: {  	v20 =	vmul.f32 v36, v25;
	v36 =	vadd.f32 $2.000000030e-01, v43;
	v34 =	vadd.f32 $3.333333430e-01, v34  }
0x65: {  	v24 =	vmul.f32 v24, v32;
	v37 =	vadd.f32 $3.333333430e-01, v37;
	v16 =	vadd.f32 v19, v12  }
0x66: {  	v12 =	vadd.f32 $2.000000030e-01, v17;
	v19 =	vmul.f32 v39, v31;
	v20 =	vadd.f32 $2.000000030e-01, v20  }
0x67: {  	v24 =	vadd.f32 $2.000000030e-01, v24;
	v36 =	vmul.f32 v36, v30;
	v29 =	vmul.f32 v34, v29  }
0x68: {  	v27 =	vmul.f32 v37, v27;
	v1 =	vmul.f32 v42, v1;
	v17 =	vshrl.u32 v16, $0x17  }
0x69: {  	v45 =	vadd.f32 $2.000000030e-01, v19;
	v12 =	vmul.f32 v12, v26;
	v20 =	vmul.f32 v20, v25  }
0x6a: {  	v24 =	vmul.f32 v24, v32;
	v48 =	vadd.f32 $3.333333430e-01, v36;
	v29 =	vadd.f32 $1.000000000e+00, v29  }
0x6b: {  	v19 =	vadd.s32 $0x100, v17;
	v46 =	vand.u32 $0x7F, v17;
	v12 =	vadd.f32 $3.333333430e-01, v12  }
0x6c: {  	v1 =	vsub.f32 v10, v1;
	v38 =	vmul.f32 v45, v31;
	v20 =	vadd.f32 $3.333333430e-01, v20  }
0x6d: {  	v19 =	vand.u32 $0x380, v19;
	v24 =	vadd.f32 $3.333333430e-01, v24;
	v12 =	vmul.f32 v12, v26  }
0x6e: {  	v26 =	vadd.f32 $3.333333430e-01, v38;
	v20 =	vmul.f32 v20, v25;
	v25 =	vmul.f32 v48, v30  }
0x6f: {  	s30 =	simm.s32 $0xC0;
	v15 =	vmul.f32 v29, v15;
	v30 =	vld [tilespmem:s29+$0x20];
	v24 =	vmul.f32 v24, v32;
	v12 =	vadd.f32 $1.000000000e+00, v12  }
0x70: {  	v9 =	vld [tilespmem:s30+$0xFFFFFFD0];
	v26 =	vmul.f32 v26, v31;
	v20 =	vadd.f32 $1.000000000e+00, v20;
	v25 =	vadd.f32 $1.000000000e+00, v25  }
0x71: {  	v19 =	vor.u32 v46, v19;
	v31 =	vadd.f32 $1.000000000e+00, v27;
	v24 =	vadd.f32 $1.000000000e+00, v24;
	v27 =	vld [tilespmem:s30+$0x30]  }
0x72: {  	v10 =	vld [tilespmem:s30+$0xFFFFFFE0];
	v26 =	vadd.f32 $1.000000000e+00, v26;
	v12 =	vmul.f32 v12, v23;
	v20 =	vmul.f32 v20, v13  }
0x73: {  	v14 =	vmul.f32 v25, v14;
	v21 =	vmul.f32 v31, v33;
	v23 =	vsub.f32 v11, v4;
	v11 =	vld [tilespmem:s30+$0xFFFFFFF0]  }
0x74: {  	v29 =	vadd.f32 v15, v7;
	v52 =	vmul.f32 v24, v18;
	v13 =	vld [tilespmem:s30+$0x0];
	v6 =	vmul.f32 v30, v6  }
0x75: {  	v18 =	vld [tilespmem:s30+$0xFFFFFFC0];
	v31 =	vmul.f32 v26, v35;
	v26 =	vadd.f32 v12, v2;
	v24 =	vadd.f32 v20, v3  }
0x76: {  	v12 =	vld [tilespmem:s30+$0x10];
	v22 =	vadd.f32 v14, v1;
	v1 =	vand.u32 $0x7FFFFFFF, v9;
	v2 =	vand.u32 $0x7FFFFFFF, v27  }
0x77: {  	v4 =	vand.u32 $0x7FFFFFFF, v10;
	v14 =	vld [tilespmem:s30+$0x20];
	v3 =	vsub.f32 $0.0e+00, v1;
	v2 =	vsub.f32 $0.0e+00, v2  }
0x78: {  	v15 =	vmax.f32 v9, $0.0e+00;
	v4 =	vsub.f32 $0.0e+00, v4;
	v51 =	vsub.f32 v28, v6  }
0x79: {  	v5 =	vand.u32 $0x7FFFFFFF, v11;
	v3 =	vmul.f32 $1.442695020e+00, v3;
	v2 =	vmul.f32 $1.442695020e+00, v2  }
0x7a: {  	v6 =	vand.u32 $0x7FFFFFFF, v13;
	v20 =	vand.u32 $0x7FFFFFFF, v18;
	v5 =	vsub.f32 $0.0e+00, v5  }
0x7b: {  	v7 =	vand.u32 $0x7FFFFFFF, v12;
	(erf) = vpow2.f32 v2;
	v2 =	vmul.f32 $1.442695020e+00, v4  }
0x7c: {  	v4 =	vsub.f32 $0.0e+00, v7;
	v7 =	vand.u32 $0x7FFFFFFF, v14;
	v28 =	vmul.f32 $1.442695020e+00, v5  }
0x7d: {  	v5 =	vsub.f32 $0.0e+00, v7;
	v7 =	vsub.f32 $0.0e+00, v20;
	(erf) = vpow2.f32 v3  }
0x7e: {  	v30 =	vadd.f32 v21, v23;
	v6 =	vsub.f32 $0.0e+00, v6;
	(erf) = vpow2.f32 v2  }
0x7f: {  	v1 =	vmax.f32 v10, $0.0e+00;
	v7 =	vmul.f32 $1.442695020e+00, v7;
	(erf) = vpow2.f32 v28  }
0x80: {  	v32 =	vshrl.u32 v26, $0x17;
	v33 =	vshrl.u32 v24, $0x17;
	v20 =	vmul.f32 $1.442695020e+00, v6  }
0x81: {  	v34 =	vshrl.u32 v22, $0x17;
	v35 =	vshrl.u32 v30, $0x17;
	(erf) = vpow2.f32 v7  }
0x82: {  	v25 =	vmax.f32 v18, $0.0e+00;
	v53 =	vmul.f32 $1.442695020e+00, v4;
	(erf) = vpow2.f32 v20  }
0x83: {  	v21 =	vadd.s32 $0x100, v32;
	v23 =	vadd.s32 $0x100, v33;
	v54 =	vmul.f32 $1.442695020e+00, v5  }
0x84: {  	v55 =	vadd.s32 $0x100, v34;
	v28 =	vadd.f32 v31, v8;
	(erf) = vpow2.f32 v53;
	v8 =	vpop (erf)  }
0x85: {  	v57 =	vadd.s32 $0x100, v35;
	(erf) = vpow2.f32 v54;
	v7 =	vadd.f32 $2.000000000e+00, v8  }
0x86: {  	v63 =	vand.u32 $0x7F, v32;
	v21 =	vand.u32 $0x380, v21;
	v23 =	vand.u32 $0x380, v23;
	v20 =	vpop (erf)  }
0x87: {  	v38 =	vand.u32 $0x380, v55;
	v56 =	vadd.f32 $2.000000000e+00, v20;
	v40 =	vpop (erf);
	(erf) = vrcp.f32 v7  }
0x88: {  	v41 =	vand.u32 $0x380, v57;
	v6 =	vmax.f32 v11, $0.0e+00;
	v43 =	vadd.f32 $2.000000000e+00, v40;
	v44 =	vpop (erf)  }
0x89: {  	v3 =	vmax.f32 v12, $0.0e+00;
	v46 =	vadd.f32 $2.000000000e+00, v44;
	(erf) = vrcp.f32 v56  }
0x8a: {  	v4 =	vmax.f32 v14, $0.0e+00;
	v2 =	vadd.f32 v52, v51;
	v47 =	vpop (erf);
	(erf) = vrcp.f32 v43  }
0x8b: {  	v51 =	vand.u32 $0x7F, v33;
	v52 =	vand.u32 $0x7F, v34;
	v59 =	vadd.f32 $2.000000000e+00, v47;
	v60 =	vpop (erf)  }
0x8c: {  	v5 =	vmax.f32 v13, $0.0e+00;
	(erf) = vrcp.f32 v46;
	v48 =	vadd.f32 $2.000000000e+00, v60  }
0x8d: {  	v31 =	vshrl.u32 v29, $0x17;
	v38 =	vor.u32 v52, v38;
	v46 =	vpop (erf);
	(erf) = vrcp.f32 v59  }
0x8e: {  	v37 =	vshrl.u32 v2, $0x17;
	v36 =	vshrl.u32 v28, $0x17;
	v39 =	vpop (erf);
	(erf) = vrcp.f32 v48  }
0x8f: {  	v62 =	vand.u32 $0x7F, v31;
	v58 =	vadd.s32 $0x100, v36;
	v49 =	vadd.f32 $2.000000000e+00, v46  }
0x90: {  	s31 =	simm.s32 $0x8040;
	v55 =	vand.u32 $0x7F, v36;
	v42 =	vand.u32 $0x380, v58;
	v50 =	vadd.f32 $2.000000000e+00, v39;
	v61 =	vpop (erf)  }
0x91: {  	s4 =	simm.s32 $0xC000;
	[tilespmem:s31+$0x30] =	vst v16;
	v7 =	vadd.s32 $0x100, v31;
	(erf) = vrcp.f32 v49;
	v48 =	vmul.f32 v61, v8  }
0x92: {  	[tilespmem:v17+s4+$0x0] =	vst.idx.add.f32.msk $0xffff, v0;
	v53 =	vand.u32 $0x7F, v35;
	v45 =	vand.u32 $0x380, v7;
	(erf) = vrcp.f32 v50;
	v56 =	vpop (erf)  }
0x93: {  	v49 =	vor.u32 v63, v21;
	v17 =	vmul.f32 v56, v20;
	v21 =	vpop (erf);
	v54 =	vmul.f32 v48, v48  }
0x94: {  	v50 =	vor.u32 v51, v23;
	v21 =	vmul.f32 v21, v40;
	v40 =	vor.u32 v53, v41  }
0x95: {  	v23 =	vpop (erf);
	v41 =	vor.u32 v55, v42;
	v42 =	vmul.f32 v17, v17;
	v20 =	vmul.f32 $1.111111120e-01, v54  }
0x96: {  	[tilespmem:v19+s4+$0x0] =	vst.idx.add.f32.msk $0xffff, v16;
	v7 =	vadd.s32 $0x100, v37;
	v23 =	vmul.f32 v23, v44;
	v16 =	vpop (erf);
	v44 =	vmul.f32 v21, v21  }
0x97: {  	v59 =	vpop (erf);
	v57 =	vmul.f32 $1.111111120e-01, v42;
	v19 =	vadd.f32 $1.428571490e-01, v20;
	v20 =	vmul.f32 v16, v47  }
0x98: {  	[tilespmem:s31+$0xFFFFFFC0] =	vst v29;
	v16 =	vadd.f32 v17, v17;
	v17 =	vadd.f32 v21, v21;
	v21 =	vmul.f32 v59, v60  }
0x99: {  	[tilespmem:v31+s4+$0x0] =	vst.idx.add.f32.msk $0xffff, v0;
	v45 =	vor.u32 v62, v45;
	v47 =	vmul.f32 v23, v23;
	v31 =	vmul.f32 $1.111111120e-01, v44  }
0x9a: {  	v8 =	vand.u32 $0x7F, v37;
	v61 =	vpop (erf);
	v60 =	vmul.f32 v19, v54;
	v51 =	vmul.f32 v20, v20  }
0x9b: {  	v19 =	vadd.f32 v20, v20;
	v46 =	vmul.f32 v61, v46;
	v52 =	vmul.f32 v21, v21  }
0x9c: {  	[tilespmem:s31+$0xFFFFFFE0] =	vst v24;
	v21 =	vadd.f32 v21, v21;
	v58 =	vmul.f32 $1.111111120e-01, v47;
	v31 =	vadd.f32 $1.428571490e-01, v31  }
0x9d: {  	[tilespmem:s31+$0xFFFFFFD0] =	vst v26;
	v43 =	vadd.f32 $2.000000030e-01, v60;
	v53 =	vmul.f32 v46, v46;
	v62 =	vmul.f32 $1.111111120e-01, v51  }
0x9e: {  	s5 =	simm.s32 $0x40C0;
	[tilespmem:s31+$0xFFFFFFF0] =	vst v22;
	v20 =	vpop (erf);
	v56 =	vmul.f32 $1.111111120e-01, v52;
	v60 =	vadd.f32 $1.428571490e-01, v57;
	v31 =	vmul.f32 v31, v44  }
0x9f: {  	[tilespmem:s31+$0x0] =	vst v30;
	v39 =	vmul.f32 v20, v39;
	v20 =	vadd.f32 v23, v23;
	v23 =	vadd.f32 v46, v46;
	v46 =	vld [tilespmem:s5+$0x30]  }
0xa0: {  	[tilespmem:v33+s4+$0x0] =	vst.idx.add.f32.msk $0xffff, v0;
	v43 =	vmul.f32 v43, v54;
	v63 =	vadd.f32 $1.428571490e-01, v62;
	v59 =	vmul.f32 $1.111111120e-01, v53  }
0xa1: {  	[tilespmem:v35+s4+$0x0] =	vst.idx.add.f32.msk $0xffff, v0;
	v62 =	vadd.f32 $1.428571490e-01, v58;
	v31 =	vadd.f32 $2.000000030e-01, v31;
	v55 =	vmul.f32 v39, v39  }
0xa2: {  	[tilespmem:v32+s4+$0x0] =	vst.idx.add.f32.msk $0xffff, v0;
	v58 =	vmul.f32 v60, v42;
	v43 =	vadd.f32 $3.333333430e-01, v43;
	v33 =	vmul.f32 v63, v51  }
0xa3: {  	[tilespmem:v34+s4+$0x0] =	vst.idx.add.f32.msk $0xffff, v0;
	v63 =	vadd.f32 v48, v48;
	v31 =	vmul.f32 v31, v44;
	v61 =	vmul.f32 $1.111111120e-01, v55  }
0xa4: {  	[tilespmem:s31+$0x20] =	vst v2;
	v43 =	vmul.f32 v43, v54;
	v46 =	vmul.f32 v46, v27;
	v54 =	vadd.f32 $1.428571490e-01, v56  }
0xa5: {  	[tilespmem:v45+s4+$0x0] =	vst.idx.add.f32.msk $0xffff, v29;
	v56 =	vadd.f32 $1.428571490e-01, v59;
	v27 =	vmax.f32 v27, $0.0e+00;
	v29 =	vadd.f32 $2.000000030e-01, v33  }
0xa6: {  	[tilespmem:s31+$0x10] =	vst v28;
	v59 =	vmul.f32 v62, v47;
	v31 =	vadd.f32 $3.333333430e-01, v31;
	v57 =	vadd.f32 $1.428571490e-01, v61  }
0xa7: {  	[tilespmem:v37+s4+$0x0] =	vst.idx.add.f32.msk $0xffff, v0;
	v43 =	vadd.f32 $1.000000000e+00, v43;
	v27 =	vsub.f32 v27, v46;
	v34 =	vmul.f32 v54, v52  }
0xa8: {  	[tilespmem:v36+s4+$0x0] =	vst.idx.add.f32.msk $0xffff, v0;
	v60 =	vmul.f32 v56, v53;
	v35 =	vadd.f32 $2.000000030e-01, v59;
	v29 =	vmul.f32 v29, v51  }
0xa9: {  	[tilespmem:v50+s4+$0x0] =	vst.idx.add.f32.msk $0xffff, v24;
	v36 =	vmul.f32 v57, v55;
	v32 =	vmul.f32 v43, v63;
	v34 =	vadd.f32 $2.000000030e-01, v34  }
0xaa: {  	[tilespmem:v40+s4+$0x0] =	vst.idx.add.f32.msk $0xffff, v30;
	v33 =	vadd.f32 $2.000000030e-01, v60;
	v35 =	vmul.f32 v35, v47;
	v29 =	vadd.f32 $3.333333430e-01, v29  }
0xab: {  	v46 =	vld [tilespmem:s5+$0xFFFFFFE0];
	v36 =	vadd.f32 $2.000000030e-01, v36;
	v32 =	vadd.f32 v32, v27;
	v34 =	vmul.f32 v34, v52  }
0xac: {  	v54 =	vld [tilespmem:s5+$0xFFFFFFF0];
	v27 =	vadd.f32 $2.000000030e-01, v58;
	v33 =	vmul.f32 v33, v53;
	v29 =	vmul.f32 v29, v51  }
0xad: {  	v43 =	vld [tilespmem:s5+$0xFFFFFFD0];
	v30 =	vadd.f32 $3.333333430e-01, v35;
	v36 =	vmul.f32 v36, v55;
	v45 =	vshrl.u32 v32, $0x17  }
0xae: {  	v57 =	vld [tilespmem:s5+$0x0];
	v63 =	vmul.f32 v27, v42;
	v27 =	vadd.f32 v39, v39;
	v34 =	vadd.f32 $3.333333430e-01, v34  }
0xaf: {  	v56 =	vld [tilespmem:s5+$0x10];
	v33 =	vadd.f32 $3.333333430e-01, v33;
	v24 =	vadd.f32 $1.000000000e+00, v29;
	v29 =	vmul.f32 v31, v44  }
0xb0: {  	v37 =	vld [tilespmem:s5+$0xFFFFFFC0];
	v30 =	vmul.f32 v30, v47;
	v61 =	vadd.s32 $0x100, v45;
	v62 =	vand.u32 $0x7F, v45  }
0xb1: {  	[tilespmem:v38+s4+$0x0] =	vst.idx.add.f32.msk $0xffff, v22;
	v60 =	vadd.f32 $3.333333430e-01, v36;
	v48 =	vand.u32 $0x380, v61;
	v22 =	vmul.f32 v34, v52  }
0xb2: {  	[tilespmem:v49+s4+$0x0] =	vst.idx.add.f32.msk $0xffff, v26;
	v26 =	vadd.f32 $3.333333430e-01, v63;
	v63 =	vmul.f32 v43, v9;
	v9 =	vmul.f32 v46, v10  }
0xb3: {  	v59 =	vld [tilespmem:s5+$0x20];
	v10 =	vmul.f32 v54, v11;
	v11 =	vmul.f32 v57, v13;
	v48 =	vor.u32 v62, v48  }
0xb4: {  	v31 =	vadd.f32 $1.000000000e+00, v29;
	v13 =	vmul.f32 v56, v12;
	v26 =	vmul.f32 v26, v42  }
0xb5: {  	s6 =	simm.s32 $0x80C0;
	[tilespmem:v41+s4+$0x0] =	vst.idx.add.f32.msk $0xffff, v28;
	v29 =	vadd.f32 $1.000000000e+00, v30;
	v61 =	vmul.f32 v60, v55;
	v62 =	vmul.f32 v37, v18  }
0xb6: {  	[tilespmem:s6+$0x30] =	vst v32;
	v30 =	vadd.f32 $1.000000000e+00, v22;
	v28 =	vadd.f32 $1.000000000e+00, v26;
	v26 =	vmul.f32 v33, v53  }
0xb7: {  	v7 =	vand.u32 $0x380, v7;
	v15 =	vsub.f32 v15, v63;
	[tilespmem:v45+s4+$0x0] =	vst.idx.add.f32.msk $0xffff, v0;
	v22 =	vsub.f32 v25, v62  }
0xb8: {  	s8 =	simm.s32 $0x140;
	s3 =	sadd.s32 $0x10A00, s3;
	s7 =	simm.s32 $0x8;
	v12 =	vmul.f32 v59, v14;
	v18 =	vadd.f32 $1.000000000e+00, v26;
	[tilespmem:v48+s4+$0x0] =	vst.idx.add.f32.msk $0xffff, v32;
	v26 =	vadd.f32 $1.000000000e+00, v61  }
.LBB2_1:
0xb9: {  	v25 =	vld [tilespmem:s8+$0x30];
	s7 =	sadd.s32 $0x8, s7;
	v14 =	vmul.f32 v24, v19;
	v16 =	vmul.f32 v28, v16;
	v1 =	vsub.f32 v1, v9  }
0xba: {  	v17 =	vmul.f32 v31, v17;
	v19 =	vmul.f32 v29, v20;
	v6 =	vsub.f32 v6, v10;
	v9 =	vld [tilespmem:s8+$0xFFFFFFD0];
	p0 =	slt.u32 s7, $0x3F8  }
0xbb: {  	v21 =	vmul.f32 v30, v21;
	v28 =	vsub.f32 v5, v11;
	v23 =	vmul.f32 v18, v23;
	v10 =	vld [tilespmem:s8+$0xFFFFFFE0]  }
0xbc: {  	v31 =	vmul.f32 v26, v27;
	v30 =	vsub.f32 v3, v13;
	v32 =	vsub.f32 v4, v12;
	v11 =	vld [tilespmem:s8+$0xFFFFFFF0]  }
0xbd: {  	v3 =	vor.u32 v8, v7;
	v20 =	vadd.f32 v14, v22;
	v27 =	vadd.f32 v16, v15;
	v12 =	vld [tilespmem:s8+$0x0]  }
0xbe: {  	v26 =	vadd.f32 v17, v1;
	v24 =	vadd.f32 v19, v6;
	v13 =	vld [tilespmem:s8+$0x10];
	v4 =	vand.u32 $0x7FFFFFFF, v25  }
0xbf: {  	v1 =	vand.u32 $0x7FFFFFFF, v9;
	v15 =	vmax.f32 v9, $0.0e+00;
	v14 =	vld [tilespmem:s8+$0x20];
	v4 =	vsub.f32 $0.0e+00, v4;
	[tilespmem:s6+$0xFFFFFFC0] =	vst v20  }
0xc0: {  	v18 =	vld [tilespmem:s8+$0xFFFFFFC0];
	v5 =	vsub.f32 $0.0e+00, v1;
	v6 =	vand.u32 $0x7FFFFFFF, v10;
	v1 =	vmax.f32 v10, $0.0e+00;
	[tilespmem:s6+$0xFFFFFFE0] =	vst v26  }
0xc1: {  	v6 =	vsub.f32 $0.0e+00, v6;
	v7 =	vand.u32 $0x7FFFFFFF, v11;
	v4 =	vmul.f32 $1.442695020e+00, v4;
	[tilespmem:s6+$0xFFFFFFD0] =	vst v27  }
0xc2: {  	v5 =	vmul.f32 $1.442695020e+00, v5;
	v7 =	vsub.f32 $0.0e+00, v7;
	v8 =	vand.u32 $0x7FFFFFFF, v12;
	[tilespmem:v3+s4+$0x0] =	vst.idx.add.f32.msk $0xffff, v2  }
0xc3: {  	v2 =	vsub.f32 $0.0e+00, v8;
	v3 =	vand.u32 $0x7FFFFFFF, v13;
	(erf) = vpow2.f32 v4;
	[tilespmem:s6+$0xFFFFFFF0] =	vst v24  }
0xc4: {  	v4 =	vmul.f32 $1.442695020e+00, v6;
	v3 =	vsub.f32 $0.0e+00, v3;
	v6 =	vand.u32 $0x7FFFFFFF, v14  }
0xc5: {  	v7 =	vmul.f32 $1.442695020e+00, v7;
	v8 =	vand.u32 $0x7FFFFFFF, v18;
	v6 =	vsub.f32 $0.0e+00, v6  }
0xc6: {  	v2 =	vmul.f32 $1.442695020e+00, v2;
	v8 =	vsub.f32 $0.0e+00, v8;
	v16 =	vmul.f32 $1.442695020e+00, v3  }
0xc7: {  	v22 =	vmax.f32 v18, $0.0e+00;
	v17 =	vmul.f32 $1.442695020e+00, v6;
	(erf) = vpow2.f32 v5  }
0xc8: {  	v6 =	vmax.f32 v11, $0.0e+00;
	v8 =	vmul.f32 $1.442695020e+00, v8;
	(erf) = vpow2.f32 v4  }
0xc9: {  	v3 =	vmax.f32 v13, $0.0e+00;
	v5 =	vmax.f32 v12, $0.0e+00;
	(erf) = vpow2.f32 v7  }
0xca: {  	v29 =	vadd.f32 v21, v28;
	v4 =	vmax.f32 v14, $0.0e+00;
	(erf) = vpow2.f32 v8  }
0xcb: {  	v28 =	vadd.f32 v23, v30;
	(erf) = vpow2.f32 v2;
	v2 =	vadd.f32 v31, v32  }
0xcc: {  	v7 =	vshrl.u32 v20, $0x17;
	(erf) = vpow2.f32 v16;
	v8 =	vpop (erf);
	v16 =	vshrl.u32 v27, $0x17;
	[tilespmem:s6+$0x0] =	vst v29  }
0xcd: {  	v19 =	vadd.f32 $2.000000000e+00, v8;
	(erf) = vpow2.f32 v17;
	v17 =	vshrl.u32 v26, $0x17;
	[tilespmem:s6+$0x10] =	vst v28  }
0xce: {  	v21 =	vshrl.u32 v24, $0x17;
	v23 =	vshrl.u32 v29, $0x17;
	v30 =	vshrl.u32 v28, $0x17;
	[tilespmem:s6+$0x20] =	vst v2  }
0xcf: {  	v31 =	vshrl.u32 v2, $0x17;
	(erf) = vrcp.f32 v19;
	v19 =	vadd.s32 $0x100, v7  }
0xd0: {  	v35 =	vadd.s32 $0x100, v21;
	v33 =	vadd.s32 $0x100, v16;
	v34 =	vadd.s32 $0x100, v17;
	v32 =	vpop (erf)  }
0xd1: {  	v38 =	vadd.s32 $0x100, v23;
	v39 =	vadd.s32 $0x100, v30;
	v36 =	vadd.f32 $2.000000000e+00, v32;
	v37 =	vpop (erf);
	[tilespmem:v7+s4+$0x0] =	vst.idx.add.f32.msk $0xffff, v0  }
0xd2: {  	v42 =	vadd.s32 $0x100, v31;
	v19 =	vand.u32 $0x380, v19;
	v45 =	vadd.f32 $2.000000000e+00, v37;
	v41 =	vpop (erf);
	[tilespmem:v17+s4+$0x0] =	vst.idx.add.f32.msk $0xffff, v0  }
0xd3: {  	v33 =	vand.u32 $0x380, v33;
	v46 =	vadd.f32 $2.000000000e+00, v41;
	v44 =	vpop (erf);
	(erf) = vrcp.f32 v36;
	[tilespmem:v23+s4+$0x0] =	vst.idx.add.f32.msk $0xffff, v0  }
0xd4: {  	v34 =	vand.u32 $0x380, v34;
	v47 =	vadd.f32 $2.000000000e+00, v44;
	(erf) = vrcp.f32 v45;
	v40 =	vpop (erf);
	[tilespmem:v31+s4+$0x0] =	vst.idx.add.f32.msk $0xffff, v0  }
0xd5: {  	v35 =	vand.u32 $0x380, v35;
	v48 =	vadd.f32 $2.000000000e+00, v40;
	(erf) = vrcp.f32 v46;
	v43 =	vpop (erf);
	[tilespmem:v16+s4+$0x0] =	vst.idx.add.f32.msk $0xffff, v0  }
0xd6: {  	v38 =	vand.u32 $0x380, v38;
	v46 =	vadd.f32 $2.000000000e+00, v43;
	(erf) = vrcp.f32 v47;
	v36 =	vpop (erf);
	[tilespmem:v21+s4+$0x0] =	vst.idx.add.f32.msk $0xffff, v0  }
0xd7: {  	v39 =	vand.u32 $0x380, v39;
	v47 =	vadd.f32 $2.000000000e+00, v36;
	(erf) = vrcp.f32 v48;
	[tilespmem:v30+s4+$0x0] =	vst.idx.add.f32.msk $0xffff, v0  }
0xd8: {  	(erf) = vrcp.f32 v46;
	v45 =	vpop (erf);
	v46 =	vand.u32 $0x7F, v7;
	v7 =	vand.u32 $0x380, v42  }
0xd9: {  	v16 =	vand.u32 $0x7F, v16;
	v42 =	vmul.f32 v45, v8;
	(erf) = vrcp.f32 v47  }
0xda: {  	v17 =	vand.u32 $0x7F, v17;
	v23 =	vand.u32 $0x7F, v23;
	v21 =	vand.u32 $0x7F, v21  }
0xdb: {  	v30 =	vand.u32 $0x7F, v30;
	v8 =	vand.u32 $0x7F, v31;
	v45 =	vmul.f32 v42, v42  }
0xdc: {  	v34 =	vor.u32 v17, v34;
	v33 =	vor.u32 v16, v33;
	v46 =	vor.u32 v46, v19;
	v31 =	vpop (erf)  }
0xdd: {  	v16 =	vmul.f32 v31, v32;
	v47 =	vmul.f32 $1.111111120e-01, v45;
	v19 =	vpop (erf);
	v31 =	vor.u32 v21, v35  }
0xde: {  	v30 =	vor.u32 v30, v39;
	v32 =	vor.u32 v23, v38;
	v19 =	vmul.f32 v19, v37;
	v21 =	vpop (erf)  }
0xdf: {  	v35 =	vmul.f32 v16, v16;
	v21 =	vmul.f32 v21, v41;
	v23 =	vadd.f32 $1.428571490e-01, v47;
	v17 =	vpop (erf)  }
0xe0: {  	v16 =	vadd.f32 v16, v16;
	v37 =	vmul.f32 v17, v44;
	v38 =	vmul.f32 v19, v19;
	v39 =	vpop (erf)  }
0xe1: {  	v17 =	vadd.f32 v19, v19;
	v39 =	vmul.f32 v39, v40;
	v23 =	vmul.f32 v23, v45;
	v40 =	vpop (erf)  }
0xe2: {  	v41 =	vmul.f32 v37, v37;
	v19 =	vadd.f32 v37, v37;
	v37 =	vmul.f32 v40, v43;
	v40 =	vpop (erf)  }
0xe3: {  	v43 =	vmul.f32 v21, v21;
	v36 =	vmul.f32 v40, v36;
	v23 =	vadd.f32 $2.000000030e-01, v23;
	[tilespmem:v46+s4+$0x0] =	vst.idx.add.f32.msk $0xffff, v20  }
0xe4: {  	v20 =	vadd.f32 v21, v21;
	v40 =	vmul.f32 v39, v39;
	v44 =	vmul.f32 v37, v37  }
0xe5: {  	s5 =	sadd.s32 $0x80, s5;
	v21 =	vadd.f32 v39, v39;
	v39 =	vmul.f32 v36, v36;
	v46 =	vmul.f32 v23, v45  }
0xe6: {  	v48 =	vmul.f32 $1.111111120e-01, v35;
	v47 =	vmul.f32 $1.111111120e-01, v41;
	v23 =	vadd.f32 v37, v37;
	v37 =	vld [tilespmem:s5+$0x30]  }
0xe7: {  	v50 =	vmul.f32 $1.111111120e-01, v38;
	v51 =	vmul.f32 $1.111111120e-01, v43;
	v49 =	vld [tilespmem:s5+$0xFFFFFFC0];
	v46 =	vadd.f32 $3.333333430e-01, v46  }
0xe8: {  	v53 =	vmul.f32 $1.111111120e-01, v40;
	v47 =	vadd.f32 $1.428571490e-01, v47;
	v54 =	vmul.f32 $1.111111120e-01, v44;
	v52 =	vld [tilespmem:s5+$0xFFFFFFD0]  }
0xe9: {  	v48 =	vadd.f32 $1.428571490e-01, v48;
	v56 =	vmul.f32 $1.111111120e-01, v39;
	v55 =	vld [tilespmem:s5+$0xFFFFFFE0];
	v45 =	vmul.f32 v46, v45  }
0xea: {  	v51 =	vadd.f32 $1.428571490e-01, v51;
	v46 =	vmul.f32 v47, v41;
	v47 =	vadd.f32 $1.428571490e-01, v50;
	v50 =	vld [tilespmem:s5+$0xFFFFFFF0]  }
0xeb: {  	v42 =	vadd.f32 v42, v42;
	v57 =	vld [tilespmem:s5+$0x0];
	v45 =	vadd.f32 $1.000000000e+00, v45;
	v37 =	vmul.f32 v37, v25  }
0xec: {  	v53 =	vadd.f32 $1.428571490e-01, v53;
	v54 =	vadd.f32 $1.428571490e-01, v54;
	v25 =	vmax.f32 v25, $0.0e+00;
	v58 =	vld [tilespmem:s5+$0x10]  }
0xed: {  	v56 =	vadd.f32 $1.428571490e-01, v56;
	v59 =	vld [tilespmem:s5+$0x20];
	v42 =	vmul.f32 v45, v42;
	v25 =	vsub.f32 v25, v37  }
0xee: {  	v37 =	vadd.f32 $2.000000030e-01, v46;
	v45 =	vmul.f32 v48, v35;
	v46 =	vmul.f32 v47, v38;
	[tilespmem:v33+s4+$0x0] =	vst.idx.add.f32.msk $0xffff, v27  }
0xef: {  	v27 =	vmul.f32 v51, v43;
	v33 =	vmul.f32 v53, v40;
	v25 =	vadd.f32 v42, v25  }
0xf0: {  	v47 =	vmul.f32 v56, v39;
	v42 =	vadd.f32 $2.000000030e-01, v45;
	v45 =	vmul.f32 v54, v44;
	[tilespmem:v32+s4+$0x0] =	vst.idx.add.f32.msk $0xffff, v29  }
0xf1: {  	v29 =	vadd.f32 $2.000000030e-01, v46;
	v27 =	vadd.f32 $2.000000030e-01, v27;
	v32 =	vshrl.u32 v25, $0x17;
	[tilespmem:v34+s4+$0x0] =	vst.idx.add.f32.msk $0xffff, v26  }
0xf2: {  	v26 =	vadd.f32 $2.000000030e-01, v33;
	v33 =	vadd.f32 $2.000000030e-01, v45;
	v34 =	vadd.s32 $0x100, v32;
	[tilespmem:v30+s4+$0x0] =	vst.idx.add.f32.msk $0xffff, v28  }
0xf3: {  	v28 =	vadd.f32 $2.000000030e-01, v47;
	v30 =	vand.u32 $0x7F, v32;
	v34 =	vand.u32 $0x380, v34;
	[tilespmem:v31+s4+$0x0] =	vst.idx.add.f32.msk $0xffff, v24  }
0xf4: {  	v24 =	vmul.f32 v37, v41;
	v31 =	vmul.f32 v42, v35;
	v30 =	vor.u32 v30, v34  }
0xf5: {  	v29 =	vmul.f32 v29, v38;
	v34 =	vmul.f32 v27, v43;
	v27 =	vadd.f32 v36, v36  }
0xf6: {  	s6 =	sadd.s32 $0x80, s6;
	v26 =	vmul.f32 v26, v40;
	v33 =	vmul.f32 v33, v44;
	v24 =	vadd.f32 $3.333333430e-01, v24  }
0xf7: {  	v29 =	vadd.f32 $3.333333430e-01, v29;
	v28 =	vmul.f32 v28, v39;
	v31 =	vadd.f32 $3.333333430e-01, v31;
	[tilespmem:s6+$0x30] =	vst v25  }
0xf8: {  	v26 =	vadd.f32 $3.333333430e-01, v26;
	v34 =	vadd.f32 $3.333333430e-01, v34;
	v24 =	vmul.f32 v24, v41;
	[tilespmem:v32+s4+$0x0] =	vst.idx.add.f32.msk $0xffff, v0  }
0xf9: {  	v31 =	vmul.f32 v31, v35;
	v32 =	vadd.f32 $3.333333430e-01, v33;
	v33 =	vadd.f32 $3.333333430e-01, v28;
	[tilespmem:v30+s4+$0x0] =	vst.idx.add.f32.msk $0xffff, v25  }
0xfa: {  	v24 =	vadd.f32 $1.000000000e+00, v24;
	v25 =	vmul.f32 v29, v38;
	v29 =	vmul.f32 v34, v43  }
0xfb: {  	v26 =	vmul.f32 v26, v40;
	v28 =	vadd.f32 $1.000000000e+00, v31;
	v32 =	vmul.f32 v32, v44  }
.Ltmp0:
0xfc: {  	v31 =	vadd.f32 $1.000000000e+00, v25;
	v29 =	vadd.f32 $1.000000000e+00, v29;
	v25 =	vmul.f32 v33, v39;
	(pc) =	sbr.rel @p0 .LBB2_1-.Ltmp0, $4  }
0xfd: {  	v30 =	vadd.f32 $1.000000000e+00, v26;
	v33 =	vmul.f32 v49, v18;
	v18 =	vadd.f32 $1.000000000e+00, v32  }
0xfe: {  	v32 =	vmul.f32 v52, v9;
	v9 =	vmul.f32 v55, v10;
	v26 =	vadd.f32 $1.000000000e+00, v25  }
0xff: {  	v10 =	vmul.f32 v50, v11;
	v11 =	vmul.f32 v57, v12;
	v22 =	vsub.f32 v22, v33  }
0x100: {  	s8 =	sadd.s32 $0x80, s8;
	v13 =	vmul.f32 v58, v13;
	v12 =	vmul.f32 v59, v14;
	v15 =	vsub.f32 v15, v32  }
0x101: {  	v14 =	vmul.f32 v24, v19  }
0x102: {  	v1 =	vsub.f32 v1, v9;
	v9 =	vmul.f32 v31, v17  }
0x103: {  	v16 =	vmul.f32 v28, v16;
	v7 =	vor.u32 v8, v7;
	v14 =	vadd.f32 v14, v22  }
0x104: {  	v8 =	vmul.f32 v29, v20;
	v6 =	vsub.f32 v6, v10;
	v1 =	vadd.f32 v9, v1  }
0x105: {  	v5 =	vsub.f32 v5, v11;
	v10 =	vadd.f32 v16, v15;
	[tilespmem:s6+$0xFFFFFFC0] =	vst v14  }
0x106: {  	v11 =	vmul.f32 v18, v23;
	v3 =	vsub.f32 v3, v13;
	v6 =	vadd.f32 v8, v6;
	[tilespmem:s6+$0xFFFFFFE0] =	vst v1  }
0x107: {  	v13 =	vmul.f32 v26, v27;
	v4 =	vsub.f32 v4, v12;
	[tilespmem:s6+$0xFFFFFFD0] =	vst v10  }
0x108: {  	v9 =	vmul.f32 v30, v21;
	v3 =	vadd.f32 v11, v3;
	[tilespmem:s6+$0xFFFFFFF0] =	vst v6;
	v8 =	vshrl.u32 v10, $0x17  }
0x109: {  	v4 =	vadd.f32 v13, v4;
	v11 =	vshrl.u32 v6, $0x17;
	[tilespmem:v7+s4+$0x0] =	vst.idx.add.f32.msk $0xffff, v2  }
0x10a: {  	v2 =	vadd.f32 v9, v5;
	v5 =	vshrl.u32 v14, $0x17;
	[tilespmem:s6+$0x10] =	vst v3  }
0x10b: {  	v7 =	vshrl.u32 v1, $0x17;
	[tilespmem:s6+$0x20] =	vst v4  }
0x10c: {  	v12 =	vshrl.u32 v3, $0x17;
	v13 =	vshrl.u32 v4, $0x17;
	v16 =	vadd.s32 $0x100, v8;
	[tilespmem:s6+$0x0] =	vst v2  }
0x10d: {  	v18 =	vadd.s32 $0x100, v11;
	v22 =	vand.u32 $0x7F, v8;
	v9 =	vshrl.u32 v2, $0x17;
	[tilespmem:v8+s4+$0x0] =	vst.idx.add.f32.msk $0xffff, v0  }
0x10e: {  	v15 =	vadd.s32 $0x100, v5;
	v17 =	vadd.s32 $0x100, v7;
	v20 =	vadd.s32 $0x100, v12;
	[tilespmem:v11+s4+$0x0] =	vst.idx.add.f32.msk $0xffff, v0  }
0x10f: {  	v21 =	vadd.s32 $0x100, v13;
	v16 =	vand.u32 $0x380, v16;
	v15 =	vand.u32 $0x380, v15;
	[tilespmem:v5+s4+$0x0] =	vst.idx.add.f32.msk $0xffff, v0  }
0x110: {  	v16 =	vor.u32 v22, v16;
	v17 =	vand.u32 $0x380, v17;
	[tilespmem:v7+s4+$0x0] =	vst.idx.add.f32.msk $0xffff, v0;
	v5 =	vand.u32 $0x7F, v5  }
0x111: {  	v19 =	vadd.s32 $0x100, v9;
	[tilespmem:v13+s4+$0x0] =	vst.idx.add.f32.msk $0xffff, v0;
	v7 =	vand.u32 $0x7F, v7;
	v5 =	vor.u32 v5, v15  }
0x112: {  	v15 =	vand.u32 $0x380, v19;
	v7 =	vor.u32 v7, v17;
	[tilespmem:v9+s4+$0x0] =	vst.idx.add.f32.msk $0xffff, v0;
	v9 =	vand.u32 $0x7F, v9  }
0x113: {  	[tilespmem:v12+s4+$0x0] =	vst.idx.add.f32.msk $0xffff, v0;
	v17 =	vand.u32 $0x380, v18;
	v0 =	vand.u32 $0x7F, v11;
	v8 =	vor.u32 v9, v15  }
0x114: {  	v9 =	vand.u32 $0x380, v20;
	v15 =	vand.u32 $0x7F, v12;
	v0 =	vor.u32 v0, v17  }
0x115: {  	v11 =	vand.u32 $0x380, v21;
	[tilespmem:v16+s4+$0x0] =	vst.idx.add.f32.msk $0xffff, v10;
	v12 =	vand.u32 $0x7F, v13;
	v9 =	vor.u32 v15, v9  }
0x116: {  	[tilespmem:v5+s4+$0x0] =	vst.idx.add.f32.msk $0xffff, v14;
	v5 =	vor.u32 v12, v11  }
0x117: {  	[tilespmem:v7+s4+$0x0] =	vst.idx.add.f32.msk $0xffff, v1  }
0x118: {  	[tilespmem:v8+s4+$0x0] =	vst.idx.add.f32.msk $0xffff, v2  }
0x119: {  	[tilespmem:v0+s4+$0x0] =	vst.idx.add.f32.msk $0xffff, v6  }
0x11a: {  	s5 =	sshll.u32 s2, $0x6;
	s28 =	simm.s32 $0x0;
	[tilespmem:v9+s4+$0x0] =	vst.idx.add.f32.msk $0xffff, v3  }
0x11b: {  	s29 =	simm.s32 $0xC000;
	s30 =	simm.s32 $0x1;
	s5 =	sadd.s32 s3, s5;
	[tilespmem:v5+s4+$0x0] =	vst.idx.add.f32.msk $0xffff, v4  }
0x11c: {  	[hbm4b:s5+s28] =	stream.linear.scatter [tilespmem:s29], [sflag:$0x1], $0x200, $0x38;
	[tilespmem:$0xE280] =	vst v63  }
0x11d: {  	_ =	swait.ge [sflag:s30], $0x200  }
0x11e: {  	[sflag:s30] =	ssyncset.done $0x0  }
0x11f: {  	[sflag:s30] =	ssyncadd.s32 $0xFFFFFE00  }
0x120: {  	s7 =	simm.s32 $0xC200;
	[bflag:$0x0] =	sbarrier.arrive $0xFFFF  }
0x121: {  	[tilespmem:s7], [sflag:$0x1] =	stream.linear.gather [hbm4b:s3+s28], $0x2000, $0x38;
	[tilespmem:$0xE280] =	vst v63  }
0x122: {  	_ =	swait.ge [sflag:s30], $0x2000  }
0x123: {  	[sflag:s30] =	ssyncset.done $0x0  }
0x124: {  	s31 =	simm.s32 $0x0;
	[sflag:s30] =	ssyncadd.s32 $0xFFFFE000  }
0x125: {  	v0 =	vld [tilespmem:s31+$0xC3F0]  }
0x126: {  	v2 =	vld [tilespmem:s31+$0xC200]  }
0x127: {  	v3 =	vld [tilespmem:s31+$0xC210]  }
0x128: {  	v4 =	vld [tilespmem:s31+$0xC220]  }
0x129: {  	v5 =	vld [tilespmem:s31+$0xC230]  }
0x12a: {  	v6 =	vld [tilespmem:s31+$0xC240]  }
0x12b: {  	v7 =	vld [tilespmem:s31+$0xC250]  }
0x12c: {  	v8 =	vld [tilespmem:s31+$0xC260]  }
0x12d: {  	v9 =	vld [tilespmem:s31+$0xC270]  }
0x12e: {  	v10 =	vld [tilespmem:s31+$0xC280]  }
0x12f: {  	v11 =	vld [tilespmem:s31+$0xC290]  }
0x130: {  	v12 =	vld [tilespmem:s31+$0xC2A0]  }
0x131: {  	v13 =	vld [tilespmem:s31+$0xC2B0]  }
0x132: {  	v14 =	vld [tilespmem:s31+$0xC2C0]  }
0x133: {  	v15 =	vld [tilespmem:s31+$0xC2D0]  }
0x134: {  	v16 =	vld [tilespmem:s31+$0xC2E0]  }
0x135: {  	v17 =	vld [tilespmem:s31+$0xC2F0]  }
0x136: {  	v1 =	vimm.f32 $0.0e+00;
	v18 =	vld [tilespmem:s31+$0xC300]  }
0x137: {  	v19 =	vld [tilespmem:s31+$0xC310];
	v0 =	vadd.f32 v0, v1;
	v24 =	vadd.f32 v2, v1  }
0x138: {  	v23 =	vadd.f32 v3, v1;
	v2 =	vld [tilespmem:s31+$0xC320];
	v39 =	vadd.f32 v4, v1  }
0x139: {  	v27 =	vadd.f32 v5, v1;
	v3 =	vld [tilespmem:s31+$0xC330];
	v46 =	vadd.f32 v6, v1  }
0x13a: {  	v28 =	vadd.f32 v7, v1;
	v4 =	vld [tilespmem:s31+$0xC340];
	v47 =	vadd.f32 v8, v1  }
0x13b: {  	v34 =	vadd.f32 v9, v1;
	v6 =	vld [tilespmem:s31+$0xC350];
	v41 =	vadd.f32 v10, v1  }
0x13c: {  	v42 =	vadd.f32 v11, v1;
	v8 =	vld [tilespmem:s31+$0xC360];
	v44 =	vadd.f32 v12, v1  }
0x13d: {  	v45 =	vadd.f32 v13, v1;
	v9 =	vld [tilespmem:s31+$0xC370];
	v43 =	vadd.f32 v14, v1  }
0x13e: {  	v40 =	vadd.f32 v15, v1;
	v12 =	vld [tilespmem:s31+$0xC380];
	v38 =	vadd.f32 v16, v1  }
0x13f: {  	v29 =	vadd.f32 v17, v1;
	v13 =	vld [tilespmem:s31+$0xC390];
	v11 =	vadd.f32 v18, v1  }
0x140: {  	v7 =	vadd.f32 v19, v1;
	v16 =	vld [tilespmem:s31+$0xC3A0];
	v10 =	vadd.f32 v2, v1  }
0x141: {  	v17 =	vld [tilespmem:s31+$0xC3B0];
	v2 =	vadd.f32 v3, v1;
	v5 =	vadd.f32 v4, v1  }
0x142: {  	v18 =	vld [tilespmem:s31+$0xC3C0];
	v15 =	vimm.f32 $0.0e+00;
	v3 =	vadd.f32 v6, v1;
	v8 =	vadd.f32 v8, v1  }
0x143: {  	v19 =	vld [tilespmem:s31+$0xC3D0];
	v14 =	vimm.f32 $0.0e+00;
	v4 =	vadd.f32 v9, v1;
	v9 =	vadd.f32 v12, v1  }
0x144: {  	s6 =	simm.s32 $0x1000;
	s4 =	simm.s32 $0x200;
	v20 =	vld [tilespmem:s31+$0xC3E0];
	v6 =	vadd.f32 v13, v1;
	v12 =	vimm.f32 $0.0e+00;
	v13 =	vimm.f32 $0.0e+00  }
.LBB2_3:
0x145: {  	p0 =	sne.s32 s6, $0x7800;
	v21 =	vld [tilespmem:s4+$0xC3F0];
	v1 =	vadd.f32 v16, v1  }
0x146: {  	v16 =	vld [tilespmem:s4+$0xC200];
	v12 =	vadd.f32 v17, v12  }
0x147: {  	v17 =	vld [tilespmem:s4+$0xC210];
	v15 =	vadd.f32 v18, v15  }
0x148: {  	v18 =	vld [tilespmem:s4+$0xC220];
	v13 =	vadd.f32 v19, v13  }
0x149: {  	v19 =	vld [tilespmem:s4+$0xC230];
	v14 =	vadd.f32 v20, v14  }
0x14a: {  	v20 =	vld [tilespmem:s4+$0xC240];
	v0 =	vadd.f32 v21, v0  }
0x14b: {  	v24 =	vadd.f32 v16, v24;
	v16 =	vld [tilespmem:s4+$0xC250]  }
0x14c: {  	v23 =	vadd.f32 v17, v23;
	v17 =	vld [tilespmem:s4+$0xC260]  }
0x14d: {  	v39 =	vadd.f32 v18, v39;
	v18 =	vld [tilespmem:s4+$0xC270]  }
0x14e: {  	v27 =	vadd.f32 v19, v27;
	v19 =	vld [tilespmem:s4+$0xC280]  }
0x14f: {  	v46 =	vadd.f32 v20, v46;
	v20 =	vld [tilespmem:s4+$0xC290]  }
0x150: {  	v28 =	vadd.f32 v16, v28;
	v16 =	vld [tilespmem:s4+$0xC2A0]  }
0x151: {  	v47 =	vadd.f32 v17, v47;
	v17 =	vld [tilespmem:s4+$0xC2B0]  }
0x152: {  	v34 =	vadd.f32 v18, v34;
	v18 =	vld [tilespmem:s4+$0xC2C0]  }
0x153: {  	v41 =	vadd.f32 v19, v41;
	v19 =	vld [tilespmem:s4+$0xC2D0]  }
0x154: {  	v42 =	vadd.f32 v20, v42;
	v20 =	vld [tilespmem:s4+$0xC2E0]  }
0x155: {  	v44 =	vadd.f32 v16, v44;
	v16 =	vld [tilespmem:s4+$0xC2F0]  }
0x156: {  	v45 =	vadd.f32 v17, v45;
	v17 =	vld [tilespmem:s4+$0xC300]  }
0x157: {  	v43 =	vadd.f32 v18, v43;
	v18 =	vld [tilespmem:s4+$0xC310]  }
0x158: {  	v40 =	vadd.f32 v19, v40;
	v19 =	vld [tilespmem:s4+$0xC320]  }
0x159: {  	v38 =	vadd.f32 v20, v38;
	v20 =	vld [tilespmem:s4+$0xC330]  }
0x15a: {  	v29 =	vadd.f32 v16, v29;
	v16 =	vld [tilespmem:s4+$0xC340]  }
0x15b: {  	v11 =	vadd.f32 v17, v11;
	v17 =	vld [tilespmem:s4+$0xC350]  }
0x15c: {  	v7 =	vadd.f32 v18, v7;
	v18 =	vld [tilespmem:s4+$0xC360]  }
0x15d: {  	v10 =	vadd.f32 v19, v10;
	v19 =	vld [tilespmem:s4+$0xC370]  }
0x15e: {  	v2 =	vadd.f32 v20, v2;
	v20 =	vld [tilespmem:s4+$0xC380]  }
0x15f: {  	v5 =	vadd.f32 v16, v5;
	v21 =	vld [tilespmem:s4+$0xC390]  }
.Ltmp1:
0x160: {  	v3 =	vadd.f32 v17, v3;
	v16 =	vld [tilespmem:s4+$0xC3A0];
	(pc) =	sbr.rel @p0 .LBB2_3-.Ltmp1, $4  }
0x161: {  	v8 =	vadd.f32 v18, v8;
	v17 =	vld [tilespmem:s4+$0xC3B0]  }
0x162: {  	v4 =	vadd.f32 v19, v4;
	v18 =	vld [tilespmem:s4+$0xC3C0]  }
0x163: {  	v9 =	vadd.f32 v20, v9;
	v19 =	vld [tilespmem:s4+$0xC3D0]  }
0x164: {  	v6 =	vadd.f32 v21, v6;
	v20 =	vld [tilespmem:s4+$0xC3E0];
	s4 =	sshra.s32 s6, $0x2;
	s6 =	sadd.s32 $0x800, s6  }
0x165: {  	v21 =	vld [tilespmem:s4+$0xC3F0]  }
0x166: {  	v48 =	vld [tilespmem:s4+$0xC200]  }
0x167: {  	v49 =	vld [tilespmem:s4+$0xC210]  }
0x168: {  	v50 =	vld [tilespmem:s4+$0xC220]  }
0x169: {  	v51 =	vld [tilespmem:s4+$0xC230]  }
0x16a: {  	v52 =	vld [tilespmem:s4+$0xC240]  }
0x16b: {  	v53 =	vld [tilespmem:s4+$0xC250]  }
0x16c: {  	v54 =	vld [tilespmem:s4+$0xC260]  }
0x16d: {  	v55 =	vld [tilespmem:s4+$0xC270]  }
0x16e: {  	v56 =	vld [tilespmem:s4+$0xC280]  }
0x16f: {  	v57 =	vld [tilespmem:s4+$0xC290]  }
0x170: {  	v58 =	vld [tilespmem:s4+$0xC2A0]  }
0x171: {  	v59 =	vld [tilespmem:s4+$0xC2B0]  }
0x172: {  	v60 =	vld [tilespmem:s4+$0xC2C0]  }
0x173: {  	v61 =	vld [tilespmem:s4+$0xC2D0]  }
0x174: {  	v62 =	vld [tilespmem:s4+$0xC2E0]  }
0x175: {  	v63 =	vld [tilespmem:s4+$0xC2F0]  }
0x176: {  	v37 =	vld [tilespmem:s4+$0xC300]  }
0x177: {  	v35 =	vld [tilespmem:s4+$0xC310]  }
0x178: {  	v36 =	vld [tilespmem:s4+$0xC320]  }
0x179: {  	v32 =	vld [tilespmem:s4+$0xC330]  }
0x17a: {  	v33 =	vld [tilespmem:s4+$0xC340]  }
0x17b: {  	v30 =	vld [tilespmem:s4+$0xC350]  }
0x17c: {  	v31 =	vld [tilespmem:s4+$0xC360]  }
0x17d: {  	v25 =	vld [tilespmem:s4+$0xC370]  }
0x17e: {  	v26 =	vld [tilespmem:s4+$0xC380]  }
0x17f: {  	v22 =	vld [tilespmem:s4+$0xC390];
	v48 =	vadd.f32 v48, v24  }
0x180: {  	v24 =	vld [tilespmem:s4+$0xC3A0];
	v49 =	vadd.f32 v49, v23;
	v50 =	vadd.f32 v50, v39  }
0x181: {  	v23 =	vld [tilespmem:s4+$0xC3B0];
	v51 =	vadd.f32 v51, v27;
	v46 =	vadd.f32 v52, v46  }
0x182: {  	v27 =	vld [tilespmem:s4+$0xC3C0];
	v52 =	vadd.f32 v53, v28;
	v47 =	vadd.f32 v54, v47;
	v54 =	vtrunc.f32 v48  }
0x183: {  	v28 =	vld [tilespmem:s4+$0xC3D0];
	v53 =	vadd.f32 v56, v41;
	v49 =	vtrunc.f32 v49;
	v39 =	vcvt.f32.s32 v54  }
0x184: {  	v48 =	vadd.f32 v55, v34;
	v34 =	vld [tilespmem:s4+$0xC3E0];
	[bflag:$0x0] =	sbarrier.arrive $0xFFFF;
	v56 =	vtrunc.f32 v50;
	v41 =	vcvt.f32.s32 v49  }
0x185: {  	v50 =	vadd.f32 v57, v42;
	v57 =	vtrunc.f32 v51;
	v42 =	vcvt.f32.s32 v56;
	(xrf0) =	vadd.scan.msk.s32 $0xffff, v39  }
0x186: {  	v51 =	vadd.f32 v58, v44;
	v46 =	vtrunc.f32 v46;
	v44 =	vcvt.f32.s32 v57;
	(xrf0) =	vadd.scan.msk.s32 $0xffff, v41  }
0x187: {  	v49 =	vadd.f32 v59, v45;
	v45 =	vcvt.f32.s32 v46;
	v59 =	vtrunc.f32 v52;
	(xrf0) =	vadd.scan.msk.s32 $0xffff, v42  }
0x188: {  	v52 =	vadd.f32 v60, v43;
	v60 =	vtrunc.f32 v47;
	v43 =	vcvt.f32.s32 v59;
	(xrf0) =	vadd.scan.msk.s32 $0xffff, v44  }
0x189: {  	v54 =	vadd.f32 v61, v40;
	v40 =	vcvt.f32.s32 v60;
	v48 =	vtrunc.f32 v48;
	(xrf0) =	vadd.scan.msk.s32 $0xffff, v45  }
0x18a: {  	v55 =	vadd.f32 v62, v38;
	v57 =	vtrunc.f32 v53;
	v38 =	vcvt.f32.s32 v48;
	(xrf0) =	vadd.scan.msk.s32 $0xffff, v43  }
0x18b: {  	v53 =	vadd.f32 v63, v29;
	v46 =	vcvt.f32.s32 v57;
	v29 =	vtrunc.f32 v50;
	v58, _, _ =	vpop (xrf0);
	(xrf0) =	vadd.scan.msk.s32 $0xffff, v40  }
0x18c: {  	v59 =	vtrunc.f32 v51;
	v29 =	vcvt.f32.s32 v29;
	(v2sf) =	vpush v58, $0xF;
	v60, _, _ =	vpop (xrf0);
	(xrf0) =	vadd.scan.msk.s32 $0xffff, v38  }
0x18d: {  	v47 =	vcvt.f32.s32 v59;
	v61 =	vtrunc.f32 v49;
	(v2sf) =	vpush v60, $0xF;
	v62, _, _ =	vpop (xrf0);
	(xrf0) =	vadd.scan.msk.s32 $0xffff, v46  }
0x18e: {  	v63 =	vtrunc.f32 v52;
	v48 =	vcvt.f32.s32 v61;
	(v2sf) =	vpush v62, $0xF;
	v56, _, _ =	vpop (xrf0);
	(xrf0) =	vadd.scan.msk.s32 $0xffff, v29  }
0x18f: {  	v57 =	vtrunc.f32 v54;
	v49 =	vcvt.f32.s32 v63;
	(v2sf) =	vpush v56, $0xF;
	v58, _, _ =	vpop (xrf0);
	(xrf0) =	vadd.scan.msk.s32 $0xffff, v47  }
0x190: {  	v59 =	vtrunc.f32 v55;
	v50 =	vcvt.f32.s32 v57;
	(v2sf) =	vpush v58, $0xF;
	v60, _, _ =	vpop (xrf0);
	(xrf0) =	vadd.scan.msk.s32 $0xffff, v48  }
0x191: {  	v51 =	vcvt.f32.s32 v59;
	v61 =	vtrunc.f32 v53;
	(v2sf) =	vpush v60, $0xF;
	v62, _, _ =	vpop (xrf0);
	(xrf0) =	vadd.scan.msk.s32 $0xffff, v49  }
0x192: {  	v52 =	vcvt.f32.s32 v61;
	(v2sf) =	vpush v62, $0xF;
	v63, _, _ =	vpop (xrf0);
	(xrf0) =	vadd.scan.msk.s32 $0xffff, v50  }
0x193: {  	(v2sf) =	vpush v63, $0xF;
	v56, _, _ =	vpop (xrf0);
	(xrf0) =	vadd.scan.msk.s32 $0xffff, v51  }
0x194: {  	(v2sf) =	vpush v56, $0xF;
	v57, _, _ =	vpop (xrf0);
	(xrf0) =	vadd.scan.msk.s32 $0xffff, v52  }
0x195: {  	v58, _, _ =	vpop (xrf0);
	(v2sf) =	vpush v57, $0xF  }
0x196: {  	v59, _, _ =	vpop (xrf0);
	(v2sf) =	vpush v58, $0xF  }
0x197: {  	v60, _, _ =	vpop (xrf0);
	(v2sf) =	vpush v59, $0xF  }
0x198: {  	v61, _, _ =	vpop (xrf0);
	(v2sf) =	vpush v60, $0xF  }
0x199: {  	v62, _, _ =	vpop (xrf0);
	(v2sf) =	vpush v61, $0xF  }
0x19a: {  	(v2sf) =	vpush v62, $0xF;
	v63, _, _ =	vpop (xrf0)  }
0x19b: {  	(v2sf) =	vpush v63, $0xF;
	s17 =	spop (v2sf)  }
0x19c: {  	s28 =	spop (v2sf)  }
0x19d: {  	s6 =	spop (v2sf)  }
0x19e: {  	s20 =	spop (v2sf)  }
0x19f: {  	s19 =	spop (v2sf)  }
0x1a0: {  	s18 =	spop (v2sf)  }
0x1a1: {  	s16 =	spop (v2sf)  }
0x1a2: {  	s15 =	spop (v2sf)  }
0x1a3: {  	s14 =	spop (v2sf)  }
0x1a4: {  	s13 =	spop (v2sf)  }
0x1a5: {  	s12 =	spop (v2sf)  }
0x1a6: {  	s11 =	spop (v2sf)  }
0x1a7: {  	s10 =	spop (v2sf)  }
0x1a8: {  	s9 =	spop (v2sf)  }
0x1a9: {  	s8 =	spop (v2sf)  }
0x1aa: {  	s7 =	spop (v2sf)  }
0x1ab: {  	s8 =	sadd.s32 s8, s7  }
0x1ac: {  	s9 =	sadd.s32 s9, s8  }
0x1ad: {  	s10 =	sadd.s32 s10, s9  }
0x1ae: {  	s11 =	sadd.s32 s11, s10  }
0x1af: {  	s12 =	sadd.s32 s12, s11  }
0x1b0: {  	s13 =	sadd.s32 s13, s12  }
0x1b1: {  	s14 =	sadd.s32 s14, s13  }
0x1b2: {  	s15 =	sadd.s32 s15, s14  }
0x1b3: {  	s16 =	sadd.s32 s16, s15  }
0x1b4: {  	s18 =	sadd.s32 s18, s16  }
0x1b5: {  	s19 =	sadd.s32 s19, s18  }
0x1b6: {  	s20 =	sadd.s32 s20, s19  }
0x1b7: {  	s21 =	sadd.s32 s6, s20  }
0x1b8: {  	s6 =	sadd.s32 s28, s21  }
0x1b9: {  	p1 =	slt.s32 s21, $0x10000;
	p0 =	sgt.s32 s6, $0xFFFF  }
0x1ba: {  	p0 =	por !p1, !p0  }
0x1bb: {  	p2 =	por !p0, !p0  }
0x1bc: {  	p6 =	slt.s32 s19, $0x10000;
	p4 =	slt.s32 s20, $0x10000;
	s4 =	simm.s32 @!p2 $0x0  }
0x1bd: {  	p5 =	sgt.s32 s20, $0xFFFF;
	p3 =	sgt.s32 s21, $0xFFFF;
	s4 =	simm.s32 @p2 $0x1  }
0x1be: {  	p0 =	por !p4, !p3;
	[smem:$0x7EF] =	sst s4;
	s4 =	simm.s32 $0x1  }
0x1bf: {  	p4 =	slt.s32 s18, $0x10000;
	s4 =	simm.s32 @!p2 $0x0;
	p2 =	por !p0, !p0  }
0x1c0: {  	p0 =	por !p6, !p5;
	p5 =	sgt.s32 s18, $0xFFFF;
	p6 =	slt.s32 s16, $0x10000  }
0x1c1: {  	s22 =	simm.s32 @!p2 $0x0;
	s4 =	simm.s32 @p2 $0x2;
	p3 =	por !p0, !p0  }
0x1c2: {  	p1 =	por !p6, !p5;
	p5 =	sgt.s32 s15, $0xFFFF;
	p6 =	slt.s32 s14, $0x10000  }
0x1c3: {  	s22 =	simm.s32 @p2 $0x1;
	p2 =	sgt.s32 s19, $0xFFFF;
	s4 =	simm.s32 @p3 $0x3  }
0x1c4: {  	[smem:$0x7F1] =	sst s22;
	s22 =	simm.s32 @!p3 $0x0;
	p0 =	por !p4, !p2  }
0x1c5: {  	p4 =	por !p1, !p1;
	p2 =	sgt.s32 s16, $0xFFFF;
	p1 =	por !p6, !p5  }
0x1c6: {  	p5 =	sgt.s32 s14, $0xFFFF;
	s22 =	simm.s32 @p3 $0x1;
	p3 =	por !p0, !p0  }
0x1c7: {  	p6 =	slt.s32 s13, $0x10000;
	[smem:$0x7F3] =	sst s22;
	s22 =	simm.s32 @!p3 $0x0  }
0x1c8: {  	p1 =	por !p1, !p1;
	s4 =	simm.s32 @p3 $0x4;
	s22 =	simm.s32 @p3 $0x1  }
0x1c9: {  	p3 =	slt.s32 s15, $0x10000;
	s4 =	simm.s32 @p4 $0x5;
	[smem:$0x7F5] =	sst s22  }
0x1ca: {  	s22 =	simm.s32 @!p4 $0x0;
	p0 =	por !p3, !p2;
	p2 =	sgt.s32 s13, $0xFFFF  }
0x1cb: {  	s22 =	simm.s32 @p4 $0x1;
	p3 =	por !p0, !p0;
	p0 =	por !p6, !p5  }
0x1cc: {  	p5 =	sgt.s32 s12, $0xFFFF;
	p6 =	slt.s32 s11, $0x10000;
	[smem:$0x7F7] =	sst s22  }
0x1cd: {  	s22 =	simm.s32 @!p3 $0x0;
	s4 =	simm.s32 @p3 $0x6;
	p4 =	por !p0, !p0  }
0x1ce: {  	s22 =	simm.s32 @p3 $0x1;
	s4 =	simm.s32 @p1 $0x7;
	p3 =	slt.s32 s12, $0x10000  }
0x1cf: {  	[smem:$0x7F8] =	sst s22;
	s22 =	simm.s32 @!p1 $0x0;
	p0 =	por !p3, !p2  }
0x1d0: {  	s4 =	simm.s32 @p4 $0x8;
	p2 =	sgt.s32 s10, $0xFFFF;
	s22 =	simm.s32 @p1 $0x1  }
0x1d1: {  	p1 =	por !p6, !p5;
	p3 =	por !p0, !p0;
	p5 =	sgt.s32 s11, $0xFFFF  }
0x1d2: {  	p6 =	slt.s32 s10, $0x10000;
	[smem:$0x7F9] =	sst s22;
	s22 =	simm.s32 @!p4 $0x0  }
0x1d3: {  	p0 =	por !p6, !p5;
	s4 =	simm.s32 @p3 $0x9;
	p1 =	por !p1, !p1  }
0x1d4: {  	p5 =	sgt.s32 s9, $0xFFFF;
	s22 =	simm.s32 @p4 $0x1;
	s4 =	simm.s32 @p1 $0xA  }
0x1d5: {  	p4 =	por !p0, !p0;
	[smem:$0x7FA] =	sst s22;
	s22 =	simm.s32 @!p3 $0x0  }
0x1d6: {  	p6 =	slt.s32 s8, $0x10000;
	s4 =	simm.s32 @p4 $0xB;
	s22 =	simm.s32 @p3 $0x1  }
0x1d7: {  	p3 =	slt.s32 s9, $0x10000;
	[smem:$0x7FB] =	sst s22;
	s22 =	simm.s32 @!p1 $0x0  }
0x1d8: {  	p0 =	por !p3, !p2;
	p3 =	por !p6, !p5;
	s22 =	simm.s32 @p1 $0x1  }
0x1d9: {  	p5 =	slt.s32 s7, $0x10000;
	[smem:$0x7FC] =	sst s22;
	s22 =	simm.s32 @!p4 $0x0  }
0x1da: {  	p6 =	por !p0, !p0;
	s22 =	simm.s32 @p4 $0x1;
	p4 =	sgt.s32 s8, $0xFFFF  }
0x1db: {  	p3 =	por !p3, !p3;
	s4 =	simm.s32 @p6 $0xC;
	p2 =	por !p5, !p4  }
0x1dc: {  	s4 =	simm.s32 @p3 $0xD;
	p4 =	por !p2, !p2  }
0x1dd: {  	p5 =	sgt.s32 s7, $0xFFFF;
	s4 =	simm.s32 @p4 $0xE  }
0x1de: {  	s4 =	simm.s32 @p5 $0xF  }
0x1df: {  	p0 =	seq.s32 s4, $0x0  }
0x1e0: {  	[smem:$0x7FD] =	sst s22;
	s22 =	simm.s32 @!p0 $0x0  }
0x1e1: {  	v39 =	vpsel p0, v39, v52;
	s22 =	simm.s32 @p0 $0x1;
	p0 =	seq.s32 s4, $0x1  }
0x1e2: {  	[smem:$0x7E4] =	sst s22;
	s22 =	simm.s32 @!p0 $0x0  }
0x1e3: {  	v39 =	vpsel p0, v41, v39;
	s22 =	simm.s32 @p0 $0x1;
	p0 =	seq.s32 s4, $0x2  }
0x1e4: {  	[smem:$0x7E5] =	sst s22;
	s22 =	simm.s32 @!p0 $0x0  }
0x1e5: {  	s29 =	sld [smem:$0x7EF];
	v39 =	vpsel p0, v42, v39;
	s22 =	simm.s32 @p0 $0x1;
	p0 =	seq.s32 s4, $0x3  }
0x1e6: {  	[smem:$0x7E6] =	sst s22;
	s22 =	simm.s32 @!p0 $0x0  }
0x1e7: {  	s30 =	sld [smem:$0x7F1];
	v39 =	vpsel p0, v44, v39;
	s22 =	simm.s32 @p0 $0x1;
	p0 =	seq.s32 s4, $0x4  }
0x1e8: {  	v0 =	vadd.f32 v21, v0;
	[smem:$0x7E7] =	sst s22;
	s22 =	simm.s32 @!p0 $0x0  }
0x1e9: {  	s31 =	sld [smem:$0x7F3];
	v39 =	vpsel p0, v45, v39;
	s22 =	simm.s32 @p0 $0x1;
	p0 =	seq.s32 s4, $0x5  }
0x1ea: {  	[tilespmem:$0x1FF00] =	vst v0;
	v0 =	vadd.f32 v37, v11;
	[smem:$0x7E8] =	sst s22;
	s22 =	simm.s32 @!p0 $0x0  }
0x1eb: {  	s23 =	sld [smem:$0x7F9];
	v39 =	vpsel p0, v43, v39;
	s22 =	simm.s32 @p0 $0x1;
	p0 =	seq.s32 s4, $0x6  }
0x1ec: {  	[tilespmem:$0x1FF10] =	vst v0;
	v0 =	vadd.f32 v35, v7;
	[smem:$0x7E9] =	sst s22;
	s22 =	simm.s32 @!p0 $0x0  }
0x1ed: {  	s24 =	sld [smem:$0x7FA];
	v39 =	vpsel p0, v40, v39;
	s22 =	simm.s32 @p0 $0x1;
	p0 =	seq.s32 s4, $0x7  }
0x1ee: {  	[tilespmem:$0x1FF20] =	vst v0;
	v0 =	vadd.f32 v36, v10;
	s17 =	sadd.s32 s17, s6;
	[smem:$0x7EA] =	sst s22;
	s22 =	simm.s32 @!p0 $0x0  }
0x1ef: {  	p1 =	sgt.s32 s17, $0xFFFF;
	v38 =	vpsel p0, v38, v39;
	s22 =	simm.s32 @p0 $0x1;
	p0 =	seq.s32 s4, $0x8  }
0x1f0: {  	[tilespmem:$0x1FF30] =	vst v0;
	v0 =	vadd.f32 v32, v2;
	p2 =	slt.s32 s6, $0x10000;
	[smem:$0x7EB] =	sst s22;
	s22 =	simm.s32 @!p0 $0x0  }
0x1f1: {  	s6 =	simm.s32 @!p1 $0x0;
	v38 =	vpsel p0, v46, v38;
	s22 =	simm.s32 @p0 $0x1;
	p0 =	seq.s32 s4, $0x9  }
0x1f2: {  	[tilespmem:$0x1FF40] =	vst v0;
	v0 =	vadd.f32 v33, v5;
	p1 =	seq.s32 s29, $0x1;
	s6 =	simm.s32 @!p2 $0x0;
	s17 =	simm.s32 @!p0 $0x0  }
0x1f3: {  	s6 =	smov.u32 @p1 s21;
	v29 =	vpsel p0, v29, v38;
	s17 =	simm.s32 @p0 $0x1;
	p0 =	seq.s32 s4, $0xA  }
0x1f4: {  	[tilespmem:$0x1FF50] =	vst v0;
	v57 =	vimm.f32 $0.0e+00;
	p1 =	seq.s32 s30, $0x1;
	[smem:$0x7ED] =	sst s17;
	s17 =	simm.s32 @!p0 $0x0  }
0x1f5: {  	[tilespmem:$0xC000] =	vst v57;
	s21 =	sld [smem:$0x7F7];
	v29 =	vpsel p0, v47, v29;
	s17 =	simm.s32 @p0 $0x1;
	p0 =	seq.s32 s4, $0xB  }
0x1f6: {  	[tilespmem:$0xC010] =	vst v57;
	s6 =	smov.u32 @p1 s20;
	[smem:$0x7EE] =	sst s17;
	s17 =	simm.s32 @!p0 $0x0  }
0x1f7: {  	[tilespmem:$0xC020] =	vst v57;
	s20 =	sld [smem:$0x7F5];
	v29 =	vpsel p0, v48, v29;
	s17 =	simm.s32 @p0 $0x1;
	p0 =	seq.s32 s4, $0xC  }
0x1f8: {  	[tilespmem:$0xC030] =	vst v57;
	p1 =	seq.s32 s31, $0x1;
	[smem:$0x7F0] =	sst s17;
	s17 =	simm.s32 @!p0 $0x0  }
0x1f9: {  	[tilespmem:$0xC040] =	vst v57;
	[smem:$0x7EC] =	sst s22;
	v29 =	vpsel p0, v49, v29;
	s17 =	simm.s32 @p0 $0x1;
	p0 =	seq.s32 s4, $0xD  }
0x1fa: {  	v54 =	vlaneseq.u32;
	[tilespmem:$0xC050] =	vst v57;
	s6 =	smov.u32 @p1 s19;
	[smem:$0x7F2] =	sst s17;
	s17 =	simm.s32 @!p0 $0x0  }
0x1fb: {  	v55 =	vmul.u32 $0xFFFFFFFF, v54;
	[tilespmem:$0xC060] =	vst v57;
	s22 =	sld [smem:$0x7F8];
	v29 =	vpsel p0, v50, v29;
	s17 =	simm.s32 @p0 $0x1;
	p0 =	seq.s32 s4, $0xE  }
0x1fc: {  	[tilespmem:$0xC070] =	vst v57;
	p1 =	seq.s32 s20, $0x1;
	[smem:$0x7F4] =	sst s17;
	s17 =	simm.s32 @!p0 $0x0  }
0x1fd: {  	[tilespmem:$0xC080] =	vst v57;
	s6 =	smov.u32 @p1 s18;
	v39 =	vadd.s32 $0xF, v55;
	v29 =	vpsel p0, v51, v29;
	s17 =	simm.s32 @p0 $0x1;
	p0 =	seq.s32 s21, $0x1  }
0x1fe: {  	[tilespmem:$0xC090] =	vst v57;
	s25 =	sld [smem:$0x7FB];
	v56 =	vperm.xlane v29, v39;
	s6 =	smov.u32 @p0 s16;
	p0 =	seq.s32 s22, $0x1  }
0x1ff: {  	[tilespmem:$0xC0A0] =	vst v57;
	s26 =	sld [smem:$0x7FC];
	s6 =	smov.u32 @p0 s15;
	p0 =	seq.s32 s23, $0x1  }
0x200: {  	[tilespmem:$0xC0B0] =	vst v57;
	s28 =	sld [smem:$0x7FD];
	(xrf0) =	vadd.scan.msk.s32 $0xffff, v56;
	s6 =	smov.u32 @p0 s14;
	p0 =	seq.s32 s24, $0x1  }
0x201: {  	[tilespmem:$0xC0C0] =	vst v57;
	s6 =	smov.u32 @p0 s13;
	p0 =	seq.s32 s25, $0x1  }
0x202: {  	[tilespmem:$0xC0D0] =	vst v57;
	s6 =	smov.u32 @p0 s12;
	p0 =	seq.s32 s26, $0x1  }
0x203: {  	[tilespmem:$0xC0E0] =	vst v57;
	s6 =	smov.u32 @p0 s11;
	p0 =	seq.s32 s28, $0x1  }
0x204: {  	[tilespmem:$0xC0F0] =	vst v57;
	s6 =	smov.u32 @p0 s10  }
0x205: {  	[tilespmem:$0xC100] =	vst v57;
	s6 =	smov.u32 @p6 s9  }
0x206: {  	[tilespmem:$0xC110] =	vst v57;
	v40, _, _ =	vpop (xrf0);
	s6 =	smov.u32 @p3 s8  }
0x207: {  	[tilespmem:$0xC120] =	vst v57;
	v39 =	vperm.xlane v40, v39;
	s6 =	smov.u32 @p4 s7  }
0x208: {  	[tilespmem:$0xC130] =	vst v57;
	s6 =	simm.s32 @p5 $0x0  }
0x209: {  	[tilespmem:$0xC140] =	vst v57;
	v39 =	vadd.s32 s6, v39  }
0x20a: {  	[tilespmem:$0xC150] =	vst v57;
	v38 =	vor.u32 $0x80000000, v54;
	vm0 =	vgt.s32 v39, $0xFFFF  }
0x20b: {  	[tilespmem:$0xC160] =	vst v57;
	v38 =	vnsel vm0, $0x7FFFFFFF, v38  }
0x20c: {  	[tilespmem:$0xC170] =	vst v57;
	(xrf0) =	vmax.scan.msk.u32 $0xffff, v38  }
0x20d: {  	[tilespmem:$0xC180] =	vst v57  }
0x20e: {  	[tilespmem:$0xC190] =	vst v57  }
0x20f: {  	[tilespmem:$0xC1A0] =	vst v57  }
0x210: {  	[tilespmem:$0xC1B0] =	vst v57  }
0x211: {  	[tilespmem:$0xC1C0] =	vst v57  }
0x212: {  	[tilespmem:$0xC1D0] =	vst v57;
	v38, _, _ =	vpop (xrf0)  }
0x213: {  	v0 =	vadd.f32 v30, v3;
	[tilespmem:$0xC1E0] =	vst v57;
	(v2sf) =	vpush v38, $0xF  }
0x214: {  	[tilespmem:$0xC1F0] =	vst v57;
	s29 =	simm.s32 $0x8040;
	[smem:$0x7F6] =	sst s17  }
0x215: {  	v10 =	vld [tilespmem:s29+$0x30];
	[tilespmem:$0x1FF60] =	vst v0;
	v0 =	vadd.f32 v31, v8;
	_ =	sdelay $0x1  }
0x216: {  	[tilespmem:$0x1FF70] =	vst v0;
	v0 =	vadd.f32 v25, v4  }
0x217: {  	v1 =	vadd.f32 v16, v1  }
0x218: {  	v12 =	vadd.f32 v17, v12;
	v17 =	vld [tilespmem:s29+$0xFFFFFFD0];
	[tilespmem:$0x1FF80] =	vst v0;
	v0 =	vadd.f32 v26, v9  }
0x219: {  	v2 =	vadd.f32 v22, v6  }
0x21a: {  	v1 =	vadd.f32 v24, v1;
	[tilespmem:$0x1FF90] =	vst v0  }
0x21b: {  	v15 =	vadd.f32 v18, v15;
	v0 =	vld [tilespmem:s29+$0xFFFFFFE0];
	[tilespmem:$0x1FFA0] =	vst v2;
	v2 =	vadd.f32 v23, v12  }
0x21c: {  	[tilespmem:$0x1FFB0] =	vst v1  }
0x21d: {  	v13 =	vadd.f32 v19, v13;
	v1 =	vld [tilespmem:s29+$0xFFFFFFF0];
	[tilespmem:$0x1FFC0] =	vst v2;
	v2 =	vadd.f32 v27, v15;
	_ =	sdelay $0x1  }
0x21e: {  	v14 =	vadd.f32 v20, v14;
	[tilespmem:$0x1FFD0] =	vst v2;
	v2 =	vadd.f32 v28, v13  }
0x21f: {  	v12 =	vld [tilespmem:s29+$0xFFFFFFC0]  }
0x220: {  	[tilespmem:$0x1FFE0] =	vst v2;
	v2 =	vadd.f32 v34, v14;
	s30 =	spop (v2sf)  }
0x221: {  	s31 =	sshll.u32 s4, $0x4;
	v7 =	vshrl.u32 v17, $0xF;
	s7 =	sxor.u32 $0x80000000, s30  }
0x222: {  	v5 =	vshrl.u32 v10, $0x17;
	v8 =	vshrl.u32 v17, $0x17;
	v13 =	vand.u32 $0xFF, v7;
	[tilespmem:$0x1FFF0] =	vst v2;
	s10 =	sadd.s32 s31, s7  }
0x223: {  	v9 =	vshrl.u32 v0, $0xF;
	v16 =	vshrl.u32 v0, $0x17;
	v4 =	vld [tilespmem:s29+$0x0];
	v3 =	vmov s10  }
0x224: {  	v6 =	vld [tilespmem:s29+$0x10];
	v7 =	vshrl.u32 v12, $0x17;
	vm0 =	veq.s32 v5, v3;
	v5 =	vshrl.u32 v10, $0xF  }
0x225: {  	v18 =	vshrl.u32 v12, $0xF;
	vm2 =	veq.s32 v7, v3;
	v11 =	vand.u32 $0xFF, v5  }
0x226: {  	v61 =	vor.u32 $0x100, v13;
	v18 =	vand.u32 $0xFF, v18;
	vm5 =	veq.s32 v8, v3  }
0x227: {  	v14 =	vshrl.u32 v1, $0xF;
	v19 =	vshrl.u32 v1, $0x17;
	v2 =	vimm.f32 $1.000000000e+00;
	v5 =	vld [tilespmem:s29+$0x20]  }
0x228: {  	v58 =	vor.u32 $0x100, v18;
	v59 =	vshrl.u32 v4, $0x17;
	v15 =	vor.u32 $0x100, v11  }
0x229: {  	s8 =	simm.s32 $0xC000;
	v62 =	vshrl.u32 v6, $0x17;
	v7 =	vand.u32 $0xFF, v9;
	v9 =	vshrl.u32 v4, $0xF  }
0x22a: {  	v8 =	vand.u32 $0xFF, v14;
	v14 =	vshrl.u32 v6, $0xF;
	vm4 =	veq.s32 v16, v3;
	[tilespmem:v11+s8+$0x0] =	vst.idx.add.f32.msk vm0, v2  }
0x22b: {  	vm3 =	veq.s32 v19, v3;
	vm1 =	veq.s32 v59, v3;
	v9 =	vand.u32 $0xFF, v9;
	[tilespmem:v18+s8+$0x0] =	vst.idx.add.f32.msk vm2, v2  }
0x22c: {  	v16 =	vor.u32 $0x100, v7;
	v60 =	vshrl.u32 v5, $0xF;
	v11 =	vand.u32 $0xFF, v14;
	[tilespmem:v13+s8+$0x0] =	vst.idx.add.f32.msk vm5, v2  }
0x22d: {  	v63 =	vshrl.u32 v5, $0x17;
	v14 =	vor.u32 $0x100, v9;
	[tilespmem:v15+s8+$0x0] =	vst.idx.add.f32.msk vm0, v10;
	v10 =	vand.u32 $0xFF, v60  }
0x22e: {  	v15 =	vor.u32 $0x100, v8;
	[tilespmem:v58+s8+$0x0] =	vst.idx.add.f32.msk vm2, v12;
	vm0 =	veq.s32 v62, v3;
	vm2 =	veq.s32 v63, v3  }
0x22f: {  	s11 =	simm.s32 $0x80C0;
	s9 =	simm.s32 $0x0;
	v13 =	vor.u32 $0x100, v11;
	[tilespmem:v61+s8+$0x0] =	vst.idx.add.f32.msk vm5, v17;
	v12 =	vor.u32 $0x100, v10;
	vm2 =	vmmov vm2  }
.LBB2_5:
0x230: {  	v17 =	vld [tilespmem:s11+$0x30]  }
0x231: {  	s9 =	sadd.s32 $0x8, s9;
	v18 =	vld [tilespmem:s11+$0xFFFFFFD0]  }
0x232: {  	p0 =	slt.u32 s9, $0x3F8;
	v19 =	vld [tilespmem:s11+$0xFFFFFFE0]  }
0x233: {  	v20 =	vld [tilespmem:s11+$0xFFFFFFF0]  }
0x234: {  	v21 =	vld [tilespmem:s11+$0x0]  }
0x235: {  	v22 =	vld [tilespmem:s11+$0x10];
	v23 =	vshrl.u32 v17, $0x17  }
0x236: {  	v24 =	vshrl.u32 v18, $0xF;
	v25 =	vld [tilespmem:s11+$0x20];
	vm5 =	veq.s32 v23, v3;
	v23 =	vshrl.u32 v17, $0xF  }
0x237: {  	v27 =	vshrl.u32 v18, $0x17;
	v26 =	vld [tilespmem:s11+$0xFFFFFFC0];
	v28 =	vshrl.u32 v19, $0xF;
	v23 =	vand.u32 $0xFF, v23  }
0x238: {  	v24 =	vand.u32 $0xFF, v24;
	v30 =	vshrl.u32 v20, $0xF;
	v31 =	vor.u32 $0x100, v23;
	[tilespmem:v7+s8+$0x0] =	vst.idx.add.f32.msk vm4, v2  }
0x239: {  	v32 =	vshrl.u32 v19, $0x17;
	v7 =	vand.u32 $0xFF, v28;
	v28 =	vshrl.u32 v21, $0xF;
	[tilespmem:v16+s8+$0x0] =	vst.idx.add.f32.msk vm4, v0;
	v0 =	vmovc v19  }
0x23a: {  	v19 =	vshrl.u32 v20, $0x17;
	v16 =	vshrl.u32 v22, $0xF;
	[tilespmem:v8+s8+$0x0] =	vst.idx.add.f32.msk vm3, v2;
	v8 =	vand.u32 $0xFF, v30  }
0x23b: {  	v30 =	vshrl.u32 v21, $0x17;
	v28 =	vand.u32 $0xFF, v28;
	v33 =	vshrl.u32 v25, $0xF;
	[tilespmem:v15+s8+$0x0] =	vst.idx.add.f32.msk vm3, v1;
	v1 =	vmovc v20  }
0x23c: {  	v34 =	vshrl.u32 v22, $0x17;
	v15 =	vshrl.u32 v26, $0x17;
	v20 =	vshrl.u32 v26, $0xF;
	[tilespmem:v23+s8+$0x0] =	vst.idx.add.f32.msk vm5, v2  }
0x23d: {  	v35 =	vshrl.u32 v25, $0x17;
	v23 =	vand.u32 $0xFF, v16;
	v20 =	vand.u32 $0xFF, v20;
	[tilespmem:v31+s8+$0x0] =	vst.idx.add.f32.msk vm5, v17  }
0x23e: {  	vm5 =	veq.s32 v15, v3;
	v31 =	vand.u32 $0xFF, v33;
	v17 =	vor.u32 $0x100, v20;
	[tilespmem:v9+s8+$0x0] =	vst.idx.add.f32.msk vm1, v2;
	v9 =	vmovc v28  }
0x23f: {  	vm6 =	veq.s32 v27, v3;
	v27 =	vor.u32 $0x100, v24;
	vm4 =	veq.s32 v32, v3;
	[tilespmem:v14+s8+$0x0] =	vst.idx.add.f32.msk vm1, v4  }
0x240: {  	vm3 =	veq.s32 v19, v3;
	v16 =	vor.u32 $0x100, v7;
	v15 =	vor.u32 $0x100, v8;
	v4 =	vmovc v21;
	[tilespmem:v11+s8+$0x0] =	vst.idx.add.f32.msk vm0, v2  }
0x241: {  	vm1 =	veq.s32 v30, v3;
	v14 =	vor.u32 $0x100, v9;
	[tilespmem:v13+s8+$0x0] =	vst.idx.add.f32.msk vm0, v6;
	vm0 =	veq.s32 v34, v3  }
0x242: {  	vm7 =	veq.s32 v35, v3;
	v19 =	vor.u32 $0x100, v31;
	v13 =	vor.u32 $0x100, v23;
	v6 =	vmovc v22;
	[tilespmem:v10+s8+$0x0] =	vst.idx.add.f32.msk vm2, v2  }
.Ltmp2:
0x243: {  	v11 =	vmovc v23;
	v10 =	vmovc v31;
	[tilespmem:v12+s8+$0x0] =	vst.idx.add.f32.msk vm2, v5;
	v5 =	vmov v25;
	v12 =	vmov v19;
	vm2 =	vmmov vm7;
	(pc) =	sbr.rel @p0 .LBB2_5-.Ltmp2, $4  }
0x244: {  	[tilespmem:v20+s8+$0x0] =	vst.idx.add.f32.msk vm5, v2  }
0x245: {  	[tilespmem:v17+s8+$0x0] =	vst.idx.add.f32.msk vm5, v26  }
0x246: {  	[tilespmem:v24+s8+$0x0] =	vst.idx.add.f32.msk vm6, v2  }
0x247: {  	s11 =	sadd.s32 $0x80, s11;
	[tilespmem:v27+s8+$0x0] =	vst.idx.add.f32.msk vm6, v18  }
0x248: {  	_ =	sdelay $0x4  }
0x249: {  	[tilespmem:v7+s8+$0x0] =	vst.idx.add.f32.msk vm4, v2  }
0x24a: {  	[tilespmem:v8+s8+$0x0] =	vst.idx.add.f32.msk vm3, v2  }
0x24b: {  	[tilespmem:v9+s8+$0x0] =	vst.idx.add.f32.msk vm1, v2  }
0x24c: {  	[tilespmem:v11+s8+$0x0] =	vst.idx.add.f32.msk vm0, v2  }
0x24d: {  	[tilespmem:v10+s8+$0x0] =	vst.idx.add.f32.msk vm2, v2  }
0x24e: {  	[tilespmem:v16+s8+$0x0] =	vst.idx.add.f32.msk vm4, v0  }
0x24f: {  	[tilespmem:v15+s8+$0x0] =	vst.idx.add.f32.msk vm3, v1  }
0x250: {  	[tilespmem:v14+s8+$0x0] =	vst.idx.add.f32.msk vm1, v4  }
0x251: {  	[tilespmem:v13+s8+$0x0] =	vst.idx.add.f32.msk vm0, v6  }
0x252: {  	s29 =	simm.s32 $0x0;
	s9 =	simm.s32 $0xC000;
	s30 =	simm.s32 $0x1;
	[tilespmem:v12+s8+$0x0] =	vst.idx.add.f32.msk vm2, v5  }
0x253: {  	[hbm4b:s5+s29] =	stream.linear.scatter [tilespmem:s9], [sflag:$0x1], $0x200, $0x38;
	[tilespmem:$0xE280] =	vst v63  }
0x254: {  	_ =	swait.ge [sflag:s30], $0x200  }
0x255: {  	[sflag:s30] =	ssyncset.done $0x0  }
0x256: {  	[sflag:s30] =	ssyncadd.s32 $0xFFFFFE00  }
0x257: {  	s11 =	simm.s32 $0xC200;
	[bflag:$0x0] =	sbarrier.arrive $0xFFFF  }
0x258: {  	[tilespmem:s11], [sflag:$0x1] =	stream.linear.gather [hbm4b:s3+s29], $0x2000, $0x38;
	[tilespmem:$0xE280] =	vst v63  }
0x259: {  	_ =	swait.ge [sflag:s30], $0x2000  }
0x25a: {  	[sflag:s30] =	ssyncset.done $0x0  }
0x25b: {  	s31 =	simm.s32 $0x0;
	[sflag:s30] =	ssyncadd.s32 $0xFFFFE000  }
0x25c: {  	v0 =	vld [tilespmem:s31+$0xC3F0]  }
0x25d: {  	v1 =	vld [tilespmem:s31+$0xC200]  }
0x25e: {  	v2 =	vld [tilespmem:s31+$0xC210]  }
0x25f: {  	v3 =	vld [tilespmem:s31+$0xC220]  }
0x260: {  	v4 =	vld [tilespmem:s31+$0xC230]  }
0x261: {  	v5 =	vld [tilespmem:s31+$0xC240]  }
0x262: {  	v7 =	vld [tilespmem:s31+$0xC250]  }
0x263: {  	v8 =	vld [tilespmem:s31+$0xC260]  }
0x264: {  	v9 =	vld [tilespmem:s31+$0xC270]  }
0x265: {  	v10 =	vld [tilespmem:s31+$0xC280]  }
0x266: {  	v12 =	vld [tilespmem:s31+$0xC290]  }
0x267: {  	v14 =	vld [tilespmem:s31+$0xC2A0]  }
0x268: {  	v15 =	vld [tilespmem:s31+$0xC2B0]  }
0x269: {  	v19 =	vld [tilespmem:s31+$0xC2C0]  }
0x26a: {  	v20 =	vld [tilespmem:s31+$0xC2D0]  }
0x26b: {  	v21 =	vld [tilespmem:s31+$0xC2E0]  }
0x26c: {  	v22 =	vld [tilespmem:s31+$0xC2F0]  }
0x26d: {  	v18 =	vimm.f32 $0.0e+00;
	v23 =	vld [tilespmem:s31+$0xC300]  }
0x26e: {  	v17 =	vadd.f32 v0, v18;
	v0 =	vld [tilespmem:s31+$0xC310]  }
0x26f: {  	v34 =	vadd.f32 v1, v18;
	v6 =	vadd.f32 v2, v18;
	v1 =	vld [tilespmem:s31+$0xC320]  }
0x270: {  	v38 =	vadd.f32 v3, v18;
	v35 =	vadd.f32 v4, v18;
	v2 =	vld [tilespmem:s31+$0xC330]  }
0x271: {  	v47 =	vadd.f32 v5, v18;
	v36 =	vadd.f32 v7, v18;
	v3 =	vld [tilespmem:s31+$0xC340]  }
0x272: {  	v48 =	vadd.f32 v8, v18;
	v11 =	vadd.f32 v9, v18;
	v4 =	vld [tilespmem:s31+$0xC350]  }
0x273: {  	v13 =	vadd.f32 v10, v18;
	v46 =	vadd.f32 v12, v18;
	v5 =	vld [tilespmem:s31+$0xC360]  }
0x274: {  	v16 =	vadd.f32 v14, v18;
	v14 =	vadd.f32 v15, v18;
	v7 =	vld [tilespmem:s31+$0xC370]  }
0x275: {  	v12 =	vadd.f32 v19, v18;
	v10 =	vadd.f32 v20, v18;
	v15 =	vld [tilespmem:s31+$0xC380]  }
0x276: {  	v9 =	vadd.f32 v21, v18;
	v8 =	vadd.f32 v22, v18;
	v21 =	vld [tilespmem:s31+$0xC390]  }
0x277: {  	v28 =	vadd.f32 v23, v18;
	v26 =	vadd.f32 v0, v18;
	v0 =	vld [tilespmem:s31+$0xC3A0]  }
0x278: {  	v30 =	vimm.f32 $0.0e+00;
	v27 =	vadd.f32 v1, v18;
	v19 =	vadd.f32 v2, v18;
	v1 =	vld [tilespmem:s31+$0xC3B0]  }
0x279: {  	v33 =	vimm.f32 $0.0e+00;
	v20 =	vadd.f32 v3, v18;
	v22 =	vadd.f32 v4, v18;
	v2 =	vld [tilespmem:s31+$0xC3C0]  }
0x27a: {  	v31 =	vimm.f32 $0.0e+00;
	v25 =	vadd.f32 v5, v18;
	v23 =	vadd.f32 v7, v18;
	v3 =	vld [tilespmem:s31+$0xC3D0]  }
0x27b: {  	v32 =	vimm.f32 $0.0e+00;
	s8 =	simm.s32 $0x200;
	s9 =	simm.s32 $0x1000;
	v24 =	vadd.f32 v15, v18;
	v21 =	vadd.f32 v21, v18;
	v15 =	vld [tilespmem:s31+$0xC3E0]  }
.LBB2_7:
0x27c: {  	p0 =	sne.s32 s9, $0x7800;
	v4 =	vld [tilespmem:s8+$0xC3F0];
	v18 =	vadd.f32 v0, v18  }
0x27d: {  	v0 =	vld [tilespmem:s8+$0xC200];
	v30 =	vadd.f32 v1, v30  }
0x27e: {  	v1 =	vld [tilespmem:s8+$0xC210];
	v33 =	vadd.f32 v2, v33  }
0x27f: {  	v2 =	vld [tilespmem:s8+$0xC220];
	v31 =	vadd.f32 v3, v31  }
0x280: {  	v3 =	vld [tilespmem:s8+$0xC230];
	v32 =	vadd.f32 v15, v32  }
0x281: {  	v5 =	vld [tilespmem:s8+$0xC240];
	v17 =	vadd.f32 v4, v17  }
0x282: {  	v34 =	vadd.f32 v0, v34;
	v0 =	vld [tilespmem:s8+$0xC250]  }
0x283: {  	v6 =	vadd.f32 v1, v6;
	v1 =	vld [tilespmem:s8+$0xC260]  }
0x284: {  	v38 =	vadd.f32 v2, v38;
	v2 =	vld [tilespmem:s8+$0xC270]  }
0x285: {  	v35 =	vadd.f32 v3, v35;
	v3 =	vld [tilespmem:s8+$0xC280]  }
0x286: {  	v47 =	vadd.f32 v5, v47;
	v4 =	vld [tilespmem:s8+$0xC290]  }
0x287: {  	v36 =	vadd.f32 v0, v36;
	v0 =	vld [tilespmem:s8+$0xC2A0]  }
0x288: {  	v48 =	vadd.f32 v1, v48;
	v1 =	vld [tilespmem:s8+$0xC2B0]  }
0x289: {  	v11 =	vadd.f32 v2, v11;
	v2 =	vld [tilespmem:s8+$0xC2C0]  }
0x28a: {  	v13 =	vadd.f32 v3, v13;
	v3 =	vld [tilespmem:s8+$0xC2D0]  }
0x28b: {  	v46 =	vadd.f32 v4, v46;
	v4 =	vld [tilespmem:s8+$0xC2E0]  }
0x28c: {  	v16 =	vadd.f32 v0, v16;
	v0 =	vld [tilespmem:s8+$0xC2F0]  }
0x28d: {  	v14 =	vadd.f32 v1, v14;
	v1 =	vld [tilespmem:s8+$0xC300]  }
0x28e: {  	v12 =	vadd.f32 v2, v12;
	v2 =	vld [tilespmem:s8+$0xC310]  }
0x28f: {  	v10 =	vadd.f32 v3, v10;
	v3 =	vld [tilespmem:s8+$0xC320]  }
0x290: {  	v9 =	vadd.f32 v4, v9;
	v4 =	vld [tilespmem:s8+$0xC330]  }
0x291: {  	v8 =	vadd.f32 v0, v8;
	v0 =	vld [tilespmem:s8+$0xC340]  }
0x292: {  	v28 =	vadd.f32 v1, v28;
	v1 =	vld [tilespmem:s8+$0xC350]  }
0x293: {  	v26 =	vadd.f32 v2, v26;
	v2 =	vld [tilespmem:s8+$0xC360]  }
0x294: {  	v27 =	vadd.f32 v3, v27;
	v3 =	vld [tilespmem:s8+$0xC370]  }
0x295: {  	v19 =	vadd.f32 v4, v19;
	v4 =	vld [tilespmem:s8+$0xC380]  }
0x296: {  	v20 =	vadd.f32 v0, v20;
	v5 =	vld [tilespmem:s8+$0xC390]  }
.Ltmp3:
0x297: {  	v22 =	vadd.f32 v1, v22;
	v0 =	vld [tilespmem:s8+$0xC3A0];
	(pc) =	sbr.rel @p0 .LBB2_7-.Ltmp3, $4  }
0x298: {  	v25 =	vadd.f32 v2, v25;
	v1 =	vld [tilespmem:s8+$0xC3B0]  }
0x299: {  	v23 =	vadd.f32 v3, v23;
	v2 =	vld [tilespmem:s8+$0xC3C0]  }
0x29a: {  	v24 =	vadd.f32 v4, v24;
	v3 =	vld [tilespmem:s8+$0xC3D0]  }
0x29b: {  	v21 =	vadd.f32 v5, v21;
	v15 =	vld [tilespmem:s8+$0xC3E0];
	s8 =	sshra.s32 s9, $0x2;
	s9 =	sadd.s32 $0x800, s9  }
0x29c: {  	v4 =	vld [tilespmem:s8+$0xC3F0]  }
0x29d: {  	v49 =	vld [tilespmem:s8+$0xC200]  }
0x29e: {  	v50 =	vld [tilespmem:s8+$0xC210]  }
0x29f: {  	v51 =	vld [tilespmem:s8+$0xC220]  }
0x2a0: {  	v52 =	vld [tilespmem:s8+$0xC230]  }
0x2a1: {  	v53 =	vld [tilespmem:s8+$0xC240];
	v7 =	vlaneseq.u32;
	[tilespmem:$0x1FDF0] =	vst v4;
	v4 =	vmov s7  }
0x2a2: {  	v54 =	vld [tilespmem:s8+$0xC250];
	vm0 =	vlt.s32 v4, v7  }
0x2a3: {  	v55 =	vld [tilespmem:s8+$0xC260];
	v5 =	vnsel vm0, $0x0, v29  }
0x2a4: {  	v56 =	vld [tilespmem:s8+$0xC270];
	(xrf0) =	vadd.scan.msk.s32 $0xffff, v5  }
0x2a5: {  	v57 =	vld [tilespmem:s8+$0xC280]  }
0x2a6: {  	v58 =	vld [tilespmem:s8+$0xC290]  }
0x2a7: {  	v59 =	vld [tilespmem:s8+$0xC2A0]  }
0x2a8: {  	v60 =	vld [tilespmem:s8+$0xC2B0]  }
0x2a9: {  	v61 =	vld [tilespmem:s8+$0xC2C0]  }
0x2aa: {  	v62 =	vld [tilespmem:s8+$0xC2D0];
	v5, _, _ =	vpop (xrf0)  }
0x2ab: {  	v63 =	vld [tilespmem:s8+$0xC2E0];
	(v2sf) =	vpush v5, $0xF  }
0x2ac: {  	v45 =	vld [tilespmem:s8+$0xC300]  }
0x2ad: {  	v43 =	vld [tilespmem:s8+$0xC310]  }
0x2ae: {  	v44 =	vld [tilespmem:s8+$0xC320]  }
0x2af: {  	v41 =	vld [tilespmem:s8+$0xC330]  }
0x2b0: {  	v42 =	vld [tilespmem:s8+$0xC340]  }
0x2b1: {  	v39 =	vld [tilespmem:s8+$0xC350]  }
0x2b2: {  	v40 =	vld [tilespmem:s8+$0xC360]  }
0x2b3: {  	v37 =	vld [tilespmem:s8+$0xC380]  }
0x2b4: {  	v49 =	vadd.f32 v49, v34;
	v34 =	vld [tilespmem:s8+$0xC3A0]  }
0x2b5: {  	v50 =	vadd.f32 v50, v6;
	v6 =	vld [tilespmem:s8+$0xC3B0]  }
0x2b6: {  	v52 =	vadd.f32 v52, v35;
	v35 =	vld [tilespmem:s8+$0xC3C0]  }
0x2b7: {  	v47 =	vadd.f32 v53, v47;
	v53 =	vadd.f32 v54, v36;
	v36 =	vld [tilespmem:s8+$0xC3D0]  }
0x2b8: {  	v51 =	vadd.f32 v51, v38;
	v48 =	vadd.f32 v55, v48;
	v38 =	vld [tilespmem:s8+$0xC3E0]  }
0x2b9: {  	v54 =	vadd.f32 v56, v11;
	[tilespmem:$0x1FDE0] =	vst v4;
	v4 =	vld [tilespmem:s8+$0xC2F0];
	v49 =	vtrunc.f32 v49;
	v55 =	vtrunc.f32 v50  }
0x2ba: {  	v29 =	vld [tilespmem:s8+$0xC370];
	v50 =	vadd.f32 v57, v13;
	v56 =	vtrunc.f32 v51;
	v11 =	vcvt.f32.s32 v49;
	s30 =	spop (v2sf)  }
0x2bb: {  	v57 =	vadd.f32 v58, v46;
	v58 =	vtrunc.f32 v52;
	v13 =	vcvt.f32.s32 v55;
	v5 =	vld [tilespmem:s8+$0xC390];
	[bflag:$0x0] =	sbarrier.arrive $0xFFFF  }
0x2bc: {  	v59 =	vadd.f32 v59, v16;
	v47 =	vtrunc.f32 v47;
	v46 =	vcvt.f32.s32 v56;
	(xrf0) =	vadd.scan.msk.s32 $0xffff, v11  }
0x2bd: {  	v16 =	vcvt.f32.s32 v58;
	v49 =	vadd.f32 v60, v14;
	v14 =	vcvt.f32.s32 v47;
	(xrf0) =	vadd.scan.msk.s32 $0xffff, v13  }
0x2be: {  	v60 =	vtrunc.f32 v53;
	v53 =	vadd.f32 v61, v12;
	v61 =	vtrunc.f32 v48;
	(xrf0) =	vadd.scan.msk.s32 $0xffff, v46  }
0x2bf: {  	v48 =	vtrunc.f32 v54;
	v12 =	vcvt.f32.s32 v60;
	(xrf0) =	vadd.scan.msk.s32 $0xffff, v16  }
0x2c0: {  	v55 =	vadd.f32 v62, v10;
	v58 =	vtrunc.f32 v59;
	v10 =	vcvt.f32.s32 v61;
	(xrf0) =	vadd.scan.msk.s32 $0xffff, v14  }
0x2c1: {  	v54 =	vadd.f32 v63, v9;
	v9 =	vcvt.f32.s32 v48;
	v56 =	vtrunc.f32 v50;
	(xrf0) =	vadd.scan.msk.s32 $0xffff, v12  }
0x2c2: {  	v47 =	vcvt.f32.s32 v56;
	v4 =	vadd.f32 v4, v8;
	v8 =	vtrunc.f32 v57;
	v57, _, _ =	vpop (xrf0);
	(xrf0) =	vadd.scan.msk.s32 $0xffff, v10  }
0x2c3: {  	v48 =	vcvt.f32.s32 v58;
	v8 =	vcvt.f32.s32 v8;
	(v2sf) =	vpush v57, $0xF;
	v59, _, _ =	vpop (xrf0);
	(xrf0) =	vadd.scan.msk.s32 $0xffff, v9  }
0x2c4: {  	v49 =	vtrunc.f32 v49;
	v61 =	vtrunc.f32 v53;
	(v2sf) =	vpush v59, $0xF;
	v60, _, _ =	vpop (xrf0);
	(xrf0) =	vadd.scan.msk.s32 $0xffff, v47  }
0x2c5: {  	v63 =	vtrunc.f32 v55;
	v49 =	vcvt.f32.s32 v49;
	(v2sf) =	vpush v60, $0xF;
	v62, _, _ =	vpop (xrf0);
	(xrf0) =	vadd.scan.msk.s32 $0xffff, v8  }
0x2c6: {  	v50 =	vcvt.f32.s32 v61;
	v4 =	vtrunc.f32 v4;
	(v2sf) =	vpush v62, $0xF;
	v56, _, _ =	vpop (xrf0);
	(xrf0) =	vadd.scan.msk.s32 $0xffff, v48  }
0x2c7: {  	v51 =	vcvt.f32.s32 v63;
	v57 =	vtrunc.f32 v54;
	(v2sf) =	vpush v56, $0xF;
	v58, _, _ =	vpop (xrf0);
	(xrf0) =	vadd.scan.msk.s32 $0xffff, v49  }
0x2c8: {  	v59 =	vcvt.f32.s32 v57;
	(v2sf) =	vpush v58, $0xF;
	v60, _, _ =	vpop (xrf0);
	(xrf0) =	vadd.scan.msk.s32 $0xffff, v50  }
0x2c9: {  	v61 =	vcvt.f32.s32 v4;
	(v2sf) =	vpush v60, $0xF;
	v4, _, _ =	vpop (xrf0);
	(xrf0) =	vadd.scan.msk.s32 $0xffff, v51  }
0x2ca: {  	(v2sf) =	vpush v4, $0xF;
	v4, _, _ =	vpop (xrf0);
	(xrf0) =	vadd.scan.msk.s32 $0xffff, v59  }
0x2cb: {  	(v2sf) =	vpush v4, $0xF;
	v4, _, _ =	vpop (xrf0);
	(xrf0) =	vadd.scan.msk.s32 $0xffff, v61  }
0x2cc: {  	v62, _, _ =	vpop (xrf0);
	(v2sf) =	vpush v4, $0xF  }
0x2cd: {  	v4, _, _ =	vpop (xrf0);
	(v2sf) =	vpush v62, $0xF  }
0x2ce: {  	v63, _, _ =	vpop (xrf0);
	(v2sf) =	vpush v4, $0xF  }
0x2cf: {  	v4, _, _ =	vpop (xrf0);
	(v2sf) =	vpush v63, $0xF  }
0x2d0: {  	v57, _, _ =	vpop (xrf0);
	(v2sf) =	vpush v4, $0xF  }
0x2d1: {  	(v2sf) =	vpush v57, $0xF;
	v4, _, _ =	vpop (xrf0)  }
0x2d2: {  	(v2sf) =	vpush v4, $0xF;
	s21 =	spop (v2sf)  }
0x2d3: {  	s31 =	spop (v2sf)  }
0x2d4: {  	s9 =	spop (v2sf)  }
0x2d5: {  	s24 =	spop (v2sf)  }
0x2d6: {  	s23 =	spop (v2sf)  }
0x2d7: {  	s22 =	spop (v2sf)  }
0x2d8: {  	s20 =	spop (v2sf)  }
0x2d9: {  	s19 =	spop (v2sf)  }
0x2da: {  	s18 =	spop (v2sf)  }
0x2db: {  	s17 =	spop (v2sf)  }
0x2dc: {  	s16 =	spop (v2sf)  }
0x2dd: {  	s15 =	spop (v2sf)  }
0x2de: {  	s14 =	spop (v2sf)  }
0x2df: {  	s13 =	spop (v2sf)  }
0x2e0: {  	s12 =	spop (v2sf)  }
0x2e1: {  	s11 =	spop (v2sf)  }
0x2e2: {  	s12 =	sadd.s32 s12, s11  }
0x2e3: {  	s13 =	sadd.s32 s13, s12  }
0x2e4: {  	s14 =	sadd.s32 s14, s13  }
0x2e5: {  	s15 =	sadd.s32 s15, s14  }
0x2e6: {  	s16 =	sadd.s32 s16, s15  }
0x2e7: {  	s17 =	sadd.s32 s17, s16  }
0x2e8: {  	s18 =	sadd.s32 s18, s17  }
0x2e9: {  	s19 =	sadd.s32 s19, s18  }
0x2ea: {  	s20 =	sadd.s32 s20, s19  }
0x2eb: {  	s22 =	sadd.s32 s22, s20  }
0x2ec: {  	s23 =	sadd.s32 s23, s22  }
0x2ed: {  	s24 =	sadd.s32 s24, s23  }
0x2ee: {  	s6 =	sadd.s32 s6, s30;
	s25 =	sadd.s32 s9, s24  }
0x2ef: {  	s9 =	ssub.s32 $0x10000, s6;
	s8 =	sadd.s32 s31, s25  }
0x2f0: {  	p1 =	slt.s32 s25, s9;
	p0 =	sge.s32 s8, s9  }
0x2f1: {  	p0 =	por !p1, !p0  }
0x2f2: {  	p5 =	sge.s32 s25, s9;
	p6 =	slt.s32 s24, s9;
	p2 =	por !p0, !p0  }
0x2f3: {  	p3 =	sge.s32 s24, s9;
	p4 =	slt.s32 s23, s9;
	s7 =	simm.s32 @!p2 $0x0  }
0x2f4: {  	p0 =	por !p6, !p5;
	p5 =	sge.s32 s23, s9;
	s7 =	simm.s32 @p2 $0x1  }
0x2f5: {  	p6 =	slt.s32 s22, s9;
	[smem:$0x7D5] =	sst s7;
	s7 =	simm.s32 $0x1  }
0x2f6: {  	s7 =	simm.s32 @!p2 $0x0;
	p2 =	por !p0, !p0;
	p0 =	por !p4, !p3  }
0x2f7: {  	p4 =	slt.s32 s20, s9;
	s26 =	simm.s32 @!p2 $0x0;
	s7 =	simm.s32 @p2 $0x2  }
0x2f8: {  	s26 =	simm.s32 @p2 $0x1;
	p2 =	por !p0, !p0;
	p0 =	por !p6, !p5  }
0x2f9: {  	p5 =	sge.s32 s20, s9;
	p6 =	slt.s32 s19, s9;
	[smem:$0x7D7] =	sst s26  }
0x2fa: {  	s26 =	simm.s32 @!p2 $0x0;
	s7 =	simm.s32 @p2 $0x3;
	p3 =	por !p0, !p0  }
0x2fb: {  	p1 =	por !p6, !p5;
	p5 =	sge.s32 s18, s9;
	p6 =	slt.s32 s17, s9  }
0x2fc: {  	s26 =	simm.s32 @p2 $0x1;
	p2 =	sge.s32 s22, s9;
	s7 =	simm.s32 @p3 $0x4  }
0x2fd: {  	[smem:$0x7D9] =	sst s26;
	s26 =	simm.s32 @!p3 $0x0;
	p0 =	por !p4, !p2  }
0x2fe: {  	p4 =	por !p1, !p1;
	p2 =	sge.s32 s19, s9;
	p1 =	por !p6, !p5  }
0x2ff: {  	p5 =	sge.s32 s17, s9;
	s26 =	simm.s32 @p3 $0x1;
	p3 =	por !p0, !p0  }
0x300: {  	p6 =	slt.s32 s16, s9;
	[smem:$0x7DB] =	sst s26;
	s26 =	simm.s32 @!p3 $0x0  }
0x301: {  	p1 =	por !p1, !p1;
	s7 =	simm.s32 @p3 $0x5;
	s26 =	simm.s32 @p3 $0x1  }
0x302: {  	p3 =	slt.s32 s18, s9;
	s7 =	simm.s32 @p4 $0x6;
	[smem:$0x7DD] =	sst s26  }
0x303: {  	s26 =	simm.s32 @!p4 $0x0;
	p0 =	por !p3, !p2;
	p2 =	sge.s32 s16, s9  }
0x304: {  	s26 =	simm.s32 @p4 $0x1;
	p3 =	por !p0, !p0;
	p0 =	por !p6, !p5  }
0x305: {  	p5 =	sge.s32 s15, s9;
	p6 =	slt.s32 s14, s9;
	[smem:$0x7DE] =	sst s26  }
0x306: {  	s26 =	simm.s32 @!p3 $0x0;
	s7 =	simm.s32 @p3 $0x7;
	p4 =	por !p0, !p0  }
0x307: {  	s26 =	simm.s32 @p3 $0x1;
	s7 =	simm.s32 @p1 $0x8;
	p3 =	slt.s32 s15, s9  }
0x308: {  	[smem:$0x7DF] =	sst s26;
	s26 =	simm.s32 @!p1 $0x0;
	p0 =	por !p3, !p2  }
0x309: {  	s7 =	simm.s32 @p4 $0x9;
	p2 =	slt.s32 s12, s9;
	s26 =	simm.s32 @p1 $0x1  }
0x30a: {  	p1 =	por !p6, !p5;
	p3 =	por !p0, !p0;
	p5 =	sge.s32 s14, s9  }
0x30b: {  	p6 =	slt.s32 s13, s9;
	[smem:$0x7E0] =	sst s26;
	s26 =	simm.s32 @!p4 $0x0  }
0x30c: {  	p0 =	por !p6, !p5;
	s7 =	simm.s32 @p3 $0xA;
	p6 =	por !p1, !p1  }
0x30d: {  	p1 =	sge.s32 s13, s9;
	p5 =	slt.s32 s11, s9;
	s26 =	simm.s32 @p4 $0x1  }
0x30e: {  	s7 =	simm.s32 @p6 $0xB;
	p4 =	por !p0, !p0;
	p0 =	sge.s32 s12, s9  }
0x30f: {  	p1 =	por !p2, !p1;
	[smem:$0x7E1] =	sst s26;
	s26 =	simm.s32 @!p3 $0x0  }
0x310: {  	p0 =	por !p5, !p0;
	s7 =	simm.s32 @p4 $0xC;
	s26 =	simm.s32 @p3 $0x1  }
0x311: {  	p5 =	por !p1, !p1;
	[smem:$0x7E2] =	sst s26;
	s26 =	simm.s32 @!p4 $0x0  }
0x312: {  	p3 =	sge.s32 s11, s9;
	s26 =	simm.s32 @p4 $0x1;
	p4 =	sgt.s32 s9, $0x0  }
0x313: {  	s7 =	simm.s32 @p5 $0xD;
	p2 =	por !p0, !p0;
	p1 =	por !p4, !p3  }
0x314: {  	s7 =	simm.s32 @p2 $0xE;
	p4 =	por !p1, !p1  }
0x315: {  	s7 =	simm.s32 @p4 $0xF  }
0x316: {  	p0 =	seq.s32 s7, $0x0  }
0x317: {  	[smem:$0x7E3] =	sst s26;
	s26 =	simm.s32 @!p0 $0x0  }
0x318: {  	v4 =	vpsel p0, v11, v61;
	s26 =	simm.s32 @p0 $0x1;
	p0 =	seq.s32 s7, $0x1  }
0x319: {  	[smem:$0x7CA] =	sst s26;
	s26 =	simm.s32 @!p0 $0x0  }
0x31a: {  	v4 =	vpsel p0, v13, v4;
	s26 =	simm.s32 @p0 $0x1;
	p0 =	seq.s32 s7, $0x2  }
0x31b: {  	[smem:$0x7CB] =	sst s26;
	s26 =	simm.s32 @!p0 $0x0  }
0x31c: {  	v4 =	vpsel p0, v46, v4;
	s26 =	simm.s32 @p0 $0x1;
	p0 =	seq.s32 s7, $0x3  }
0x31d: {  	[smem:$0x7CC] =	sst s26;
	s26 =	simm.s32 @!p0 $0x0  }
0x31e: {  	v4 =	vpsel p0, v16, v4;
	s26 =	simm.s32 @p0 $0x1;
	p0 =	seq.s32 s7, $0x4  }
0x31f: {  	[smem:$0x7CD] =	sst s26;
	s26 =	simm.s32 @!p0 $0x0  }
0x320: {  	v4 =	vpsel p0, v14, v4;
	s26 =	simm.s32 @p0 $0x1;
	p0 =	seq.s32 s7, $0x5  }
0x321: {  	[smem:$0x7CE] =	sst s26;
	s26 =	simm.s32 @!p0 $0x0  }
0x322: {  	s28 =	sld [smem:$0x7D7];
	v4 =	vpsel p0, v12, v4;
	s26 =	simm.s32 @p0 $0x1;
	p0 =	seq.s32 s7, $0x6  }
0x323: {  	[smem:$0x7CF] =	sst s26;
	s26 =	simm.s32 @!p0 $0x0  }
0x324: {  	s29 =	sld [smem:$0x7D9];
	v4 =	vpsel p0, v10, v4;
	s26 =	simm.s32 @p0 $0x1;
	p0 =	seq.s32 s7, $0x7  }
0x325: {  	[smem:$0x7D0] =	sst s26;
	s26 =	simm.s32 @!p0 $0x0  }
0x326: {  	s30 =	sld [smem:$0x7DB];
	v4 =	vpsel p0, v9, v4;
	s26 =	simm.s32 @p0 $0x1;
	p0 =	seq.s32 s7, $0x8  }
0x327: {  	[smem:$0x7D1] =	sst s26;
	s26 =	simm.s32 @!p0 $0x0  }
0x328: {  	s21 =	sadd.s32 s21, s8;
	s31 =	sld [smem:$0x7DD];
	s26 =	simm.s32 @p0 $0x1  }
0x329: {  	p3 =	sge.s32 s21, s9;
	v4 =	vpsel p0, v47, v4;
	p0 =	seq.s32 s7, $0x9;
	[smem:$0x7D2] =	sst s26  }
0x32a: {  	p1 =	slt.s32 s8, s9;
	s21 =	simm.s32 @!p0 $0x0;
	s26 =	sld [smem:$0x7D5]  }
0x32b: {  	s8 =	simm.s32 @!p3 $0x0;
	v4 =	vpsel p0, v8, v4;
	s21 =	simm.s32 @p0 $0x1;
	p0 =	seq.s32 s7, $0xA  }
0x32c: {  	s8 =	simm.s32 @!p1 $0x0;
	[smem:$0x7D3] =	sst s21;
	s21 =	simm.s32 @!p0 $0x0  }
0x32d: {  	v4 =	vpsel p0, v48, v4;
	s21 =	simm.s32 @p0 $0x1;
	p0 =	seq.s32 s7, $0xB;
	p1 =	seq.s32 s26, $0x1  }
0x32e: {  	[smem:$0x7D4] =	sst s21;
	s8 =	smov.u32 @p1 s25;
	s21 =	simm.s32 @!p0 $0x0  }
0x32f: {  	v4 =	vpsel p0, v49, v4;
	p1 =	seq.s32 s28, $0x1;
	s21 =	simm.s32 @p0 $0x1;
	p0 =	seq.s32 s7, $0xC  }
0x330: {  	s8 =	smov.u32 @p1 s24;
	p1 =	seq.s32 s29, $0x1;
	[smem:$0x7D6] =	sst s21  }
0x331: {  	s21 =	simm.s32 @!p0 $0x0;
	s8 =	smov.u32 @p1 s23;
	p1 =	seq.s32 s30, $0x1  }
0x332: {  	v4 =	vpsel p0, v50, v4;
	s23 =	sld [smem:$0x7DF];
	s21 =	simm.s32 @p0 $0x1;
	p0 =	seq.s32 s7, $0xD  }
0x333: {  	v8 =	vmul.u32 $0xFFFFFFFF, v7;
	s8 =	smov.u32 @p1 s22;
	[smem:$0x7D8] =	sst s21;
	s21 =	simm.s32 @!p0 $0x0  }
0x334: {  	s22 =	sld [smem:$0x7DE];
	v4 =	vpsel p0, v51, v4;
	s21 =	simm.s32 @p0 $0x1;
	p0 =	seq.s32 s7, $0xE  }
0x335: {  	[smem:$0x7DA] =	sst s21;
	s21 =	simm.s32 @!p0 $0x0;
	v50 =	vpsel p0, v59, v4;
	v4 =	vadd.s32 $0xF, v8  }
0x336: {  	s24 =	sld [smem:$0x7E0];
	s21 =	simm.s32 @p0 $0x1;
	p0 =	seq.s32 s31, $0x1;
	v8 =	vperm.xlane v50, v4  }
0x337: {  	s25 =	sld [smem:$0x7E1];
	s8 =	smov.u32 @p0 s20;
	p0 =	seq.s32 s22, $0x1  }
0x338: {  	s26 =	sld [smem:$0x7E2];
	s8 =	smov.u32 @p0 s19;
	p0 =	seq.s32 s23, $0x1;
	(xrf0) =	vadd.scan.msk.s32 $0xffff, v8;
	v8 =	vimm.f32 $0.0e+00  }
0x339: {  	s8 =	smov.u32 @p0 s18;
	p0 =	seq.s32 s24, $0x1;
	[tilespmem:$0xC000] =	vst v8  }
0x33a: {  	s28 =	sld [smem:$0x7E3];
	[tilespmem:$0xC010] =	vst v8;
	s8 =	smov.u32 @p0 s17;
	p0 =	seq.s32 s25, $0x1  }
0x33b: {  	[tilespmem:$0xC020] =	vst v8;
	s8 =	smov.u32 @p0 s16;
	p0 =	seq.s32 s26, $0x1  }
0x33c: {  	[tilespmem:$0xC030] =	vst v8;
	s8 =	smov.u32 @p0 s15  }
0x33d: {  	[tilespmem:$0xC040] =	vst v8;
	p0 =	seq.s32 s28, $0x1;
	s8 =	smov.u32 @p6 s14  }
0x33e: {  	[tilespmem:$0xC050] =	vst v8;
	s8 =	smov.u32 @p0 s13  }
0x33f: {  	[tilespmem:$0xC060] =	vst v8;
	v9, _, _ =	vpop (xrf0);
	s8 =	smov.u32 @p5 s12  }
0x340: {  	[tilespmem:$0xC070] =	vst v8;
	v4 =	vperm.xlane v9, v4;
	s8 =	smov.u32 @p2 s11  }
0x341: {  	[tilespmem:$0xC080] =	vst v8;
	s8 =	simm.s32 @p4 $0x0  }
0x342: {  	[tilespmem:$0xC090] =	vst v8;
	v4 =	vadd.s32 s8, v4  }
0x343: {  	[tilespmem:$0xC0A0] =	vst v8;
	vm0 =	vlt.s32 v4, s9;
	v4 =	vor.u32 $0x80000000, v7  }
0x344: {  	[tilespmem:$0xC0B0] =	vst v8;
	v4 =	vsel vm0, $0x7FFFFFFF, v4  }
0x345: {  	[tilespmem:$0xC0C0] =	vst v8;
	(xrf0) =	vmax.scan.msk.u32 $0xffff, v4  }
0x346: {  	[tilespmem:$0xC0D0] =	vst v8  }
0x347: {  	[tilespmem:$0xC0E0] =	vst v8  }
0x348: {  	[tilespmem:$0xC0F0] =	vst v8  }
0x349: {  	[tilespmem:$0xC100] =	vst v8  }
0x34a: {  	[tilespmem:$0xC110] =	vst v8  }
0x34b: {  	[tilespmem:$0xC120] =	vst v8;
	v4, _, _ =	vpop (xrf0)  }
0x34c: {  	[tilespmem:$0xC130] =	vst v8;
	(v2sf) =	vpush v4, $0xF;
	v4 =	vadd.f32 v0, v18;
	v0 =	vld [tilespmem:$0x1FDF0]  }
0x34d: {  	[tilespmem:$0xC140] =	vst v8  }
0x34e: {  	[tilespmem:$0xC150] =	vst v8  }
0x34f: {  	[tilespmem:$0xC160] =	vst v8  }
0x350: {  	[tilespmem:$0xC170] =	vst v8  }
0x351: {  	[tilespmem:$0xC180] =	vst v8;
	v0 =	vadd.f32 v0, v17  }
0x352: {  	[tilespmem:$0xC190] =	vst v8  }
0x353: {  	[tilespmem:$0x1FE00] =	vst v0;
	v0 =	vadd.f32 v45, v28  }
0x354: {  	[tilespmem:$0xC1A0] =	vst v8  }
0x355: {  	[tilespmem:$0x1FE10] =	vst v0;
	v0 =	vadd.f32 v43, v26  }
0x356: {  	[tilespmem:$0xC1B0] =	vst v8  }
0x357: {  	[tilespmem:$0x1FE20] =	vst v0;
	v0 =	vadd.f32 v44, v27  }
0x358: {  	[tilespmem:$0xC1C0] =	vst v8  }
0x359: {  	[tilespmem:$0x1FE30] =	vst v0;
	v0 =	vadd.f32 v41, v19  }
0x35a: {  	[tilespmem:$0xC1D0] =	vst v8  }
0x35b: {  	[tilespmem:$0x1FE40] =	vst v0;
	v0 =	vadd.f32 v42, v20  }
0x35c: {  	[tilespmem:$0xC1E0] =	vst v8  }
0x35d: {  	[tilespmem:$0x1FE50] =	vst v0;
	v0 =	vadd.f32 v39, v22  }
0x35e: {  	s29 =	simm.s32 $0x8040;
	[smem:$0x7DC] =	sst s21;
	[tilespmem:$0xC1F0] =	vst v8  }
0x35f: {  	v10 =	vld [tilespmem:s29+$0x30];
	[tilespmem:$0x1FE60] =	vst v0;
	v0 =	vadd.f32 v40, v25;
	_ =	sdelay $0x1  }
0x360: {  	[tilespmem:$0x1FE70] =	vst v0;
	v0 =	vadd.f32 v29, v23;
	_ =	sdelay $0x1  }
0x361: {  	v17 =	vld [tilespmem:s29+$0xFFFFFFD0];
	[tilespmem:$0x1FE80] =	vst v0;
	v0 =	vadd.f32 v37, v24  }
0x362: {  	v7 =	vadd.f32 v1, v30;
	v1 =	vadd.f32 v5, v21  }
0x363: {  	v2 =	vadd.f32 v2, v33;
	[tilespmem:$0x1FE90] =	vst v0  }
0x364: {  	v0 =	vld [tilespmem:s29+$0xFFFFFFE0];
	[tilespmem:$0x1FEA0] =	vst v1;
	v1 =	vadd.f32 v34, v4  }
0x365: {  	v3 =	vadd.f32 v3, v31;
	v2 =	vadd.f32 v35, v2  }
0x366: {  	s30 =	spop (v2sf);
	v4 =	vadd.f32 v6, v7;
	[tilespmem:$0x1FEB0] =	vst v1  }
0x367: {  	s31 =	sshll.u32 s7, $0x4;
	v9 =	vadd.f32 v15, v32;
	s11 =	sxor.u32 $0x80000000, s30;
	v1 =	vld [tilespmem:s29+$0xFFFFFFF0];
	[tilespmem:$0x1FED0] =	vst v2;
	v2 =	vadd.f32 v36, v3  }
0x368: {  	s10 =	sshll.u32 s10, $0x8;
	s13 =	sadd.s32 s31, s11;
	[tilespmem:$0x1FEC0] =	vst v4  }
0x369: {  	s10 =	sor.u32 s10, s13;
	v5 =	vshrl.u32 v10, $0xF;
	v12 =	vld [tilespmem:s29+$0xFFFFFFC0];
	[tilespmem:$0x1FEE0] =	vst v2;
	v2 =	vadd.f32 v38, v9  }
0x36a: {  	v7 =	vshrl.u32 v17, $0x7;
	v8 =	vshrl.u32 v17, $0xF;
	v3 =	vmov s10  }
0x36b: {  	v13 =	vand.u32 $0xFF, v7;
	vm0 =	veq.s32 v5, v3;
	v5 =	vshrl.u32 v10, $0x7;
	[tilespmem:$0x1FEF0] =	vst v2  }
0x36c: {  	v61 =	vor.u32 $0x100, v13;
	vm5 =	veq.s32 v8, v3;
	v11 =	vand.u32 $0xFF, v5;
	v4 =	vld [tilespmem:s29+$0x0]  }
0x36d: {  	v9 =	vshrl.u32 v0, $0x7;
	v16 =	vshrl.u32 v0, $0xF;
	v15 =	vor.u32 $0x100, v11;
	v6 =	vld [tilespmem:s29+$0x10]  }
0x36e: {  	vm4 =	veq.s32 v16, v3;
	v2 =	vimm.f32 $1.000000000e+00;
	v5 =	vld [tilespmem:s29+$0x20];
	v7 =	vshrl.u32 v12, $0xF  }
0x36f: {  	v14 =	vshrl.u32 v1, $0x7;
	v18 =	vshrl.u32 v12, $0x7;
	vm2 =	veq.s32 v7, v3  }
0x370: {  	s12 =	simm.s32 $0xC000;
	v19 =	vshrl.u32 v1, $0xF;
	v8 =	vand.u32 $0xFF, v14;
	v18 =	vand.u32 $0xFF, v18  }
0x371: {  	vm3 =	veq.s32 v19, v3;
	v7 =	vand.u32 $0xFF, v9;
	[tilespmem:v11+s12+$0x0] =	vst.idx.add.f32.msk vm0, v2;
	v58 =	vor.u32 $0x100, v18  }
0x372: {  	[tilespmem:v15+s12+$0x0] =	vst.idx.add.f32.msk vm0, v10;
	v16 =	vor.u32 $0x100, v7;
	v15 =	vor.u32 $0x100, v8;
	v9 =	vshrl.u32 v4, $0x7  }
0x373: {  	v14 =	vshrl.u32 v6, $0x7;
	v59 =	vshrl.u32 v4, $0xF;
	v60 =	vshrl.u32 v5, $0x7  }
0x374: {  	[tilespmem:v13+s12+$0x0] =	vst.idx.add.f32.msk vm5, v2;
	v62 =	vshrl.u32 v6, $0xF;
	v63 =	vshrl.u32 v5, $0xF;
	v9 =	vand.u32 $0xFF, v9  }
0x375: {  	v11 =	vand.u32 $0xFF, v14;
	v10 =	vand.u32 $0xFF, v60;
	vm1 =	veq.s32 v59, v3;
	[tilespmem:v18+s12+$0x0] =	vst.idx.add.f32.msk vm2, v2  }
0x376: {  	vm0 =	veq.s32 v62, v3;
	v14 =	vor.u32 $0x100, v9;
	[tilespmem:v58+s12+$0x0] =	vst.idx.add.f32.msk vm2, v12;
	vm2 =	veq.s32 v63, v3  }
0x377: {  	s14 =	simm.s32 $0x80C0;
	s13 =	simm.s32 $0x0;
	[tilespmem:v61+s12+$0x0] =	vst.idx.add.f32.msk vm5, v17;
	v13 =	vor.u32 $0x100, v11;
	v12 =	vor.u32 $0x100, v10;
	vm2 =	vmmov vm2  }
.LBB2_9:
0x378: {  	v17 =	vld [tilespmem:s14+$0x30]  }
0x379: {  	s13 =	sadd.s32 $0x8, s13;
	v18 =	vld [tilespmem:s14+$0xFFFFFFD0]  }
0x37a: {  	p0 =	slt.u32 s13, $0x3F8;
	v19 =	vld [tilespmem:s14+$0xFFFFFFE0]  }
0x37b: {  	v20 =	vld [tilespmem:s14+$0xFFFFFFF0]  }
0x37c: {  	v21 =	vld [tilespmem:s14+$0x0]  }
0x37d: {  	v22 =	vld [tilespmem:s14+$0x10];
	v23 =	vshrl.u32 v17, $0xF  }
0x37e: {  	v24 =	vshrl.u32 v18, $0x7;
	v25 =	vld [tilespmem:s14+$0x20];
	vm5 =	veq.s32 v23, v3;
	v23 =	vshrl.u32 v17, $0x7  }
0x37f: {  	v27 =	vshrl.u32 v18, $0xF;
	v26 =	vld [tilespmem:s14+$0xFFFFFFC0];
	v28 =	vshrl.u32 v19, $0x7;
	v23 =	vand.u32 $0xFF, v23  }
0x380: {  	v24 =	vand.u32 $0xFF, v24;
	v29 =	vshrl.u32 v20, $0x7;
	v30 =	vor.u32 $0x100, v23;
	[tilespmem:v7+s12+$0x0] =	vst.idx.add.f32.msk vm4, v2  }
0x381: {  	v31 =	vshrl.u32 v19, $0xF;
	v7 =	vand.u32 $0xFF, v28;
	v28 =	vshrl.u32 v21, $0x7;
	[tilespmem:v16+s12+$0x0] =	vst.idx.add.f32.msk vm4, v0;
	v0 =	vmovc v19  }
0x382: {  	v19 =	vshrl.u32 v20, $0xF;
	v16 =	vshrl.u32 v22, $0x7;
	[tilespmem:v8+s12+$0x0] =	vst.idx.add.f32.msk vm3, v2;
	v8 =	vand.u32 $0xFF, v29  }
0x383: {  	v29 =	vshrl.u32 v21, $0xF;
	v28 =	vand.u32 $0xFF, v28;
	v32 =	vshrl.u32 v25, $0x7;
	[tilespmem:v15+s12+$0x0] =	vst.idx.add.f32.msk vm3, v1;
	v1 =	vmovc v20  }
0x384: {  	v33 =	vshrl.u32 v22, $0xF;
	v15 =	vshrl.u32 v26, $0xF;
	v20 =	vshrl.u32 v26, $0x7;
	[tilespmem:v23+s12+$0x0] =	vst.idx.add.f32.msk vm5, v2  }
0x385: {  	v34 =	vshrl.u32 v25, $0xF;
	v23 =	vand.u32 $0xFF, v16;
	v20 =	vand.u32 $0xFF, v20;
	[tilespmem:v30+s12+$0x0] =	vst.idx.add.f32.msk vm5, v17  }
0x386: {  	vm5 =	veq.s32 v15, v3;
	v30 =	vand.u32 $0xFF, v32;
	v17 =	vor.u32 $0x100, v20;
	[tilespmem:v9+s12+$0x0] =	vst.idx.add.f32.msk vm1, v2;
	v9 =	vmovc v28  }
0x387: {  	vm6 =	veq.s32 v27, v3;
	v27 =	vor.u32 $0x100, v24;
	vm4 =	veq.s32 v31, v3;
	[tilespmem:v14+s12+$0x0] =	vst.idx.add.f32.msk vm1, v4  }
0x388: {  	vm3 =	veq.s32 v19, v3;
	v16 =	vor.u32 $0x100, v7;
	v15 =	vor.u32 $0x100, v8;
	v4 =	vmovc v21;
	[tilespmem:v11+s12+$0x0] =	vst.idx.add.f32.msk vm0, v2  }
0x389: {  	vm1 =	veq.s32 v29, v3;
	v14 =	vor.u32 $0x100, v9;
	[tilespmem:v13+s12+$0x0] =	vst.idx.add.f32.msk vm0, v6;
	vm0 =	veq.s32 v33, v3  }
0x38a: {  	vm7 =	veq.s32 v34, v3;
	v19 =	vor.u32 $0x100, v30;
	v13 =	vor.u32 $0x100, v23;
	v6 =	vmovc v22;
	[tilespmem:v10+s12+$0x0] =	vst.idx.add.f32.msk vm2, v2  }
.Ltmp4:
0x38b: {  	v11 =	vmovc v23;
	v10 =	vmovc v30;
	[tilespmem:v12+s12+$0x0] =	vst.idx.add.f32.msk vm2, v5;
	v5 =	vmov v25;
	v12 =	vmov v19;
	vm2 =	vmmov vm7;
	(pc) =	sbr.rel @p0 .LBB2_9-.Ltmp4, $4  }
0x38c: {  	[tilespmem:v20+s12+$0x0] =	vst.idx.add.f32.msk vm5, v2  }
0x38d: {  	[tilespmem:v17+s12+$0x0] =	vst.idx.add.f32.msk vm5, v26  }
0x38e: {  	[tilespmem:v24+s12+$0x0] =	vst.idx.add.f32.msk vm6, v2  }
0x38f: {  	s14 =	sadd.s32 $0x80, s14;
	[tilespmem:v27+s12+$0x0] =	vst.idx.add.f32.msk vm6, v18  }
0x390: {  	_ =	sdelay $0x4  }
0x391: {  	[tilespmem:v7+s12+$0x0] =	vst.idx.add.f32.msk vm4, v2  }
0x392: {  	[tilespmem:v8+s12+$0x0] =	vst.idx.add.f32.msk vm3, v2  }
0x393: {  	[tilespmem:v9+s12+$0x0] =	vst.idx.add.f32.msk vm1, v2  }
0x394: {  	[tilespmem:v11+s12+$0x0] =	vst.idx.add.f32.msk vm0, v2  }
0x395: {  	[tilespmem:v10+s12+$0x0] =	vst.idx.add.f32.msk vm2, v2  }
0x396: {  	[tilespmem:v16+s12+$0x0] =	vst.idx.add.f32.msk vm4, v0  }
0x397: {  	[tilespmem:v15+s12+$0x0] =	vst.idx.add.f32.msk vm3, v1  }
0x398: {  	[tilespmem:v14+s12+$0x0] =	vst.idx.add.f32.msk vm1, v4  }
0x399: {  	[tilespmem:v13+s12+$0x0] =	vst.idx.add.f32.msk vm0, v6  }
0x39a: {  	s29 =	simm.s32 $0x0;
	s13 =	simm.s32 $0xC000;
	s30 =	simm.s32 $0x1;
	[tilespmem:v12+s12+$0x0] =	vst.idx.add.f32.msk vm2, v5  }
0x39b: {  	[hbm4b:s5+s29] =	stream.linear.scatter [tilespmem:s13], [sflag:$0x1], $0x200, $0x38;
	[tilespmem:$0xE280] =	vst v63  }
0x39c: {  	_ =	swait.ge [sflag:s30], $0x200  }
0x39d: {  	[sflag:s30] =	ssyncset.done $0x0  }
0x39e: {  	[sflag:s30] =	ssyncadd.s32 $0xFFFFFE00  }
0x39f: {  	s14 =	simm.s32 $0xC200;
	[bflag:$0x0] =	sbarrier.arrive $0xFFFF  }
0x3a0: {  	[tilespmem:s14], [sflag:$0x1] =	stream.linear.gather [hbm4b:s3+s29], $0x2000, $0x38;
	[tilespmem:$0xE280] =	vst v63  }
0x3a1: {  	_ =	swait.ge [sflag:s30], $0x2000  }
0x3a2: {  	[sflag:s30] =	ssyncset.done $0x0  }
0x3a3: {  	s31 =	simm.s32 $0x0;
	[sflag:s30] =	ssyncadd.s32 $0xFFFFE000  }
0x3a4: {  	v0 =	vld [tilespmem:s31+$0xC3F0]  }
0x3a5: {  	v1 =	vld [tilespmem:s31+$0xC200]  }
0x3a6: {  	v2 =	vld [tilespmem:s31+$0xC210]  }
0x3a7: {  	v3 =	vld [tilespmem:s31+$0xC220]  }
0x3a8: {  	v60 =	vld [tilespmem:s31+$0xC230]  }
0x3a9: {  	v61 =	vld [tilespmem:s31+$0xC240]  }
0x3aa: {  	v6 =	vld [tilespmem:s31+$0xC250]  }
0x3ab: {  	v7 =	vld [tilespmem:s31+$0xC260]  }
0x3ac: {  	v8 =	vld [tilespmem:s31+$0xC270]  }
0x3ad: {  	v9 =	vld [tilespmem:s31+$0xC280]  }
0x3ae: {  	v10 =	vld [tilespmem:s31+$0xC290]  }
0x3af: {  	v12 =	vld [tilespmem:s31+$0xC2A0]  }
0x3b0: {  	v14 =	vld [tilespmem:s31+$0xC2B0]  }
0x3b1: {  	v15 =	vld [tilespmem:s31+$0xC2C0]  }
0x3b2: {  	v23 =	vld [tilespmem:s31+$0xC2D0]  }
0x3b3: {  	v24 =	vld [tilespmem:s31+$0xC2E0]  }
0x3b4: {  	v25 =	vld [tilespmem:s31+$0xC2F0]  }
0x3b5: {  	v39 =	vimm.f32 $0.0e+00;
	v26 =	vld [tilespmem:s31+$0xC300]  }
0x3b6: {  	v27 =	vld [tilespmem:s31+$0xC320];
	v34 =	vadd.f32 v0, v39  }
0x3b7: {  	v62 =	vld [tilespmem:s31+$0xC340];
	v1 =	vadd.f32 v1, v39;
	v2 =	vadd.f32 v2, v39  }
0x3b8: {  	v63 =	vld [tilespmem:s31+$0xC350];
	v20 =	vadd.f32 v3, v39;
	v18 =	vadd.f32 v60, v39  }
0x3b9: {  	v0 =	vld [tilespmem:s31+$0xC310];
	v21 =	vadd.f32 v61, v39;
	v19 =	vadd.f32 v6, v39  }
0x3ba: {  	v3 =	vld [tilespmem:s31+$0xC330];
	v22 =	vadd.f32 v7, v39;
	v11 =	vadd.f32 v8, v39  }
0x3bb: {  	v13 =	vadd.f32 v9, v39;
	v17 =	vadd.f32 v10, v39;
	v6 =	vld [tilespmem:s31+$0xC360]  }
0x3bc: {  	v16 =	vadd.f32 v12, v39;
	v14 =	vadd.f32 v14, v39;
	v7 =	vld [tilespmem:s31+$0xC370]  }
0x3bd: {  	v12 =	vadd.f32 v15, v39;
	v10 =	vadd.f32 v23, v39;
	v15 =	vld [tilespmem:s31+$0xC380]  }
0x3be: {  	v9 =	vadd.f32 v24, v39;
	v8 =	vadd.f32 v25, v39;
	v23 =	vld [tilespmem:s31+$0xC390]  }
0x3bf: {  	v52 =	vld [tilespmem:s31+$0xC3A0];
	v45 =	vadd.f32 v26, v39;
	v44 =	vadd.f32 v27, v39  }
0x3c0: {  	v47 =	vimm.f32 $0.0e+00;
	v53 =	vld [tilespmem:s31+$0xC3B0];
	v37 =	vadd.f32 v62, v39;
	v40 =	vadd.f32 v63, v39  }
0x3c1: {  	v48 =	vimm.f32 $0.0e+00;
	v54 =	vld [tilespmem:s31+$0xC3C0];
	v36 =	vadd.f32 v0, v39;
	v35 =	vadd.f32 v3, v39  }
0x3c2: {  	v49 =	vimm.f32 $0.0e+00;
	v55 =	vld [tilespmem:s31+$0xC3D0];
	v42 =	vadd.f32 v6, v39;
	v38 =	vadd.f32 v7, v39  }
0x3c3: {  	v46 =	vimm.f32 $0.0e+00;
	s12 =	simm.s32 $0x200;
	s13 =	simm.s32 $0x1000;
	v56 =	vld [tilespmem:s31+$0xC3E0];
	v43 =	vadd.f32 v15, v39;
	v41 =	vadd.f32 v23, v39  }
.LBB2_11:
0x3c4: {  	p0 =	sne.s32 s13, $0x7800;
	v0 =	vld [tilespmem:s12+$0xC3F0];
	v39 =	vadd.f32 v52, v39  }
0x3c5: {  	v3 =	vld [tilespmem:s12+$0xC200];
	v47 =	vadd.f32 v53, v47  }
0x3c6: {  	v4 =	vld [tilespmem:s12+$0xC210];
	v48 =	vadd.f32 v54, v48  }
0x3c7: {  	v5 =	vld [tilespmem:s12+$0xC220];
	v49 =	vadd.f32 v55, v49  }
0x3c8: {  	v6 =	vld [tilespmem:s12+$0xC230];
	v46 =	vadd.f32 v56, v46  }
0x3c9: {  	v7 =	vld [tilespmem:s12+$0xC240];
	v34 =	vadd.f32 v0, v34  }
0x3ca: {  	v1 =	vadd.f32 v3, v1;
	v0 =	vld [tilespmem:s12+$0xC250]  }
0x3cb: {  	v2 =	vadd.f32 v4, v2;
	v3 =	vld [tilespmem:s12+$0xC260]  }
0x3cc: {  	v20 =	vadd.f32 v5, v20;
	v4 =	vld [tilespmem:s12+$0xC270]  }
0x3cd: {  	v18 =	vadd.f32 v6, v18;
	v5 =	vld [tilespmem:s12+$0xC280]  }
0x3ce: {  	v21 =	vadd.f32 v7, v21;
	v6 =	vld [tilespmem:s12+$0xC290]  }
0x3cf: {  	v19 =	vadd.f32 v0, v19;
	v0 =	vld [tilespmem:s12+$0xC2A0]  }
0x3d0: {  	v22 =	vadd.f32 v3, v22;
	v3 =	vld [tilespmem:s12+$0xC2B0]  }
0x3d1: {  	v11 =	vadd.f32 v4, v11;
	v4 =	vld [tilespmem:s12+$0xC2C0]  }
0x3d2: {  	v13 =	vadd.f32 v5, v13;
	v5 =	vld [tilespmem:s12+$0xC2D0]  }
0x3d3: {  	v17 =	vadd.f32 v6, v17;
	v6 =	vld [tilespmem:s12+$0xC2E0]  }
0x3d4: {  	v16 =	vadd.f32 v0, v16;
	v0 =	vld [tilespmem:s12+$0xC2F0]  }
0x3d5: {  	v14 =	vadd.f32 v3, v14;
	v3 =	vld [tilespmem:s12+$0xC300]  }
0x3d6: {  	v12 =	vadd.f32 v4, v12;
	v4 =	vld [tilespmem:s12+$0xC310]  }
0x3d7: {  	v10 =	vadd.f32 v5, v10;
	v5 =	vld [tilespmem:s12+$0xC320]  }
0x3d8: {  	v9 =	vadd.f32 v6, v9;
	v6 =	vld [tilespmem:s12+$0xC330]  }
0x3d9: {  	v8 =	vadd.f32 v0, v8;
	v0 =	vld [tilespmem:s12+$0xC340]  }
0x3da: {  	v45 =	vadd.f32 v3, v45;
	v3 =	vld [tilespmem:s12+$0xC350]  }
0x3db: {  	v36 =	vadd.f32 v4, v36;
	v4 =	vld [tilespmem:s12+$0xC360]  }
0x3dc: {  	v44 =	vadd.f32 v5, v44;
	v5 =	vld [tilespmem:s12+$0xC370]  }
0x3dd: {  	v35 =	vadd.f32 v6, v35;
	v6 =	vld [tilespmem:s12+$0xC380]  }
0x3de: {  	v37 =	vadd.f32 v0, v37;
	v0 =	vld [tilespmem:s12+$0xC390]  }
.Ltmp5:
0x3df: {  	v40 =	vadd.f32 v3, v40;
	v52 =	vld [tilespmem:s12+$0xC3A0];
	(pc) =	sbr.rel @p0 .LBB2_11-.Ltmp5, $4  }
0x3e0: {  	v42 =	vadd.f32 v4, v42;
	v53 =	vld [tilespmem:s12+$0xC3B0]  }
0x3e1: {  	v38 =	vadd.f32 v5, v38;
	v54 =	vld [tilespmem:s12+$0xC3C0]  }
0x3e2: {  	v43 =	vadd.f32 v6, v43;
	v55 =	vld [tilespmem:s12+$0xC3D0]  }
0x3e3: {  	v41 =	vadd.f32 v0, v41;
	v56 =	vld [tilespmem:s12+$0xC3E0];
	s12 =	sshra.s32 s13, $0x2;
	s13 =	sadd.s32 $0x800, s13  }
0x3e4: {  	v57 =	vld [tilespmem:s12+$0xC3F0]  }
0x3e5: {  	v23 =	vld [tilespmem:s12+$0xC200]  }
0x3e6: {  	v24 =	vld [tilespmem:s12+$0xC210]  }
0x3e7: {  	v25 =	vld [tilespmem:s12+$0xC220]  }
0x3e8: {  	v26 =	vld [tilespmem:s12+$0xC230]  }
0x3e9: {  	v27 =	vld [tilespmem:s12+$0xC240]  }
0x3ea: {  	v28 =	vld [tilespmem:s12+$0xC250];
	v0 =	vmov s11;
	v7 =	vlaneseq.u32  }
0x3eb: {  	v29 =	vld [tilespmem:s12+$0xC260];
	vm0 =	vlt.s32 v0, v7  }
0x3ec: {  	v30 =	vld [tilespmem:s12+$0xC270];
	[tilespmem:$0x1FCB0] =	vst v0;
	v0 =	vnsel vm0, $0x0, v50  }
0x3ed: {  	v31 =	vld [tilespmem:s12+$0xC280];
	(xrf0) =	vadd.scan.msk.s32 $0xffff, v0  }
0x3ee: {  	v32 =	vld [tilespmem:s12+$0xC290]  }
0x3ef: {  	v33 =	vld [tilespmem:s12+$0xC2A0]  }
0x3f0: {  	v51 =	vld [tilespmem:s12+$0xC2B0]  }
0x3f1: {  	v3 =	vld [tilespmem:s12+$0xC2D0]  }
0x3f2: {  	v60 =	vld [tilespmem:s12+$0xC2F0]  }
0x3f3: {  	v6 =	vld [tilespmem:s12+$0xC300];
	v4, _, _ =	vpop (xrf0)  }
0x3f4: {  	v5 =	vld [tilespmem:s12+$0xC320];
	(v2sf) =	vpush v4, $0xF  }
0x3f5: {  	v61 =	vld [tilespmem:s12+$0xC330]  }
0x3f6: {  	v62 =	vld [tilespmem:s12+$0xC340]  }
0x3f7: {  	v58 =	vld [tilespmem:s12+$0xC350]  }
0x3f8: {  	v15 =	vld [tilespmem:s12+$0xC370]  }
0x3f9: {  	v59 =	vld [tilespmem:s12+$0xC360]  }
0x3fa: {  	v63 =	vld [tilespmem:s12+$0xC390]  }
0x3fb: {  	v50 =	vld [tilespmem:s12+$0xC2E0]  }
0x3fc: {  	v0 =	vld [tilespmem:s12+$0xC2C0]  }
0x3fd: {  	[tilespmem:$0x1FD40] =	vst v15;
	v15 =	vld [tilespmem:s12+$0xC380];
	v23 =	vadd.f32 v23, v1  }
0x3fe: {  	v1 =	vld [tilespmem:s12+$0xC3A0];
	v24 =	vadd.f32 v24, v2;
	v20 =	vadd.f32 v25, v20  }
0x3ff: {  	v2 =	vld [tilespmem:s12+$0xC3B0];
	v18 =	vadd.f32 v26, v18;
	v21 =	vadd.f32 v27, v21  }
0x400: {  	v25 =	vld [tilespmem:s12+$0xC3C0];
	v19 =	vadd.f32 v28, v19;
	v22 =	vadd.f32 v29, v22;
	v23 =	vtrunc.f32 v23  }
0x401: {  	v26 =	vld [tilespmem:s12+$0xC3D0];
	v27 =	vadd.f32 v30, v11;
	v29 =	vtrunc.f32 v24;
	v20 =	vtrunc.f32 v20  }
0x402: {  	[tilespmem:$0x1FD70] =	vst v63;
	v63 =	vld [tilespmem:s12+$0xC3E0];
	v24 =	vadd.f32 v31, v13;
	v18 =	vtrunc.f32 v18;
	v30 =	vtrunc.f32 v21  }
0x403: {  	v31 =	vadd.f32 v51, v14;
	v51 =	vtrunc.f32 v27;
	v11 =	vcvt.f32.s32 v23;
	v4 =	vld [tilespmem:s12+$0xC310];
	s12 =	spop (v2sf)  }
0x404: {  	v13 =	vcvt.f32.s32 v29;
	v23 =	vadd.f32 v32, v17;
	v17 =	vcvt.f32.s32 v20;
	[bflag:$0x0] =	sbarrier.arrive $0xFFFF  }
0x405: {  	v20 =	vadd.f32 v33, v16;
	v16 =	vcvt.f32.s32 v18;
	v14 =	vcvt.f32.s32 v30;
	(xrf0) =	vadd.scan.msk.s32 $0xffff, v11  }
0x406: {  	v27 =	vadd.f32 v50, v9;
	v32 =	vtrunc.f32 v19;
	v33 =	vtrunc.f32 v22;
	(xrf0) =	vadd.scan.msk.s32 $0xffff, v13  }
0x407: {  	v0 =	vadd.f32 v0, v12;
	v9 =	vcvt.f32.s32 v51;
	v12 =	vcvt.f32.s32 v32;
	(xrf0) =	vadd.scan.msk.s32 $0xffff, v17  }
0x408: {  	v3 =	vadd.f32 v3, v10;
	v10 =	vcvt.f32.s32 v33;
	v22 =	vtrunc.f32 v24;
	(xrf0) =	vadd.scan.msk.s32 $0xffff, v16  }
0x409: {  	v31 =	vtrunc.f32 v31;
	v18 =	vcvt.f32.s32 v22;
	(xrf0) =	vadd.scan.msk.s32 $0xffff, v14  }
0x40a: {  	v24 =	vadd.f32 v60, v8;
	v8 =	vtrunc.f32 v23;
	v20 =	vtrunc.f32 v20;
	(xrf0) =	vadd.scan.msk.s32 $0xffff, v12  }
0x40b: {  	v0 =	vtrunc.f32 v0;
	v8 =	vcvt.f32.s32 v8;
	v28, _, _ =	vpop (xrf0);
	(xrf0) =	vadd.scan.msk.s32 $0xffff, v10  }
0x40c: {  	v30 =	vcvt.f32.s32 v20;
	v20 =	vcvt.f32.s32 v31;
	(v2sf) =	vpush v28, $0xF;
	v29, _, _ =	vpop (xrf0);
	(xrf0) =	vadd.scan.msk.s32 $0xffff, v9  }
0x40d: {  	v50 =	vcvt.f32.s32 v0;
	v0 =	vtrunc.f32 v3;
	(v2sf) =	vpush v29, $0xF;
	v32, _, _ =	vpop (xrf0);
	(xrf0) =	vadd.scan.msk.s32 $0xffff, v18  }
0x40e: {  	v51 =	vcvt.f32.s32 v0;
	v0 =	vtrunc.f32 v27;
	(v2sf) =	vpush v32, $0xF;
	v33, _, _ =	vpop (xrf0);
	(xrf0) =	vadd.scan.msk.s32 $0xffff, v8  }
0x40f: {  	v60 =	vcvt.f32.s32 v0;
	v0 =	vtrunc.f32 v24;
	(v2sf) =	vpush v33, $0xF;
	v3, _, _ =	vpop (xrf0);
	(xrf0) =	vadd.scan.msk.s32 $0xffff, v30  }
0x410: {  	(v2sf) =	vpush v3, $0xF;
	v3, _, _ =	vpop (xrf0);
	(xrf0) =	vadd.scan.msk.s32 $0xffff, v20  }
0x411: {  	(v2sf) =	vpush v3, $0xF;
	v3, _, _ =	vpop (xrf0);
	(xrf0) =	vadd.scan.msk.s32 $0xffff, v50  }
0x412: {  	v24 =	vcvt.f32.s32 v0;
	(v2sf) =	vpush v3, $0xF;
	v0, _, _ =	vpop (xrf0);
	(xrf0) =	vadd.scan.msk.s32 $0xffff, v51  }
0x413: {  	(v2sf) =	vpush v0, $0xF;
	v0, _, _ =	vpop (xrf0);
	(xrf0) =	vadd.scan.msk.s32 $0xffff, v60  }
0x414: {  	(v2sf) =	vpush v0, $0xF;
	v0, _, _ =	vpop (xrf0);
	(xrf0) =	vadd.scan.msk.s32 $0xffff, v24  }
0x415: {  	v3, _, _ =	vpop (xrf0);
	(v2sf) =	vpush v0, $0xF  }
0x416: {  	v0, _, _ =	vpop (xrf0);
	(v2sf) =	vpush v3, $0xF  }
0x417: {  	v3, _, _ =	vpop (xrf0);
	(v2sf) =	vpush v0, $0xF  }
0x418: {  	v0, _, _ =	vpop (xrf0);
	(v2sf) =	vpush v3, $0xF  }
0x419: {  	v3, _, _ =	vpop (xrf0);
	(v2sf) =	vpush v0, $0xF  }
0x41a: {  	(v2sf) =	vpush v3, $0xF;
	v0, _, _ =	vpop (xrf0)  }
0x41b: {  	(v2sf) =	vpush v0, $0xF;
	s23 =	spop (v2sf)  }
0x41c: {  	s29 =	spop (v2sf)  }
0x41d: {  	s28 =	spop (v2sf)  }
0x41e: {  	s26 =	spop (v2sf)  }
0x41f: {  	s25 =	spop (v2sf)  }
0x420: {  	s24 =	spop (v2sf)  }
0x421: {  	s22 =	spop (v2sf)  }
0x422: {  	s21 =	spop (v2sf)  }
0x423: {  	s20 =	spop (v2sf)  }
0x424: {  	s19 =	spop (v2sf)  }
0x425: {  	s18 =	spop (v2sf)  }
0x426: {  	s17 =	spop (v2sf)  }
0x427: {  	s16 =	spop (v2sf)  }
0x428: {  	s15 =	spop (v2sf)  }
0x429: {  	s14 =	spop (v2sf)  }
0x42a: {  	s13 =	spop (v2sf)  }
0x42b: {  	s14 =	sadd.s32 s14, s13  }
0x42c: {  	s15 =	sadd.s32 s15, s14  }
0x42d: {  	s16 =	sadd.s32 s16, s15  }
0x42e: {  	s17 =	sadd.s32 s17, s16  }
0x42f: {  	s18 =	sadd.s32 s18, s17  }
0x430: {  	s19 =	sadd.s32 s19, s18  }
0x431: {  	s20 =	sadd.s32 s20, s19  }
0x432: {  	s21 =	sadd.s32 s21, s20  }
0x433: {  	s22 =	sadd.s32 s22, s21  }
0x434: {  	s24 =	sadd.s32 s24, s22  }
0x435: {  	s25 =	sadd.s32 s25, s24  }
0x436: {  	s26 =	sadd.s32 s26, s25  }
0x437: {  	s8 =	sadd.s32 s8, s12;
	s28 =	sadd.s32 s28, s26  }
0x438: {  	s11 =	ssub.s32 s9, s8;
	s12 =	sadd.s32 s29, s28  }
0x439: {  	p1 =	slt.s32 s28, s11;
	p0 =	sge.s32 s12, s11  }
0x43a: {  	p0 =	por !p1, !p0  }
0x43b: {  	p4 =	slt.s32 s25, s11;
	p6 =	slt.s32 s26, s11;
	p2 =	por !p0, !p0  }
0x43c: {  	p3 =	sge.s32 s26, s11;
	p5 =	sge.s32 s28, s11;
	s9 =	simm.s32 @!p2 $0x0  }
0x43d: {  	p0 =	por !p6, !p5;
	p5 =	sge.s32 s25, s11;
	s9 =	simm.s32 @p2 $0x1  }
0x43e: {  	p6 =	slt.s32 s24, s11;
	[smem:$0x7BB] =	sst s9;
	s9 =	simm.s32 $0x1  }
0x43f: {  	s9 =	simm.s32 @!p2 $0x0;
	p2 =	por !p0, !p0;
	p0 =	por !p4, !p3  }
0x440: {  	p4 =	slt.s32 s22, s11;
	s29 =	simm.s32 @!p2 $0x0;
	s9 =	simm.s32 @p2 $0x2  }
0x441: {  	s29 =	simm.s32 @p2 $0x1;
	p2 =	por !p0, !p0;
	p0 =	por !p6, !p5  }
0x442: {  	p5 =	sge.s32 s22, s11;
	p6 =	slt.s32 s21, s11;
	[smem:$0x7BD] =	sst s29  }
0x443: {  	s29 =	simm.s32 @!p2 $0x0;
	s9 =	simm.s32 @p2 $0x3;
	p3 =	por !p0, !p0  }
0x444: {  	p1 =	por !p6, !p5;
	p5 =	sge.s32 s20, s11;
	p6 =	slt.s32 s19, s11  }
0x445: {  	s29 =	simm.s32 @p2 $0x1;
	p2 =	sge.s32 s24, s11;
	s9 =	simm.s32 @p3 $0x4  }
0x446: {  	[smem:$0x7BF] =	sst s29;
	s29 =	simm.s32 @!p3 $0x0;
	p0 =	por !p4, !p2  }
0x447: {  	p4 =	por !p1, !p1;
	p2 =	sge.s32 s21, s11;
	p1 =	por !p6, !p5  }
0x448: {  	p5 =	sge.s32 s19, s11;
	s29 =	simm.s32 @p3 $0x1;
	p3 =	por !p0, !p0  }
0x449: {  	p6 =	slt.s32 s18, s11;
	[smem:$0x7C1] =	sst s29;
	s29 =	simm.s32 @!p3 $0x0  }
0x44a: {  	p1 =	por !p1, !p1;
	s9 =	simm.s32 @p3 $0x5;
	s29 =	simm.s32 @p3 $0x1  }
0x44b: {  	p3 =	slt.s32 s20, s11;
	s9 =	simm.s32 @p4 $0x6;
	[smem:$0x7C3] =	sst s29  }
0x44c: {  	s29 =	simm.s32 @!p4 $0x0;
	p0 =	por !p3, !p2;
	p2 =	sge.s32 s18, s11  }
0x44d: {  	s29 =	simm.s32 @p4 $0x1;
	p3 =	por !p0, !p0;
	p0 =	por !p6, !p5  }
0x44e: {  	p5 =	sge.s32 s17, s11;
	p6 =	slt.s32 s16, s11;
	[smem:$0x7C4] =	sst s29  }
0x44f: {  	s29 =	simm.s32 @!p3 $0x0;
	s9 =	simm.s32 @p3 $0x7;
	p4 =	por !p0, !p0  }
0x450: {  	s29 =	simm.s32 @p3 $0x1;
	s9 =	simm.s32 @p1 $0x8;
	p3 =	slt.s32 s17, s11  }
0x451: {  	[smem:$0x7C5] =	sst s29;
	s29 =	simm.s32 @!p1 $0x0;
	p0 =	por !p3, !p2  }
0x452: {  	s9 =	simm.s32 @p4 $0x9;
	p2 =	slt.s32 s14, s11;
	s29 =	simm.s32 @p1 $0x1  }
0x453: {  	p1 =	por !p6, !p5;
	p3 =	por !p0, !p0;
	p5 =	sge.s32 s16, s11  }
0x454: {  	p6 =	slt.s32 s15, s11;
	[smem:$0x7C6] =	sst s29;
	s29 =	simm.s32 @!p4 $0x0  }
0x455: {  	p0 =	por !p6, !p5;
	s9 =	simm.s32 @p3 $0xA;
	p6 =	por !p1, !p1  }
0x456: {  	p1 =	sge.s32 s15, s11;
	p5 =	slt.s32 s13, s11;
	s29 =	simm.s32 @p4 $0x1  }
0x457: {  	s9 =	simm.s32 @p6 $0xB;
	p4 =	por !p0, !p0;
	p0 =	sge.s32 s14, s11  }
0x458: {  	p1 =	por !p2, !p1;
	[smem:$0x7C7] =	sst s29;
	s29 =	simm.s32 @!p3 $0x0  }
0x459: {  	p0 =	por !p5, !p0;
	s9 =	simm.s32 @p4 $0xC;
	s29 =	simm.s32 @p3 $0x1  }
0x45a: {  	p5 =	por !p1, !p1;
	[smem:$0x7C8] =	sst s29;
	s29 =	simm.s32 @!p4 $0x0  }
0x45b: {  	p3 =	sge.s32 s13, s11;
	s29 =	simm.s32 @p4 $0x1;
	p4 =	sgt.s32 s11, $0x0  }
0x45c: {  	s9 =	simm.s32 @p5 $0xD;
	p2 =	por !p0, !p0;
	p1 =	por !p4, !p3  }
0x45d: {  	s9 =	simm.s32 @p2 $0xE;
	p4 =	por !p1, !p1  }
0x45e: {  	s9 =	simm.s32 @p4 $0xF  }
0x45f: {  	p0 =	seq.s32 s9, $0x0  }
0x460: {  	[smem:$0x7C9] =	sst s29;
	s29 =	simm.s32 @!p0 $0x0  }
0x461: {  	v0 =	vpsel p0, v11, v24;
	s29 =	simm.s32 @p0 $0x1;
	p0 =	seq.s32 s9, $0x1  }
0x462: {  	[smem:$0x7B0] =	sst s29;
	s29 =	simm.s32 @!p0 $0x0  }
0x463: {  	v0 =	vpsel p0, v13, v0;
	s29 =	simm.s32 @p0 $0x1;
	p0 =	seq.s32 s9, $0x2  }
0x464: {  	[smem:$0x7B1] =	sst s29;
	s29 =	simm.s32 @!p0 $0x0  }
0x465: {  	v0 =	vpsel p0, v17, v0;
	s29 =	simm.s32 @p0 $0x1;
	p0 =	seq.s32 s9, $0x3  }
0x466: {  	[smem:$0x7B2] =	sst s29;
	s29 =	simm.s32 @!p0 $0x0  }
0x467: {  	v0 =	vpsel p0, v16, v0;
	s29 =	simm.s32 @p0 $0x1;
	p0 =	seq.s32 s9, $0x4  }
0x468: {  	[smem:$0x7B3] =	sst s29;
	s29 =	simm.s32 @!p0 $0x0  }
0x469: {  	v0 =	vpsel p0, v14, v0;
	s29 =	simm.s32 @p0 $0x1;
	p0 =	seq.s32 s9, $0x5  }
0x46a: {  	[smem:$0x7B4] =	sst s29;
	s29 =	simm.s32 @!p0 $0x0  }
0x46b: {  	v0 =	vpsel p0, v12, v0;
	s29 =	simm.s32 @p0 $0x1;
	p0 =	seq.s32 s9, $0x6  }
0x46c: {  	[smem:$0x7B5] =	sst s29;
	s29 =	simm.s32 @!p0 $0x0  }
0x46d: {  	s30 =	sld [smem:$0x7BB];
	v0 =	vpsel p0, v10, v0;
	s29 =	simm.s32 @p0 $0x1;
	p0 =	seq.s32 s9, $0x7  }
0x46e: {  	[smem:$0x7B6] =	sst s29;
	s29 =	simm.s32 @!p0 $0x0  }
0x46f: {  	s31 =	sld [smem:$0x7BD];
	v0 =	vpsel p0, v9, v0;
	s29 =	simm.s32 @p0 $0x1;
	p0 =	seq.s32 s9, $0x8  }
0x470: {  	s23 =	sadd.s32 s23, s12;
	[smem:$0x7B7] =	sst s29;
	s29 =	simm.s32 @!p0 $0x0  }
0x471: {  	p3 =	sge.s32 s23, s11;
	v0 =	vpsel p0, v18, v0;
	s29 =	simm.s32 @p0 $0x1;
	p0 =	seq.s32 s9, $0x9  }
0x472: {  	p1 =	slt.s32 s12, s11;
	s12 =	simm.s32 @!p3 $0x0;
	s23 =	simm.s32 @!p0 $0x0  }
0x473: {  	s12 =	simm.s32 @!p1 $0x0;
	v0 =	vpsel p0, v8, v0;
	s23 =	simm.s32 @p0 $0x1;
	p0 =	seq.s32 s9, $0xA  }
0x474: {  	p1 =	seq.s32 s30, $0x1;
	[smem:$0x7B9] =	sst s23;
	s23 =	simm.s32 @!p0 $0x0  }
0x475: {  	s30 =	sld [smem:$0x7C3];
	v0 =	vpsel p0, v30, v0;
	s23 =	simm.s32 @p0 $0x1;
	p0 =	seq.s32 s9, $0xB  }
0x476: {  	s12 =	smov.u32 @p1 s28;
	[smem:$0x7BA] =	sst s23;
	s23 =	simm.s32 @!p0 $0x0  }
0x477: {  	s28 =	sld [smem:$0x7BF];
	v0 =	vpsel p0, v20, v0;
	s23 =	simm.s32 @p0 $0x1;
	p0 =	seq.s32 s9, $0xC  }
0x478: {  	[smem:$0x7BC] =	sst s23;
	s23 =	simm.s32 @!p0 $0x0  }
0x479: {  	[smem:$0x7B8] =	sst s29;
	v0 =	vpsel p0, v50, v0;
	s23 =	simm.s32 @p0 $0x1;
	p0 =	seq.s32 s9, $0xD  }
0x47a: {  	[smem:$0x7BE] =	sst s23;
	s23 =	simm.s32 @!p0 $0x0  }
0x47b: {  	s29 =	sld [smem:$0x7C1];
	v0 =	vpsel p0, v51, v0;
	s23 =	simm.s32 @p0 $0x1;
	p0 =	seq.s32 s9, $0xE  }
0x47c: {  	[smem:$0x7C0] =	sst s23;
	s23 =	simm.s32 @!p0 $0x0  }
0x47d: {  	p1 =	seq.s32 s31, $0x1;
	s31 =	sld [smem:$0x7C4];
	s23 =	simm.s32 @p0 $0x1  }
0x47e: {  	v3 =	vmul.u32 $0xFFFFFFFF, v7;
	s12 =	smov.u32 @p1 s26;
	p1 =	seq.s32 s28, $0x1;
	[smem:$0x7C2] =	sst s23  }
0x47f: {  	s12 =	smov.u32 @p1 s25;
	p1 =	seq.s32 s29, $0x1;
	s23 =	sld [smem:$0x7C5]  }
0x480: {  	s12 =	smov.u32 @p1 s24;
	s24 =	sld [smem:$0x7C6];
	v51 =	vpsel p0, v60, v0;
	v0 =	vadd.s32 $0xF, v3;
	p0 =	seq.s32 s30, $0x1  }
0x481: {  	s25 =	sld [smem:$0x7C7];
	v3 =	vperm.xlane v51, v0;
	s12 =	smov.u32 @p0 s22;
	p0 =	seq.s32 s31, $0x1  }
0x482: {  	s26 =	sld [smem:$0x7C8];
	s12 =	smov.u32 @p0 s21;
	p0 =	seq.s32 s23, $0x1  }
0x483: {  	(xrf0) =	vadd.scan.msk.s32 $0xffff, v3;
	v3 =	vimm.f32 $0.0e+00;
	s12 =	smov.u32 @p0 s20;
	p0 =	seq.s32 s24, $0x1  }
0x484: {  	s28 =	sld [smem:$0x7C9];
	[tilespmem:$0xC000] =	vst v3;
	s12 =	smov.u32 @p0 s19;
	p0 =	seq.s32 s25, $0x1  }
0x485: {  	[tilespmem:$0xC010] =	vst v3;
	s12 =	smov.u32 @p0 s18;
	p0 =	seq.s32 s26, $0x1  }
0x486: {  	[tilespmem:$0xC020] =	vst v3;
	s12 =	smov.u32 @p0 s17  }
0x487: {  	[tilespmem:$0xC030] =	vst v3;
	p0 =	seq.s32 s28, $0x1;
	s12 =	smov.u32 @p6 s16  }
0x488: {  	[tilespmem:$0xC040] =	vst v3;
	s12 =	smov.u32 @p0 s15  }
0x489: {  	[tilespmem:$0xC050] =	vst v3;
	v8, _, _ =	vpop (xrf0);
	s12 =	smov.u32 @p5 s14  }
0x48a: {  	[tilespmem:$0xC060] =	vst v3;
	v0 =	vperm.xlane v8, v0;
	s12 =	smov.u32 @p2 s13  }
0x48b: {  	[tilespmem:$0xC070] =	vst v3;
	s12 =	simm.s32 @p4 $0x0  }
0x48c: {  	[tilespmem:$0xC080] =	vst v3;
	v0 =	vadd.s32 s12, v0  }
0x48d: {  	[tilespmem:$0xC090] =	vst v3;
	vm0 =	vlt.s32 v0, s11;
	v0 =	vor.u32 $0x80000000, v7  }
0x48e: {  	[tilespmem:$0xC0A0] =	vst v3;
	v0 =	vsel vm0, $0x7FFFFFFF, v0  }
0x48f: {  	[tilespmem:$0xC0B0] =	vst v3;
	(xrf0) =	vmax.scan.msk.u32 $0xffff, v0  }
0x490: {  	[tilespmem:$0xC0C0] =	vst v3  }
0x491: {  	[tilespmem:$0xC0D0] =	vst v3  }
0x492: {  	[tilespmem:$0xC0E0] =	vst v3  }
0x493: {  	[tilespmem:$0xC0F0] =	vst v3  }
0x494: {  	[tilespmem:$0xC100] =	vst v3  }
0x495: {  	[tilespmem:$0xC110] =	vst v3;
	v0, _, _ =	vpop (xrf0)  }
0x496: {  	[tilespmem:$0xC120] =	vst v3;
	(v2sf) =	vpush v0, $0xF  }
0x497: {  	[tilespmem:$0xC130] =	vst v3  }
0x498: {  	[tilespmem:$0xC140] =	vst v3  }
0x499: {  	[tilespmem:$0xC150] =	vst v3  }
0x49a: {  	[tilespmem:$0xC160] =	vst v3  }
0x49b: {  	[tilespmem:$0xC170] =	vst v3  }
0x49c: {  	[tilespmem:$0xC180] =	vst v3  }
0x49d: {  	[tilespmem:$0xC190] =	vst v3  }
0x49e: {  	[tilespmem:$0xC1A0] =	vst v3  }
0x49f: {  	[tilespmem:$0xC1B0] =	vst v3  }
0x4a0: {  	[tilespmem:$0xC1C0] =	vst v3  }
0x4a1: {  	[tilespmem:$0xC1D0] =	vst v3  }
0x4a2: {  	[tilespmem:$0xC1E0] =	vst v3  }
0x4a3: {  	s29 =	simm.s32 $0x8040;
	[tilespmem:$0xC1F0] =	vst v3  }
0x4a4: {  	v0 =	vld [tilespmem:s29+$0x30]  }
0x4a5: {  	s30 =	spop (v2sf)  }
0x4a6: {  	s31 =	sshll.u32 s9, $0x4;
	s13 =	sxor.u32 $0x80000000, s30  }
0x4a7: {  	s10 =	sshll.u32 s10, $0x8;
	s15 =	sadd.s32 s31, s13  }
0x4a8: {  	s10 =	sor.u32 s10, s15  }
0x4a9: {  	v8 =	vshrl.u32 v0, $0x7;
	v7 =	vmov s10  }
0x4aa: {  	vm0 =	veq.s32 v8, v7  }
0x4ab: {  	v3 =	vld [tilespmem:s29+$0xFFFFFFD0];
	v28 =	vand.u32 $0x7F, v0  }
0x4ac: {  	v10 =	vld [tilespmem:s29+$0xFFFFFFE0];
	v32 =	vor.u32 $0x100, v28  }
0x4ad: {  	v9 =	vadd.f32 v57, v34;
	v11 =	vld [tilespmem:s29+$0xFFFFFFF0]  }
0x4ae: {  	v31 =	vld [tilespmem:s29+$0xFFFFFFC0]  }
0x4af: {  	s10 =	simm.s32 $0xC000;
	v8 =	vld [tilespmem:s29+$0x0];
	[tilespmem:$0x1FCC0] =	vst v9;
	v9 =	vimm.f32 $1.000000000e+00  }
0x4b0: {  	v6 =	vadd.f32 v6, v45;
	[tilespmem:v28+s10+$0x0] =	vst.idx.add.f32.msk vm0, v9  }
0x4b1: {  	v4 =	vadd.f32 v4, v36;
	v24 =	vadd.f32 v52, v39;
	v39 =	vshrl.u32 v3, $0x7;
	[tilespmem:v32+s10+$0x0] =	vst.idx.add.f32.msk vm0, v0  }
0x4b2: {  	v27 =	vadd.f32 v53, v47;
	vm1 =	veq.s32 v39, v7;
	[tilespmem:$0x1FCD0] =	vst v6  }
0x4b3: {  	v29 =	vadd.f32 v54, v48;
	v47 =	vand.u32 $0x7F, v3;
	v6 =	vld [tilespmem:s29+$0x10];
	[tilespmem:$0x1FCE0] =	vst v4;
	v4 =	vadd.f32 v5, v44  }
0x4b4: {  	v54 =	vadd.f32 v61, v35;
	v33 =	vadd.f32 v56, v46;
	v46 =	vshrl.u32 v10, $0x7  }
0x4b5: {  	v30 =	vadd.f32 v55, v49;
	v55 =	vadd.f32 v62, v37;
	vm4 =	veq.s32 v46, v7;
	[tilespmem:$0x1FCF0] =	vst v4  }
0x4b6: {  	v49 =	vand.u32 $0x7F, v10;
	v4 =	vld [tilespmem:s29+$0x20];
	[tilespmem:$0x1FD00] =	vst v54  }
0x4b7: {  	v57 =	vadd.f32 v58, v40;
	[tilespmem:$0x1FD10] =	vst v55  }
0x4b8: {  	v58 =	vadd.f32 v59, v42;
	[tilespmem:v47+s10+$0x0] =	vst.idx.add.f32.msk vm1, v9  }
0x4b9: {  	[tilespmem:$0x1FD20] =	vst v57  }
0x4ba: {  	[tilespmem:$0x1FD30] =	vst v58  }
0x4bb: {  	[tilespmem:v49+s10+$0x0] =	vst.idx.add.f32.msk vm4, v9  }
0x4bc: {  	v59 =	vld [tilespmem:$0x1FD40]  }
0x4bd: {  	v48 =	vshrl.u32 v11, $0x7  }
0x4be: {  	vm3 =	veq.s32 v48, v7  }
0x4bf: {  	v0 =	vand.u32 $0x7F, v11  }
0x4c0: {  	v15 =	vadd.f32 v15, v43  }
0x4c1: {  	v23 =	vadd.f32 v59, v38  }
0x4c2: {  	[tilespmem:$0x1FD60] =	vst v15  }
0x4c3: {  	[tilespmem:$0x1FD50] =	vst v23  }
0x4c4: {  	[tilespmem:v0+s10+$0x0] =	vst.idx.add.f32.msk vm3, v9  }
0x4c5: {  	v61 =	vld [tilespmem:$0x1FD70]  }
0x4c6: {  	v50 =	vshrl.u32 v8, $0x7  }
0x4c7: {  	vm0 =	veq.s32 v50, v7  }
0x4c8: {  	v53 =	vand.u32 $0x7F, v8  }
0x4c9: {  	v1 =	vadd.f32 v1, v24  }
0x4ca: {  	v52 =	vshrl.u32 v31, $0x7;
	v22 =	vadd.f32 v61, v41  }
0x4cb: {  	vm2 =	veq.s32 v52, v7;
	[tilespmem:$0x1FD90] =	vst v1  }
0x4cc: {  	v62 =	vor.u32 $0x100, v0;
	v5 =	vand.u32 $0x7F, v31;
	v0 =	vadd.f32 v2, v27;
	[tilespmem:$0x1FD80] =	vst v22  }
0x4cd: {  	[tilespmem:v53+s10+$0x0] =	vst.idx.add.f32.msk vm0, v9  }
0x4ce: {  	[tilespmem:$0x1FDA0] =	vst v0;
	v0 =	vadd.f32 v25, v29;
	_ =	sdelay $0x1  }
0x4cf: {  	v56 =	vor.u32 $0x100, v5;
	[tilespmem:$0x1FDB0] =	vst v0;
	v0 =	vadd.f32 v26, v30  }
0x4d0: {  	v21 =	vor.u32 $0x100, v47;
	[tilespmem:v5+s10+$0x0] =	vst.idx.add.f32.msk vm2, v9  }
0x4d1: {  	v60 =	vor.u32 $0x100, v49;
	[tilespmem:$0x1FDC0] =	vst v0;
	v0 =	vadd.f32 v63, v33;
	_ =	sdelay $0x1  }
0x4d2: {  	[tilespmem:$0x1FDD0] =	vst v0  }
0x4d3: {  	[tilespmem:v56+s10+$0x0] =	vst.idx.add.f32.msk vm2, v31  }
0x4d4: {  	v2 =	vshrl.u32 v6, $0x7;
	v1 =	vand.u32 $0x7F, v6;
	v5 =	vshrl.u32 v4, $0x7;
	[tilespmem:v21+s10+$0x0] =	vst.idx.add.f32.msk vm1, v3  }
0x4d5: {  	v0 =	vand.u32 $0x7F, v4;
	vm2 =	veq.s32 v2, v7;
	vm1 =	veq.s32 v5, v7;
	[tilespmem:v60+s10+$0x0] =	vst.idx.add.f32.msk vm4, v10  }
0x4d6: {  	s14 =	simm.s32 $0x0;
	s15 =	simm.s32 $0x80C0;
	v5 =	vor.u32 $0x100, v53;
	v3 =	vor.u32 $0x100, v1;
	v2 =	vor.u32 $0x100, v0;
	[tilespmem:v62+s10+$0x0] =	vst.idx.add.f32.msk vm3, v11  }
.LBB2_13:
0x4d7: {  	v10 =	vld [tilespmem:s15+$0x30]  }
0x4d8: {  	s14 =	sadd.s32 $0x8, s14;
	v11 =	vld [tilespmem:s15+$0xFFFFFFD0]  }
0x4d9: {  	p0 =	slt.u32 s14, $0x3F8;
	v12 =	vld [tilespmem:s15+$0xFFFFFFE0]  }
0x4da: {  	v13 =	vld [tilespmem:s15+$0xFFFFFFF0]  }
0x4db: {  	v14 =	vld [tilespmem:s15+$0x0]  }
0x4dc: {  	v15 =	vld [tilespmem:s15+$0x10];
	v16 =	vshrl.u32 v10, $0x7  }
0x4dd: {  	v17 =	vshrl.u32 v11, $0x7;
	v18 =	vand.u32 $0x7F, v11;
	v19 =	vld [tilespmem:s15+$0x20];
	vm6 =	veq.s32 v16, v7  }
0x4de: {  	v22 =	vand.u32 $0x7F, v10;
	v16 =	vld [tilespmem:s15+$0xFFFFFFC0];
	v20 =	vshrl.u32 v12, $0x7;
	v21 =	vand.u32 $0x7F, v12  }
0x4df: {  	v25 =	vor.u32 $0x100, v22;
	v23 =	vshrl.u32 v13, $0x7;
	v24 =	vand.u32 $0x7F, v13;
	[tilespmem:v5+s10+$0x0] =	vst.idx.add.f32.msk vm0, v8  }
0x4e0: {  	vm3 =	veq.s32 v17, v7;
	v5 =	vshrl.u32 v14, $0x7;
	v17 =	vand.u32 $0x7F, v14;
	[tilespmem:v1+s10+$0x0] =	vst.idx.add.f32.msk vm2, v9;
	v8 =	vmovc v14  }
0x4e1: {  	vm4 =	veq.s32 v20, v7;
	v14 =	vshrl.u32 v15, $0x7;
	v1 =	vand.u32 $0x7F, v15;
	[tilespmem:v3+s10+$0x0] =	vst.idx.add.f32.msk vm2, v6;
	v6 =	vmovc v15  }
0x4e2: {  	vm5 =	veq.s32 v23, v7;
	v3 =	vshrl.u32 v19, $0x7;
	[tilespmem:v0+s10+$0x0] =	vst.idx.add.f32.msk vm1, v9;
	v0 =	vand.u32 $0x7F, v19  }
0x4e3: {  	vm0 =	veq.s32 v5, v7;
	v15 =	vshrl.u32 v16, $0x7;
	v20 =	vand.u32 $0x7F, v16;
	[tilespmem:v22+s10+$0x0] =	vst.idx.add.f32.msk vm6, v9  }
0x4e4: {  	vm2 =	veq.s32 v14, v7;
	vm7 =	veq.s32 v15, v7;
	v15 =	vor.u32 $0x100, v20;
	[tilespmem:v25+s10+$0x0] =	vst.idx.add.f32.msk vm6, v10  }
0x4e5: {  	v14 =	vor.u32 $0x100, v21;
	v10 =	vor.u32 $0x100, v18;
	[tilespmem:v2+s10+$0x0] =	vst.idx.add.f32.msk vm1, v4;
	vm1 =	veq.s32 v3, v7;
	v4 =	vmovc v19  }
0x4e6: {  	v5 =	vor.u32 $0x100, v17;
	v3 =	vor.u32 $0x100, v1;
	[tilespmem:v18+s10+$0x0] =	vst.idx.add.f32.msk vm3, v9;
	v18 =	vor.u32 $0x100, v24  }
0x4e7: {  	v2 =	vor.u32 $0x100, v0;
	[tilespmem:v21+s10+$0x0] =	vst.idx.add.f32.msk vm4, v9  }
0x4e8: {  	[tilespmem:v24+s10+$0x0] =	vst.idx.add.f32.msk vm5, v9  }
0x4e9: {  	[tilespmem:v17+s10+$0x0] =	vst.idx.add.f32.msk vm0, v9  }
.Ltmp6:
0x4ea: {  	[tilespmem:v20+s10+$0x0] =	vst.idx.add.f32.msk vm7, v9;
	(pc) =	sbr.rel @p0 .LBB2_13-.Ltmp6, $4  }
0x4eb: {  	[tilespmem:v15+s10+$0x0] =	vst.idx.add.f32.msk vm7, v16  }
0x4ec: {  	[tilespmem:v10+s10+$0x0] =	vst.idx.add.f32.msk vm3, v11  }
0x4ed: {  	[tilespmem:v14+s10+$0x0] =	vst.idx.add.f32.msk vm4, v12  }
0x4ee: {  	s15 =	sadd.s32 $0x80, s15;
	[tilespmem:v18+s10+$0x0] =	vst.idx.add.f32.msk vm5, v13  }
0x4ef: {  	_ =	sdelay $0x4  }
0x4f0: {  	[tilespmem:v5+s10+$0x0] =	vst.idx.add.f32.msk vm0, v8  }
0x4f1: {  	[tilespmem:v1+s10+$0x0] =	vst.idx.add.f32.msk vm2, v9  }
0x4f2: {  	[tilespmem:v0+s10+$0x0] =	vst.idx.add.f32.msk vm1, v9  }
0x4f3: {  	[tilespmem:v3+s10+$0x0] =	vst.idx.add.f32.msk vm2, v6  }
0x4f4: {  	s28 =	simm.s32 $0x0;
	s14 =	simm.s32 $0xC000;
	s29 =	simm.s32 $0x1;
	[tilespmem:v2+s10+$0x0] =	vst.idx.add.f32.msk vm1, v4  }
0x4f5: {  	[hbm4b:s5+s28] =	stream.linear.scatter [tilespmem:s14], [sflag:$0x1], $0x200, $0x38;
	[tilespmem:$0xE280] =	vst v63  }
0x4f6: {  	_ =	swait.ge [sflag:s29], $0x200  }
0x4f7: {  	[sflag:s29] =	ssyncset.done $0x0  }
0x4f8: {  	[sflag:s29] =	ssyncadd.s32 $0xFFFFFE00  }
0x4f9: {  	s30 =	simm.s32 $0xC200;
	[bflag:$0x0] =	sbarrier.arrive $0xFFFF  }
0x4fa: {  	[tilespmem:s30], [sflag:$0x1] =	stream.linear.gather [hbm4b:s3+s28], $0x2000, $0x38;
	[tilespmem:$0xE280] =	vst v63  }
0x4fb: {  	_ =	swait.ge [sflag:s29], $0x2000  }
0x4fc: {  	[sflag:s29] =	ssyncset.done $0x0  }
0x4fd: {  	s31 =	simm.s32 $0x0;
	[sflag:s29] =	ssyncadd.s32 $0xFFFFE000  }
0x4fe: {  	v0 =	vld [tilespmem:s31+$0xC3F0]  }
0x4ff: {  	v1 =	vld [tilespmem:s31+$0xC200]  }
0x500: {  	v2 =	vld [tilespmem:s31+$0xC210]  }
0x501: {  	v4 =	vld [tilespmem:s31+$0xC220]  }
0x502: {  	v5 =	vld [tilespmem:s31+$0xC230]  }
0x503: {  	v6 =	vld [tilespmem:s31+$0xC240]  }
0x504: {  	v7 =	vld [tilespmem:s31+$0xC250]  }
0x505: {  	v8 =	vld [tilespmem:s31+$0xC260]  }
0x506: {  	v9 =	vld [tilespmem:s31+$0xC270]  }
0x507: {  	v10 =	vld [tilespmem:s31+$0xC280]  }
0x508: {  	v11 =	vld [tilespmem:s31+$0xC290]  }
0x509: {  	v12 =	vld [tilespmem:s31+$0xC2A0]  }
0x50a: {  	v13 =	vld [tilespmem:s31+$0xC2B0]  }
0x50b: {  	v14 =	vld [tilespmem:s31+$0xC2C0]  }
0x50c: {  	v15 =	vld [tilespmem:s31+$0xC2D0]  }
0x50d: {  	v17 =	vld [tilespmem:s31+$0xC2E0]  }
0x50e: {  	v18 =	vld [tilespmem:s31+$0xC2F0]  }
0x50f: {  	v53 =	vimm.f32 $0.0e+00;
	v19 =	vld [tilespmem:s31+$0xC300]  }
0x510: {  	v52 =	vadd.f32 v0, v53;
	v0 =	vld [tilespmem:s31+$0xC310]  }
0x511: {  	v3 =	vadd.f32 v1, v53;
	v22 =	vadd.f32 v2, v53;
	v1 =	vld [tilespmem:s31+$0xC320]  }
0x512: {  	v29 =	vadd.f32 v4, v53;
	v23 =	vadd.f32 v5, v53;
	v2 =	vld [tilespmem:s31+$0xC330]  }
0x513: {  	v34 =	vadd.f32 v6, v53;
	v24 =	vadd.f32 v7, v53;
	v5 =	vld [tilespmem:s31+$0xC340]  }
0x514: {  	v35 =	vadd.f32 v8, v53;
	v25 =	vadd.f32 v9, v53;
	v6 =	vld [tilespmem:s31+$0xC350]  }
0x515: {  	v16 =	vadd.f32 v10, v53;
	v49 =	vadd.f32 v11, v53;
	v7 =	vld [tilespmem:s31+$0xC360]  }
0x516: {  	v33 =	vadd.f32 v12, v53;
	v31 =	vadd.f32 v13, v53;
	v8 =	vld [tilespmem:s31+$0xC370]  }
0x517: {  	v30 =	vadd.f32 v14, v53;
	v28 =	vadd.f32 v15, v53;
	v9 =	vld [tilespmem:s31+$0xC380]  }
0x518: {  	v27 =	vadd.f32 v17, v53;
	v26 =	vadd.f32 v18, v53;
	v10 =	vld [tilespmem:s31+$0xC390]  }
0x519: {  	v55 =	vadd.f32 v19, v53;
	v56 =	vadd.f32 v0, v53  }
0x51a: {  	v4 =	vld [tilespmem:s31+$0xC3A0];
	v57 =	vadd.f32 v1, v53;
	v54 =	vadd.f32 v2, v53  }
0x51b: {  	v58 =	vadd.f32 v5, v53;
	v59 =	vadd.f32 v6, v53;
	v6 =	vld [tilespmem:s31+$0xC3B0]  }
0x51c: {  	v60 =	vadd.f32 v7, v53;
	v61 =	vadd.f32 v8, v53;
	v7 =	vld [tilespmem:s31+$0xC3C0]  }
0x51d: {  	v15 =	vimm.f32 $0.0e+00;
	v62 =	vadd.f32 v9, v53;
	v5 =	vld [tilespmem:s31+$0xC3D0];
	v63 =	vadd.f32 v10, v53  }
0x51e: {  	s5 =	simm.s32 $0x1000;
	s3 =	simm.s32 $0x200;
	v1 =	vimm.f32 $0.0e+00;
	v8 =	vld [tilespmem:s31+$0xC3E0];
	v2 =	vimm.f32 $0.0e+00;
	v0 =	vimm.f32 $0.0e+00  }
.LBB2_15:
0x51f: {  	p0 =	sne.s32 s5, $0x7800;
	v9 =	vld [tilespmem:s3+$0xC3F0];
	v53 =	vadd.f32 v4, v53  }
0x520: {  	v4 =	vld [tilespmem:s3+$0xC200];
	v1 =	vadd.f32 v6, v1  }
0x521: {  	v6 =	vld [tilespmem:s3+$0xC210];
	v2 =	vadd.f32 v7, v2  }
0x522: {  	v7 =	vld [tilespmem:s3+$0xC220];
	v15 =	vadd.f32 v5, v15  }
0x523: {  	v5 =	vld [tilespmem:s3+$0xC230];
	v0 =	vadd.f32 v8, v0  }
0x524: {  	v8 =	vld [tilespmem:s3+$0xC240];
	v52 =	vadd.f32 v9, v52  }
0x525: {  	v3 =	vadd.f32 v4, v3;
	v4 =	vld [tilespmem:s3+$0xC250]  }
0x526: {  	v22 =	vadd.f32 v6, v22;
	v6 =	vld [tilespmem:s3+$0xC260]  }
0x527: {  	v29 =	vadd.f32 v7, v29;
	v7 =	vld [tilespmem:s3+$0xC270]  }
0x528: {  	v23 =	vadd.f32 v5, v23;
	v5 =	vld [tilespmem:s3+$0xC280]  }
0x529: {  	v34 =	vadd.f32 v8, v34;
	v8 =	vld [tilespmem:s3+$0xC290]  }
0x52a: {  	v24 =	vadd.f32 v4, v24;
	v4 =	vld [tilespmem:s3+$0xC2A0]  }
0x52b: {  	v35 =	vadd.f32 v6, v35;
	v6 =	vld [tilespmem:s3+$0xC2B0]  }
0x52c: {  	v25 =	vadd.f32 v7, v25;
	v7 =	vld [tilespmem:s3+$0xC2C0]  }
0x52d: {  	v16 =	vadd.f32 v5, v16;
	v5 =	vld [tilespmem:s3+$0xC2D0]  }
0x52e: {  	v49 =	vadd.f32 v8, v49;
	v8 =	vld [tilespmem:s3+$0xC2E0]  }
0x52f: {  	v33 =	vadd.f32 v4, v33;
	v4 =	vld [tilespmem:s3+$0xC2F0]  }
0x530: {  	v31 =	vadd.f32 v6, v31;
	v6 =	vld [tilespmem:s3+$0xC300]  }
0x531: {  	v30 =	vadd.f32 v7, v30;
	v7 =	vld [tilespmem:s3+$0xC310]  }
0x532: {  	v28 =	vadd.f32 v5, v28;
	v5 =	vld [tilespmem:s3+$0xC320]  }
0x533: {  	v27 =	vadd.f32 v8, v27;
	v8 =	vld [tilespmem:s3+$0xC330]  }
0x534: {  	v26 =	vadd.f32 v4, v26;
	v4 =	vld [tilespmem:s3+$0xC340]  }
0x535: {  	v55 =	vadd.f32 v6, v55;
	v6 =	vld [tilespmem:s3+$0xC350]  }
0x536: {  	v56 =	vadd.f32 v7, v56;
	v7 =	vld [tilespmem:s3+$0xC360]  }
0x537: {  	v57 =	vadd.f32 v5, v57;
	v5 =	vld [tilespmem:s3+$0xC370]  }
0x538: {  	v54 =	vadd.f32 v8, v54;
	v8 =	vld [tilespmem:s3+$0xC380]  }
0x539: {  	v58 =	vadd.f32 v4, v58;
	v9 =	vld [tilespmem:s3+$0xC390]  }
.Ltmp7:
0x53a: {  	v59 =	vadd.f32 v6, v59;
	v4 =	vld [tilespmem:s3+$0xC3A0];
	(pc) =	sbr.rel @p0 .LBB2_15-.Ltmp7, $4  }
0x53b: {  	v60 =	vadd.f32 v7, v60;
	v6 =	vld [tilespmem:s3+$0xC3B0]  }
0x53c: {  	v61 =	vadd.f32 v5, v61;
	v7 =	vld [tilespmem:s3+$0xC3C0]  }
0x53d: {  	v62 =	vadd.f32 v8, v62;
	v5 =	vld [tilespmem:s3+$0xC3D0]  }
0x53e: {  	v63 =	vadd.f32 v9, v63;
	v8 =	vld [tilespmem:s3+$0xC3E0];
	s3 =	sshra.s32 s5, $0x2;
	s5 =	sadd.s32 $0x800, s5  }
0x53f: {  	v9 =	vld [tilespmem:s3+$0xC3F0]  }
0x540: {  	v10 =	vld [tilespmem:s3+$0xC200]  }
0x541: {  	v36 =	vld [tilespmem:s3+$0xC210]  }
0x542: {  	v37 =	vld [tilespmem:s3+$0xC220]  }
0x543: {  	v38 =	vld [tilespmem:s3+$0xC230]  }
0x544: {  	v39 =	vld [tilespmem:s3+$0xC240];
	v11 =	vmov s13;
	[tilespmem:$0x1FCA0] =	vst v9;
	v9 =	vlaneseq.u32  }
0x545: {  	v40 =	vld [tilespmem:s3+$0xC250];
	vm0 =	vlt.s32 v11, v9  }
0x546: {  	v41 =	vld [tilespmem:s3+$0xC260];
	v11 =	vnsel vm0, $0x0, v51  }
0x547: {  	v42 =	vld [tilespmem:s3+$0xC270];
	(xrf0) =	vadd.scan.msk.s32 $0xffff, v11  }
0x548: {  	v43 =	vld [tilespmem:s3+$0xC280]  }
0x549: {  	v44 =	vld [tilespmem:s3+$0xC290]  }
0x54a: {  	v45 =	vld [tilespmem:s3+$0xC2A0]  }
0x54b: {  	v46 =	vld [tilespmem:s3+$0xC2B0]  }
0x54c: {  	v47 =	vld [tilespmem:s3+$0xC2C0]  }
0x54d: {  	v48 =	vld [tilespmem:s3+$0xC2D0];
	v11, _, _ =	vpop (xrf0)  }
0x54e: {  	v50 =	vld [tilespmem:s3+$0xC2E0];
	(v2sf) =	vpush v11, $0xF  }
0x54f: {  	v19 =	vld [tilespmem:s3+$0xC300]  }
0x550: {  	v20 =	vld [tilespmem:s3+$0xC310]  }
0x551: {  	v21 =	vld [tilespmem:s3+$0xC320]  }
0x552: {  	v12 =	vld [tilespmem:s3+$0xC350]  }
0x553: {  	v13 =	vld [tilespmem:s3+$0xC360]  }
0x554: {  	v14 =	vld [tilespmem:s3+$0xC370]  }
0x555: {  	v32 =	vld [tilespmem:s3+$0xC380]  }
0x556: {  	v17 =	vld [tilespmem:s3+$0xC390]  }
0x557: {  	v18 =	vld [tilespmem:s3+$0xC3A0]  }
0x558: {  	v36 =	vadd.f32 v36, v22;
	v22 =	vld [tilespmem:s3+$0xC3B0]  }
0x559: {  	v37 =	vadd.f32 v37, v29;
	v38 =	vadd.f32 v38, v23;
	v23 =	vld [tilespmem:s3+$0xC3C0]  }
0x55a: {  	v34 =	vadd.f32 v39, v34;
	v39 =	vadd.f32 v40, v24;
	v24 =	vld [tilespmem:s3+$0xC3D0]  }
0x55b: {  	v35 =	vadd.f32 v41, v35;
	v9 =	vld [tilespmem:s3+$0xC2F0]  }
0x55c: {  	v40 =	vadd.f32 v43, v16;
	v51 =	vld [tilespmem:s3+$0xC330];
	v29 =	vtrunc.f32 v36;
	v37 =	vtrunc.f32 v37  }
0x55d: {  	v36 =	vadd.f32 v42, v25;
	v25 =	vld [tilespmem:s3+$0xC3E0];
	v43 =	vtrunc.f32 v38;
	v29 =	vcvt.f32.s32 v29;
	s31 =	spop (v2sf)  }
0x55e: {  	v38 =	vadd.f32 v44, v49;
	v34 =	vtrunc.f32 v34;
	v16 =	vcvt.f32.s32 v37;
	v11 =	vld [tilespmem:s3+$0xC340];
	[bflag:$0x0] =	sbarrier.arrive $0xFFFF  }
0x55f: {  	v44 =	vtrunc.f32 v39;
	v49 =	vcvt.f32.s32 v43;
	v37 =	vadd.f32 v45, v33;
	(xrf0) =	vadd.scan.msk.s32 $0xffff, v29  }
0x560: {  	v33 =	vcvt.f32.s32 v34;
	v45 =	vadd.f32 v46, v31;
	v46 =	vtrunc.f32 v35;
	(xrf0) =	vadd.scan.msk.s32 $0xffff, v16  }
0x561: {  	v41 =	vadd.f32 v47, v30;
	v31 =	vcvt.f32.s32 v44;
	v30 =	vcvt.f32.s32 v46;
	(xrf0) =	vadd.scan.msk.s32 $0xffff, v49  }
0x562: {  	v42 =	vadd.f32 v48, v28;
	v47 =	vtrunc.f32 v36;
	v36 =	vtrunc.f32 v40;
	(xrf0) =	vadd.scan.msk.s32 $0xffff, v33  }
0x563: {  	v38 =	vtrunc.f32 v38;
	v28 =	vcvt.f32.s32 v47;
	(xrf0) =	vadd.scan.msk.s32 $0xffff, v31  }
0x564: {  	v40 =	vadd.f32 v50, v27;
	v50 =	vtrunc.f32 v42;
	v27 =	vcvt.f32.s32 v36;
	(xrf0) =	vadd.scan.msk.s32 $0xffff, v30  }
0x565: {  	v43 =	vtrunc.f32 v37;
	v9 =	vadd.f32 v9, v26;
	v26 =	vcvt.f32.s32 v38;
	v44, _, _ =	vpop (xrf0);
	(xrf0) =	vadd.scan.msk.s32 $0xffff, v28  }
0x566: {  	v45 =	vtrunc.f32 v45;
	v34 =	vcvt.f32.s32 v43;
	(v2sf) =	vpush v44, $0xF;
	v46, _, _ =	vpop (xrf0);
	(xrf0) =	vadd.scan.msk.s32 $0xffff, v27  }
0x567: {  	v47 =	vtrunc.f32 v41;
	v35 =	vcvt.f32.s32 v45;
	(v2sf) =	vpush v46, $0xF;
	v48, _, _ =	vpop (xrf0);
	(xrf0) =	vadd.scan.msk.s32 $0xffff, v26  }
0x568: {  	v36 =	vcvt.f32.s32 v47;
	v9 =	vtrunc.f32 v9;
	(v2sf) =	vpush v48, $0xF;
	v42, _, _ =	vpop (xrf0);
	(xrf0) =	vadd.scan.msk.s32 $0xffff, v34  }
0x569: {  	v37 =	vcvt.f32.s32 v50;
	v43 =	vtrunc.f32 v40;
	(v2sf) =	vpush v42, $0xF;
	v44, _, _ =	vpop (xrf0);
	(xrf0) =	vadd.scan.msk.s32 $0xffff, v35  }
0x56a: {  	v38 =	vcvt.f32.s32 v43;
	(v2sf) =	vpush v44, $0xF;
	v45, _, _ =	vpop (xrf0);
	(xrf0) =	vadd.scan.msk.s32 $0xffff, v36  }
0x56b: {  	v46 =	vcvt.f32.s32 v9;
	(v2sf) =	vpush v45, $0xF;
	v9, _, _ =	vpop (xrf0);
	(xrf0) =	vadd.scan.msk.s32 $0xffff, v37  }
0x56c: {  	(v2sf) =	vpush v9, $0xF;
	v9, _, _ =	vpop (xrf0);
	(xrf0) =	vadd.scan.msk.s32 $0xffff, v38  }
0x56d: {  	(v2sf) =	vpush v9, $0xF;
	v9, _, _ =	vpop (xrf0);
	(xrf0) =	vadd.scan.msk.s32 $0xffff, v46  }
0x56e: {  	v47, _, _ =	vpop (xrf0);
	(v2sf) =	vpush v9, $0xF  }
0x56f: {  	v9, _, _ =	vpop (xrf0);
	(v2sf) =	vpush v47, $0xF  }
0x570: {  	v48, _, _ =	vpop (xrf0);
	(v2sf) =	vpush v9, $0xF  }
0x571: {  	v9, _, _ =	vpop (xrf0);
	(v2sf) =	vpush v48, $0xF  }
0x572: {  	v50, _, _ =	vpop (xrf0);
	(v2sf) =	vpush v9, $0xF  }
0x573: {  	(v2sf) =	vpush v50, $0xF;
	v9, _, _ =	vpop (xrf0)  }
0x574: {  	(v2sf) =	vpush v9, $0xF  }
0x575: {  	s5 =	spop (v2sf)  }
0x576: {  	s10 =	spop (v2sf)  }
0x577: {  	s25 =	spop (v2sf)  }
0x578: {  	s24 =	spop (v2sf)  }
0x579: {  	s23 =	spop (v2sf)  }
0x57a: {  	s22 =	spop (v2sf)  }
0x57b: {  	s21 =	spop (v2sf)  }
0x57c: {  	s20 =	spop (v2sf)  }
0x57d: {  	s19 =	spop (v2sf)  }
0x57e: {  	s18 =	spop (v2sf)  }
0x57f: {  	s17 =	spop (v2sf)  }
0x580: {  	s16 =	spop (v2sf)  }
0x581: {  	s15 =	spop (v2sf)  }
0x582: {  	s14 =	spop (v2sf)  }
0x583: {  	s13 =	spop (v2sf)  }
0x584: {  	s14 =	sadd.s32 s14, s13  }
0x585: {  	s15 =	sadd.s32 s15, s14  }
0x586: {  	s16 =	sadd.s32 s16, s15  }
0x587: {  	s17 =	sadd.s32 s17, s16  }
0x588: {  	s18 =	sadd.s32 s18, s17  }
0x589: {  	s19 =	sadd.s32 s19, s18  }
0x58a: {  	s20 =	sadd.s32 s20, s19  }
0x58b: {  	s21 =	sadd.s32 s21, s20  }
0x58c: {  	s22 =	sadd.s32 s22, s21  }
0x58d: {  	s23 =	sadd.s32 s23, s22  }
0x58e: {  	s3 =	sadd.s32 s12, s31;
	s24 =	sadd.s32 s24, s23  }
0x58f: {  	s11 =	ssub.s32 s11, s3;
	s25 =	sadd.s32 s25, s24  }
0x590: {  	p6 =	slt.s32 s24, s11;
	s12 =	sadd.s32 s10, s25  }
0x591: {  	s10 =	simm.s32 $0x1;
	p4 =	slt.s32 s25, s11;
	s5 =	sadd.s32 s5, s12  }
0x592: {  	p5 =	sge.s32 s25, s11;
	p1 =	slt.s32 s12, s11;
	p0 =	sge.s32 s5, s11  }
0x593: {  	p3 =	sge.s32 s12, s11;
	p0 =	por !p1, !p0;
	p1 =	sge.s32 s24, s11  }
0x594: {  	p2 =	por !p0, !p0;
	p0 =	por !p4, !p3;
	p3 =	slt.s32 s23, s11  }
0x595: {  	p4 =	sge.s32 s23, s11;
	s26 =	simm.s32 @!p2 $0x0;
	s10 =	simm.s32 @!p2 $0x0  }
0x596: {  	s26 =	simm.s32 @p2 $0x1;
	p2 =	por !p0, !p0;
	p0 =	por !p6, !p5  }
0x597: {  	p5 =	slt.s32 s22, s11;
	[smem:$0x798] =	sst s26;
	s26 =	simm.s32 @!p2 $0x0  }
0x598: {  	s10 =	simm.s32 @p2 $0x2;
	s26 =	simm.s32 @p2 $0x1;
	p2 =	por !p0, !p0  }
0x599: {  	p6 =	sge.s32 s22, s11;
	[smem:$0x799] =	sst s26;
	s26 =	simm.s32 @!p2 $0x0  }
0x59a: {  	p0 =	por !p3, !p1;
	s10 =	simm.s32 @p2 $0x3;
	s26 =	simm.s32 @p2 $0x1  }
0x59b: {  	p2 =	por !p0, !p0;
	p0 =	por !p5, !p4;
	p4 =	slt.s32 s21, s11  }
0x59c: {  	p5 =	slt.s32 s19, s11;
	[smem:$0x79A] =	sst s26;
	s26 =	simm.s32 @!p2 $0x0  }
0x59d: {  	s10 =	simm.s32 @p2 $0x4;
	p3 =	por !p4, !p6;
	p4 =	sge.s32 s21, s11  }
0x59e: {  	p6 =	slt.s32 s20, s11;
	s26 =	simm.s32 @p2 $0x1;
	p2 =	por !p0, !p0  }
0x59f: {  	p0 =	por !p6, !p4;
	[smem:$0x79B] =	sst s26;
	s26 =	simm.s32 @!p2 $0x0  }
0x5a0: {  	p6 =	sge.s32 s19, s11;
	s10 =	simm.s32 @p2 $0x5;
	s26 =	simm.s32 @p2 $0x1  }
0x5a1: {  	p2 =	por !p3, !p3;
	p3 =	sge.s32 s20, s11;
	[smem:$0x79C] =	sst s26  }
0x5a2: {  	p5 =	por !p5, !p3;
	s26 =	simm.s32 @!p2 $0x0;
	s10 =	simm.s32 @p2 $0x6  }
0x5a3: {  	p3 =	slt.s32 s18, s11;
	s26 =	simm.s32 @p2 $0x1;
	p2 =	por !p0, !p0  }
0x5a4: {  	p4 =	por !p3, !p6;
	p0 =	por !p5, !p5;
	p5 =	slt.s32 s17, s11  }
0x5a5: {  	p3 =	sge.s32 s17, s11;
	[smem:$0x79D] =	sst s26;
	s26 =	simm.s32 @!p2 $0x0  }
0x5a6: {  	p6 =	slt.s32 s16, s11;
	s10 =	simm.s32 @p2 $0x7;
	s26 =	simm.s32 @p2 $0x1  }
0x5a7: {  	s10 =	simm.s32 @p0 $0x8;
	p2 =	por !p4, !p4;
	p4 =	sge.s32 s18, s11  }
0x5a8: {  	[smem:$0x79E] =	sst s26;
	p1 =	por !p5, !p4;
	p4 =	por !p6, !p3  }
0x5a9: {  	s26 =	simm.s32 @!p2 $0x0;
	s10 =	simm.s32 @p2 $0x9;
	p3 =	sge.s32 s16, s11  }
0x5aa: {  	p5 =	slt.s32 s15, s11;
	p6 =	sge.s32 s15, s11;
	s26 =	simm.s32 @p2 $0x1  }
0x5ab: {  	p2 =	por !p1, !p1;
	p1 =	por !p5, !p3;
	p5 =	sge.s32 s14, s11  }
0x5ac: {  	p3 =	slt.s32 s13, s11;
	[smem:$0x79F] =	sst s26;
	s26 =	simm.s32 @!p2 $0x0  }
0x5ad: {  	s10 =	simm.s32 @p2 $0xA;
	s26 =	simm.s32 @p2 $0x1;
	p2 =	por !p4, !p4  }
0x5ae: {  	p4 =	por !p1, !p1;
	[smem:$0x7A0] =	sst s26;
	s26 =	simm.s32 @!p2 $0x0  }
0x5af: {  	s10 =	simm.s32 @p2 $0xB;
	s26 =	simm.s32 @p2 $0x1;
	p2 =	slt.s32 s14, s11  }
0x5b0: {  	s10 =	simm.s32 @p4 $0xC;
	[smem:$0x7A1] =	sst s26;
	p1 =	por !p2, !p6  }
0x5b1: {  	p2 =	por !p3, !p5;
	s26 =	simm.s32 @!p4 $0x0;
	p5 =	sgt.s32 s11, $0x0  }
0x5b2: {  	s26 =	simm.s32 @p4 $0x1;
	p6 =	por !p1, !p1;
	p4 =	sge.s32 s13, s11  }
0x5b3: {  	v3 =	vadd.f32 v10, v3;
	p1 =	por !p2, !p2;
	p3 =	por !p5, !p4;
	s10 =	simm.s32 @p6 $0xD  }
0x5b4: {  	s10 =	simm.s32 @p1 $0xE;
	p2 =	por !p3, !p3  }
0x5b5: {  	v3 =	vtrunc.f32 v3;
	[smem:$0x7A2] =	sst s26;
	s26 =	simm.s32 @!p2 $0x0;
	s10 =	simm.s32 @p2 $0xF  }
0x5b6: {  	v40 =	vcvt.f32.s32 v3;
	s26 =	simm.s32 @p2 $0x1;
	p2 =	seq.s32 s10, $0x0  }
0x5b7: {  	[smem:$0x7A3] =	sst s26;
	s26 =	simm.s32 @!p2 $0x0  }
0x5b8: {  	v3 =	vpsel p2, v40, v46;
	s26 =	simm.s32 @p2 $0x1;
	p2 =	seq.s32 s10, $0x1  }
0x5b9: {  	[smem:$0x7A4] =	sst s26;
	s26 =	simm.s32 @!p2 $0x0  }
0x5ba: {  	v3 =	vpsel p2, v29, v3;
	s26 =	simm.s32 @p2 $0x1;
	p2 =	seq.s32 s10, $0x2  }
0x5bb: {  	[smem:$0x7A5] =	sst s26;
	s26 =	simm.s32 @!p2 $0x0  }
0x5bc: {  	v3 =	vpsel p2, v16, v3;
	s26 =	simm.s32 @p2 $0x1;
	p2 =	seq.s32 s10, $0x3  }
0x5bd: {  	[smem:$0x7A6] =	sst s26;
	s26 =	simm.s32 @!p2 $0x0  }
0x5be: {  	v3 =	vpsel p2, v49, v3;
	s26 =	simm.s32 @p2 $0x1;
	p2 =	seq.s32 s10, $0x4  }
0x5bf: {  	[smem:$0x7A7] =	sst s26;
	s26 =	simm.s32 @!p2 $0x0  }
0x5c0: {  	v3 =	vpsel p2, v33, v3;
	s26 =	simm.s32 @p2 $0x1;
	p2 =	seq.s32 s10, $0x5  }
0x5c1: {  	[smem:$0x7A8] =	sst s26;
	s26 =	simm.s32 @!p2 $0x0  }
0x5c2: {  	v3 =	vpsel p2, v31, v3;
	s26 =	simm.s32 @p2 $0x1;
	p2 =	seq.s32 s10, $0x6  }
0x5c3: {  	[smem:$0x7A9] =	sst s26;
	s26 =	simm.s32 @!p2 $0x0  }
0x5c4: {  	v3 =	vpsel p2, v30, v3;
	s26 =	simm.s32 @p2 $0x1;
	p2 =	seq.s32 s10, $0x7  }
0x5c5: {  	[smem:$0x7AA] =	sst s26;
	s26 =	simm.s32 @!p2 $0x0  }
0x5c6: {  	v3 =	vpsel p2, v28, v3;
	s26 =	simm.s32 @p2 $0x1;
	p2 =	seq.s32 s10, $0x8  }
0x5c7: {  	[smem:$0x7AB] =	sst s26;
	s26 =	simm.s32 @!p2 $0x0  }
0x5c8: {  	v3 =	vpsel p2, v27, v3;
	s26 =	simm.s32 @p2 $0x1;
	p2 =	seq.s32 s10, $0x9  }
0x5c9: {  	[smem:$0x7AC] =	sst s26;
	s26 =	simm.s32 @!p2 $0x0  }
0x5ca: {  	v3 =	vpsel p2, v26, v3;
	s26 =	simm.s32 @p2 $0x1;
	p2 =	seq.s32 s10, $0xA  }
0x5cb: {  	[smem:$0x7AD] =	sst s26;
	s26 =	simm.s32 @!p2 $0x0  }
0x5cc: {  	v3 =	vpsel p2, v34, v3;
	s26 =	simm.s32 @p2 $0x1;
	p2 =	seq.s32 s10, $0xB  }
0x5cd: {  	v9 =	vlaneseq.u32;
	p3 =	seq.s32 s10, $0xC;
	v3 =	vpsel p2, v35, v3  }
0x5ce: {  	v9 =	vmul.u32 $0xFFFFFFFF, v9;
	p4 =	seq.s32 s10, $0xD;
	v3 =	vpsel p3, v36, v3  }
0x5cf: {  	p5 =	seq.s32 s10, $0xE;
	v3 =	vpsel p4, v37, v3  }
0x5d0: {  	v28 =	vadd.s32 $0xF, v9;
	v26 =	vpsel p5, v38, v3  }
0x5d1: {  	v3 =	vperm.xlane v26, v28;
	_ =	sdelay $0x1  }
0x5d2: {  	(xrf0) =	vadd.scan.msk.s32 $0xffff, v3  }
0x5d3: {  	v4 =	vadd.f32 v4, v53  }
0x5d4: {  	v1 =	vadd.f32 v6, v1;
	v2 =	vadd.f32 v7, v2  }
0x5d5: {  	v0 =	vadd.f32 v8, v0;
	v19 =	vadd.f32 v19, v55  }
0x5d6: {  	v53 =	vadd.f32 v20, v56;
	v16 =	vadd.f32 v5, v15;
	v5 =	vld [tilespmem:$0x1FCA0];
	[smem:$0x7AE] =	sst s26;
	s26 =	simm.s32 @!p2 $0x0  }
0x5d7: {  	v8 =	vadd.f32 v13, v60;
	v7 =	vadd.f32 v14, v61;
	s26 =	simm.s32 @p2 $0x1  }
0x5d8: {  	v6 =	vadd.f32 v32, v62;
	v4 =	vadd.f32 v18, v4;
	p2 =	sne.s32 s2, $0x0;
	[smem:$0x7AF] =	sst s26;
	v29, _, _ =	vpop (xrf0)  }
0x5d9: {  	v2 =	vadd.f32 v23, v2;
	v51 =	vadd.f32 v51, v54;
	_ =	sfence.sel @p2 $0x180000  }
0x5da: {  	v0 =	vadd.f32 v25, v0;
	v15 =	vadd.f32 v11, v58;
	[bflag:$0x0] =	sbarrier.arrive @p2 $0xFFFF  }
0x5db: {  	v10 =	vadd.f32 v5, v52;
	v52 =	vadd.f32 v21, v57;
	_ =	strace @p2 $0x90000047  }
0x5dc: {  	v5 =	vadd.f32 v17, v63;
	v9 =	vadd.f32 v12, v59;
	[bflag:$0x2] =	sbarrier.arrive @p2 $0xFFFF  }
0x5dd: {  	s2 =	simm.s32 $0x1;
	v3 =	vadd.f32 v22, v1;
	v1 =	vadd.f32 v24, v16;
	_ =	shalt @p2  }
.LBB2_17:
0x5de: {  	(xrf0) =	vadd.scan.msk.s32 $0xffff, v40;
	_ =	sdelay $0x5  }
0x5df: {  	v11, _, _ =	vpop (xrf0)  }
0x5e0: {  	(v2sf) =	vpush v11, $0xF;
	_ =	sdelay $0xe  }
0x5e1: {  	s28 =	sld [smem:$0x7E4];
	s26 =	spop (v2sf)  }
0x5e2: {  	s29 =	sld [smem:$0x7E5];
	s26 =	sadd.s32 s26, s5  }
0x5e3: {  	s30 =	sld [smem:$0x7E6];
	p2 =	sge.s32 s26, s11;
	s26 =	simm.s32 @!p4 $0x0  }
0x5e4: {  	v12 =	vld [tilespmem:$0x1FF00];
	s26 =	simm.s32 @p4 $0x1;
	p4 =	seq.s32 s28, $0x1;
	s28 =	sld [smem:$0x798]  }
0x5e5: {  	v46 =	vld [tilespmem:$0x1FF10];
	[smem:$0x796] =	sst s26;
	s26 =	simm.s32 @!p3 $0x0  }
0x5e6: {  	v18 =	vld [tilespmem:$0x1FF20];
	s31 =	sld [smem:$0x7E7];
	s26 =	simm.s32 @p3 $0x1;
	p3 =	slt.s32 s5, s11  }
0x5e7: {  	v47 =	vld [tilespmem:$0x1FF30];
	s5 =	simm.s32 @!p2 $0x0;
	[smem:$0x795] =	sst s26;
	s26 =	simm.s32 @!p5 $0x0  }
0x5e8: {  	v23 =	vld [tilespmem:$0x1FF40];
	s5 =	simm.s32 @!p3 $0x0;
	p2 =	seq.s32 s28, $0x1;
	s28 =	sld [smem:$0x79B]  }
0x5e9: {  	v49 =	vld [tilespmem:$0x1FFF0];
	s26 =	simm.s32 @p5 $0x1;
	p5 =	seq.s32 s29, $0x1;
	s29 =	sld [smem:$0x7E8]  }
0x5ea: {  	v21 =	vld [tilespmem:$0x1FF50];
	s5 =	smov.u32 @p2 s12;
	s12 =	sld [smem:$0x7D4]  }
0x5eb: {  	v24 =	vld [tilespmem:$0x1FFE0];
	v11 =	vpsel p4, v46, v12;
	[smem:$0x797] =	sst s26  }
0x5ec: {  	v27 =	vld [tilespmem:$0x1FFD0];
	v11 =	vpsel p5, v18, v11;
	p5 =	seq.s32 s30, $0x1;
	s30 =	sld [smem:$0x799]  }
0x5ed: {  	v31 =	vld [tilespmem:$0x1FFC0];
	s26 =	sld [smem:$0x7EA];
	v11 =	vpsel p5, v47, v11;
	p5 =	seq.s32 s31, $0x1  }
0x5ee: {  	v33 =	vld [tilespmem:$0x1FFA0];
	p3 =	slt.u32 s4, $0xF;
	s31 =	sld [smem:$0x7E9];
	v13 =	vpsel p5, v23, v11;
	p5 =	slt.u32 s4, $0xE  }
0x5ef: {  	v30 =	vld [tilespmem:$0x1FF60];
	v48 =	vpsel !p3, $0x0, v12;
	p3 =	slt.u32 s4, $0xD;
	v50 =	vpsel !p5, $0x0, v49;
	p5 =	seq.s32 s29, $0x1;
	s29 =	sld [smem:$0x7EB]  }
0x5f0: {  	v32 =	vld [tilespmem:$0x1FFB0];
	v54 =	vpsel !p3, $0x0, v24;
	p3 =	slt.u32 s4, $0xB;
	p2 =	seq.s32 s30, $0x1;
	s30 =	sld [smem:$0x79C]  }
0x5f1: {  	v16 =	vpsel p5, v21, v13;
	s5 =	smov.u32 @p2 s25;
	p5 =	slt.u32 s4, $0xC;
	s25 =	sld [smem:$0x79A]  }
0x5f2: {  	v17 =	vpsel !p3, $0x0, v31;
	p3 =	slt.u32 s4, $0x9;
	v55 =	vpsel !p5, $0x0, v27;
	p5 =	seq.s32 s31, $0x1;
	s31 =	sld [smem:$0x7EC]  }
0x5f3: {  	v56 =	vld [tilespmem:$0x1FF70];
	v22 =	vpsel !p3, $0x0, v33;
	p3 =	seq.s32 s29, $0x1;
	s29 =	sld [smem:$0x7CB]  }
0x5f4: {  	v34 =	vld [tilespmem:$0x1FF90];
	v16 =	vpsel p5, v30, v16;
	p5 =	slt.u32 s4, $0xA;
	p2 =	seq.s32 s25, $0x1;
	s25 =	sld [smem:$0x7EE]  }
0x5f5: {  	v57 =	vld [tilespmem:$0x1FF80];
	v20 =	vpsel !p5, $0x0, v32;
	p5 =	seq.s32 s26, $0x1;
	s26 =	sld [smem:$0x7CA]  }
0x5f6: {  	s5 =	smov.u32 @p2 s24;
	s24 =	sld [smem:$0x79E]  }
0x5f7: {  	p2 =	seq.s32 s28, $0x1;
	s28 =	sld [smem:$0x7F0]  }
0x5f8: {  	v16 =	vpsel p5, v56, v16;
	p5 =	slt.u32 s4, $0x8;
	s5 =	smov.u32 @p2 s23;
	s23 =	sld [smem:$0x7ED]  }
0x5f9: {  	v25 =	vpsel !p5, $0x0, v34;
	p2 =	seq.s32 s30, $0x1;
	p5 =	slt.u32 s4, $0x7;
	s30 =	sld [smem:$0x79F]  }
0x5fa: {  	v16 =	vpsel p3, v57, v16;
	p3 =	slt.u32 s4, $0x6;
	s5 =	smov.u32 @p2 s22;
	s22 =	sld [smem:$0x79D]  }
0x5fb: {  	v13 =	vpsel !p5, $0x0, v57;
	p5 =	seq.s32 s31, $0x1;
	v12 =	vpsel !p3, $0x0, v56;
	p3 =	slt.u32 s4, $0x5;
	s31 =	sld [smem:$0x7F2]  }
0x5fc: {  	v16 =	vpsel p5, v34, v16;
	p5 =	slt.u32 s4, $0x4;
	v34 =	vpsel !p3, $0x0, v30;
	p3 =	seq.s32 s23, $0x1;
	s23 =	sld [smem:$0x7F6]  }
0x5fd: {  	v37 =	vpsel !p5, $0x0, v21;
	p5 =	seq.s32 s25, $0x1;
	s25 =	sld [smem:$0x7A2]  }
0x5fe: {  	p2 =	seq.s32 s22, $0x1;
	s22 =	sld [smem:$0x7A1]  }
0x5ff: {  	v58 =	vld [tilespmem:$0x1FE00];
	v16 =	vpsel p3, v33, v16;
	p3 =	seq.s32 s26, $0x1;
	s26 =	sld [smem:$0x7CF]  }
0x600: {  	v59 =	vld [tilespmem:$0x1FE10];
	v18 =	vadd.f32 $0.0e+00, v18;
	s5 =	smov.u32 @p2 s21;
	s21 =	sld [smem:$0x7CD]  }
0x601: {  	[tilespmem:$0x1FC20] =	vst v19;
	v19 =	vld [tilespmem:$0x1FE40];
	p2 =	seq.s32 s24, $0x1;
	s24 =	sld [smem:$0x7CE]  }
0x602: {  	v63 =	vld [tilespmem:$0x1FE50];
	v39 =	vpsel !p4, $0x0, v18;
	p4 =	slt.u32 s4, $0x2;
	v16 =	vpsel p5, v32, v16;
	p5 =	seq.s32 s28, $0x1;
	s28 =	sld [smem:$0x7D0]  }
0x603: {  	v43 =	vld [tilespmem:$0x1FE70];
	v40 =	vpsel !p4, $0x0, v47;
	p4 =	slt.u32 s7, $0xF;
	s5 =	smov.u32 @p2 s20;
	s20 =	sld [smem:$0x7F4]  }
0x604: {  	v16 =	vpsel p5, v31, v16;
	v31 =	vld [tilespmem:$0x1FE20];
	p5 =	seq.s32 s31, $0x1;
	s5 =	smov.u32 @p0 s19;
	s19 =	sld [smem:$0x7A0]  }
0x605: {  	p2 =	slt.u32 s4, $0x3;
	s31 =	sld [smem:$0x7D2];
	p0 =	seq.s32 s30, $0x1;
	v16 =	vpsel p5, v27, v16;
	v27 =	vld [tilespmem:$0x1FE30]  }
0x606: {  	v42 =	vld [tilespmem:$0x1FE80];
	v38 =	vpsel !p2, $0x0, v23;
	p2 =	seq.s32 s29, $0x1;
	s5 =	smov.u32 @p0 s18;
	s18 =	sld [smem:$0x7CC]  }
0x607: {  	[tilespmem:$0x1FC70] =	vst v48;
	v48 =	vld [tilespmem:$0x1FED0];
	v39 =	vadd.f32 v40, v39;
	s30 =	sld [smem:$0x7A3];
	p5 =	seq.s32 s20, $0x1;
	p0 =	seq.s32 s19, $0x1  }
0x608: {  	[tilespmem:$0x1FC50] =	vst v50;
	v50 =	vld [tilespmem:$0x1FEE0];
	v21 =	vpsel p3, v59, v58;
	v16 =	vpsel p5, v24, v16;
	p5 =	seq.s32 s23, $0x1;
	s5 =	smov.u32 @p0 s17;
	p0 =	seq.s32 s22, $0x1  }
0x609: {  	v38 =	vadd.f32 v39, v38;
	v21 =	vpsel p2, v31, v21;
	p2 =	seq.s32 s18, $0x1;
	v11 =	vpsel p5, v49, v16;
	v49 =	vld [tilespmem:$0x1FEF0];
	s5 =	smov.u32 @p0 s16;
	p0 =	seq.s32 s25, $0x1  }
0x60a: {  	v62 =	vpsel !p4, $0x0, v58;
	p4 =	slt.u32 s7, $0xE;
	s29 =	sld [smem:$0x7D1];
	v60 =	vpsel p2, v27, v21;
	v21 =	vld [tilespmem:$0x1FE60];
	s5 =	smov.u32 @p0 s15  }
0x60b: {  	[tilespmem:$0x1FC40] =	vst v54;
	v54 =	vld [tilespmem:$0x1FEA0];
	s20 =	sld [smem:$0x7DC];
	v37 =	vadd.f32 v38, v37;
	p5 =	slt.u32 s7, $0xD;
	s5 =	smov.u32 @p6 s14  }
0x60c: {  	v28 =	vperm.xlane v29, v28;
	v46 =	vld [tilespmem:$0x1FEB0];
	p2 =	seq.s32 s21, $0x1;
	p0 =	seq.s32 s30, $0x1;
	s5 =	smov.u32 @p1 s13  }
0x60d: {  	v41 =	vld [tilespmem:$0x1FE90];
	s19 =	sld [smem:$0x7B3];
	v23 =	vpsel !p5, $0x0, v50;
	v34 =	vadd.f32 v37, v34;
	v61 =	vpsel p2, v19, v60;
	p2 =	seq.s32 s24, $0x1;
	s5 =	simm.s32 @p0 $0x0  }
0x60e: {  	s23 =	sld [smem:$0x7B6];
	p5 =	slt.u32 s7, $0xC;
	v18 =	vpsel p2, v63, v61;
	v14 =	vpsel !p4, $0x0, v49;
	p4 =	seq.s32 s26, $0x1;
	v28 =	vadd.s32 s5, v28  }
0x60f: {  	v35 =	vld [tilespmem:$0x1FDB0];
	v24 =	vpsel !p5, $0x0, v48;
	p5 =	slt.u32 s7, $0x9;
	p6 =	seq.s32 s28, $0x1;
	v57 =	vpsel p4, v21, v18;
	vm1 =	vlt.s32 v28, s11;
	s11 =	sld [smem:$0x7D3]  }
0x610: {  	v47 =	vld [tilespmem:$0x1FEC0];
	s16 =	sld [smem:$0x7D8];
	v60 =	vadd.f32 $0.0e+00, v31;
	p2 =	slt.u32 s7, $0xA;
	v36 =	vpsel !p5, $0x0, v54;
	p4 =	seq.s32 s29, $0x1;
	v30 =	vpsel p6, v43, v57  }
0x611: {  	[tilespmem:$0x1FC80] =	vst v62;
	v62 =	vld [tilespmem:$0x1FCD0];
	s14 =	sld [smem:$0x7D6];
	v32 =	vpsel !p2, $0x0, v46;
	p2 =	slt.u32 s7, $0x7;
	v18 =	vmovc v2;
	v2 =	vlaneseq.u32;
	p6 =	seq.s32 s31, $0x1;
	v30 =	vpsel p4, v42, v30  }
0x612: {  	p5 =	slt.u32 s7, $0x5;
	v61 =	vld [tilespmem:$0x1FCC0];
	v58 =	vor.u32 $0x80000000, v2;
	p4 =	slt.u32 s7, $0x6;
	v42 =	vpsel !p2, $0x0, v42;
	v30 =	vpsel p6, v41, v30;
	p2 =	seq.s32 s11, $0x1  }
0x613: {  	v31 =	vld [tilespmem:$0x1FCE0];
	s13 =	sld [smem:$0x7B0];
	v28 =	vsel vm1, $0x7FFFFFFF, v58;
	v43 =	vpsel !p4, $0x0, v43;
	p6 =	slt.u32 s7, $0x4;
	p4 =	seq.s32 s12, $0x1;
	v30 =	vpsel p2, v54, v30  }
0x614: {  	s15 =	sld [smem:$0x7B1];
	v44 =	vpsel !p5, $0x0, v21;
	p5 =	slt.u32 s7, $0x3;
	v58 =	vld [tilespmem:$0x1FD50];
	(xrf0) =	vmax.scan.msk.u32 $0xffff, v28;
	v45 =	vpsel !p6, $0x0, v63;
	p6 =	seq.s32 s14, $0x1;
	v59 =	vpsel p4, v46, v30  }
0x615: {  	v12 =	vadd.f32 v34, v12;
	p1 =	slt.u32 s7, $0xB;
	v46 =	vpsel !p5, $0x0, v19;
	p4 =	seq.s32 s16, $0x1;
	v19 =	vld [tilespmem:$0x1FCF0];
	v28 =	vpsel p6, v47, v59;
	p6 =	slt.u32 s7, $0x2  }
0x616: {  	s17 =	sld [smem:$0x7B2];
	v29 =	vpsel !p1, $0x0, v47;
	p1 =	slt.u32 s7, $0x8;
	p2 =	seq.s32 s13, $0x1;
	v28 =	vpsel p4, v48, v28;
	v48 =	vpsel !p6, $0x0, v27;
	v27 =	vld [tilespmem:$0x1FD00]  }
0x617: {  	s18 =	sld [smem:$0x7DA];
	v41 =	vpsel !p1, $0x0, v41;
	p1 =	seq.s32 s15, $0x1;
	v63 =	vpsel p2, v62, v61;
	v62 =	vld [tilespmem:$0x1FD10]  }
0x618: {  	s21 =	sld [smem:$0x7B4];
	v12 =	vadd.f32 v12, v13;
	v33 =	vpsel p1, v31, v63;
	v63 =	vld [tilespmem:$0x1FDD0]  }
0x619: {  	s22 =	sld [smem:$0x7B5];
	p5 =	seq.s32 s17, $0x1;
	v47 =	vpsel !p3, $0x0, v60;
	v60 =	vld [tilespmem:$0x1FD20]  }
0x61a: {  	s25 =	sld [smem:$0x7B8];
	v16 =	vmov v0;
	[tilespmem:$0x1FC60] =	vst v14;
	v12 =	vadd.f32 v12, v25;
	p3 =	seq.s32 s19, $0x1;
	v59 =	vld [tilespmem:$0x1FD30];
	v14, _, _ =	vpop (xrf0);
	v0 =	vpsel p5, v19, v33  }
0x61b: {  	s24 =	sld [smem:$0x7B7];
	p1 =	seq.s32 s18, $0x1;
	p6 =	seq.s32 s21, $0x1;
	(v2sf) =	vpush v14, $0xF;
	v14 =	vld [tilespmem:$0x1FDA0];
	v33 =	vpsel p3, v27, v0  }
0x61c: {  	[tilespmem:$0x1FC90] =	vst v11;
	s30 =	sld [smem:$0x7BE];
	v12 =	vadd.f32 v12, v22;
	p4 =	slt.u32 s9, $0xF;
	v28 =	vpsel p1, v50, v28;
	p5 =	seq.s32 s20, $0x1;
	v0 =	vld [tilespmem:$0x1FDC0];
	v11 =	vpsel p6, v62, v33  }
0x61d: {  	s28 =	sld [smem:$0x7BA];
	v30 =	vpsel p5, v49, v28;
	v28 =	vpsel !p4, $0x0, v61;
	v61 =	vld [tilespmem:$0x1FD90]  }
0x61e: {  	s26 =	sld [smem:$0x7B9];
	v57 =	vld [tilespmem:$0x1FD60];
	v12 =	vadd.f32 v12, v20;
	p4 =	seq.s32 s22, $0x1  }
0x61f: {  	s29 =	sld [smem:$0x7BC];
	v31 =	vadd.f32 $0.0e+00, v31;
	p1 =	slt.u32 s9, $0xE;
	p5 =	slt.u32 s9, $0xC;
	v49 =	vpsel p4, v60, v11;
	v11 =	vmov v1;
	v1 =	vld [tilespmem:$0x1FD80]  }
0x620: {  	v12 =	vadd.f32 v12, v17;
	p3 =	slt.u32 s9, $0xD;
	v54 =	vpsel !p5, $0x0, v35;
	v33 =	vpsel !p1, $0x0, v63;
	p6 =	seq.s32 s23, $0x1;
	p1 =	slt.u32 s9, $0xB  }
0x621: {  	v50 =	vpsel !p1, $0x0, v14;
	p4 =	seq.s32 s24, $0x1;
	p1 =	slt.u32 s9, $0x3;
	v49 =	vpsel p6, v59, v49;
	v21 =	vpsel !p3, $0x0, v0;
	p3 =	slt.u32 s9, $0xA  }
0x622: {  	[tilespmem:$0x1FC30] =	vst v55;
	p6 =	slt.u32 s9, $0x8;
	v40 =	vpsel !p1, $0x0, v27;
	p1 =	slt.u32 s10, $0x7;
	v49 =	vpsel p4, v58, v49;
	v55 =	vpsel !p3, $0x0, v61;
	p3 =	seq.s32 s25, $0x1  }
0x623: {  	p4 =	slt.u32 s9, $0x7;
	v27 =	vpsel !p1, $0x0, v7;
	v49 =	vpsel p3, v57, v49;
	v57 =	vpsel !p6, $0x0, v57;
	p6 =	seq.s32 s26, $0x1;
	p3 =	slt.u32 s9, $0x5  }
0x624: {  	s31 =	sld [smem:$0x7C0];
	p5 =	slt.u32 s9, $0x9;
	v58 =	vpsel !p4, $0x0, v58;
	p4 =	seq.s32 s28, $0x1;
	v60 =	vpsel !p3, $0x0, v60;
	v49 =	vpsel p6, v1, v49  }
0x625: {  	v56 =	vpsel !p5, $0x0, v1;
	p5 =	slt.u32 s9, $0x6;
	p6 =	seq.s32 s29, $0x1;
	v1 =	vadd.f32 v48, v47;
	v49 =	vpsel p4, v61, v49  }
0x626: {  	s7 =	sld [smem:$0x7C2];
	p3 =	seq.s32 s30, $0x1;
	v59 =	vpsel !p5, $0x0, v59;
	p5 =	slt.u32 s9, $0x4;
	v61 =	vpsel !p2, $0x0, v31;
	v49 =	vpsel p6, v14, v49  }
0x627: {  	p4 =	seq.s32 s31, $0x1;
	v62 =	vpsel !p5, $0x0, v62;
	p5 =	slt.u32 s9, $0x2;
	v31 =	vadd.f32 v1, v46;
	s9 =	sld [smem:$0x7A4];
	v49 =	vpsel p3, v35, v49  }
0x628: {  	v47 =	vadd.f32 $0.0e+00, v53;
	v14 =	vpsel !p5, $0x0, v19;
	p5 =	slt.u32 s10, $0x5;
	v49 =	vpsel p4, v0, v49  }
0x629: {  	p2 =	seq.s32 s7, $0x1;
	p6 =	slt.u32 s10, $0x2;
	p3 =	slt.u32 s10, $0x3;
	v46 =	vpsel !p5, $0x0, v9;
	v0 =	vadd.f32 v31, v45;
	v1 =	vadd.f32 v14, v61  }
0x62a: {  	v48 =	vpsel p2, v63, v49;
	v49 =	vpsel !p6, $0x0, v52;
	v63 =	vpsel !p3, $0x0, v51;
	p1 =	seq.s32 s9, $0x1  }
0x62b: {  	p4 =	slt.u32 s10, $0x4;
	p6 =	slt.u32 s10, $0x6;
	v0 =	vadd.f32 v0, v44;
	v1 =	vadd.f32 v1, v40;
	v35 =	vpsel !p1, $0x0, v47  }
0x62c: {  	s11 =	spop (v2sf);
	v39 =	vpsel !p4, $0x0, v15;
	p2 =	slt.u32 s10, $0x8;
	v19 =	vpsel !p6, $0x0, v8;
	v47 =	vadd.f32 v49, v35  }
0x62d: {  	s4 =	sxor.u32 $0x80000000, s11;
	p3 =	slt.u32 s10, $0x9;
	v38 =	vpsel !p2, $0x0, v6;
	v34 =	vadd.f32 v0, v43;
	v37 =	vadd.f32 v1, v62  }
0x62e: {  	v61 =	vpsel !p3, $0x0, v5;
	v49 =	vmov s4;
	v13 =	vadd.f32 v47, v63  }
0x62f: {  	vm2 =	vlt.s32 v49, v2;
	v34 =	vadd.f32 v34, v42;
	v37 =	vadd.f32 v37, v60;
	v42 =	vld [tilespmem:$0x1FC20]  }
0x630: {  	vm15 =	veq.s32 v49, v2;
	v60 =	vnsel vm2, $0x0, v26;
	v13 =	vadd.f32 v13, v39  }
0x631: {  	s12 =	sld [smem:$0x7A5];
	p5 =	slt.u32 s10, $0xB;
	p4 =	slt.u32 s10, $0xA;
	v62 =	vnsel vm15, $0x0, v26;
	(xrf0) =	vadd.scan.msk.s32 $0xffff, v60;
	v34 =	vadd.f32 v34, v41;
	v37 =	vadd.f32 v37, v59  }
0x632: {  	s13 =	sld [smem:$0x7A6];
	v31 =	vpsel !p4, $0x0, v4;
	v44 =	vpsel !p5, $0x0, v3;
	p6 =	slt.u32 s10, $0xC;
	(xrf0) =	vadd.scan.msk.s32 $0xffff, v62;
	v13 =	vadd.f32 v13, v46  }
0x633: {  	s14 =	sld [smem:$0x7A7];
	p4 =	slt.u32 s10, $0xF;
	v40 =	vpsel !p6, $0x0, v18;
	v63 =	vadd.f32 v34, v36;
	v41 =	vadd.f32 v37, v58  }
0x634: {  	s15 =	sld [smem:$0x7A8];
	p5 =	seq.s32 s12, $0x1;
	v36 =	vpsel !p4, $0x0, v10;
	v58 =	vld [tilespmem:$0x1FC30];
	v13 =	vadd.f32 v13, v19;
	v43 =	vpsel p1, v42, v10  }
0x635: {  	p2 =	slt.u32 s10, $0xD;
	p6 =	seq.s32 s13, $0x1;
	v39 =	vld [tilespmem:$0x1FC70];
	v45 =	vadd.f32 v63, v32;
	v46 =	vadd.f32 v41, v57;
	v10 =	vpsel p5, v53, v43  }
0x636: {  	s16 =	sld [smem:$0x7A9];
	v26 =	vpsel !p2, $0x0, v11;
	p1 =	seq.s32 s14, $0x1;
	v41 =	vld [tilespmem:$0x1FDE0];
	v13 =	vadd.f32 v13, v27;
	v10 =	vpsel p6, v52, v10  }
0x637: {  	s17 =	sld [smem:$0x7AA];
	p2 =	seq.s32 s15, $0x1;
	v43 =	vld [tilespmem:$0x1FC90];
	v52, _, _ =	vpop (xrf0);
	v47 =	vadd.f32 v45, v29;
	v49 =	vadd.f32 v46, v56;
	v10 =	vpsel p1, v51, v10  }
0x638: {  	s18 =	sld [smem:$0x7AB];
	p3 =	slt.u32 s10, $0xE;
	(v2sf) =	vpush v52, $0xF;
	v53, _, _ =	vpop (xrf0);
	v13 =	vadd.f32 v13, v38;
	v10 =	vpsel p2, v15, v10;
	v15 =	vld [tilespmem:$0x1FC40]  }
0x639: {  	v22 =	vpsel !p3, $0x0, v16;
	p3 =	seq.s32 s16, $0x1;
	v34 =	vld [tilespmem:$0x1FC60];
	(v2sf) =	vpush v53, $0xF;
	v59 =	vadd.f32 v12, v58  }
0x63a: {  	s19 =	sld [smem:$0x7AC];
	p4 =	seq.s32 s17, $0x1;
	v27 =	vld [tilespmem:$0x1FC50];
	v56 =	vadd.f32 v49, v55;
	v57 =	vpsel p3, v9, v10;
	v60 =	vadd.f32 v13, v61  }
0x63b: {  	s20 =	sld [smem:$0x7AD];
	p5 =	seq.s32 s18, $0x1;
	v38 =	vld [tilespmem:$0x1FCB0];
	v62 =	vadd.f32 v47, v24;
	v61 =	vpsel p4, v8, v57;
	vm4 =	vlt.s32 v41, v2  }
0x63c: {  	v42 =	vld [tilespmem:$0x1FC80];
	v63 =	vadd.f32 v56, v50;
	v14 =	vpsel p5, v7, v61;
	v19 =	vadd.f32 v60, v31  }
0x63d: {  	s21 =	sld [smem:$0x7AE];
	p6 =	seq.s32 s19, $0x1;
	v23 =	vadd.f32 v62, v23;
	v9 =	vnsel vm4, $0x0, v43;
	v17 =	vadd.f32 v59, v15  }
0x63e: {  	p1 =	seq.s32 s20, $0x1;
	v20 =	vpsel p6, v6, v14;
	v24 =	vadd.f32 v63, v54;
	v31 =	vadd.f32 v19, v44  }
0x63f: {  	s22 =	sld [smem:$0x7AF];
	v25 =	vpsel p1, v5, v20;
	v35 =	vadd.f32 v23, v34;
	v29 =	vadd.f32 v17, v27  }
0x640: {  	s23 =	sld [smem:$0x795];
	p2 =	seq.s32 s21, $0x1;
	vm3 =	vlt.s32 v38, v2;
	v37 =	vadd.f32 v24, v21;
	v8 =	vadd.f32 v31, v40  }
0x641: {  	s24 =	sld [smem:$0x796];
	v32 =	vpsel p2, v4, v25;
	v5 =	vadd.f32 v35, v42;
	v6 =	vadd.f32 v29, v39  }
0x642: {  	s26 =	sld [smem:$0x797];
	p3 =	seq.s32 s22, $0x1;
	v44 =	vnsel vm3, $0x0, v30;
	v7 =	vadd.f32 v37, v33;
	v8 =	vadd.f32 v8, v26  }
0x643: {  	p4 =	seq.s32 s23, $0x1;
	v45 =	vpsel p3, v3, v32;
	v5 =	vadd.f32 v44, v5;
	v46 =	vadd.f32 v9, v6  }
0x644: {  	p5 =	seq.s32 s24, $0x1;
	v47 =	vpsel p4, v18, v45;
	v49 =	vadd.f32 v7, v28;
	v50 =	vadd.f32 v8, v22  }
0x645: {  	s25 =	sadd.s32 s6, s8;
	v53 =	vnsel vm0, $0x0, v48;
	p6 =	seq.s32 s26, $0x1;
	v51 =	vpsel p5, v11, v47;
	v52 =	vadd.f32 v5, v46  }
0x646: {  	s3 =	sadd.s32 s3, s25;
	v54 =	vpsel p6, v16, v51;
	v55 =	vadd.f32 v53, v49;
	v56 =	vadd.f32 v50, v36  }
0x647: {  	s3 =	sadd.s32 s5, s3;
	v57 =	vnsel vm2, $0x0, v54;
	s28 =	spop (v2sf)  }
0x648: {  	v1 =	vadd.f32 v55, v52;
	s29 =	spop (v2sf);
	s3 =	sadd.s32 s28, s3;
	v58 =	vadd.f32 v57, v56  }
0x649: {  	s3 =	sadd.s32 s29, s3  }
0x64a: {  	v59 =	vmov s3;
	v1 =	vadd.f32 v58, v1  }
0x64b: {  	v0 =	vnsel vm15, $0x0, v54;
	v2 =	vcvt.s32.f32 v59  }
0x64c: {  	v0 =	vadd.f32 v1, v0  }
0x64d: {  	v60 =	vadd.f32 $1.000000010e-07, v2  }
0x64e: {  	(xrf2) =	vadd.scan.msk.f32 $0xffff, v0  }
0x64f: {  	v61 =	vbroadcast v60, $0x0;
	_ =	sdelay $0x1  }
0x650: {  	(erf) = vrcp.f32 v61;
	_ =	sdelay $0x6  }
0x651: {  	v62, _, _ =	vpop (xrf2)  }
0x652: {  	v0 =	vbroadcast v62, $0xF  }
0x653: {  	v63 =	vpop (erf)  }
0x654: {  	v0 =	vmul.f32 v63, v0;
	_ =	sdelay $0x1  }
0x655: {  	s30 =	simm.s32 $0x0;
	s31 =	simm.s32 $0xE200;
	[tilespmem:$0xE200] =	vst v0  }
0x656: {  	[hbm4b:s1+s30] =	stream.linear.scatter [tilespmem:s31], [sflag:$0x1], $0x80, $0x38;
	[tilespmem:$0xE280] =	vst v63  }
0x657: {  	_ =	swait.ge [sflag:s2], $0x80  }
0x658: {  	[sflag:s2] =	ssyncset.done $0x0  }
0x659: {  	[sflag:s2] =	ssyncadd.s32 $0xFFFFFF80  }
0x65a: {  	_ =	sfence.sel $0x180000  }
0x65b: {  	[bflag:$0x0] =	sbarrier.arrive $0xFFFF  }
0x65c: {  	_ =	strace $0x90000047  }
0x65d: {  	s0 =	sadd.s32 $0x100000, s0;
	[bflag:$0x2] =	sbarrier.arrive $0xFFFF  }
0x65e: {  	[sflag:s0] =	ssyncadd.tile.s32 $0x1;
	_ =	shalt  }
.Lfunc_end2:
_tile_overlayer_lowered:
.L_overlay_start_2:
0x65f: {  	(tag) =	ssettag $0x2  }
0x660: {  	s0 =	rddreg [dreg:$0x0];
	s2 =	stileid.u32  }
0x661: {  	s1 =	rddreg [dreg:$0x1];
	p0 =	sne.s32 s2, $0x0  }
0x662: {  	s3 =	rddreg [dreg:$0x2];
	[bflag:$0x3] =	sbarrier.arrive $0xFFFF;
	s2 =	simm.s32 @!p0 $0x1C01  }
0x663: {  	[timem:s3], [sflag:s2] =	dma.local @!p0 [hbm:s0], s1  }
0x664: {  	s0 =	simm.s32 @!p0 $0x1  }
0x665: {  	_ =	swait.ge @!p0 [sflag:s0], s1  }
0x666: {  	s1 =	ssub.s32 @!p0 $0x0, s1;
	[sflag:s0] =	ssyncset.done @!p0 $0x0  }
0x667: {  	[sflag:s0] =	ssyncadd.s32 @!p0 s1  }
0x668: {  	[bflag:$0x3] =	sbarrier.arrive $0xFFFF  }
0x669: {  	_ =	shalt  }

</sc_bundles>
